<compile_context>
chip_gen: v7x
topology: tpu7x:2x2x1
jax: 0.10.2.dev20260603
libtpu: 0.0.44.dev20260713+nightly
codegen_flags: <defaults>
</compile_context>

<pallas_src>
import functools

import jax
import jax.numpy as jnp
from jax import lax
from jax.experimental import pallas as pl
from jax.experimental.pallas import tpu as pltpu
from jax.experimental.pallas import tpu_sc as plsc

_N = 10000
_E = 320000
_H = 128
_OUT = 128
_G = 64
_NZ = 100

_NC = 2
_NS = 16
_NW = _NC * _NS
_K = 128
_NPAD = -(-_N // (_NW * 8)) * (_NW * 8)
_STRIPE = _NPAD // _NW

_SCH = 2048
_NSC = -(-_E // _SCH)
_ESCH = _NSC * _SCH
_SENT = 0x3FFFFFFF
_FLUSH = 2048
_GRP = 8
_TAIL = _FLUSH + _GRP * _K
_BUF = 4160
_CAP2 = 323072

_PREC = lax.Precision.HIGHEST


def _bucket_edges(scan_src, scan_dst):

    @functools.partial(
        pl.kernel,
        out_type=(jax.ShapeDtypeStruct((_NW * _CAP2,), jnp.int32),
                  jax.ShapeDtypeStruct((_NW * _CAP2,), jnp.int32),
                  jax.ShapeDtypeStruct((_NW * 16,), jnp.int32)),
        mesh=plsc.VectorSubcoreMesh(core_axis_name="c", subcore_axis_name="s"),
        compiler_params=pltpu.CompilerParams(needs_layout_passes=False),
        scratch_types=[
            pltpu.VMEM((_SCH,), jnp.int32),
            pltpu.VMEM((_SCH,), jnp.int32),
            pltpu.VMEM((_BUF,), jnp.int32),
            pltpu.VMEM((_BUF,), jnp.int32),
            pltpu.VMEM((16,), jnp.int32),
        ],
    )
    def body(ss_hbm, sd_hbm, ls_hbm, ld_hbm, cnt_hbm,
             scan_s, scan_d, buf_s, buf_d, cnt_v):
        cid = lax.axis_index("c")
        sid = lax.axis_index("s")
        w = cid * _NS + sid
        lo = w * _STRIPE
        hi = lo + _STRIPE
        base = w * _CAP2

        def scan_chunk(ch, carry):
            fill, cnt = carry
            e0 = ch * _SCH
            pltpu.sync_copy(ss_hbm.at[pl.ds(pl.multiple_of(e0, _SCH), _SCH)],
                            scan_s)
            pltpu.sync_copy(sd_hbm.at[pl.ds(pl.multiple_of(e0, _SCH), _SCH)],
                            scan_d)

            def vec(i, fill):
                vs = scan_s[pl.ds(i * 16, 16)]
                vd = scan_d[pl.ds(i * 16, 16)]
                m = jnp.logical_and(vd >= lo, vd < hi)
                mi = jnp.where(m, jnp.int32(1), jnp.int32(0))
                incl = plsc.cumsum(mi)
                idx = (incl - mi) + fill
                plsc.store_scatter(buf_s, [idx], vs, mask=m)
                plsc.store_scatter(buf_d, [idx], vd, mask=m)
                return fill + incl[15]

            fill = lax.fori_loop(0, _SCH // 16, vec, fill, unroll=4)
            do_flush = fill >= _FLUSH

            @pl.when(do_flush)
            def _():
                off = pl.multiple_of(base + cnt, _K)
                pltpu.sync_copy(buf_s.at[pl.ds(0, _FLUSH)],
                                ls_hbm.at[pl.ds(off, _FLUSH)])
                pltpu.sync_copy(buf_d.at[pl.ds(0, _FLUSH)],
                                ld_hbm.at[pl.ds(off, _FLUSH)])
                rem = fill - _FLUSH

                def mv(k, c):
                    buf_s[pl.ds(k * 16, 16)] = buf_s[pl.ds(_FLUSH + k * 16, 16)]
                    buf_d[pl.ds(k * 16, 16)] = buf_d[pl.ds(_FLUSH + k * 16, 16)]
                    return c

                lax.fori_loop(0, (rem + 15) // 16, mv, 0)

            fill = jnp.where(do_flush, fill - _FLUSH, fill)
            cnt = jnp.where(do_flush, cnt + _FLUSH, cnt)
            return fill, cnt

        fill, cnt = lax.fori_loop(0, _NSC, scan_chunk,
                                  (jnp.int32(0), jnp.int32(0)))

        zvec = jnp.zeros((16,), jnp.int32)
        dvec = jnp.full((16,), _N, jnp.int32)
        for t in range(_GRP * _K // 16 + 1):
            buf_s[pl.ds(fill + t * 16, 16)] = zvec
            buf_d[pl.ds(fill + t * 16, 16)] = dvec
        off = pl.multiple_of(base + cnt, _K)
        pltpu.sync_copy(buf_s.at[pl.ds(0, _TAIL)], ls_hbm.at[pl.ds(off, _TAIL)])
        pltpu.sync_copy(buf_d.at[pl.ds(0, _TAIL)], ld_hbm.at[pl.ds(off, _TAIL)])

        n_ch = cnt // _K + (fill + _K - 1) // _K
        cnt_v[...] = jnp.full((16,), 1, jnp.int32) * n_ch
        pltpu.sync_copy(cnt_v,
                        cnt_hbm.at[pl.ds(pl.multiple_of(w * 16, 16), 16)])

    return body(scan_src, scan_dst)


def _edge_segment_sum(h, lists_src, lists_dst, counts, zeros):

    @functools.partial(
        pl.kernel,
        out_type=jax.ShapeDtypeStruct((_NPAD, _H), jnp.float32),
        mesh=plsc.VectorSubcoreMesh(core_axis_name="c", subcore_axis_name="s"),
        compiler_params=pltpu.CompilerParams(needs_layout_passes=False),
        scratch_types=[
            pltpu.VMEM((16,), jnp.int32),
            pltpu.VMEM((2, _K), jnp.int32),
            pltpu.VMEM((2, _K), jnp.int32),
            pltpu.VMEM((2, _K, _H), jnp.float32),
            pltpu.VMEM_SHARED((_NPAD, _H), jnp.float32),
            pltpu.SemaphoreType.DMA,
        ],
    )
    def body(h_hbm, ls_hbm, ld_hbm, cnt_hbm, zeros_hbm, out_hbm,
             cnt_v, sidx, didx, rows_v, acc_sh, sem):
        cid = lax.axis_index("c")
        sid = lax.axis_index("s")
        w = cid * _NS + sid
        base = w * _CAP2
        r0 = w * _STRIPE

        pltpu.sync_copy(zeros_hbm.at[pl.ds(pl.multiple_of(r0, 8), _STRIPE)],
                        acc_sh.at[pl.ds(pl.multiple_of(r0, 8), _STRIPE)])
        pltpu.sync_copy(cnt_hbm.at[pl.ds(pl.multiple_of(w * 16, 16), 16)],
                        cnt_v)
        nch = cnt_v[...][0]

        def stage(j, p):
            off = pl.multiple_of(base + j * _K, _K)
            pltpu.sync_copy(ls_hbm.at[pl.ds(off, _K)], sidx.at[p])
            pltpu.sync_copy(ld_hbm.at[pl.ds(off, _K)], didx.at[p])
            pltpu.async_copy(h_hbm.at[sidx.at[p]], rows_v.at[p], sem)

        @pl.when(nch > 0)
        def _():
            stage(jnp.int32(0), jnp.int32(0))

        def step(j, carry):
            p = j % 2

            @pl.when(j + 1 < nch)
            def _():
                stage(j + 1, 1 - p)

            pltpu.make_async_copy(h_hbm.at[pl.ds(0, _K)], rows_v.at[p],
                                  sem).wait()
            pltpu.sync_copy(rows_v.at[p], acc_sh.at[didx.at[p]], add=True)
            return carry

        lax.fori_loop(0, nch, step, 0)

        pltpu.sync_copy(acc_sh.at[pl.ds(pl.multiple_of(r0, 8), _STRIPE)],
                        out_hbm.at[pl.ds(pl.multiple_of(r0, 8), _STRIPE)])

    return body(h, lists_src, lists_dst, counts, zeros)


_B = 2000


def _encoder(z_r, pos8, embed, pos_w8, pos_b, comb_w, comb_b):
    nb = _N // _B

    def body(z_ref, pos_ref, emb_ref, pw_ref, pb_ref, cw_ref, cb_ref, out_ref):
        zb = z_ref[0, 0, :]
        onehot = (zb[:, None] == lax.broadcasted_iota(jnp.int32, (1, _NZ), 1)
                  ).astype(jnp.float32)
        atom = jnp.dot(onehot, emb_ref[...],
                       preferred_element_type=jnp.float32)
        pe = jnp.dot(pos_ref[...], pw_ref[...],
                     preferred_element_type=jnp.float32) + pb_ref[...][None, :]
        cat = jnp.concatenate([atom, pe], axis=1)
        acc = jnp.dot(cat, cw_ref[...],
                      preferred_element_type=jnp.float32) + cb_ref[...][None, :]
        out_ref[...] = jnp.maximum(acc, 0.0)

    return pl.pallas_call(
        body,
        grid=(nb,),
        in_specs=[
            pl.BlockSpec((1, 1, _B), lambda i: (i, 0, 0)),
            pl.BlockSpec((_B, 8), lambda i: (i, 0)),
            pl.BlockSpec((_NZ, _H), lambda i: (0, 0)),
            pl.BlockSpec((8, _H), lambda i: (0, 0)),
            pl.BlockSpec((_H,), lambda i: (0,)),
            pl.BlockSpec((2 * _H, _H), lambda i: (0, 0)),
            pl.BlockSpec((_H,), lambda i: (0,)),
        ],
        out_specs=pl.BlockSpec((_B, _H), lambda i: (i, 0)),
        out_shape=jax.ShapeDtypeStruct((_N, _H), jnp.float32),
    )(z_r, pos8, embed, pos_w8, pos_b, comb_w, comb_b)


def _gin_layer(h, msg, w1, b1, w2, b2, relu_out):
    nb = _N // _B
    d_out = w1.shape[1]

    def body(h_ref, m_ref, w1_ref, b1_ref, w2_ref, b2_ref, out_ref):
        a = h_ref[...] + m_ref[...]
        t = jnp.dot(a, w1_ref[...],
                    preferred_element_type=jnp.float32) + b1_ref[...][None, :]
        t = jnp.maximum(t, 0.0)
        o = jnp.dot(t, w2_ref[...],
                    preferred_element_type=jnp.float32) + b2_ref[...][None, :]
        out_ref[...] = jnp.maximum(o, 0.0) if relu_out else o

    return pl.pallas_call(
        body,
        grid=(nb,),
        in_specs=[
            pl.BlockSpec((_B, _H), lambda i: (i, 0)),
            pl.BlockSpec((_B, _H), lambda i: (i, 0)),
            pl.BlockSpec((_H, d_out), lambda i: (0, 0)),
            pl.BlockSpec((d_out,), lambda i: (0,)),
            pl.BlockSpec((d_out, d_out), lambda i: (0, 0)),
            pl.BlockSpec((d_out,), lambda i: (0,)),
        ],
        out_specs=pl.BlockSpec((_B, d_out), lambda i: (i, 0)),
        out_shape=jax.ShapeDtypeStruct((_N, d_out), jnp.float32),
    )(h, msg, w1, b1, w2, b2)


def _pool(batch_r, h):
    nb = _N // _B

    def body(b_ref, h_ref, out_ref):
        i = pl.program_id(0)
        bb = b_ref[0, 0, :]
        onehot = (bb[:, None] == lax.broadcasted_iota(jnp.int32, (1, _G), 1)
                  ).astype(jnp.float32)
        contrib = lax.dot_general(
            onehot, h_ref[...], (((0,), (0,)), ((), ())),
            precision=_PREC, preferred_element_type=jnp.float32)

        @pl.when(i == 0)
        def _():
            out_ref[...] = contrib

        @pl.when(i > 0)
        def _():
            out_ref[...] += contrib

    return pl.pallas_call(
        body,
        grid=(nb,),
        in_specs=[
            pl.BlockSpec((1, 1, _B), lambda i: (i, 0, 0)),
            pl.BlockSpec((_B, _OUT), lambda i: (i, 0)),
        ],
        out_specs=pl.BlockSpec((_G, _OUT), lambda i: (0, 0)),
        out_shape=jax.ShapeDtypeStruct((_G, _OUT), jnp.float32),
    )(batch_r, h)


def _heads(aggr, hp):

    def body(g_ref,
             aw1, ab1, aw2, ab2,
             bw1, bb1, bw2, bb2,
             nw1, nb1, nw2, nb2,
             gw1, gb1, gw2, gb2,
             gamma_ref, alea_ref, epis_ref, nu_ref, alpha_ref, beta_ref):
        g = g_ref[...]

        def head(w1, b1, w2, b2):
            a = jnp.dot(g, w1[...],
                        preferred_element_type=jnp.float32) + b1[...][None, :]
            a = jnp.maximum(a, 0.0)
            return (jnp.dot(a, w2[...],
                            preferred_element_type=jnp.float32)
                    + b2[...][None, :])

        s_alpha = head(aw1, ab1, aw2, ab2)
        s_beta = head(bw1, bb1, bw2, bb2)
        s_nu = head(nw1, nb1, nw2, nb2)
        s_gamma = head(gw1, gb1, gw2, gb2)

        nu = jax.nn.softplus(s_nu)
        alpha = jnp.maximum(jax.nn.softplus(s_alpha) + 1.0, 1.0 + 1e-4)
        beta = jax.nn.softplus(s_beta)
        gamma_ref[...] = s_gamma
        alea_ref[...] = beta / (alpha - 1.0)
        epis_ref[...] = beta / ((alpha - 1.0) * nu)
        nu_ref[...] = nu
        alpha_ref[...] = alpha
        beta_ref[...] = beta

    args = [aggr]
    for name in ["alpha", "beta", "nu", "gamma"]:
        p = hp[name]
        args += [p["W1"], p["b1"], p["W2"], p["b2"]]
    out = pl.pallas_call(
        body,
        out_shape=[jax.ShapeDtypeStruct((_G, 1), jnp.float32)] * 6,
    )(*args)
    return tuple(out)


def kernel(z, pos, edge_index, batch, params):
    z = z.astype(jnp.int32)
    src = edge_index[0].astype(jnp.int32)
    dst = edge_index[1].astype(jnp.int32)
    batch = batch.astype(jnp.int32)

    zpad = jnp.zeros((_ESCH - _E,), jnp.int32)
    spad = jnp.full((_ESCH - _E,), _SENT, jnp.int32)
    scan_src = jnp.concatenate([src, zpad])
    scan_dst = jnp.concatenate([dst, spad])
    lists_src, lists_dst, counts = _bucket_edges(scan_src, scan_dst)
    zeros = jnp.zeros((_NPAD, _H), jnp.float32)

    z_r = z.reshape(_N // _B, 1, _B)
    batch_r = batch.reshape(_N // _B, 1, _B)
    pos8 = jnp.pad(pos, ((0, 0), (0, 8 - pos.shape[1])))
    pos_w8 = jnp.pad(params["pos_W"], ((0, 8 - params["pos_W"].shape[0]), (0, 0)))

    h = _encoder(z_r, pos8, params["embed"], pos_w8, params["pos_b"],
                 params["comb_W"], params["comb_b"])

    n_layers = len(params["gin"])
    for i, lyr in enumerate(params["gin"]):
        msg = _edge_segment_sum(h, lists_src, lists_dst, counts, zeros)
        h = _gin_layer(h, msg, lyr["W1"], lyr["b1"], lyr["W2"], lyr["b2"],
                       relu_out=(i < n_layers - 1))

    aggr = _pool(batch_r, h)
    return _heads(aggr, params["heads"])

# --- scband reference (transcript-rebuilt; emitter-appended) ---
"""Pipeline reference for scband-naive-euclidean-gnn-66348654788628 (READ-ONLY COPY).

The authoritative reference and input builder live on the scoring server;
editing this copy changes nothing except your own understanding.
"""

import jax, jax.numpy as jnp
import numpy as np

N = 10000
E = 320000
H = 128
OUT = 128
L = 3
G = 64
SD = 3

def _lin_init(k, fan_in, fan_out):
    bound = 1.0 / np.sqrt(fan_in)
    kW, kb = jax.random.split(k)
    W = jax.random.uniform(kW, (fan_in, fan_out), minval=-bound, maxval=bound, dtype=jnp.float32)
    b = jax.random.uniform(kb, (fan_out,), minval=-bound, maxval=bound, dtype=jnp.float32)
    return W, b

def setup_inputs(seed: int = 0):
    key = jax.random.key(seed)
    ks = jax.random.split(key, 24)
    z = jax.random.randint(ks[0], (N,), 0, 100)
    pos = jax.random.normal(ks[1], (N, SD), dtype=jnp.float32)
    edge_index = jax.random.randint(ks[2], (2, E), 0, N)
    batch = jnp.sort(jax.random.randint(ks[3], (N,), 0, G))
    params = {}
    params["embed"] = jax.random.normal(ks[4], (100, H), dtype=jnp.float32)
    params["pos_W"], params["pos_b"] = _lin_init(ks[5], SD, H)
    params["comb_W"], params["comb_b"] = _lin_init(ks[6], 2 * H, H)
    gin = []
    for i in range(L):
        d_in = H
        d_out = OUT if i == L - 1 else H
        W1, b1 = _lin_init(ks[7 + 2 * i], d_in, d_out)
        W2, b2 = _lin_init(ks[8 + 2 * i], d_out, d_out)
        gin.append({"W1": W1, "b1": b1, "W2": W2, "b2": b2})
    params["gin"] = gin
    heads = {}
    for j, name in enumerate(["alpha", "beta", "nu", "gamma"]):
        W1, b1 = _lin_init(ks[13 + 2 * j], OUT, OUT)
        W2, b2 = _lin_init(ks[14 + 2 * j], OUT, 1)
        heads[name] = {"W1": W1, "b1": b1, "W2": W2, "b2": b2}
    params["heads"] = heads
    return {"z": z, "pos": pos, "edge_index": edge_index, "batch": batch, "params": params}

def _head(h, p):
    a = jax.nn.relu(h @ p["W1"] + p["b1"])
    return a @ p["W2"] + p["b2"]

def _forward(z, pos, edge_index, batch, params):
    atom = jnp.take(params["embed"], z, axis=0)
    pe = pos @ params["pos_W"] + params["pos_b"]
    h = jax.nn.relu(jnp.concatenate([atom, pe], axis=-1) @ params["comb_W"] + params["comb_b"])
    src = edge_index[0]
    dst = edge_index[1]
    n_layers = len(params["gin"])
    for i, lyr in enumerate(params["gin"]):
        # GINConv: out = MLP((1+eps)*x + sum_{j in N(i)} x_j), eps=0 (PyG default)
        msg = jax.ops.segment_sum(jnp.take(h, src, axis=0), dst, num_segments=N)
        a = h + msg
        a = jax.nn.relu(a @ lyr["W1"] + lyr["b1"])
        h = a @ lyr["W2"] + lyr["b2"]
        if i < n_layers - 1:
            h = jax.nn.relu(h)
    aggr = jax.ops.segment_sum(h, batch, num_segments=G)
    nu = jax.nn.softplus(_head(aggr, params["heads"]["nu"]))
    epsilon = 0.0001
    alpha = jax.nn.softplus(_head(aggr, params["heads"]["alpha"])) + 1.0
    alpha = jnp.maximum(alpha, 1.0 + epsilon)
    beta = jax.nn.softplus(_head(aggr, params["heads"]["beta"]))
    gamma = _head(aggr, params["heads"]["gamma"])
    aleatoric = beta / (alpha - 1.0)
    epistemic = beta / ((alpha - 1.0) * nu)
    return (gamma, aleatoric, epistemic, nu, alpha, beta)

def reference(z, pos, edge_index, batch, params):
    return _forward(z, pos, edge_index, batch, params)

if __name__ == "__main__":
    import jax
    _d = setup_inputs()
    print(jax.jit(kernel)(*tuple(_d.values())))

</pallas_src>

<mosaic_0001>
#map = affine_map<(d0, d1) -> (0, 0)>
#map1 = affine_map<(d0, d1) -> (0)>
module attributes {stable_mosaic.version = 14 : i64} {
  func.func @body(%arg0: i32, %arg1: i32, %arg2: memref<10000x128xf32, #tpu.memory_space<hbm>>, %arg3: memref<10338304xi32, #tpu.memory_space<hbm>>, %arg4: memref<10338304xi32, #tpu.memory_space<hbm>>, %arg5: memref<512xi32, #tpu.memory_space<hbm>>, %arg6: memref<10240x128xf32, #tpu.memory_space<hbm>>, %arg7: memref<10240x128xf32, #tpu.memory_space<hbm>>, %arg8: memref<16xi32, #tpu.memory_space<vmem>>, %arg9: memref<2x128xi32, #tpu.memory_space<vmem>>, %arg10: memref<2x128xi32, #tpu.memory_space<vmem>>, %arg11: memref<2x128x128xf32, #tpu.memory_space<vmem>>, %arg12: memref<10240x128xf32, #tpu.memory_space<vmem_shared>>, %arg13: memref<!tpu.dma_semaphore, #tpu.memory_space<semaphore_mem>>) attributes {dimension_semantics = [#tpu.dimension_semantics<core_parallel>, #tpu.dimension_semantics<subcore_parallel>], iteration_bounds = array<i64: 2, 16>, scalar_prefetch = 0 : i64, scratch_operands = 6 : i64, tpu.core_type = #tpu.core_type<sc_vector_subcore>, window_params = [{transform_indices = #map}, {transform_indices = #map1}, {transform_indices = #map1}, {transform_indices = #map1}, {transform_indices = #map}, {transform_indices = #map}]} {
    %mul3A = arith.constant 16 : i32
    %mul3A_0 = arith.muli %arg0, %mul3A : i32
    %add3A = arith.addi %mul3A_0, %arg1 : i32
    %mul3A_1 = arith.constant 323072 : i32
    %mul3A_2 = arith.muli %add3A, %mul3A_1 : i32
    %mul3A_3 = arith.constant 320 : i32
    %mul3A_4 = arith.muli %add3A, %mul3A_3 : i32
    %multiple_of3A = tpu.assume_multiple %mul3A_4, 8 : i32
    %multiple_of3A_5 = tpu.assume_multiple %mul3A_4, 8 : i32
    "tpu.region"() ({
      %run_scoped3A = tpu.sem_alloc : memref<!tpu.dma_semaphore, #tpu.memory_space<semaphore_mem>>
      %dma_start3A = arith.constant 0 : i32
      %dma_start3A_23 = tpu.memref_slice %arg12[%multiple_of3A_5, %dma_start3A] : memref<10240x128xf32, #tpu.memory_space<vmem_shared>> -> memref<320x128xf32, #tpu.memory_space<vmem_shared>>
      %dma_start3A_24 = arith.constant 0 : i32
      %dma_start3A_25 = tpu.memref_slice %arg6[%multiple_of3A, %dma_start3A_24] : memref<10240x128xf32, #tpu.memory_space<hbm>> -> memref<320x128xf32, #tpu.memory_space<hbm>>
      tpu.enqueue_dma source(%dma_start3A_25 : memref<320x128xf32, #tpu.memory_space<hbm>>) target(%dma_start3A_23 : memref<320x128xf32, #tpu.memory_space<vmem_shared>>) target_semaphore(%run_scoped3A : memref<!tpu.dma_semaphore, #tpu.memory_space<semaphore_mem>>)
      %dma_wait3A = arith.constant 0 : i32
      %dma_wait3A_26 = tpu.memref_slice %arg12[%multiple_of3A_5, %dma_wait3A] : memref<10240x128xf32, #tpu.memory_space<vmem_shared>> -> memref<320x128xf32, #tpu.memory_space<vmem_shared>>
      %dma_wait3A_27 = arith.constant 0 : i32
      %dma_wait3A_28 = tpu.memref_slice %arg6[%multiple_of3A, %dma_wait3A_27] : memref<10240x128xf32, #tpu.memory_space<hbm>> -> memref<320x128xf32, #tpu.memory_space<hbm>>
      tpu.wait_dma2 semaphore(%run_scoped3A : memref<!tpu.dma_semaphore, #tpu.memory_space<semaphore_mem>>) src(%dma_wait3A_28 : memref<320x128xf32, #tpu.memory_space<hbm>>) dst(%dma_wait3A_26 : memref<320x128xf32, #tpu.memory_space<vmem_shared>>)
      tpu.yield
    }) : () -> ()
    %mul3A_6 = arith.constant 16 : i32
    %mul3A_7 = arith.muli %add3A, %mul3A_6 : i32
    %multiple_of3A_8 = tpu.assume_multiple %mul3A_7, 16 : i32
    "tpu.region"() ({
      %run_scoped3A = tpu.sem_alloc : memref<!tpu.dma_semaphore, #tpu.memory_space<semaphore_mem>>
      %dma_start3A = tpu.memref_slice %arg5[%multiple_of3A_8] : memref<512xi32, #tpu.memory_space<hbm>> -> memref<16xi32, #tpu.memory_space<hbm>>
      %dma_start3A_23 = tpu.memref_slice %arg5[%multiple_of3A_8] : memref<512xi32, #tpu.memory_space<hbm>> -> memref<16xi32, #tpu.memory_space<hbm>>
      tpu.enqueue_dma source(%dma_start3A_23 : memref<16xi32, #tpu.memory_space<hbm>>) target(%arg8 : memref<16xi32, #tpu.memory_space<vmem>>) target_semaphore(%run_scoped3A : memref<!tpu.dma_semaphore, #tpu.memory_space<semaphore_mem>>)
      %dma_wait3A = tpu.memref_slice %arg5[%multiple_of3A_8] : memref<512xi32, #tpu.memory_space<hbm>> -> memref<16xi32, #tpu.memory_space<hbm>>
      %dma_wait3A_24 = tpu.memref_slice %arg5[%multiple_of3A_8] : memref<512xi32, #tpu.memory_space<hbm>> -> memref<16xi32, #tpu.memory_space<hbm>>
      tpu.wait_dma2 semaphore(%run_scoped3A : memref<!tpu.dma_semaphore, #tpu.memory_space<semaphore_mem>>) src(%dma_wait3A_24 : memref<16xi32, #tpu.memory_space<hbm>>) dst(%arg8 : memref<16xi32, #tpu.memory_space<vmem>>)
      tpu.yield
    }) : () -> ()
    %get3A = arith.constant 0 : index
    %get3A_9 = tpu.vector_load %arg8[%get3A] {strides = array<i32>} : memref<16xi32, #tpu.memory_space<vmem>>, vector<16xi32>,
    %slice3A = vector.extract_strided_slice %get3A_9 {offsets = [0], sizes = [1], strides = [1]} : vector<16xi32> to vector<1xi32>
    %squeeze3A = vector.extract %slice3A[0] : i32 from vector<1xi32>
    %gt3A = arith.constant 0 : i32
    %gt3A_10 = arith.cmpi sgt, %squeeze3A, %gt3A : i32
    %convert_element_type3A = arith.extui %gt3A_10 : i1 to i32
    %cond3A = arith.constant 0 : i32
    %cond3A_11 = arith.cmpi ne, %convert_element_type3A, %cond3A : i32
    scf.if %cond3A_11 {
      %mul3A_23 = arith.constant 0 : i32
      %mul3A_24 = arith.constant 128 : i32
      %mul3A_25 = arith.muli %mul3A_23, %mul3A_24 : i32
      %add3A_26 = arith.addi %mul3A_2, %mul3A_25 : i32
      %multiple_of3A_27 = tpu.assume_multiple %add3A_26, 128 : i32
      %run_scoped3A = arith.constant 0 : i32
      "tpu.region"() ({
        %run_scoped3A_40 = tpu.sem_alloc : memref<!tpu.dma_semaphore, #tpu.memory_space<semaphore_mem>>
        %dma_start3A_41 = arith.constant 0 : i32
        %dma_start3A_42 = tpu.memref_slice %arg9[%run_scoped3A, %dma_start3A_41] : memref<2x128xi32, #tpu.memory_space<vmem>> -> memref<1x128xi32, #tpu.memory_space<vmem>>
        %dma_start3A_43 = tpu.memref_squeeze %dma_start3A_42 : memref<1x128xi32, #tpu.memory_space<vmem>> -> memref<128xi32, #tpu.memory_space<vmem>>
        %dma_start3A_44 = tpu.memref_slice %arg3[%multiple_of3A_27] : memref<10338304xi32, #tpu.memory_space<hbm>> -> memref<128xi32, #tpu.memory_space<hbm>>
        %dma_start3A_45 = arith.constant 0 : i32
        %dma_start3A_46 = tpu.memref_slice %arg9[%run_scoped3A, %dma_start3A_45] : memref<2x128xi32, #tpu.memory_space<vmem>> -> memref<1x128xi32, #tpu.memory_space<vmem>>
        %dma_start3A_47 = tpu.memref_squeeze %dma_start3A_46 : memref<1x128xi32, #tpu.memory_space<vmem>> -> memref<128xi32, #tpu.memory_space<vmem>>
        %dma_start3A_48 = tpu.memref_slice %arg3[%multiple_of3A_27] : memref<10338304xi32, #tpu.memory_space<hbm>> -> memref<128xi32, #tpu.memory_space<hbm>>
        tpu.enqueue_dma source(%dma_start3A_48 : memref<128xi32, #tpu.memory_space<hbm>>) target(%dma_start3A_47 : memref<128xi32, #tpu.memory_space<vmem>>) target_semaphore(%run_scoped3A_40 : memref<!tpu.dma_semaphore, #tpu.memory_space<semaphore_mem>>)
        %dma_wait3A = arith.constant 0 : i32
        %dma_wait3A_49 = tpu.memref_slice %arg9[%run_scoped3A, %dma_wait3A] : memref<2x128xi32, #tpu.memory_space<vmem>> -> memref<1x128xi32, #tpu.memory_space<vmem>>
        %dma_wait3A_50 = tpu.memref_squeeze %dma_wait3A_49 : memref<1x128xi32, #tpu.memory_space<vmem>> -> memref<128xi32, #tpu.memory_space<vmem>>
        %dma_wait3A_51 = tpu.memref_slice %arg3[%multiple_of3A_27] : memref<10338304xi32, #tpu.memory_space<hbm>> -> memref<128xi32, #tpu.memory_space<hbm>>
        %dma_wait3A_52 = arith.constant 0 : i32
        %dma_wait3A_53 = tpu.memref_slice %arg9[%run_scoped3A, %dma_wait3A_52] : memref<2x128xi32, #tpu.memory_space<vmem>> -> memref<1x128xi32, #tpu.memory_space<vmem>>
        %dma_wait3A_54 = tpu.memref_squeeze %dma_wait3A_53 : memref<1x128xi32, #tpu.memory_space<vmem>> -> memref<128xi32, #tpu.memory_space<vmem>>
        %dma_wait3A_55 = tpu.memref_slice %arg3[%multiple_of3A_27] : memref<10338304xi32, #tpu.memory_space<hbm>> -> memref<128xi32, #tpu.memory_space<hbm>>
        tpu.wait_dma2 semaphore(%run_scoped3A_40 : memref<!tpu.dma_semaphore, #tpu.memory_space<semaphore_mem>>) src(%dma_wait3A_55 : memref<128xi32, #tpu.memory_space<hbm>>) dst(%dma_wait3A_54 : memref<128xi32, #tpu.memory_space<vmem>>)
        tpu.yield
      }) : () -> ()
      %run_scoped3A_28 = arith.constant 0 : i32
      "tpu.region"() ({
        %run_scoped3A_40 = tpu.sem_alloc : memref<!tpu.dma_semaphore, #tpu.memory_space<semaphore_mem>>
        %dma_start3A_41 = arith.constant 0 : i32
        %dma_start3A_42 = tpu.memref_slice %arg10[%run_scoped3A_28, %dma_start3A_41] : memref<2x128xi32, #tpu.memory_space<vmem>> -> memref<1x128xi32, #tpu.memory_space<vmem>>
        %dma_start3A_43 = tpu.memref_squeeze %dma_start3A_42 : memref<1x128xi32, #tpu.memory_space<vmem>> -> memref<128xi32, #tpu.memory_space<vmem>>
        %dma_start3A_44 = tpu.memref_slice %arg4[%multiple_of3A_27] : memref<10338304xi32, #tpu.memory_space<hbm>> -> memref<128xi32, #tpu.memory_space<hbm>>
        %dma_start3A_45 = arith.constant 0 : i32
        %dma_start3A_46 = tpu.memref_slice %arg10[%run_scoped3A_28, %dma_start3A_45] : memref<2x128xi32, #tpu.memory_space<vmem>> -> memref<1x128xi32, #tpu.memory_space<vmem>>
        %dma_start3A_47 = tpu.memref_squeeze %dma_start3A_46 : memref<1x128xi32, #tpu.memory_space<vmem>> -> memref<128xi32, #tpu.memory_space<vmem>>
        %dma_start3A_48 = tpu.memref_slice %arg4[%multiple_of3A_27] : memref<10338304xi32, #tpu.memory_space<hbm>> -> memref<128xi32, #tpu.memory_space<hbm>>
        tpu.enqueue_dma source(%dma_start3A_48 : memref<128xi32, #tpu.memory_space<hbm>>) target(%dma_start3A_47 : memref<128xi32, #tpu.memory_space<vmem>>) target_semaphore(%run_scoped3A_40 : memref<!tpu.dma_semaphore, #tpu.memory_space<semaphore_mem>>)
        %dma_wait3A = arith.constant 0 : i32
        %dma_wait3A_49 = tpu.memref_slice %arg10[%run_scoped3A_28, %dma_wait3A] : memref<2x128xi32, #tpu.memory_space<vmem>> -> memref<1x128xi32, #tpu.memory_space<vmem>>
        %dma_wait3A_50 = tpu.memref_squeeze %dma_wait3A_49 : memref<1x128xi32, #tpu.memory_space<vmem>> -> memref<128xi32, #tpu.memory_space<vmem>>
        %dma_wait3A_51 = tpu.memref_slice %arg4[%multiple_of3A_27] : memref<10338304xi32, #tpu.memory_space<hbm>> -> memref<128xi32, #tpu.memory_space<hbm>>
        %dma_wait3A_52 = arith.constant 0 : i32
        %dma_wait3A_53 = tpu.memref_slice %arg10[%run_scoped3A_28, %dma_wait3A_52] : memref<2x128xi32, #tpu.memory_space<vmem>> -> memref<1x128xi32, #tpu.memory_space<vmem>>
        %dma_wait3A_54 = tpu.memref_squeeze %dma_wait3A_53 : memref<1x128xi32, #tpu.memory_space<vmem>> -> memref<128xi32, #tpu.memory_space<vmem>>
        %dma_wait3A_55 = tpu.memref_slice %arg4[%multiple_of3A_27] : memref<10338304xi32, #tpu.memory_space<hbm>> -> memref<128xi32, #tpu.memory_space<hbm>>
        tpu.wait_dma2 semaphore(%run_scoped3A_40 : memref<!tpu.dma_semaphore, #tpu.memory_space<semaphore_mem>>) src(%dma_wait3A_55 : memref<128xi32, #tpu.memory_space<hbm>>) dst(%dma_wait3A_54 : memref<128xi32, #tpu.memory_space<vmem>>)
        tpu.yield
      }) : () -> ()
      %dma_start3A = arith.constant 0 : i32
      %dma_start3A_29 = arith.constant 0 : i32
      %dma_start3A_30 = arith.constant 0 : i32
      %dma_start3A_31 = arith.constant 0 : i32
      %dma_start3A_32 = tpu.memref_slice %arg11[%dma_start3A_29, %dma_start3A_30, %dma_start3A_31] : memref<2x128x128xf32, #tpu.memory_space<vmem>> -> memref<1x128x128xf32, #tpu.memory_space<vmem>>
      %dma_start3A_33 = tpu.memref_squeeze %dma_start3A_32 : memref<1x128x128xf32, #tpu.memory_space<vmem>> -> memref<128x128xf32, #tpu.memory_space<vmem>>
      %dma_start3A_34 = arith.constant 0 : i32
      %dma_start3A_35 = tpu.memref_slice %arg9[%dma_start3A, %dma_start3A_34] : memref<2x128xi32, #tpu.memory_space<vmem>> -> memref<1x128xi32, #tpu.memory_space<vmem>>
      %dma_start3A_36 = tpu.memref_squeeze %dma_start3A_35 : memref<1x128xi32, #tpu.memory_space<vmem>> -> memref<128xi32, #tpu.memory_space<vmem>>
      %dma_start3A_37 = arith.constant 0 : i32
      %dma_start3A_38 = arith.constant 0 : i32
      %dma_start3A_39 = tpu.memref_slice %arg2[%dma_start3A_37, %dma_start3A_38] : memref<10000x128xf32, #tpu.memory_space<hbm>> -> memref<10000x128xf32, #tpu.memory_space<hbm>>
      tpu.enqueue_indirect_dma source(%dma_start3A_39 : memref<10000x128xf32, #tpu.memory_space<hbm>>) target(%dma_start3A_33 : memref<128x128xf32, #tpu.memory_space<vmem>>) offsets(%dma_start3A_36 : memref<128xi32, #tpu.memory_space<vmem>>) semaphore(%arg13 : memref<!tpu.dma_semaphore, #tpu.memory_space<semaphore_mem>>)
    } else {
    }
    %while3A = arith.constant 0 : i32
    %while3A_12 = arith.constant 0 : i32
    %while3A_13 = arith.subi %squeeze3A, %while3A_12 : i32
    %while3A_14 = arith.addi %while3A_12, %while3A_13 : i32
    %while3A_15 = arith.constant 1 : i32
    %while3A_16 = arith.divsi %while3A_13, %while3A_15 : i32
    %while3A_17 = arith.muli %while3A_16, %while3A_15 : i32
    %while3A_18 = arith.addi %while3A_12, %while3A_17 : i32
    %while3A_19 = arith.constant 1 : i32
    scf.for %while3A_23 = %while3A_12 to %while3A_18 step %while3A_19  : i32 {
      %jit3A = arith.constant 2 : i32
      %eq3A = arith.constant 0 : i32
      %eq3A_24 = arith.cmpi eq, %jit3A, %eq3A : i32
      %jit3A_25 = arith.constant 1 : i32
      %select_n3A = arith.select %eq3A_24, %jit3A_25, %jit3A : i32
      %rem3A = arith.remsi %while3A_23, %select_n3A : i32
      %ne3A = arith.constant 0 : i32
      %ne3A_26 = arith.cmpi ne, %rem3A, %ne3A : i32
      %lt3A = arith.constant 0 : i32
      %lt3A_27 = arith.cmpi slt, %rem3A, %lt3A : i32
      %lt3A_28 = arith.constant 0 : i32
      %lt3A_29 = arith.cmpi slt, %select_n3A, %lt3A_28 : i32
      %ne3A_30 = arith.xori %lt3A_27, %lt3A_29 : i1
      %and3A = arith.andi %ne3A_30, %ne3A_26 : i1
      %add3A_31 = arith.addi %rem3A, %select_n3A : i32
      %select_n3A_32 = arith.select %and3A, %add3A_31, %rem3A : i32
      %add3A_33 = arith.constant 1 : i32
      %add3A_34 = arith.addi %while3A_23, %add3A_33 : i32
      %lt3A_35 = arith.cmpi slt, %add3A_34, %squeeze3A : i32
      %convert_element_type3A_36 = arith.extui %lt3A_35 : i1 to i32
      %cond3A_37 = arith.constant 0 : i32
      %cond3A_38 = arith.cmpi ne, %convert_element_type3A_36, %cond3A_37 : i32
      scf.if %cond3A_38 {
        %add3A_52 = arith.constant 1 : i32
        %add3A_53 = arith.addi %while3A_23, %add3A_52 : i32
        %sub3A = arith.constant 1 : i32
        %sub3A_54 = arith.subi %sub3A, %select_n3A_32 : i32
        %mul3A_55 = arith.constant 128 : i32
        %mul3A_56 = arith.muli %add3A_53, %mul3A_55 : i32
        %add3A_57 = arith.addi %mul3A_2, %mul3A_56 : i32
        %multiple_of3A_58 = tpu.assume_multiple %add3A_57, 128 : i32
        "tpu.region"() ({
          %run_scoped3A = tpu.sem_alloc : memref<!tpu.dma_semaphore, #tpu.memory_space<semaphore_mem>>
          %dma_start3A_68 = arith.constant 0 : i32
          %dma_start3A_69 = tpu.memref_slice %arg9[%sub3A_54, %dma_start3A_68] : memref<2x128xi32, #tpu.memory_space<vmem>> -> memref<1x128xi32, #tpu.memory_space<vmem>>
          %dma_start3A_70 = tpu.memref_squeeze %dma_start3A_69 : memref<1x128xi32, #tpu.memory_space<vmem>> -> memref<128xi32, #tpu.memory_space<vmem>>
          %dma_start3A_71 = tpu.memref_slice %arg3[%multiple_of3A_58] : memref<10338304xi32, #tpu.memory_space<hbm>> -> memref<128xi32, #tpu.memory_space<hbm>>
          %dma_start3A_72 = arith.constant 0 : i32
          %dma_start3A_73 = tpu.memref_slice %arg9[%sub3A_54, %dma_start3A_72] : memref<2x128xi32, #tpu.memory_space<vmem>> -> memref<1x128xi32, #tpu.memory_space<vmem>>
          %dma_start3A_74 = tpu.memref_squeeze %dma_start3A_73 : memref<1x128xi32, #tpu.memory_space<vmem>> -> memref<128xi32, #tpu.memory_space<vmem>>
          %dma_start3A_75 = tpu.memref_slice %arg3[%multiple_of3A_58] : memref<10338304xi32, #tpu.memory_space<hbm>> -> memref<128xi32, #tpu.memory_space<hbm>>
          tpu.enqueue_dma source(%dma_start3A_75 : memref<128xi32, #tpu.memory_space<hbm>>) target(%dma_start3A_74 : memref<128xi32, #tpu.memory_space<vmem>>) target_semaphore(%run_scoped3A : memref<!tpu.dma_semaphore, #tpu.memory_space<semaphore_mem>>)
          %dma_wait3A_76 = arith.constant 0 : i32
          %dma_wait3A_77 = tpu.memref_slice %arg9[%sub3A_54, %dma_wait3A_76] : memref<2x128xi32, #tpu.memory_space<vmem>> -> memref<1x128xi32, #tpu.memory_space<vmem>>
          %dma_wait3A_78 = tpu.memref_squeeze %dma_wait3A_77 : memref<1x128xi32, #tpu.memory_space<vmem>> -> memref<128xi32, #tpu.memory_space<vmem>>
          %dma_wait3A_79 = tpu.memref_slice %arg3[%multiple_of3A_58] : memref<10338304xi32, #tpu.memory_space<hbm>> -> memref<128xi32, #tpu.memory_space<hbm>>
          %dma_wait3A_80 = arith.constant 0 : i32
          %dma_wait3A_81 = tpu.memref_slice %arg9[%sub3A_54, %dma_wait3A_80] : memref<2x128xi32, #tpu.memory_space<vmem>> -> memref<1x128xi32, #tpu.memory_space<vmem>>
          %dma_wait3A_82 = tpu.memref_squeeze %dma_wait3A_81 : memref<1x128xi32, #tpu.memory_space<vmem>> -> memref<128xi32, #tpu.memory_space<vmem>>
          %dma_wait3A_83 = tpu.memref_slice %arg3[%multiple_of3A_58] : memref<10338304xi32, #tpu.memory_space<hbm>> -> memref<128xi32, #tpu.memory_space<hbm>>
          tpu.wait_dma2 semaphore(%run_scoped3A : memref<!tpu.dma_semaphore, #tpu.memory_space<semaphore_mem>>) src(%dma_wait3A_83 : memref<128xi32, #tpu.memory_space<hbm>>) dst(%dma_wait3A_82 : memref<128xi32, #tpu.memory_space<vmem>>)
          tpu.yield
        }) : () -> ()
        "tpu.region"() ({
          %run_scoped3A = tpu.sem_alloc : memref<!tpu.dma_semaphore, #tpu.memory_space<semaphore_mem>>
          %dma_start3A_68 = arith.constant 0 : i32
          %dma_start3A_69 = tpu.memref_slice %arg10[%sub3A_54, %dma_start3A_68] : memref<2x128xi32, #tpu.memory_space<vmem>> -> memref<1x128xi32, #tpu.memory_space<vmem>>
          %dma_start3A_70 = tpu.memref_squeeze %dma_start3A_69 : memref<1x128xi32, #tpu.memory_space<vmem>> -> memref<128xi32, #tpu.memory_space<vmem>>
          %dma_start3A_71 = tpu.memref_slice %arg4[%multiple_of3A_58] : memref<10338304xi32, #tpu.memory_space<hbm>> -> memref<128xi32, #tpu.memory_space<hbm>>
          %dma_start3A_72 = arith.constant 0 : i32
          %dma_start3A_73 = tpu.memref_slice %arg10[%sub3A_54, %dma_start3A_72] : memref<2x128xi32, #tpu.memory_space<vmem>> -> memref<1x128xi32, #tpu.memory_space<vmem>>
          %dma_start3A_74 = tpu.memref_squeeze %dma_start3A_73 : memref<1x128xi32, #tpu.memory_space<vmem>> -> memref<128xi32, #tpu.memory_space<vmem>>
          %dma_start3A_75 = tpu.memref_slice %arg4[%multiple_of3A_58] : memref<10338304xi32, #tpu.memory_space<hbm>> -> memref<128xi32, #tpu.memory_space<hbm>>
          tpu.enqueue_dma source(%dma_start3A_75 : memref<128xi32, #tpu.memory_space<hbm>>) target(%dma_start3A_74 : memref<128xi32, #tpu.memory_space<vmem>>) target_semaphore(%run_scoped3A : memref<!tpu.dma_semaphore, #tpu.memory_space<semaphore_mem>>)
          %dma_wait3A_76 = arith.constant 0 : i32
          %dma_wait3A_77 = tpu.memref_slice %arg10[%sub3A_54, %dma_wait3A_76] : memref<2x128xi32, #tpu.memory_space<vmem>> -> memref<1x128xi32, #tpu.memory_space<vmem>>
          %dma_wait3A_78 = tpu.memref_squeeze %dma_wait3A_77 : memref<1x128xi32, #tpu.memory_space<vmem>> -> memref<128xi32, #tpu.memory_space<vmem>>
          %dma_wait3A_79 = tpu.memref_slice %arg4[%multiple_of3A_58] : memref<10338304xi32, #tpu.memory_space<hbm>> -> memref<128xi32, #tpu.memory_space<hbm>>
          %dma_wait3A_80 = arith.constant 0 : i32
          %dma_wait3A_81 = tpu.memref_slice %arg10[%sub3A_54, %dma_wait3A_80] : memref<2x128xi32, #tpu.memory_space<vmem>> -> memref<1x128xi32, #tpu.memory_space<vmem>>
          %dma_wait3A_82 = tpu.memref_squeeze %dma_wait3A_81 : memref<1x128xi32, #tpu.memory_space<vmem>> -> memref<128xi32, #tpu.memory_space<vmem>>
          %dma_wait3A_83 = tpu.memref_slice %arg4[%multiple_of3A_58] : memref<10338304xi32, #tpu.memory_space<hbm>> -> memref<128xi32, #tpu.memory_space<hbm>>
          tpu.wait_dma2 semaphore(%run_scoped3A : memref<!tpu.dma_semaphore, #tpu.memory_space<semaphore_mem>>) src(%dma_wait3A_83 : memref<128xi32, #tpu.memory_space<hbm>>) dst(%dma_wait3A_82 : memref<128xi32, #tpu.memory_space<vmem>>)
          tpu.yield
        }) : () -> ()
        %dma_start3A = arith.constant 0 : i32
        %dma_start3A_59 = arith.constant 0 : i32
        %dma_start3A_60 = tpu.memref_slice %arg11[%sub3A_54, %dma_start3A, %dma_start3A_59] : memref<2x128x128xf32, #tpu.memory_space<vmem>> -> memref<1x128x128xf32, #tpu.memory_space<vmem>>
        %dma_start3A_61 = tpu.memref_squeeze %dma_start3A_60 : memref<1x128x128xf32, #tpu.memory_space<vmem>> -> memref<128x128xf32, #tpu.memory_space<vmem>>
        %dma_start3A_62 = arith.constant 0 : i32
        %dma_start3A_63 = tpu.memref_slice %arg9[%sub3A_54, %dma_start3A_62] : memref<2x128xi32, #tpu.memory_space<vmem>> -> memref<1x128xi32, #tpu.memory_space<vmem>>
        %dma_start3A_64 = tpu.memref_squeeze %dma_start3A_63 : memref<1x128xi32, #tpu.memory_space<vmem>> -> memref<128xi32, #tpu.memory_space<vmem>>
        %dma_start3A_65 = arith.constant 0 : i32
        %dma_start3A_66 = arith.constant 0 : i32
        %dma_start3A_67 = tpu.memref_slice %arg2[%dma_start3A_65, %dma_start3A_66] : memref<10000x128xf32, #tpu.memory_space<hbm>> -> memref<10000x128xf32, #tpu.memory_space<hbm>>
        tpu.enqueue_indirect_dma source(%dma_start3A_67 : memref<10000x128xf32, #tpu.memory_space<hbm>>) target(%dma_start3A_61 : memref<128x128xf32, #tpu.memory_space<vmem>>) offsets(%dma_start3A_64 : memref<128xi32, #tpu.memory_space<vmem>>) semaphore(%arg13 : memref<!tpu.dma_semaphore, #tpu.memory_space<semaphore_mem>>)
      } else {
      }
      %dma_wait3A = arith.constant 0 : i32
      %dma_wait3A_39 = arith.constant 0 : i32
      %dma_wait3A_40 = tpu.memref_slice %arg11[%select_n3A_32, %dma_wait3A, %dma_wait3A_39] : memref<2x128x128xf32, #tpu.memory_space<vmem>> -> memref<1x128x128xf32, #tpu.memory_space<vmem>>
      %dma_wait3A_41 = tpu.memref_squeeze %dma_wait3A_40 : memref<1x128x128xf32, #tpu.memory_space<vmem>> -> memref<128x128xf32, #tpu.memory_space<vmem>>
      %dma_wait3A_42 = arith.constant 0 : i32
      %dma_wait3A_43 = arith.constant 0 : i32
      %dma_wait3A_44 = tpu.memref_slice %arg2[%dma_wait3A_42, %dma_wait3A_43] : memref<10000x128xf32, #tpu.memory_space<hbm>> -> memref<128x128xf32, #tpu.memory_space<hbm>>
      %dma_wait3A_45 = arith.constant 0 : i32
      %dma_wait3A_46 = arith.constant 0 : i32
      %dma_wait3A_47 = tpu.memref_slice %arg11[%select_n3A_32, %dma_wait3A_45, %dma_wait3A_46] : memref<2x128x128xf32, #tpu.memory_space<vmem>> -> memref<1x128x128xf32, #tpu.memory_space<vmem>>
      %dma_wait3A_48 = tpu.memref_squeeze %dma_wait3A_47 : memref<1x128x128xf32, #tpu.memory_space<vmem>> -> memref<128x128xf32, #tpu.memory_space<vmem>>
      %dma_wait3A_49 = arith.constant 0 : i32
      %dma_wait3A_50 = arith.constant 0 : i32
      %dma_wait3A_51 = tpu.memref_slice %arg2[%dma_wait3A_49, %dma_wait3A_50] : memref<10000x128xf32, #tpu.memory_space<hbm>> -> memref<128x128xf32, #tpu.memory_space<hbm>>
      tpu.wait_dma2 semaphore(%arg13 : memref<!tpu.dma_semaphore, #tpu.memory_space<semaphore_mem>>) src(%dma_wait3A_51 : memref<128x128xf32, #tpu.memory_space<hbm>>) dst(%dma_wait3A_48 : memref<128x128xf32, #tpu.memory_space<vmem>>)
      "tpu.region"() ({
        %run_scoped3A = tpu.sem_alloc : memref<!tpu.dma_semaphore, #tpu.memory_space<semaphore_mem>>
        %dma_start3A = arith.constant 0 : i32
        %dma_start3A_52 = arith.constant 0 : i32
        %dma_start3A_53 = tpu.memref_slice %arg11[%select_n3A_32, %dma_start3A, %dma_start3A_52] : memref<2x128x128xf32, #tpu.memory_space<vmem>> -> memref<1x128x128xf32, #tpu.memory_space<vmem>>
        %dma_start3A_54 = tpu.memref_squeeze %dma_start3A_53 : memref<1x128x128xf32, #tpu.memory_space<vmem>> -> memref<128x128xf32, #tpu.memory_space<vmem>>
        %dma_start3A_55 = arith.constant 0 : i32
        %dma_start3A_56 = tpu.memref_slice %arg10[%select_n3A_32, %dma_start3A_55] : memref<2x128xi32, #tpu.memory_space<vmem>> -> memref<1x128xi32, #tpu.memory_space<vmem>>
        %dma_start3A_57 = tpu.memref_squeeze %dma_start3A_56 : memref<1x128xi32, #tpu.memory_space<vmem>> -> memref<128xi32, #tpu.memory_space<vmem>>
        %dma_start3A_58 = arith.constant 0 : i32
        %dma_start3A_59 = arith.constant 0 : i32
        %dma_start3A_60 = tpu.memref_slice %arg12[%dma_start3A_58, %dma_start3A_59] : memref<10240x128xf32, #tpu.memory_space<vmem_shared>> -> memref<10240x128xf32, #tpu.memory_space<vmem_shared>>
        tpu.enqueue_indirect_dma source(%dma_start3A_54 : memref<128x128xf32, #tpu.memory_space<vmem>>) target(%dma_start3A_60 : memref<10240x128xf32, #tpu.memory_space<vmem_shared>>) offsets(%dma_start3A_57 : memref<128xi32, #tpu.memory_space<vmem>>) semaphore(%run_scoped3A : memref<!tpu.dma_semaphore, #tpu.memory_space<semaphore_mem>>) {add = true}
        %dma_wait3A_61 = arith.constant 0 : i32
        %dma_wait3A_62 = arith.constant 0 : i32
        %dma_wait3A_63 = tpu.memref_slice %arg11[%select_n3A_32, %dma_wait3A_61, %dma_wait3A_62] : memref<2x128x128xf32, #tpu.memory_space<vmem>> -> memref<1x128x128xf32, #tpu.memory_space<vmem>>
        %dma_wait3A_64 = tpu.memref_squeeze %dma_wait3A_63 : memref<1x128x128xf32, #tpu.memory_space<vmem>> -> memref<128x128xf32, #tpu.memory_space<vmem>>
        %dma_wait3A_65 = arith.constant 0 : i32
        %dma_wait3A_66 = tpu.memref_slice %arg10[%select_n3A_32, %dma_wait3A_65] : memref<2x128xi32, #tpu.memory_space<vmem>> -> memref<1x128xi32, #tpu.memory_space<vmem>>
        %dma_wait3A_67 = tpu.memref_squeeze %dma_wait3A_66 : memref<1x128xi32, #tpu.memory_space<vmem>> -> memref<128xi32, #tpu.memory_space<vmem>>
        %dma_wait3A_68 = arith.constant 0 : i32
        %dma_wait3A_69 = arith.constant 0 : i32
        %dma_wait3A_70 = tpu.memref_slice %arg12[%dma_wait3A_68, %dma_wait3A_69] : memref<10240x128xf32, #tpu.memory_space<vmem_shared>> -> memref<10240x128xf32, #tpu.memory_space<vmem_shared>>
        tpu.wait_indirect_dma semaphore(%run_scoped3A : memref<!tpu.dma_semaphore, #tpu.memory_space<semaphore_mem>>) src(%dma_wait3A_64 : memref<128x128xf32, #tpu.memory_space<vmem>>) dst(%dma_wait3A_70 : memref<10240x128xf32, #tpu.memory_space<vmem_shared>>)
        tpu.yield
      }) : () -> ()
    }
    %while3A_20 = arith.constant 1 : i32
    scf.for %while3A_23 = %while3A_18 to %while3A_14 step %while3A_20  : i32 {
      %jit3A = arith.constant 2 : i32
      %eq3A = arith.constant 0 : i32
      %eq3A_24 = arith.cmpi eq, %jit3A, %eq3A : i32
      %jit3A_25 = arith.constant 1 : i32
      %select_n3A = arith.select %eq3A_24, %jit3A_25, %jit3A : i32
      %rem3A = arith.remsi %while3A_23, %select_n3A : i32
      %ne3A = arith.constant 0 : i32
      %ne3A_26 = arith.cmpi ne, %rem3A, %ne3A : i32
      %lt3A = arith.constant 0 : i32
      %lt3A_27 = arith.cmpi slt, %rem3A, %lt3A : i32
      %lt3A_28 = arith.constant 0 : i32
      %lt3A_29 = arith.cmpi slt, %select_n3A, %lt3A_28 : i32
      %ne3A_30 = arith.xori %lt3A_27, %lt3A_29 : i1
      %and3A = arith.andi %ne3A_30, %ne3A_26 : i1
      %add3A_31 = arith.addi %rem3A, %select_n3A : i32
      %select_n3A_32 = arith.select %and3A, %add3A_31, %rem3A : i32
      %add3A_33 = arith.constant 1 : i32
      %add3A_34 = arith.addi %while3A_23, %add3A_33 : i32
      %lt3A_35 = arith.cmpi slt, %add3A_34, %squeeze3A : i32
      %convert_element_type3A_36 = arith.extui %lt3A_35 : i1 to i32
      %cond3A_37 = arith.constant 0 : i32
      %cond3A_38 = arith.cmpi ne, %convert_element_type3A_36, %cond3A_37 : i32
      scf.if %cond3A_38 {
        %add3A_52 = arith.constant 1 : i32
        %add3A_53 = arith.addi %while3A_23, %add3A_52 : i32
        %sub3A = arith.constant 1 : i32
        %sub3A_54 = arith.subi %sub3A, %select_n3A_32 : i32
        %mul3A_55 = arith.constant 128 : i32
        %mul3A_56 = arith.muli %add3A_53, %mul3A_55 : i32
        %add3A_57 = arith.addi %mul3A_2, %mul3A_56 : i32
        %multiple_of3A_58 = tpu.assume_multiple %add3A_57, 128 : i32
        "tpu.region"() ({
          %run_scoped3A = tpu.sem_alloc : memref<!tpu.dma_semaphore, #tpu.memory_space<semaphore_mem>>
          %dma_start3A_68 = arith.constant 0 : i32
          %dma_start3A_69 = tpu.memref_slice %arg9[%sub3A_54, %dma_start3A_68] : memref<2x128xi32, #tpu.memory_space<vmem>> -> memref<1x128xi32, #tpu.memory_space<vmem>>
          %dma_start3A_70 = tpu.memref_squeeze %dma_start3A_69 : memref<1x128xi32, #tpu.memory_space<vmem>> -> memref<128xi32, #tpu.memory_space<vmem>>
          %dma_start3A_71 = tpu.memref_slice %arg3[%multiple_of3A_58] : memref<10338304xi32, #tpu.memory_space<hbm>> -> memref<128xi32, #tpu.memory_space<hbm>>
          %dma_start3A_72 = arith.constant 0 : i32
          %dma_start3A_73 = tpu.memref_slice %arg9[%sub3A_54, %dma_start3A_72] : memref<2x128xi32, #tpu.memory_space<vmem>> -> memref<1x128xi32, #tpu.memory_space<vmem>>
          %dma_start3A_74 = tpu.memref_squeeze %dma_start3A_73 : memref<1x128xi32, #tpu.memory_space<vmem>> -> memref<128xi32, #tpu.memory_space<vmem>>
          %dma_start3A_75 = tpu.memref_slice %arg3[%multiple_of3A_58] : memref<10338304xi32, #tpu.memory_space<hbm>> -> memref<128xi32, #tpu.memory_space<hbm>>
          tpu.enqueue_dma source(%dma_start3A_75 : memref<128xi32, #tpu.memory_space<hbm>>) target(%dma_start3A_74 : memref<128xi32, #tpu.memory_space<vmem>>) target_semaphore(%run_scoped3A : memref<!tpu.dma_semaphore, #tpu.memory_space<semaphore_mem>>)
          %dma_wait3A_76 = arith.constant 0 : i32
          %dma_wait3A_77 = tpu.memref_slice %arg9[%sub3A_54, %dma_wait3A_76] : memref<2x128xi32, #tpu.memory_space<vmem>> -> memref<1x128xi32, #tpu.memory_space<vmem>>
          %dma_wait3A_78 = tpu.memref_squeeze %dma_wait3A_77 : memref<1x128xi32, #tpu.memory_space<vmem>> -> memref<128xi32, #tpu.memory_space<vmem>>
          %dma_wait3A_79 = tpu.memref_slice %arg3[%multiple_of3A_58] : memref<10338304xi32, #tpu.memory_space<hbm>> -> memref<128xi32, #tpu.memory_space<hbm>>
          %dma_wait3A_80 = arith.constant 0 : i32
          %dma_wait3A_81 = tpu.memref_slice %arg9[%sub3A_54, %dma_wait3A_80] : memref<2x128xi32, #tpu.memory_space<vmem>> -> memref<1x128xi32, #tpu.memory_space<vmem>>
          %dma_wait3A_82 = tpu.memref_squeeze %dma_wait3A_81 : memref<1x128xi32, #tpu.memory_space<vmem>> -> memref<128xi32, #tpu.memory_space<vmem>>
          %dma_wait3A_83 = tpu.memref_slice %arg3[%multiple_of3A_58] : memref<10338304xi32, #tpu.memory_space<hbm>> -> memref<128xi32, #tpu.memory_space<hbm>>
          tpu.wait_dma2 semaphore(%run_scoped3A : memref<!tpu.dma_semaphore, #tpu.memory_space<semaphore_mem>>) src(%dma_wait3A_83 : memref<128xi32, #tpu.memory_space<hbm>>) dst(%dma_wait3A_82 : memref<128xi32, #tpu.memory_space<vmem>>)
          tpu.yield
        }) : () -> ()
        "tpu.region"() ({
          %run_scoped3A = tpu.sem_alloc : memref<!tpu.dma_semaphore, #tpu.memory_space<semaphore_mem>>
          %dma_start3A_68 = arith.constant 0 : i32
          %dma_start3A_69 = tpu.memref_slice %arg10[%sub3A_54, %dma_start3A_68] : memref<2x128xi32, #tpu.memory_space<vmem>> -> memref<1x128xi32, #tpu.memory_space<vmem>>
          %dma_start3A_70 = tpu.memref_squeeze %dma_start3A_69 : memref<1x128xi32, #tpu.memory_space<vmem>> -> memref<128xi32, #tpu.memory_space<vmem>>
          %dma_start3A_71 = tpu.memref_slice %arg4[%multiple_of3A_58] : memref<10338304xi32, #tpu.memory_space<hbm>> -> memref<128xi32, #tpu.memory_space<hbm>>
          %dma_start3A_72 = arith.constant 0 : i32
          %dma_start3A_73 = tpu.memref_slice %arg10[%sub3A_54, %dma_start3A_72] : memref<2x128xi32, #tpu.memory_space<vmem>> -> memref<1x128xi32, #tpu.memory_space<vmem>>
          %dma_start3A_74 = tpu.memref_squeeze %dma_start3A_73 : memref<1x128xi32, #tpu.memory_space<vmem>> -> memref<128xi32, #tpu.memory_space<vmem>>
          %dma_start3A_75 = tpu.memref_slice %arg4[%multiple_of3A_58] : memref<10338304xi32, #tpu.memory_space<hbm>> -> memref<128xi32, #tpu.memory_space<hbm>>
          tpu.enqueue_dma source(%dma_start3A_75 : memref<128xi32, #tpu.memory_space<hbm>>) target(%dma_start3A_74 : memref<128xi32, #tpu.memory_space<vmem>>) target_semaphore(%run_scoped3A : memref<!tpu.dma_semaphore, #tpu.memory_space<semaphore_mem>>)
          %dma_wait3A_76 = arith.constant 0 : i32
          %dma_wait3A_77 = tpu.memref_slice %arg10[%sub3A_54, %dma_wait3A_76] : memref<2x128xi32, #tpu.memory_space<vmem>> -> memref<1x128xi32, #tpu.memory_space<vmem>>
          %dma_wait3A_78 = tpu.memref_squeeze %dma_wait3A_77 : memref<1x128xi32, #tpu.memory_space<vmem>> -> memref<128xi32, #tpu.memory_space<vmem>>
          %dma_wait3A_79 = tpu.memref_slice %arg4[%multiple_of3A_58] : memref<10338304xi32, #tpu.memory_space<hbm>> -> memref<128xi32, #tpu.memory_space<hbm>>
          %dma_wait3A_80 = arith.constant 0 : i32
          %dma_wait3A_81 = tpu.memref_slice %arg10[%sub3A_54, %dma_wait3A_80] : memref<2x128xi32, #tpu.memory_space<vmem>> -> memref<1x128xi32, #tpu.memory_space<vmem>>
          %dma_wait3A_82 = tpu.memref_squeeze %dma_wait3A_81 : memref<1x128xi32, #tpu.memory_space<vmem>> -> memref<128xi32, #tpu.memory_space<vmem>>
          %dma_wait3A_83 = tpu.memref_slice %arg4[%multiple_of3A_58] : memref<10338304xi32, #tpu.memory_space<hbm>> -> memref<128xi32, #tpu.memory_space<hbm>>
          tpu.wait_dma2 semaphore(%run_scoped3A : memref<!tpu.dma_semaphore, #tpu.memory_space<semaphore_mem>>) src(%dma_wait3A_83 : memref<128xi32, #tpu.memory_space<hbm>>) dst(%dma_wait3A_82 : memref<128xi32, #tpu.memory_space<vmem>>)
          tpu.yield
        }) : () -> ()
        %dma_start3A = arith.constant 0 : i32
        %dma_start3A_59 = arith.constant 0 : i32
        %dma_start3A_60 = tpu.memref_slice %arg11[%sub3A_54, %dma_start3A, %dma_start3A_59] : memref<2x128x128xf32, #tpu.memory_space<vmem>> -> memref<1x128x128xf32, #tpu.memory_space<vmem>>
        %dma_start3A_61 = tpu.memref_squeeze %dma_start3A_60 : memref<1x128x128xf32, #tpu.memory_space<vmem>> -> memref<128x128xf32, #tpu.memory_space<vmem>>
        %dma_start3A_62 = arith.constant 0 : i32
        %dma_start3A_63 = tpu.memref_slice %arg9[%sub3A_54, %dma_start3A_62] : memref<2x128xi32, #tpu.memory_space<vmem>> -> memref<1x128xi32, #tpu.memory_space<vmem>>
        %dma_start3A_64 = tpu.memref_squeeze %dma_start3A_63 : memref<1x128xi32, #tpu.memory_space<vmem>> -> memref<128xi32, #tpu.memory_space<vmem>>
        %dma_start3A_65 = arith.constant 0 : i32
        %dma_start3A_66 = arith.constant 0 : i32
        %dma_start3A_67 = tpu.memref_slice %arg2[%dma_start3A_65, %dma_start3A_66] : memref<10000x128xf32, #tpu.memory_space<hbm>> -> memref<10000x128xf32, #tpu.memory_space<hbm>>
        tpu.enqueue_indirect_dma source(%dma_start3A_67 : memref<10000x128xf32, #tpu.memory_space<hbm>>) target(%dma_start3A_61 : memref<128x128xf32, #tpu.memory_space<vmem>>) offsets(%dma_start3A_64 : memref<128xi32, #tpu.memory_space<vmem>>) semaphore(%arg13 : memref<!tpu.dma_semaphore, #tpu.memory_space<semaphore_mem>>)
      } else {
      }
      %dma_wait3A = arith.constant 0 : i32
      %dma_wait3A_39 = arith.constant 0 : i32
      %dma_wait3A_40 = tpu.memref_slice %arg11[%select_n3A_32, %dma_wait3A, %dma_wait3A_39] : memref<2x128x128xf32, #tpu.memory_space<vmem>> -> memref<1x128x128xf32, #tpu.memory_space<vmem>>
      %dma_wait3A_41 = tpu.memref_squeeze %dma_wait3A_40 : memref<1x128x128xf32, #tpu.memory_space<vmem>> -> memref<128x128xf32, #tpu.memory_space<vmem>>
      %dma_wait3A_42 = arith.constant 0 : i32
      %dma_wait3A_43 = arith.constant 0 : i32
      %dma_wait3A_44 = tpu.memref_slice %arg2[%dma_wait3A_42, %dma_wait3A_43] : memref<10000x128xf32, #tpu.memory_space<hbm>> -> memref<128x128xf32, #tpu.memory_space<hbm>>
      %dma_wait3A_45 = arith.constant 0 : i32
      %dma_wait3A_46 = arith.constant 0 : i32
      %dma_wait3A_47 = tpu.memref_slice %arg11[%select_n3A_32, %dma_wait3A_45, %dma_wait3A_46] : memref<2x128x128xf32, #tpu.memory_space<vmem>> -> memref<1x128x128xf32, #tpu.memory_space<vmem>>
      %dma_wait3A_48 = tpu.memref_squeeze %dma_wait3A_47 : memref<1x128x128xf32, #tpu.memory_space<vmem>> -> memref<128x128xf32, #tpu.memory_space<vmem>>
      %dma_wait3A_49 = arith.constant 0 : i32
      %dma_wait3A_50 = arith.constant 0 : i32
      %dma_wait3A_51 = tpu.memref_slice %arg2[%dma_wait3A_49, %dma_wait3A_50] : memref<10000x128xf32, #tpu.memory_space<hbm>> -> memref<128x128xf32, #tpu.memory_space<hbm>>
      tpu.wait_dma2 semaphore(%arg13 : memref<!tpu.dma_semaphore, #tpu.memory_space<semaphore_mem>>) src(%dma_wait3A_51 : memref<128x128xf32, #tpu.memory_space<hbm>>) dst(%dma_wait3A_48 : memref<128x128xf32, #tpu.memory_space<vmem>>)
      "tpu.region"() ({
        %run_scoped3A = tpu.sem_alloc : memref<!tpu.dma_semaphore, #tpu.memory_space<semaphore_mem>>
        %dma_start3A = arith.constant 0 : i32
        %dma_start3A_52 = arith.constant 0 : i32
        %dma_start3A_53 = tpu.memref_slice %arg11[%select_n3A_32, %dma_start3A, %dma_start3A_52] : memref<2x128x128xf32, #tpu.memory_space<vmem>> -> memref<1x128x128xf32, #tpu.memory_space<vmem>>
        %dma_start3A_54 = tpu.memref_squeeze %dma_start3A_53 : memref<1x128x128xf32, #tpu.memory_space<vmem>> -> memref<128x128xf32, #tpu.memory_space<vmem>>
        %dma_start3A_55 = arith.constant 0 : i32
        %dma_start3A_56 = tpu.memref_slice %arg10[%select_n3A_32, %dma_start3A_55] : memref<2x128xi32, #tpu.memory_space<vmem>> -> memref<1x128xi32, #tpu.memory_space<vmem>>
        %dma_start3A_57 = tpu.memref_squeeze %dma_start3A_56 : memref<1x128xi32, #tpu.memory_space<vmem>> -> memref<128xi32, #tpu.memory_space<vmem>>
        %dma_start3A_58 = arith.constant 0 : i32
        %dma_start3A_59 = arith.constant 0 : i32
        %dma_start3A_60 = tpu.memref_slice %arg12[%dma_start3A_58, %dma_start3A_59] : memref<10240x128xf32, #tpu.memory_space<vmem_shared>> -> memref<10240x128xf32, #tpu.memory_space<vmem_shared>>
        tpu.enqueue_indirect_dma source(%dma_start3A_54 : memref<128x128xf32, #tpu.memory_space<vmem>>) target(%dma_start3A_60 : memref<10240x128xf32, #tpu.memory_space<vmem_shared>>) offsets(%dma_start3A_57 : memref<128xi32, #tpu.memory_space<vmem>>) semaphore(%run_scoped3A : memref<!tpu.dma_semaphore, #tpu.memory_space<semaphore_mem>>) {add = true}
        %dma_wait3A_61 = arith.constant 0 : i32
        %dma_wait3A_62 = arith.constant 0 : i32
        %dma_wait3A_63 = tpu.memref_slice %arg11[%select_n3A_32, %dma_wait3A_61, %dma_wait3A_62] : memref<2x128x128xf32, #tpu.memory_space<vmem>> -> memref<1x128x128xf32, #tpu.memory_space<vmem>>
        %dma_wait3A_64 = tpu.memref_squeeze %dma_wait3A_63 : memref<1x128x128xf32, #tpu.memory_space<vmem>> -> memref<128x128xf32, #tpu.memory_space<vmem>>
        %dma_wait3A_65 = arith.constant 0 : i32
        %dma_wait3A_66 = tpu.memref_slice %arg10[%select_n3A_32, %dma_wait3A_65] : memref<2x128xi32, #tpu.memory_space<vmem>> -> memref<1x128xi32, #tpu.memory_space<vmem>>
        %dma_wait3A_67 = tpu.memref_squeeze %dma_wait3A_66 : memref<1x128xi32, #tpu.memory_space<vmem>> -> memref<128xi32, #tpu.memory_space<vmem>>
        %dma_wait3A_68 = arith.constant 0 : i32
        %dma_wait3A_69 = arith.constant 0 : i32
        %dma_wait3A_70 = tpu.memref_slice %arg12[%dma_wait3A_68, %dma_wait3A_69] : memref<10240x128xf32, #tpu.memory_space<vmem_shared>> -> memref<10240x128xf32, #tpu.memory_space<vmem_shared>>
        tpu.wait_indirect_dma semaphore(%run_scoped3A : memref<!tpu.dma_semaphore, #tpu.memory_space<semaphore_mem>>) src(%dma_wait3A_64 : memref<128x128xf32, #tpu.memory_space<vmem>>) dst(%dma_wait3A_70 : memref<10240x128xf32, #tpu.memory_space<vmem_shared>>)
        tpu.yield
      }) : () -> ()
    }
    %multiple_of3A_21 = tpu.assume_multiple %mul3A_4, 8 : i32
    %multiple_of3A_22 = tpu.assume_multiple %mul3A_4, 8 : i32
    "tpu.region"() ({
      %run_scoped3A = tpu.sem_alloc : memref<!tpu.dma_semaphore, #tpu.memory_space<semaphore_mem>>
      %dma_start3A = arith.constant 0 : i32
      %dma_start3A_23 = tpu.memref_slice %arg7[%multiple_of3A_22, %dma_start3A] : memref<10240x128xf32, #tpu.memory_space<hbm>> -> memref<320x128xf32, #tpu.memory_space<hbm>>
      %dma_start3A_24 = arith.constant 0 : i32
      %dma_start3A_25 = tpu.memref_slice %arg12[%multiple_of3A_21, %dma_start3A_24] : memref<10240x128xf32, #tpu.memory_space<vmem_shared>> -> memref<320x128xf32, #tpu.memory_space<vmem_shared>>
      tpu.enqueue_dma source(%dma_start3A_25 : memref<320x128xf32, #tpu.memory_space<vmem_shared>>) target(%dma_start3A_23 : memref<320x128xf32, #tpu.memory_space<hbm>>) target_semaphore(%run_scoped3A : memref<!tpu.dma_semaphore, #tpu.memory_space<semaphore_mem>>)
      %dma_wait3A = arith.constant 0 : i32
      %dma_wait3A_26 = tpu.memref_slice %arg7[%multiple_of3A_22, %dma_wait3A] : memref<10240x128xf32, #tpu.memory_space<hbm>> -> memref<320x128xf32, #tpu.memory_space<hbm>>
      %dma_wait3A_27 = arith.constant 0 : i32
      %dma_wait3A_28 = tpu.memref_slice %arg12[%multiple_of3A_21, %dma_wait3A_27] : memref<10240x128xf32, #tpu.memory_space<vmem_shared>> -> memref<320x128xf32, #tpu.memory_space<vmem_shared>>
      tpu.wait_dma2 semaphore(%run_scoped3A : memref<!tpu.dma_semaphore, #tpu.memory_space<semaphore_mem>>) src(%dma_wait3A_28 : memref<320x128xf32, #tpu.memory_space<vmem_shared>>) dst(%dma_wait3A_26 : memref<320x128xf32, #tpu.memory_space<hbm>>)
      tpu.yield
    }) : () -> ()
    return
  }
}

#map = affine_map<(d0, d1) -> (0)>
module attributes {stable_mosaic.version = 14 : i64} {
  func.func @body(%arg0: i32, %arg1: i32, %arg2: memref<321536xi32, #tpu.memory_space<hbm>>, %arg3: memref<321536xi32, #tpu.memory_space<hbm>>, %arg4: memref<10338304xi32, #tpu.memory_space<hbm>>, %arg5: memref<10338304xi32, #tpu.memory_space<hbm>>, %arg6: memref<512xi32, #tpu.memory_space<hbm>>, %arg7: memref<2048xi32, #tpu.memory_space<vmem>>, %arg8: memref<2048xi32, #tpu.memory_space<vmem>>, %arg9: memref<4160xi32, #tpu.memory_space<vmem>>, %arg10: memref<4160xi32, #tpu.memory_space<vmem>>, %arg11: memref<16xi32, #tpu.memory_space<vmem>>) attributes {dimension_semantics = [#tpu.dimension_semantics<core_parallel>, #tpu.dimension_semantics<subcore_parallel>], iteration_bounds = array<i64: 2, 16>, scalar_prefetch = 0 : i64, scratch_operands = 5 : i64, tpu.core_type = #tpu.core_type<sc_vector_subcore>, window_params = [{transform_indices = #map}, {transform_indices = #map}, {transform_indices = #map}, {transform_indices = #map}, {transform_indices = #map}]} {
    %mul3A = arith.constant 16 : i32
    %mul3A_0 = arith.muli %arg0, %mul3A : i32
    %add3A = arith.addi %mul3A_0, %arg1 : i32
    %mul3A_1 = arith.constant 320 : i32
    %mul3A_2 = arith.muli %add3A, %mul3A_1 : i32
    %add3A_3 = arith.constant 320 : i32
    %add3A_4 = arith.addi %mul3A_2, %add3A_3 : i32
    %mul3A_5 = arith.constant 323072 : i32
    %mul3A_6 = arith.muli %add3A, %mul3A_5 : i32
    %scan3A = arith.constant 0 : i32
    %scan3A_7 = arith.constant 0 : i32
    %scan3A_8 = arith.constant 0 : i32
    %scan3A_9 = arith.constant 157 : i32
    %scan3A_10 = arith.addi %scan3A_8, %scan3A_9 : i32
    %scan3A_11 = arith.constant 1 : i32
    %scan3A_12:2 = scf.for %scan3A_591 = %scan3A_8 to %scan3A_10 step %scan3A_11 iter_args(%scan3A_592 = %scan3A, %scan3A_593 = %scan3A_7) -> (i32, i32)  : i32 {
      %mul3A_594 = arith.constant 2048 : i32
      %mul3A_595 = arith.muli %scan3A_591, %mul3A_594 : i32
      %multiple_of3A_596 = tpu.assume_multiple %mul3A_595, 2048 : i32
      "tpu.region"() ({
        %run_scoped3A = tpu.sem_alloc : memref<!tpu.dma_semaphore, #tpu.memory_space<semaphore_mem>>
        %dma_start3A = tpu.memref_slice %arg2[%multiple_of3A_596] : memref<321536xi32, #tpu.memory_space<hbm>> -> memref<2048xi32, #tpu.memory_space<hbm>>
        %dma_start3A_612 = tpu.memref_slice %arg2[%multiple_of3A_596] : memref<321536xi32, #tpu.memory_space<hbm>> -> memref<2048xi32, #tpu.memory_space<hbm>>
        tpu.enqueue_dma source(%dma_start3A_612 : memref<2048xi32, #tpu.memory_space<hbm>>) target(%arg7 : memref<2048xi32, #tpu.memory_space<vmem>>) target_semaphore(%run_scoped3A : memref<!tpu.dma_semaphore, #tpu.memory_space<semaphore_mem>>)
        %dma_wait3A = tpu.memref_slice %arg2[%multiple_of3A_596] : memref<321536xi32, #tpu.memory_space<hbm>> -> memref<2048xi32, #tpu.memory_space<hbm>>
        %dma_wait3A_613 = tpu.memref_slice %arg2[%multiple_of3A_596] : memref<321536xi32, #tpu.memory_space<hbm>> -> memref<2048xi32, #tpu.memory_space<hbm>>
        tpu.wait_dma2 semaphore(%run_scoped3A : memref<!tpu.dma_semaphore, #tpu.memory_space<semaphore_mem>>) src(%dma_wait3A_613 : memref<2048xi32, #tpu.memory_space<hbm>>) dst(%arg7 : memref<2048xi32, #tpu.memory_space<vmem>>)
        tpu.yield
      }) : () -> ()
      %multiple_of3A_597 = tpu.assume_multiple %mul3A_595, 2048 : i32
      "tpu.region"() ({
        %run_scoped3A = tpu.sem_alloc : memref<!tpu.dma_semaphore, #tpu.memory_space<semaphore_mem>>
        %dma_start3A = tpu.memref_slice %arg3[%multiple_of3A_597] : memref<321536xi32, #tpu.memory_space<hbm>> -> memref<2048xi32, #tpu.memory_space<hbm>>
        %dma_start3A_612 = tpu.memref_slice %arg3[%multiple_of3A_597] : memref<321536xi32, #tpu.memory_space<hbm>> -> memref<2048xi32, #tpu.memory_space<hbm>>
        tpu.enqueue_dma source(%dma_start3A_612 : memref<2048xi32, #tpu.memory_space<hbm>>) target(%arg8 : memref<2048xi32, #tpu.memory_space<vmem>>) target_semaphore(%run_scoped3A : memref<!tpu.dma_semaphore, #tpu.memory_space<semaphore_mem>>)
        %dma_wait3A = tpu.memref_slice %arg3[%multiple_of3A_597] : memref<321536xi32, #tpu.memory_space<hbm>> -> memref<2048xi32, #tpu.memory_space<hbm>>
        %dma_wait3A_613 = tpu.memref_slice %arg3[%multiple_of3A_597] : memref<321536xi32, #tpu.memory_space<hbm>> -> memref<2048xi32, #tpu.memory_space<hbm>>
        tpu.wait_dma2 semaphore(%run_scoped3A : memref<!tpu.dma_semaphore, #tpu.memory_space<semaphore_mem>>) src(%dma_wait3A_613 : memref<2048xi32, #tpu.memory_space<hbm>>) dst(%arg8 : memref<2048xi32, #tpu.memory_space<vmem>>)
        tpu.yield
      }) : () -> ()
      %scan3A_598 = arith.constant 0 : i32
      %scan3A_599 = arith.constant 128 : i32
      %scan3A_600 = arith.addi %scan3A_598, %scan3A_599 : i32
      %scan3A_601 = arith.constant 4 : i32
      %scan3A_602 = scf.for %scan3A_612 = %scan3A_598 to %scan3A_600 step %scan3A_601 iter_args(%scan3A_613 = %scan3A_592) -> (i32)  : i32 {
        %mul3A_614 = arith.constant 16 : i32
        %mul3A_615 = arith.muli %scan3A_612, %mul3A_614 : i32
        %get3A = arith.index_cast %mul3A_615 : i32 to index
        %get3A_616 = tpu.vector_load %arg7[%get3A] {strides = array<i32>} : memref<2048xi32, #tpu.memory_space<vmem>>, vector<16xi32>,
        %mul3A_617 = arith.constant 16 : i32
        %mul3A_618 = arith.muli %scan3A_612, %mul3A_617 : i32
        %get3A_619 = arith.index_cast %mul3A_618 : i32 to index
        %get3A_620 = tpu.vector_load %arg8[%get3A_619] {strides = array<i32>} : memref<2048xi32, #tpu.memory_space<vmem>>, vector<16xi32>,
        %ge3A_621 = vector.broadcast %mul3A_2 : i32 to vector<16xi32>
        %ge3A_622 = arith.cmpi sge, %get3A_620, %ge3A_621 : vector<16xi32>
        %lt3A = vector.broadcast %add3A_4 : i32 to vector<16xi32>
        %lt3A_623 = arith.cmpi slt, %get3A_620, %lt3A : vector<16xi32>
        %and3A_624 = arith.andi %ge3A_622, %lt3A_623 : vector<16xi1>
        %jit3A_625 = arith.constant 1 : i32
        %jit3A_626 = arith.constant 0 : i32
        %broadcast_in_dim3A_627 = vector.broadcast %jit3A_625 : i32 to vector<16xi32>
        %broadcast_in_dim3A_628 = vector.broadcast %jit3A_626 : i32 to vector<16xi32>
        %select_n3A_629 = arith.select %and3A_624, %broadcast_in_dim3A_627, %broadcast_in_dim3A_628 : vector<16xi1>, vector<16xi32>
        %broadcast_in_dim3A_630 = arith.constant true
        %broadcast_in_dim3A_631 = vector.broadcast %broadcast_in_dim3A_630 : i1 to vector<16xi1>
        %masked_cumsum3A = tpu.scan <sum>, %select_n3A_629 masked %broadcast_in_dim3A_631 : vector<16xi32>, vector<16xi1> -> vector<16xi32>
        %sub3A_632 = arith.subi %masked_cumsum3A, %select_n3A_629 : vector<16xi32>
        %add3A_633 = vector.broadcast %scan3A_613 : i32 to vector<16xi32>
        %add3A_634 = arith.addi %sub3A_632, %add3A_633 : vector<16xi32>
        tpu.vector_store_idx %arg9[%add3A_634], %get3A_616 masked %and3A_624 : memref<4160xi32, #tpu.memory_space<vmem>>[vector<16xi32>], vector<16xi32>, vector<16xi1>
        tpu.vector_store_idx %arg10[%add3A_634], %get3A_620 masked %and3A_624 : memref<4160xi32, #tpu.memory_space<vmem>>[vector<16xi32>], vector<16xi32>, vector<16xi1>
        %slice3A = vector.extract_strided_slice %masked_cumsum3A {offsets = [15], sizes = [1], strides = [1]} : vector<16xi32> to vector<1xi32>
        %squeeze3A = vector.extract %slice3A[0] : i32 from vector<1xi32>
        %add3A_635 = arith.addi %scan3A_613, %squeeze3A : i32
        %scan3A_636 = arith.constant 1 : i32
        %scan3A_637 = arith.addi %scan3A_612, %scan3A_636 : i32
        %mul3A_638 = arith.constant 16 : i32
        %mul3A_639 = arith.muli %scan3A_637, %mul3A_638 : i32
        %get3A_640 = arith.index_cast %mul3A_639 : i32 to index
        %get3A_641 = tpu.vector_load %arg7[%get3A_640] {strides = array<i32>} : memref<2048xi32, #tpu.memory_space<vmem>>, vector<16xi32>,
        %mul3A_642 = arith.constant 16 : i32
        %mul3A_643 = arith.muli %scan3A_637, %mul3A_642 : i32
        %get3A_644 = arith.index_cast %mul3A_643 : i32 to index
        %get3A_645 = tpu.vector_load %arg8[%get3A_644] {strides = array<i32>} : memref<2048xi32, #tpu.memory_space<vmem>>, vector<16xi32>,
        %ge3A_646 = vector.broadcast %mul3A_2 : i32 to vector<16xi32>
        %ge3A_647 = arith.cmpi sge, %get3A_645, %ge3A_646 : vector<16xi32>
        %lt3A_648 = vector.broadcast %add3A_4 : i32 to vector<16xi32>
        %lt3A_649 = arith.cmpi slt, %get3A_645, %lt3A_648 : vector<16xi32>
        %and3A_650 = arith.andi %ge3A_647, %lt3A_649 : vector<16xi1>
        %jit3A_651 = arith.constant 1 : i32
        %jit3A_652 = arith.constant 0 : i32
        %broadcast_in_dim3A_653 = vector.broadcast %jit3A_651 : i32 to vector<16xi32>
        %broadcast_in_dim3A_654 = vector.broadcast %jit3A_652 : i32 to vector<16xi32>
        %select_n3A_655 = arith.select %and3A_650, %broadcast_in_dim3A_653, %broadcast_in_dim3A_654 : vector<16xi1>, vector<16xi32>
        %broadcast_in_dim3A_656 = arith.constant true
        %broadcast_in_dim3A_657 = vector.broadcast %broadcast_in_dim3A_656 : i1 to vector<16xi1>
        %masked_cumsum3A_658 = tpu.scan <sum>, %select_n3A_655 masked %broadcast_in_dim3A_657 : vector<16xi32>, vector<16xi1> -> vector<16xi32>
        %sub3A_659 = arith.subi %masked_cumsum3A_658, %select_n3A_655 : vector<16xi32>
        %add3A_660 = vector.broadcast %add3A_635 : i32 to vector<16xi32>
        %add3A_661 = arith.addi %sub3A_659, %add3A_660 : vector<16xi32>
        tpu.vector_store_idx %arg9[%add3A_661], %get3A_641 masked %and3A_650 : memref<4160xi32, #tpu.memory_space<vmem>>[vector<16xi32>], vector<16xi32>, vector<16xi1>
        tpu.vector_store_idx %arg10[%add3A_661], %get3A_645 masked %and3A_650 : memref<4160xi32, #tpu.memory_space<vmem>>[vector<16xi32>], vector<16xi32>, vector<16xi1>
        %slice3A_662 = vector.extract_strided_slice %masked_cumsum3A_658 {offsets = [15], sizes = [1], strides = [1]} : vector<16xi32> to vector<1xi32>
        %squeeze3A_663 = vector.extract %slice3A_662[0] : i32 from vector<1xi32>
        %add3A_664 = arith.addi %add3A_635, %squeeze3A_663 : i32
        %scan3A_665 = arith.constant 2 : i32
        %scan3A_666 = arith.addi %scan3A_612, %scan3A_665 : i32
        %mul3A_667 = arith.constant 16 : i32
        %mul3A_668 = arith.muli %scan3A_666, %mul3A_667 : i32
        %get3A_669 = arith.index_cast %mul3A_668 : i32 to index
        %get3A_670 = tpu.vector_load %arg7[%get3A_669] {strides = array<i32>} : memref<2048xi32, #tpu.memory_space<vmem>>, vector<16xi32>,
        %mul3A_671 = arith.constant 16 : i32
        %mul3A_672 = arith.muli %scan3A_666, %mul3A_671 : i32
        %get3A_673 = arith.index_cast %mul3A_672 : i32 to index
        %get3A_674 = tpu.vector_load %arg8[%get3A_673] {strides = array<i32>} : memref<2048xi32, #tpu.memory_space<vmem>>, vector<16xi32>,
        %ge3A_675 = vector.broadcast %mul3A_2 : i32 to vector<16xi32>
        %ge3A_676 = arith.cmpi sge, %get3A_674, %ge3A_675 : vector<16xi32>
        %lt3A_677 = vector.broadcast %add3A_4 : i32 to vector<16xi32>
        %lt3A_678 = arith.cmpi slt, %get3A_674, %lt3A_677 : vector<16xi32>
        %and3A_679 = arith.andi %ge3A_676, %lt3A_678 : vector<16xi1>
        %jit3A_680 = arith.constant 1 : i32
        %jit3A_681 = arith.constant 0 : i32
        %broadcast_in_dim3A_682 = vector.broadcast %jit3A_680 : i32 to vector<16xi32>
        %broadcast_in_dim3A_683 = vector.broadcast %jit3A_681 : i32 to vector<16xi32>
        %select_n3A_684 = arith.select %and3A_679, %broadcast_in_dim3A_682, %broadcast_in_dim3A_683 : vector<16xi1>, vector<16xi32>
        %broadcast_in_dim3A_685 = arith.constant true
        %broadcast_in_dim3A_686 = vector.broadcast %broadcast_in_dim3A_685 : i1 to vector<16xi1>
        %masked_cumsum3A_687 = tpu.scan <sum>, %select_n3A_684 masked %broadcast_in_dim3A_686 : vector<16xi32>, vector<16xi1> -> vector<16xi32>
        %sub3A_688 = arith.subi %masked_cumsum3A_687, %select_n3A_684 : vector<16xi32>
        %add3A_689 = vector.broadcast %add3A_664 : i32 to vector<16xi32>
        %add3A_690 = arith.addi %sub3A_688, %add3A_689 : vector<16xi32>
        tpu.vector_store_idx %arg9[%add3A_690], %get3A_670 masked %and3A_679 : memref<4160xi32, #tpu.memory_space<vmem>>[vector<16xi32>], vector<16xi32>, vector<16xi1>
        tpu.vector_store_idx %arg10[%add3A_690], %get3A_674 masked %and3A_679 : memref<4160xi32, #tpu.memory_space<vmem>>[vector<16xi32>], vector<16xi32>, vector<16xi1>
        %slice3A_691 = vector.extract_strided_slice %masked_cumsum3A_687 {offsets = [15], sizes = [1], strides = [1]} : vector<16xi32> to vector<1xi32>
        %squeeze3A_692 = vector.extract %slice3A_691[0] : i32 from vector<1xi32>
        %add3A_693 = arith.addi %add3A_664, %squeeze3A_692 : i32
        %scan3A_694 = arith.constant 3 : i32
        %scan3A_695 = arith.addi %scan3A_612, %scan3A_694 : i32
        %mul3A_696 = arith.constant 16 : i32
        %mul3A_697 = arith.muli %scan3A_695, %mul3A_696 : i32
        %get3A_698 = arith.index_cast %mul3A_697 : i32 to index
        %get3A_699 = tpu.vector_load %arg7[%get3A_698] {strides = array<i32>} : memref<2048xi32, #tpu.memory_space<vmem>>, vector<16xi32>,
        %mul3A_700 = arith.constant 16 : i32
        %mul3A_701 = arith.muli %scan3A_695, %mul3A_700 : i32
        %get3A_702 = arith.index_cast %mul3A_701 : i32 to index
        %get3A_703 = tpu.vector_load %arg8[%get3A_702] {strides = array<i32>} : memref<2048xi32, #tpu.memory_space<vmem>>, vector<16xi32>,
        %ge3A_704 = vector.broadcast %mul3A_2 : i32 to vector<16xi32>
        %ge3A_705 = arith.cmpi sge, %get3A_703, %ge3A_704 : vector<16xi32>
        %lt3A_706 = vector.broadcast %add3A_4 : i32 to vector<16xi32>
        %lt3A_707 = arith.cmpi slt, %get3A_703, %lt3A_706 : vector<16xi32>
        %and3A_708 = arith.andi %ge3A_705, %lt3A_707 : vector<16xi1>
        %jit3A_709 = arith.constant 1 : i32
        %jit3A_710 = arith.constant 0 : i32
        %broadcast_in_dim3A_711 = vector.broadcast %jit3A_709 : i32 to vector<16xi32>
        %broadcast_in_dim3A_712 = vector.broadcast %jit3A_710 : i32 to vector<16xi32>
        %select_n3A_713 = arith.select %and3A_708, %broadcast_in_dim3A_711, %broadcast_in_dim3A_712 : vector<16xi1>, vector<16xi32>
        %broadcast_in_dim3A_714 = arith.constant true
        %broadcast_in_dim3A_715 = vector.broadcast %broadcast_in_dim3A_714 : i1 to vector<16xi1>
        %masked_cumsum3A_716 = tpu.scan <sum>, %select_n3A_713 masked %broadcast_in_dim3A_715 : vector<16xi32>, vector<16xi1> -> vector<16xi32>
        %sub3A_717 = arith.subi %masked_cumsum3A_716, %select_n3A_713 : vector<16xi32>
        %add3A_718 = vector.broadcast %add3A_693 : i32 to vector<16xi32>
        %add3A_719 = arith.addi %sub3A_717, %add3A_718 : vector<16xi32>
        tpu.vector_store_idx %arg9[%add3A_719], %get3A_699 masked %and3A_708 : memref<4160xi32, #tpu.memory_space<vmem>>[vector<16xi32>], vector<16xi32>, vector<16xi1>
        tpu.vector_store_idx %arg10[%add3A_719], %get3A_703 masked %and3A_708 : memref<4160xi32, #tpu.memory_space<vmem>>[vector<16xi32>], vector<16xi32>, vector<16xi1>
        %slice3A_720 = vector.extract_strided_slice %masked_cumsum3A_716 {offsets = [15], sizes = [1], strides = [1]} : vector<16xi32> to vector<1xi32>
        %squeeze3A_721 = vector.extract %slice3A_720[0] : i32 from vector<1xi32>
        %add3A_722 = arith.addi %add3A_693, %squeeze3A_721 : i32
        scf.yield %add3A_722 : i32
      }
      %scan3A_603 = arith.constant 128 : i32
      %ge3A = arith.constant 2048 : i32
      %ge3A_604 = arith.cmpi sge, %scan3A_602, %ge3A : i32
      %convert_element_type3A = arith.extui %ge3A_604 : i1 to i32
      %cond3A = arith.constant 0 : i32
      %cond3A_605 = arith.cmpi ne, %convert_element_type3A, %cond3A : i32
      scf.if %cond3A_605 {
        %add3A_612 = arith.addi %mul3A_6, %scan3A_593 : i32
        %multiple_of3A_613 = tpu.assume_multiple %add3A_612, 128 : i32
        "tpu.region"() ({
          %run_scoped3A = tpu.sem_alloc : memref<!tpu.dma_semaphore, #tpu.memory_space<semaphore_mem>>
          %dma_start3A = arith.constant 0 : i32
          %dma_start3A_651 = tpu.memref_slice %arg9[%dma_start3A] : memref<4160xi32, #tpu.memory_space<vmem>> -> memref<2048xi32, #tpu.memory_space<vmem>>
          %dma_start3A_652 = tpu.memref_slice %arg4[%multiple_of3A_613] : memref<10338304xi32, #tpu.memory_space<hbm>> -> memref<2048xi32, #tpu.memory_space<hbm>>
          %dma_start3A_653 = tpu.memref_slice %arg4[%multiple_of3A_613] : memref<10338304xi32, #tpu.memory_space<hbm>> -> memref<2048xi32, #tpu.memory_space<hbm>>
          %dma_start3A_654 = arith.constant 0 : i32
          %dma_start3A_655 = tpu.memref_slice %arg9[%dma_start3A_654] : memref<4160xi32, #tpu.memory_space<vmem>> -> memref<2048xi32, #tpu.memory_space<vmem>>
          tpu.enqueue_dma source(%dma_start3A_655 : memref<2048xi32, #tpu.memory_space<vmem>>) target(%dma_start3A_653 : memref<2048xi32, #tpu.memory_space<hbm>>) target_semaphore(%run_scoped3A : memref<!tpu.dma_semaphore, #tpu.memory_space<semaphore_mem>>)
          %dma_wait3A = arith.constant 0 : i32
          %dma_wait3A_656 = tpu.memref_slice %arg9[%dma_wait3A] : memref<4160xi32, #tpu.memory_space<vmem>> -> memref<2048xi32, #tpu.memory_space<vmem>>
          %dma_wait3A_657 = tpu.memref_slice %arg4[%multiple_of3A_613] : memref<10338304xi32, #tpu.memory_space<hbm>> -> memref<2048xi32, #tpu.memory_space<hbm>>
          %dma_wait3A_658 = tpu.memref_slice %arg4[%multiple_of3A_613] : memref<10338304xi32, #tpu.memory_space<hbm>> -> memref<2048xi32, #tpu.memory_space<hbm>>
          %dma_wait3A_659 = arith.constant 0 : i32
          %dma_wait3A_660 = tpu.memref_slice %arg9[%dma_wait3A_659] : memref<4160xi32, #tpu.memory_space<vmem>> -> memref<2048xi32, #tpu.memory_space<vmem>>
          tpu.wait_dma2 semaphore(%run_scoped3A : memref<!tpu.dma_semaphore, #tpu.memory_space<semaphore_mem>>) src(%dma_wait3A_660 : memref<2048xi32, #tpu.memory_space<vmem>>) dst(%dma_wait3A_658 : memref<2048xi32, #tpu.memory_space<hbm>>)
          tpu.yield
        }) : () -> ()
        "tpu.region"() ({
          %run_scoped3A = tpu.sem_alloc : memref<!tpu.dma_semaphore, #tpu.memory_space<semaphore_mem>>
          %dma_start3A = arith.constant 0 : i32
          %dma_start3A_651 = tpu.memref_slice %arg10[%dma_start3A] : memref<4160xi32, #tpu.memory_space<vmem>> -> memref<2048xi32, #tpu.memory_space<vmem>>
          %dma_start3A_652 = tpu.memref_slice %arg5[%multiple_of3A_613] : memref<10338304xi32, #tpu.memory_space<hbm>> -> memref<2048xi32, #tpu.memory_space<hbm>>
          %dma_start3A_653 = tpu.memref_slice %arg5[%multiple_of3A_613] : memref<10338304xi32, #tpu.memory_space<hbm>> -> memref<2048xi32, #tpu.memory_space<hbm>>
          %dma_start3A_654 = arith.constant 0 : i32
          %dma_start3A_655 = tpu.memref_slice %arg10[%dma_start3A_654] : memref<4160xi32, #tpu.memory_space<vmem>> -> memref<2048xi32, #tpu.memory_space<vmem>>
          tpu.enqueue_dma source(%dma_start3A_655 : memref<2048xi32, #tpu.memory_space<vmem>>) target(%dma_start3A_653 : memref<2048xi32, #tpu.memory_space<hbm>>) target_semaphore(%run_scoped3A : memref<!tpu.dma_semaphore, #tpu.memory_space<semaphore_mem>>)
          %dma_wait3A = arith.constant 0 : i32
          %dma_wait3A_656 = tpu.memref_slice %arg10[%dma_wait3A] : memref<4160xi32, #tpu.memory_space<vmem>> -> memref<2048xi32, #tpu.memory_space<vmem>>
          %dma_wait3A_657 = tpu.memref_slice %arg5[%multiple_of3A_613] : memref<10338304xi32, #tpu.memory_space<hbm>> -> memref<2048xi32, #tpu.memory_space<hbm>>
          %dma_wait3A_658 = tpu.memref_slice %arg5[%multiple_of3A_613] : memref<10338304xi32, #tpu.memory_space<hbm>> -> memref<2048xi32, #tpu.memory_space<hbm>>
          %dma_wait3A_659 = arith.constant 0 : i32
          %dma_wait3A_660 = tpu.memref_slice %arg10[%dma_wait3A_659] : memref<4160xi32, #tpu.memory_space<vmem>> -> memref<2048xi32, #tpu.memory_space<vmem>>
          tpu.wait_dma2 semaphore(%run_scoped3A : memref<!tpu.dma_semaphore, #tpu.memory_space<semaphore_mem>>) src(%dma_wait3A_660 : memref<2048xi32, #tpu.memory_space<vmem>>) dst(%dma_wait3A_658 : memref<2048xi32, #tpu.memory_space<hbm>>)
          tpu.yield
        }) : () -> ()
        %sub3A_614 = arith.constant 2048 : i32
        %sub3A_615 = arith.subi %scan3A_602, %sub3A_614 : i32
        %add3A_616 = arith.constant 15 : i32
        %add3A_617 = arith.addi %sub3A_615, %add3A_616 : i32
        %jit3A_618 = arith.constant 16 : i32
        %div3A_619 = arith.divsi %add3A_617, %jit3A_618 : i32
        %sign3A_620 = arith.constant 0 : i32
        %sign3A_621 = arith.cmpi sgt, %add3A_617, %sign3A_620 : i32
        %sign3A_622 = arith.extui %sign3A_621 : i1 to i32
        %sign3A_623 = arith.constant 0 : i32
        %sign3A_624 = arith.cmpi slt, %add3A_617, %sign3A_623 : i32
        %sign3A_625 = arith.extui %sign3A_624 : i1 to i32
        %sign3A_626 = arith.subi %sign3A_622, %sign3A_625 : i32
        %sign3A_627 = arith.constant 0 : i32
        %sign3A_628 = arith.cmpi sgt, %jit3A_618, %sign3A_627 : i32
        %sign3A_629 = arith.extui %sign3A_628 : i1 to i32
        %sign3A_630 = arith.constant 0 : i32
        %sign3A_631 = arith.cmpi slt, %jit3A_618, %sign3A_630 : i32
        %sign3A_632 = arith.extui %sign3A_631 : i1 to i32
        %sign3A_633 = arith.subi %sign3A_629, %sign3A_632 : i32
        %ne3A_634 = arith.cmpi ne, %sign3A_626, %sign3A_633 : i32
        %rem3A_635 = arith.remsi %add3A_617, %jit3A_618 : i32
        %ne3A_636 = arith.constant 0 : i32
        %ne3A_637 = arith.cmpi ne, %rem3A_635, %ne3A_636 : i32
        %and3A_638 = arith.andi %ne3A_634, %ne3A_637 : i1
        %sub3A_639 = arith.constant 1 : i32
        %sub3A_640 = arith.subi %div3A_619, %sub3A_639 : i32
        %select_n3A_641 = arith.select %and3A_638, %sub3A_640, %div3A_619 : i32
        %while3A = arith.constant 0 : i32
        %while3A_642 = arith.constant 0 : i32
        %while3A_643 = arith.subi %select_n3A_641, %while3A_642 : i32
        %while3A_644 = arith.addi %while3A_642, %while3A_643 : i32
        %while3A_645 = arith.constant 1 : i32
        %while3A_646 = arith.divsi %while3A_643, %while3A_645 : i32
        %while3A_647 = arith.muli %while3A_646, %while3A_645 : i32
        %while3A_648 = arith.addi %while3A_642, %while3A_647 : i32
        %while3A_649 = arith.constant 1 : i32
        scf.for %while3A_651 = %while3A_642 to %while3A_648 step %while3A_649  : i32 {
          %mul3A_652 = arith.constant 16 : i32
          %mul3A_653 = arith.muli %while3A_651, %mul3A_652 : i32
          %add3A_654 = arith.constant 2048 : i32
          %add3A_655 = arith.addi %add3A_654, %mul3A_653 : i32
          %get3A = arith.index_cast %add3A_655 : i32 to index
          %get3A_656 = tpu.vector_load %arg9[%get3A] {strides = array<i32>} : memref<4160xi32, #tpu.memory_space<vmem>>, vector<16xi32>,
          %mul3A_657 = arith.constant 16 : i32
          %mul3A_658 = arith.muli %while3A_651, %mul3A_657 : i32
          %swap3A_659 = arith.index_cast %mul3A_658 : i32 to index
          %swap3A_660 = tpu.vector_load %arg9[%swap3A_659] {strides = array<i32>} : memref<4160xi32, #tpu.memory_space<vmem>>, vector<16xi32>,
          tpu.vector_store %arg9[%swap3A_659], %get3A_656 {strides = array<i32>} : memref<4160xi32, #tpu.memory_space<vmem>>, vector<16xi32>,
          %mul3A_661 = arith.constant 16 : i32
          %mul3A_662 = arith.muli %while3A_651, %mul3A_661 : i32
          %add3A_663 = arith.constant 2048 : i32
          %add3A_664 = arith.addi %add3A_663, %mul3A_662 : i32
          %get3A_665 = arith.index_cast %add3A_664 : i32 to index
          %get3A_666 = tpu.vector_load %arg10[%get3A_665] {strides = array<i32>} : memref<4160xi32, #tpu.memory_space<vmem>>, vector<16xi32>,
          %mul3A_667 = arith.constant 16 : i32
          %mul3A_668 = arith.muli %while3A_651, %mul3A_667 : i32
          %swap3A_669 = arith.index_cast %mul3A_668 : i32 to index
          %swap3A_670 = tpu.vector_load %arg10[%swap3A_669] {strides = array<i32>} : memref<4160xi32, #tpu.memory_space<vmem>>, vector<16xi32>,
          tpu.vector_store %arg10[%swap3A_669], %get3A_666 {strides = array<i32>} : memref<4160xi32, #tpu.memory_space<vmem>>, vector<16xi32>,
        }
        %while3A_650 = arith.constant 1 : i32
        scf.for %while3A_651 = %while3A_648 to %while3A_644 step %while3A_650  : i32 {
          %mul3A_652 = arith.constant 16 : i32
          %mul3A_653 = arith.muli %while3A_651, %mul3A_652 : i32
          %add3A_654 = arith.constant 2048 : i32
          %add3A_655 = arith.addi %add3A_654, %mul3A_653 : i32
          %get3A = arith.index_cast %add3A_655 : i32 to index
          %get3A_656 = tpu.vector_load %arg9[%get3A] {strides = array<i32>} : memref<4160xi32, #tpu.memory_space<vmem>>, vector<16xi32>,
          %mul3A_657 = arith.constant 16 : i32
          %mul3A_658 = arith.muli %while3A_651, %mul3A_657 : i32
          %swap3A_659 = arith.index_cast %mul3A_658 : i32 to index
          %swap3A_660 = tpu.vector_load %arg9[%swap3A_659] {strides = array<i32>} : memref<4160xi32, #tpu.memory_space<vmem>>, vector<16xi32>,
          tpu.vector_store %arg9[%swap3A_659], %get3A_656 {strides = array<i32>} : memref<4160xi32, #tpu.memory_space<vmem>>, vector<16xi32>,
          %mul3A_661 = arith.constant 16 : i32
          %mul3A_662 = arith.muli %while3A_651, %mul3A_661 : i32
          %add3A_663 = arith.constant 2048 : i32
          %add3A_664 = arith.addi %add3A_663, %mul3A_662 : i32
          %get3A_665 = arith.index_cast %add3A_664 : i32 to index
          %get3A_666 = tpu.vector_load %arg10[%get3A_665] {strides = array<i32>} : memref<4160xi32, #tpu.memory_space<vmem>>, vector<16xi32>,
          %mul3A_667 = arith.constant 16 : i32
          %mul3A_668 = arith.muli %while3A_651, %mul3A_667 : i32
          %swap3A_669 = arith.index_cast %mul3A_668 : i32 to index
          %swap3A_670 = tpu.vector_load %arg10[%swap3A_669] {strides = array<i32>} : memref<4160xi32, #tpu.memory_space<vmem>>, vector<16xi32>,
          tpu.vector_store %arg10[%swap3A_669], %get3A_666 {strides = array<i32>} : memref<4160xi32, #tpu.memory_space<vmem>>, vector<16xi32>,
        }
      } else {
      }
      %sub3A_606 = arith.constant 2048 : i32
      %sub3A_607 = arith.subi %scan3A_602, %sub3A_606 : i32
      %select_n3A_608 = arith.select %ge3A_604, %sub3A_607, %scan3A_602 : i32
      %add3A_609 = arith.constant 2048 : i32
      %add3A_610 = arith.addi %scan3A_593, %add3A_609 : i32
      %select_n3A_611 = arith.select %ge3A_604, %add3A_610, %scan3A_593 : i32
      scf.yield %select_n3A_608, %select_n3A_611 : i32, i32
    }
    %scan3A_13 = arith.constant 157 : i32
    %broadcast_in_dim3A = arith.constant 0 : i32
    %broadcast_in_dim3A_14 = vector.broadcast %broadcast_in_dim3A : i32 to vector<16xi32>
    %broadcast_in_dim3A_15 = arith.constant 10000 : i32
    %broadcast_in_dim3A_16 = vector.broadcast %broadcast_in_dim3A_15 : i32 to vector<16xi32>
    %add3A_17 = arith.constant 0 : i32
    %add3A_18 = arith.addi %scan3A_12#0, %add3A_17 : i32
    %swap3A = arith.index_cast %add3A_18 : i32 to index
    %swap3A_19 = tpu.vector_load %arg9[%swap3A] {strides = array<i32>} : memref<4160xi32, #tpu.memory_space<vmem>>, vector<16xi32>,
    tpu.vector_store %arg9[%swap3A], %broadcast_in_dim3A_14 {strides = array<i32>} : memref<4160xi32, #tpu.memory_space<vmem>>, vector<16xi32>,
    %add3A_20 = arith.constant 0 : i32
    %add3A_21 = arith.addi %scan3A_12#0, %add3A_20 : i32
    %swap3A_22 = arith.index_cast %add3A_21 : i32 to index
    %swap3A_23 = tpu.vector_load %arg10[%swap3A_22] {strides = array<i32>} : memref<4160xi32, #tpu.memory_space<vmem>>, vector<16xi32>,
    tpu.vector_store %arg10[%swap3A_22], %broadcast_in_dim3A_16 {strides = array<i32>} : memref<4160xi32, #tpu.memory_space<vmem>>, vector<16xi32>,
    %add3A_24 = arith.constant 16 : i32
    %add3A_25 = arith.addi %scan3A_12#0, %add3A_24 : i32
    %swap3A_26 = arith.index_cast %add3A_25 : i32 to index
    %swap3A_27 = tpu.vector_load %arg9[%swap3A_26] {strides = array<i32>} : memref<4160xi32, #tpu.memory_space<vmem>>, vector<16xi32>,
    tpu.vector_store %arg9[%swap3A_26], %broadcast_in_dim3A_14 {strides = array<i32>} : memref<4160xi32, #tpu.memory_space<vmem>>, vector<16xi32>,
    %add3A_28 = arith.constant 16 : i32
    %add3A_29 = arith.addi %scan3A_12#0, %add3A_28 : i32
    %swap3A_30 = arith.index_cast %add3A_29 : i32 to index
    %swap3A_31 = tpu.vector_load %arg10[%swap3A_30] {strides = array<i32>} : memref<4160xi32, #tpu.memory_space<vmem>>, vector<16xi32>,
    tpu.vector_store %arg10[%swap3A_30], %broadcast_in_dim3A_16 {strides = array<i32>} : memref<4160xi32, #tpu.memory_space<vmem>>, vector<16xi32>,
    %add3A_32 = arith.constant 32 : i32
    %add3A_33 = arith.addi %scan3A_12#0, %add3A_32 : i32
    %swap3A_34 = arith.index_cast %add3A_33 : i32 to index
    %swap3A_35 = tpu.vector_load %arg9[%swap3A_34] {strides = array<i32>} : memref<4160xi32, #tpu.memory_space<vmem>>, vector<16xi32>,
    tpu.vector_store %arg9[%swap3A_34], %broadcast_in_dim3A_14 {strides = array<i32>} : memref<4160xi32, #tpu.memory_space<vmem>>, vector<16xi32>,
    %add3A_36 = arith.constant 32 : i32
    %add3A_37 = arith.addi %scan3A_12#0, %add3A_36 : i32
    %swap3A_38 = arith.index_cast %add3A_37 : i32 to index
    %swap3A_39 = tpu.vector_load %arg10[%swap3A_38] {strides = array<i32>} : memref<4160xi32, #tpu.memory_space<vmem>>, vector<16xi32>,
    tpu.vector_store %arg10[%swap3A_38], %broadcast_in_dim3A_16 {strides = array<i32>} : memref<4160xi32, #tpu.memory_space<vmem>>, vector<16xi32>,
    %add3A_40 = arith.constant 48 : i32
    %add3A_41 = arith.addi %scan3A_12#0, %add3A_40 : i32
    %swap3A_42 = arith.index_cast %add3A_41 : i32 to index
    %swap3A_43 = tpu.vector_load %arg9[%swap3A_42] {strides = array<i32>} : memref<4160xi32, #tpu.memory_space<vmem>>, vector<16xi32>,
    tpu.vector_store %arg9[%swap3A_42], %broadcast_in_dim3A_14 {strides = array<i32>} : memref<4160xi32, #tpu.memory_space<vmem>>, vector<16xi32>,
    %add3A_44 = arith.constant 48 : i32
    %add3A_45 = arith.addi %scan3A_12#0, %add3A_44 : i32
    %swap3A_46 = arith.index_cast %add3A_45 : i32 to index
    %swap3A_47 = tpu.vector_load %arg10[%swap3A_46] {strides = array<i32>} : memref<4160xi32, #tpu.memory_space<vmem>>, vector<16xi32>,
    tpu.vector_store %arg10[%swap3A_46], %broadcast_in_dim3A_16 {strides = array<i32>} : memref<4160xi32, #tpu.memory_space<vmem>>, vector<16xi32>,
    %add3A_48 = arith.constant 64 : i32
    %add3A_49 = arith.addi %scan3A_12#0, %add3A_48 : i32
    %swap3A_50 = arith.index_cast %add3A_49 : i32 to index
    %swap3A_51 = tpu.vector_load %arg9[%swap3A_50] {strides = array<i32>} : memref<4160xi32, #tpu.memory_space<vmem>>, vector<16xi32>,
    tpu.vector_store %arg9[%swap3A_50], %broadcast_in_dim3A_14 {strides = array<i32>} : memref<4160xi32, #tpu.memory_space<vmem>>, vector<16xi32>,
    %add3A_52 = arith.constant 64 : i32
    %add3A_53 = arith.addi %scan3A_12#0, %add3A_52 : i32
    %swap3A_54 = arith.index_cast %add3A_53 : i32 to index
    %swap3A_55 = tpu.vector_load %arg10[%swap3A_54] {strides = array<i32>} : memref<4160xi32, #tpu.memory_space<vmem>>, vector<16xi32>,
    tpu.vector_store %arg10[%swap3A_54], %broadcast_in_dim3A_16 {strides = array<i32>} : memref<4160xi32, #tpu.memory_space<vmem>>, vector<16xi32>,
    %add3A_56 = arith.constant 80 : i32
    %add3A_57 = arith.addi %scan3A_12#0, %add3A_56 : i32
    %swap3A_58 = arith.index_cast %add3A_57 : i32 to index
    %swap3A_59 = tpu.vector_load %arg9[%swap3A_58] {strides = array<i32>} : memref<4160xi32, #tpu.memory_space<vmem>>, vector<16xi32>,
    tpu.vector_store %arg9[%swap3A_58], %broadcast_in_dim3A_14 {strides = array<i32>} : memref<4160xi32, #tpu.memory_space<vmem>>, vector<16xi32>,
    %add3A_60 = arith.constant 80 : i32
    %add3A_61 = arith.addi %scan3A_12#0, %add3A_60 : i32
    %swap3A_62 = arith.index_cast %add3A_61 : i32 to index
    %swap3A_63 = tpu.vector_load %arg10[%swap3A_62] {strides = array<i32>} : memref<4160xi32, #tpu.memory_space<vmem>>, vector<16xi32>,
    tpu.vector_store %arg10[%swap3A_62], %broadcast_in_dim3A_16 {strides = array<i32>} : memref<4160xi32, #tpu.memory_space<vmem>>, vector<16xi32>,
    %add3A_64 = arith.constant 96 : i32
    %add3A_65 = arith.addi %scan3A_12#0, %add3A_64 : i32
    %swap3A_66 = arith.index_cast %add3A_65 : i32 to index
    %swap3A_67 = tpu.vector_load %arg9[%swap3A_66] {strides = array<i32>} : memref<4160xi32, #tpu.memory_space<vmem>>, vector<16xi32>,
    tpu.vector_store %arg9[%swap3A_66], %broadcast_in_dim3A_14 {strides = array<i32>} : memref<4160xi32, #tpu.memory_space<vmem>>, vector<16xi32>,
    %add3A_68 = arith.constant 96 : i32
    %add3A_69 = arith.addi %scan3A_12#0, %add3A_68 : i32
    %swap3A_70 = arith.index_cast %add3A_69 : i32 to index
    %swap3A_71 = tpu.vector_load %arg10[%swap3A_70] {strides = array<i32>} : memref<4160xi32, #tpu.memory_space<vmem>>, vector<16xi32>,
    tpu.vector_store %arg10[%swap3A_70], %broadcast_in_dim3A_16 {strides = array<i32>} : memref<4160xi32, #tpu.memory_space<vmem>>, vector<16xi32>,
    %add3A_72 = arith.constant 112 : i32
    %add3A_73 = arith.addi %scan3A_12#0, %add3A_72 : i32
    %swap3A_74 = arith.index_cast %add3A_73 : i32 to index
    %swap3A_75 = tpu.vector_load %arg9[%swap3A_74] {strides = array<i32>} : memref<4160xi32, #tpu.memory_space<vmem>>, vector<16xi32>,
    tpu.vector_store %arg9[%swap3A_74], %broadcast_in_dim3A_14 {strides = array<i32>} : memref<4160xi32, #tpu.memory_space<vmem>>, vector<16xi32>,
    %add3A_76 = arith.constant 112 : i32
    %add3A_77 = arith.addi %scan3A_12#0, %add3A_76 : i32
    %swap3A_78 = arith.index_cast %add3A_77 : i32 to index
    %swap3A_79 = tpu.vector_load %arg10[%swap3A_78] {strides = array<i32>} : memref<4160xi32, #tpu.memory_space<vmem>>, vector<16xi32>,
    tpu.vector_store %arg10[%swap3A_78], %broadcast_in_dim3A_16 {strides = array<i32>} : memref<4160xi32, #tpu.memory_space<vmem>>, vector<16xi32>,
    %add3A_80 = arith.constant 128 : i32
    %add3A_81 = arith.addi %scan3A_12#0, %add3A_80 : i32
    %swap3A_82 = arith.index_cast %add3A_81 : i32 to index
    %swap3A_83 = tpu.vector_load %arg9[%swap3A_82] {strides = array<i32>} : memref<4160xi32, #tpu.memory_space<vmem>>, vector<16xi32>,
    tpu.vector_store %arg9[%swap3A_82], %broadcast_in_dim3A_14 {strides = array<i32>} : memref<4160xi32, #tpu.memory_space<vmem>>, vector<16xi32>,
    %add3A_84 = arith.constant 128 : i32
    %add3A_85 = arith.addi %scan3A_12#0, %add3A_84 : i32
    %swap3A_86 = arith.index_cast %add3A_85 : i32 to index
    %swap3A_87 = tpu.vector_load %arg10[%swap3A_86] {strides = array<i32>} : memref<4160xi32, #tpu.memory_space<vmem>>, vector<16xi32>,
    tpu.vector_store %arg10[%swap3A_86], %broadcast_in_dim3A_16 {strides = array<i32>} : memref<4160xi32, #tpu.memory_space<vmem>>, vector<16xi32>,
    %add3A_88 = arith.constant 144 : i32
    %add3A_89 = arith.addi %scan3A_12#0, %add3A_88 : i32
    %swap3A_90 = arith.index_cast %add3A_89 : i32 to index
    %swap3A_91 = tpu.vector_load %arg9[%swap3A_90] {strides = array<i32>} : memref<4160xi32, #tpu.memory_space<vmem>>, vector<16xi32>,
    tpu.vector_store %arg9[%swap3A_90], %broadcast_in_dim3A_14 {strides = array<i32>} : memref<4160xi32, #tpu.memory_space<vmem>>, vector<16xi32>,
    %add3A_92 = arith.constant 144 : i32
    %add3A_93 = arith.addi %scan3A_12#0, %add3A_92 : i32
    %swap3A_94 = arith.index_cast %add3A_93 : i32 to index
    %swap3A_95 = tpu.vector_load %arg10[%swap3A_94] {strides = array<i32>} : memref<4160xi32, #tpu.memory_space<vmem>>, vector<16xi32>,
    tpu.vector_store %arg10[%swap3A_94], %broadcast_in_dim3A_16 {strides = array<i32>} : memref<4160xi32, #tpu.memory_space<vmem>>, vector<16xi32>,
    %add3A_96 = arith.constant 160 : i32
    %add3A_97 = arith.addi %scan3A_12#0, %add3A_96 : i32
    %swap3A_98 = arith.index_cast %add3A_97 : i32 to index
    %swap3A_99 = tpu.vector_load %arg9[%swap3A_98] {strides = array<i32>} : memref<4160xi32, #tpu.memory_space<vmem>>, vector<16xi32>,
    tpu.vector_store %arg9[%swap3A_98], %broadcast_in_dim3A_14 {strides = array<i32>} : memref<4160xi32, #tpu.memory_space<vmem>>, vector<16xi32>,
    %add3A_100 = arith.constant 160 : i32
    %add3A_101 = arith.addi %scan3A_12#0, %add3A_100 : i32
    %swap3A_102 = arith.index_cast %add3A_101 : i32 to index
    %swap3A_103 = tpu.vector_load %arg10[%swap3A_102] {strides = array<i32>} : memref<4160xi32, #tpu.memory_space<vmem>>, vector<16xi32>,
    tpu.vector_store %arg10[%swap3A_102], %broadcast_in_dim3A_16 {strides = array<i32>} : memref<4160xi32, #tpu.memory_space<vmem>>, vector<16xi32>,
    %add3A_104 = arith.constant 176 : i32
    %add3A_105 = arith.addi %scan3A_12#0, %add3A_104 : i32
    %swap3A_106 = arith.index_cast %add3A_105 : i32 to index
    %swap3A_107 = tpu.vector_load %arg9[%swap3A_106] {strides = array<i32>} : memref<4160xi32, #tpu.memory_space<vmem>>, vector<16xi32>,
    tpu.vector_store %arg9[%swap3A_106], %broadcast_in_dim3A_14 {strides = array<i32>} : memref<4160xi32, #tpu.memory_space<vmem>>, vector<16xi32>,
    %add3A_108 = arith.constant 176 : i32
    %add3A_109 = arith.addi %scan3A_12#0, %add3A_108 : i32
    %swap3A_110 = arith.index_cast %add3A_109 : i32 to index
    %swap3A_111 = tpu.vector_load %arg10[%swap3A_110] {strides = array<i32>} : memref<4160xi32, #tpu.memory_space<vmem>>, vector<16xi32>,
    tpu.vector_store %arg10[%swap3A_110], %broadcast_in_dim3A_16 {strides = array<i32>} : memref<4160xi32, #tpu.memory_space<vmem>>, vector<16xi32>,
    %add3A_112 = arith.constant 192 : i32
    %add3A_113 = arith.addi %scan3A_12#0, %add3A_112 : i32
    %swap3A_114 = arith.index_cast %add3A_113 : i32 to index
    %swap3A_115 = tpu.vector_load %arg9[%swap3A_114] {strides = array<i32>} : memref<4160xi32, #tpu.memory_space<vmem>>, vector<16xi32>,
    tpu.vector_store %arg9[%swap3A_114], %broadcast_in_dim3A_14 {strides = array<i32>} : memref<4160xi32, #tpu.memory_space<vmem>>, vector<16xi32>,
    %add3A_116 = arith.constant 192 : i32
    %add3A_117 = arith.addi %scan3A_12#0, %add3A_116 : i32
    %swap3A_118 = arith.index_cast %add3A_117 : i32 to index
    %swap3A_119 = tpu.vector_load %arg10[%swap3A_118] {strides = array<i32>} : memref<4160xi32, #tpu.memory_space<vmem>>, vector<16xi32>,
    tpu.vector_store %arg10[%swap3A_118], %broadcast_in_dim3A_16 {strides = array<i32>} : memref<4160xi32, #tpu.memory_space<vmem>>, vector<16xi32>,
    %add3A_120 = arith.constant 208 : i32
    %add3A_121 = arith.addi %scan3A_12#0, %add3A_120 : i32
    %swap3A_122 = arith.index_cast %add3A_121 : i32 to index
    %swap3A_123 = tpu.vector_load %arg9[%swap3A_122] {strides = array<i32>} : memref<4160xi32, #tpu.memory_space<vmem>>, vector<16xi32>,
    tpu.vector_store %arg9[%swap3A_122], %broadcast_in_dim3A_14 {strides = array<i32>} : memref<4160xi32, #tpu.memory_space<vmem>>, vector<16xi32>,
    %add3A_124 = arith.constant 208 : i32
    %add3A_125 = arith.addi %scan3A_12#0, %add3A_124 : i32
    %swap3A_126 = arith.index_cast %add3A_125 : i32 to index
    %swap3A_127 = tpu.vector_load %arg10[%swap3A_126] {strides = array<i32>} : memref<4160xi32, #tpu.memory_space<vmem>>, vector<16xi32>,
    tpu.vector_store %arg10[%swap3A_126], %broadcast_in_dim3A_16 {strides = array<i32>} : memref<4160xi32, #tpu.memory_space<vmem>>, vector<16xi32>,
    %add3A_128 = arith.constant 224 : i32
    %add3A_129 = arith.addi %scan3A_12#0, %add3A_128 : i32
    %swap3A_130 = arith.index_cast %add3A_129 : i32 to index
    %swap3A_131 = tpu.vector_load %arg9[%swap3A_130] {strides = array<i32>} : memref<4160xi32, #tpu.memory_space<vmem>>, vector<16xi32>,
    tpu.vector_store %arg9[%swap3A_130], %broadcast_in_dim3A_14 {strides = array<i32>} : memref<4160xi32, #tpu.memory_space<vmem>>, vector<16xi32>,
    %add3A_132 = arith.constant 224 : i32
    %add3A_133 = arith.addi %scan3A_12#0, %add3A_132 : i32
    %swap3A_134 = arith.index_cast %add3A_133 : i32 to index
    %swap3A_135 = tpu.vector_load %arg10[%swap3A_134] {strides = array<i32>} : memref<4160xi32, #tpu.memory_space<vmem>>, vector<16xi32>,
    tpu.vector_store %arg10[%swap3A_134], %broadcast_in_dim3A_16 {strides = array<i32>} : memref<4160xi32, #tpu.memory_space<vmem>>, vector<16xi32>,
    %add3A_136 = arith.constant 240 : i32
    %add3A_137 = arith.addi %scan3A_12#0, %add3A_136 : i32
    %swap3A_138 = arith.index_cast %add3A_137 : i32 to index
    %swap3A_139 = tpu.vector_load %arg9[%swap3A_138] {strides = array<i32>} : memref<4160xi32, #tpu.memory_space<vmem>>, vector<16xi32>,
    tpu.vector_store %arg9[%swap3A_138], %broadcast_in_dim3A_14 {strides = array<i32>} : memref<4160xi32, #tpu.memory_space<vmem>>, vector<16xi32>,
    %add3A_140 = arith.constant 240 : i32
    %add3A_141 = arith.addi %scan3A_12#0, %add3A_140 : i32
    %swap3A_142 = arith.index_cast %add3A_141 : i32 to index
    %swap3A_143 = tpu.vector_load %arg10[%swap3A_142] {strides = array<i32>} : memref<4160xi32, #tpu.memory_space<vmem>>, vector<16xi32>,
    tpu.vector_store %arg10[%swap3A_142], %broadcast_in_dim3A_16 {strides = array<i32>} : memref<4160xi32, #tpu.memory_space<vmem>>, vector<16xi32>,
    %add3A_144 = arith.constant 256 : i32
    %add3A_145 = arith.addi %scan3A_12#0, %add3A_144 : i32
    %swap3A_146 = arith.index_cast %add3A_145 : i32 to index
    %swap3A_147 = tpu.vector_load %arg9[%swap3A_146] {strides = array<i32>} : memref<4160xi32, #tpu.memory_space<vmem>>, vector<16xi32>,
    tpu.vector_store %arg9[%swap3A_146], %broadcast_in_dim3A_14 {strides = array<i32>} : memref<4160xi32, #tpu.memory_space<vmem>>, vector<16xi32>,
    %add3A_148 = arith.constant 256 : i32
    %add3A_149 = arith.addi %scan3A_12#0, %add3A_148 : i32
    %swap3A_150 = arith.index_cast %add3A_149 : i32 to index
    %swap3A_151 = tpu.vector_load %arg10[%swap3A_150] {strides = array<i32>} : memref<4160xi32, #tpu.memory_space<vmem>>, vector<16xi32>,
    tpu.vector_store %arg10[%swap3A_150], %broadcast_in_dim3A_16 {strides = array<i32>} : memref<4160xi32, #tpu.memory_space<vmem>>, vector<16xi32>,
    %add3A_152 = arith.constant 272 : i32
    %add3A_153 = arith.addi %scan3A_12#0, %add3A_152 : i32
    %swap3A_154 = arith.index_cast %add3A_153 : i32 to index
    %swap3A_155 = tpu.vector_load %arg9[%swap3A_154] {strides = array<i32>} : memref<4160xi32, #tpu.memory_space<vmem>>, vector<16xi32>,
    tpu.vector_store %arg9[%swap3A_154], %broadcast_in_dim3A_14 {strides = array<i32>} : memref<4160xi32, #tpu.memory_space<vmem>>, vector<16xi32>,
    %add3A_156 = arith.constant 272 : i32
    %add3A_157 = arith.addi %scan3A_12#0, %add3A_156 : i32
    %swap3A_158 = arith.index_cast %add3A_157 : i32 to index
    %swap3A_159 = tpu.vector_load %arg10[%swap3A_158] {strides = array<i32>} : memref<4160xi32, #tpu.memory_space<vmem>>, vector<16xi32>,
    tpu.vector_store %arg10[%swap3A_158], %broadcast_in_dim3A_16 {strides = array<i32>} : memref<4160xi32, #tpu.memory_space<vmem>>, vector<16xi32>,
    %add3A_160 = arith.constant 288 : i32
    %add3A_161 = arith.addi %scan3A_12#0, %add3A_160 : i32
    %swap3A_162 = arith.index_cast %add3A_161 : i32 to index
    %swap3A_163 = tpu.vector_load %arg9[%swap3A_162] {strides = array<i32>} : memref<4160xi32, #tpu.memory_space<vmem>>, vector<16xi32>,
    tpu.vector_store %arg9[%swap3A_162], %broadcast_in_dim3A_14 {strides = array<i32>} : memref<4160xi32, #tpu.memory_space<vmem>>, vector<16xi32>,
    %add3A_164 = arith.constant 288 : i32
    %add3A_165 = arith.addi %scan3A_12#0, %add3A_164 : i32
    %swap3A_166 = arith.index_cast %add3A_165 : i32 to index
    %swap3A_167 = tpu.vector_load %arg10[%swap3A_166] {strides = array<i32>} : memref<4160xi32, #tpu.memory_space<vmem>>, vector<16xi32>,
    tpu.vector_store %arg10[%swap3A_166], %broadcast_in_dim3A_16 {strides = array<i32>} : memref<4160xi32, #tpu.memory_space<vmem>>, vector<16xi32>,
    %add3A_168 = arith.constant 304 : i32
    %add3A_169 = arith.addi %scan3A_12#0, %add3A_168 : i32
    %swap3A_170 = arith.index_cast %add3A_169 : i32 to index
    %swap3A_171 = tpu.vector_load %arg9[%swap3A_170] {strides = array<i32>} : memref<4160xi32, #tpu.memory_space<vmem>>, vector<16xi32>,
    tpu.vector_store %arg9[%swap3A_170], %broadcast_in_dim3A_14 {strides = array<i32>} : memref<4160xi32, #tpu.memory_space<vmem>>, vector<16xi32>,
    %add3A_172 = arith.constant 304 : i32
    %add3A_173 = arith.addi %scan3A_12#0, %add3A_172 : i32
    %swap3A_174 = arith.index_cast %add3A_173 : i32 to index
    %swap3A_175 = tpu.vector_load %arg10[%swap3A_174] {strides = array<i32>} : memref<4160xi32, #tpu.memory_space<vmem>>, vector<16xi32>,
    tpu.vector_store %arg10[%swap3A_174], %broadcast_in_dim3A_16 {strides = array<i32>} : memref<4160xi32, #tpu.memory_space<vmem>>, vector<16xi32>,
    %add3A_176 = arith.constant 320 : i32
    %add3A_177 = arith.addi %scan3A_12#0, %add3A_176 : i32
    %swap3A_178 = arith.index_cast %add3A_177 : i32 to index
    %swap3A_179 = tpu.vector_load %arg9[%swap3A_178] {strides = array<i32>} : memref<4160xi32, #tpu.memory_space<vmem>>, vector<16xi32>,
    tpu.vector_store %arg9[%swap3A_178], %broadcast_in_dim3A_14 {strides = array<i32>} : memref<4160xi32, #tpu.memory_space<vmem>>, vector<16xi32>,
    %add3A_180 = arith.constant 320 : i32
    %add3A_181 = arith.addi %scan3A_12#0, %add3A_180 : i32
    %swap3A_182 = arith.index_cast %add3A_181 : i32 to index
    %swap3A_183 = tpu.vector_load %arg10[%swap3A_182] {strides = array<i32>} : memref<4160xi32, #tpu.memory_space<vmem>>, vector<16xi32>,
    tpu.vector_store %arg10[%swap3A_182], %broadcast_in_dim3A_16 {strides = array<i32>} : memref<4160xi32, #tpu.memory_space<vmem>>, vector<16xi32>,
    %add3A_184 = arith.constant 336 : i32
    %add3A_185 = arith.addi %scan3A_12#0, %add3A_184 : i32
    %swap3A_186 = arith.index_cast %add3A_185 : i32 to index
    %swap3A_187 = tpu.vector_load %arg9[%swap3A_186] {strides = array<i32>} : memref<4160xi32, #tpu.memory_space<vmem>>, vector<16xi32>,
    tpu.vector_store %arg9[%swap3A_186], %broadcast_in_dim3A_14 {strides = array<i32>} : memref<4160xi32, #tpu.memory_space<vmem>>, vector<16xi32>,
    %add3A_188 = arith.constant 336 : i32
    %add3A_189 = arith.addi %scan3A_12#0, %add3A_188 : i32
    %swap3A_190 = arith.index_cast %add3A_189 : i32 to index
    %swap3A_191 = tpu.vector_load %arg10[%swap3A_190] {strides = array<i32>} : memref<4160xi32, #tpu.memory_space<vmem>>, vector<16xi32>,
    tpu.vector_store %arg10[%swap3A_190], %broadcast_in_dim3A_16 {strides = array<i32>} : memref<4160xi32, #tpu.memory_space<vmem>>, vector<16xi32>,
    %add3A_192 = arith.constant 352 : i32
    %add3A_193 = arith.addi %scan3A_12#0, %add3A_192 : i32
    %swap3A_194 = arith.index_cast %add3A_193 : i32 to index
    %swap3A_195 = tpu.vector_load %arg9[%swap3A_194] {strides = array<i32>} : memref<4160xi32, #tpu.memory_space<vmem>>, vector<16xi32>,
    tpu.vector_store %arg9[%swap3A_194], %broadcast_in_dim3A_14 {strides = array<i32>} : memref<4160xi32, #tpu.memory_space<vmem>>, vector<16xi32>,
    %add3A_196 = arith.constant 352 : i32
    %add3A_197 = arith.addi %scan3A_12#0, %add3A_196 : i32
    %swap3A_198 = arith.index_cast %add3A_197 : i32 to index
    %swap3A_199 = tpu.vector_load %arg10[%swap3A_198] {strides = array<i32>} : memref<4160xi32, #tpu.memory_space<vmem>>, vector<16xi32>,
    tpu.vector_store %arg10[%swap3A_198], %broadcast_in_dim3A_16 {strides = array<i32>} : memref<4160xi32, #tpu.memory_space<vmem>>, vector<16xi32>,
    %add3A_200 = arith.constant 368 : i32
    %add3A_201 = arith.addi %scan3A_12#0, %add3A_200 : i32
    %swap3A_202 = arith.index_cast %add3A_201 : i32 to index
    %swap3A_203 = tpu.vector_load %arg9[%swap3A_202] {strides = array<i32>} : memref<4160xi32, #tpu.memory_space<vmem>>, vector<16xi32>,
    tpu.vector_store %arg9[%swap3A_202], %broadcast_in_dim3A_14 {strides = array<i32>} : memref<4160xi32, #tpu.memory_space<vmem>>, vector<16xi32>,
    %add3A_204 = arith.constant 368 : i32
    %add3A_205 = arith.addi %scan3A_12#0, %add3A_204 : i32
    %swap3A_206 = arith.index_cast %add3A_205 : i32 to index
    %swap3A_207 = tpu.vector_load %arg10[%swap3A_206] {strides = array<i32>} : memref<4160xi32, #tpu.memory_space<vmem>>, vector<16xi32>,
    tpu.vector_store %arg10[%swap3A_206], %broadcast_in_dim3A_16 {strides = array<i32>} : memref<4160xi32, #tpu.memory_space<vmem>>, vector<16xi32>,
    %add3A_208 = arith.constant 384 : i32
    %add3A_209 = arith.addi %scan3A_12#0, %add3A_208 : i32
    %swap3A_210 = arith.index_cast %add3A_209 : i32 to index
    %swap3A_211 = tpu.vector_load %arg9[%swap3A_210] {strides = array<i32>} : memref<4160xi32, #tpu.memory_space<vmem>>, vector<16xi32>,
    tpu.vector_store %arg9[%swap3A_210], %broadcast_in_dim3A_14 {strides = array<i32>} : memref<4160xi32, #tpu.memory_space<vmem>>, vector<16xi32>,
    %add3A_212 = arith.constant 384 : i32
    %add3A_213 = arith.addi %scan3A_12#0, %add3A_212 : i32
    %swap3A_214 = arith.index_cast %add3A_213 : i32 to index
    %swap3A_215 = tpu.vector_load %arg10[%swap3A_214] {strides = array<i32>} : memref<4160xi32, #tpu.memory_space<vmem>>, vector<16xi32>,
    tpu.vector_store %arg10[%swap3A_214], %broadcast_in_dim3A_16 {strides = array<i32>} : memref<4160xi32, #tpu.memory_space<vmem>>, vector<16xi32>,
    %add3A_216 = arith.constant 400 : i32
    %add3A_217 = arith.addi %scan3A_12#0, %add3A_216 : i32
    %swap3A_218 = arith.index_cast %add3A_217 : i32 to index
    %swap3A_219 = tpu.vector_load %arg9[%swap3A_218] {strides = array<i32>} : memref<4160xi32, #tpu.memory_space<vmem>>, vector<16xi32>,
    tpu.vector_store %arg9[%swap3A_218], %broadcast_in_dim3A_14 {strides = array<i32>} : memref<4160xi32, #tpu.memory_space<vmem>>, vector<16xi32>,
    %add3A_220 = arith.constant 400 : i32
    %add3A_221 = arith.addi %scan3A_12#0, %add3A_220 : i32
    %swap3A_222 = arith.index_cast %add3A_221 : i32 to index
    %swap3A_223 = tpu.vector_load %arg10[%swap3A_222] {strides = array<i32>} : memref<4160xi32, #tpu.memory_space<vmem>>, vector<16xi32>,
    tpu.vector_store %arg10[%swap3A_222], %broadcast_in_dim3A_16 {strides = array<i32>} : memref<4160xi32, #tpu.memory_space<vmem>>, vector<16xi32>,
    %add3A_224 = arith.constant 416 : i32
    %add3A_225 = arith.addi %scan3A_12#0, %add3A_224 : i32
    %swap3A_226 = arith.index_cast %add3A_225 : i32 to index
    %swap3A_227 = tpu.vector_load %arg9[%swap3A_226] {strides = array<i32>} : memref<4160xi32, #tpu.memory_space<vmem>>, vector<16xi32>,
    tpu.vector_store %arg9[%swap3A_226], %broadcast_in_dim3A_14 {strides = array<i32>} : memref<4160xi32, #tpu.memory_space<vmem>>, vector<16xi32>,
    %add3A_228 = arith.constant 416 : i32
    %add3A_229 = arith.addi %scan3A_12#0, %add3A_228 : i32
    %swap3A_230 = arith.index_cast %add3A_229 : i32 to index
    %swap3A_231 = tpu.vector_load %arg10[%swap3A_230] {strides = array<i32>} : memref<4160xi32, #tpu.memory_space<vmem>>, vector<16xi32>,
    tpu.vector_store %arg10[%swap3A_230], %broadcast_in_dim3A_16 {strides = array<i32>} : memref<4160xi32, #tpu.memory_space<vmem>>, vector<16xi32>,
    %add3A_232 = arith.constant 432 : i32
    %add3A_233 = arith.addi %scan3A_12#0, %add3A_232 : i32
    %swap3A_234 = arith.index_cast %add3A_233 : i32 to index
    %swap3A_235 = tpu.vector_load %arg9[%swap3A_234] {strides = array<i32>} : memref<4160xi32, #tpu.memory_space<vmem>>, vector<16xi32>,
    tpu.vector_store %arg9[%swap3A_234], %broadcast_in_dim3A_14 {strides = array<i32>} : memref<4160xi32, #tpu.memory_space<vmem>>, vector<16xi32>,
    %add3A_236 = arith.constant 432 : i32
    %add3A_237 = arith.addi %scan3A_12#0, %add3A_236 : i32
    %swap3A_238 = arith.index_cast %add3A_237 : i32 to index
    %swap3A_239 = tpu.vector_load %arg10[%swap3A_238] {strides = array<i32>} : memref<4160xi32, #tpu.memory_space<vmem>>, vector<16xi32>,
    tpu.vector_store %arg10[%swap3A_238], %broadcast_in_dim3A_16 {strides = array<i32>} : memref<4160xi32, #tpu.memory_space<vmem>>, vector<16xi32>,
    %add3A_240 = arith.constant 448 : i32
    %add3A_241 = arith.addi %scan3A_12#0, %add3A_240 : i32
    %swap3A_242 = arith.index_cast %add3A_241 : i32 to index
    %swap3A_243 = tpu.vector_load %arg9[%swap3A_242] {strides = array<i32>} : memref<4160xi32, #tpu.memory_space<vmem>>, vector<16xi32>,
    tpu.vector_store %arg9[%swap3A_242], %broadcast_in_dim3A_14 {strides = array<i32>} : memref<4160xi32, #tpu.memory_space<vmem>>, vector<16xi32>,
    %add3A_244 = arith.constant 448 : i32
    %add3A_245 = arith.addi %scan3A_12#0, %add3A_244 : i32
    %swap3A_246 = arith.index_cast %add3A_245 : i32 to index
    %swap3A_247 = tpu.vector_load %arg10[%swap3A_246] {strides = array<i32>} : memref<4160xi32, #tpu.memory_space<vmem>>, vector<16xi32>,
    tpu.vector_store %arg10[%swap3A_246], %broadcast_in_dim3A_16 {strides = array<i32>} : memref<4160xi32, #tpu.memory_space<vmem>>, vector<16xi32>,
    %add3A_248 = arith.constant 464 : i32
    %add3A_249 = arith.addi %scan3A_12#0, %add3A_248 : i32
    %swap3A_250 = arith.index_cast %add3A_249 : i32 to index
    %swap3A_251 = tpu.vector_load %arg9[%swap3A_250] {strides = array<i32>} : memref<4160xi32, #tpu.memory_space<vmem>>, vector<16xi32>,
    tpu.vector_store %arg9[%swap3A_250], %broadcast_in_dim3A_14 {strides = array<i32>} : memref<4160xi32, #tpu.memory_space<vmem>>, vector<16xi32>,
    %add3A_252 = arith.constant 464 : i32
    %add3A_253 = arith.addi %scan3A_12#0, %add3A_252 : i32
    %swap3A_254 = arith.index_cast %add3A_253 : i32 to index
    %swap3A_255 = tpu.vector_load %arg10[%swap3A_254] {strides = array<i32>} : memref<4160xi32, #tpu.memory_space<vmem>>, vector<16xi32>,
    tpu.vector_store %arg10[%swap3A_254], %broadcast_in_dim3A_16 {strides = array<i32>} : memref<4160xi32, #tpu.memory_space<vmem>>, vector<16xi32>,
    %add3A_256 = arith.constant 480 : i32
    %add3A_257 = arith.addi %scan3A_12#0, %add3A_256 : i32
    %swap3A_258 = arith.index_cast %add3A_257 : i32 to index
    %swap3A_259 = tpu.vector_load %arg9[%swap3A_258] {strides = array<i32>} : memref<4160xi32, #tpu.memory_space<vmem>>, vector<16xi32>,
    tpu.vector_store %arg9[%swap3A_258], %broadcast_in_dim3A_14 {strides = array<i32>} : memref<4160xi32, #tpu.memory_space<vmem>>, vector<16xi32>,
    %add3A_260 = arith.constant 480 : i32
    %add3A_261 = arith.addi %scan3A_12#0, %add3A_260 : i32
    %swap3A_262 = arith.index_cast %add3A_261 : i32 to index
    %swap3A_263 = tpu.vector_load %arg10[%swap3A_262] {strides = array<i32>} : memref<4160xi32, #tpu.memory_space<vmem>>, vector<16xi32>,
    tpu.vector_store %arg10[%swap3A_262], %broadcast_in_dim3A_16 {strides = array<i32>} : memref<4160xi32, #tpu.memory_space<vmem>>, vector<16xi32>,
    %add3A_264 = arith.constant 496 : i32
    %add3A_265 = arith.addi %scan3A_12#0, %add3A_264 : i32
    %swap3A_266 = arith.index_cast %add3A_265 : i32 to index
    %swap3A_267 = tpu.vector_load %arg9[%swap3A_266] {strides = array<i32>} : memref<4160xi32, #tpu.memory_space<vmem>>, vector<16xi32>,
    tpu.vector_store %arg9[%swap3A_266], %broadcast_in_dim3A_14 {strides = array<i32>} : memref<4160xi32, #tpu.memory_space<vmem>>, vector<16xi32>,
    %add3A_268 = arith.constant 496 : i32
    %add3A_269 = arith.addi %scan3A_12#0, %add3A_268 : i32
    %swap3A_270 = arith.index_cast %add3A_269 : i32 to index
    %swap3A_271 = tpu.vector_load %arg10[%swap3A_270] {strides = array<i32>} : memref<4160xi32, #tpu.memory_space<vmem>>, vector<16xi32>,
    tpu.vector_store %arg10[%swap3A_270], %broadcast_in_dim3A_16 {strides = array<i32>} : memref<4160xi32, #tpu.memory_space<vmem>>, vector<16xi32>,
    %add3A_272 = arith.constant 512 : i32
    %add3A_273 = arith.addi %scan3A_12#0, %add3A_272 : i32
    %swap3A_274 = arith.index_cast %add3A_273 : i32 to index
    %swap3A_275 = tpu.vector_load %arg9[%swap3A_274] {strides = array<i32>} : memref<4160xi32, #tpu.memory_space<vmem>>, vector<16xi32>,
    tpu.vector_store %arg9[%swap3A_274], %broadcast_in_dim3A_14 {strides = array<i32>} : memref<4160xi32, #tpu.memory_space<vmem>>, vector<16xi32>,
    %add3A_276 = arith.constant 512 : i32
    %add3A_277 = arith.addi %scan3A_12#0, %add3A_276 : i32
    %swap3A_278 = arith.index_cast %add3A_277 : i32 to index
    %swap3A_279 = tpu.vector_load %arg10[%swap3A_278] {strides = array<i32>} : memref<4160xi32, #tpu.memory_space<vmem>>, vector<16xi32>,
    tpu.vector_store %arg10[%swap3A_278], %broadcast_in_dim3A_16 {strides = array<i32>} : memref<4160xi32, #tpu.memory_space<vmem>>, vector<16xi32>,
    %add3A_280 = arith.constant 528 : i32
    %add3A_281 = arith.addi %scan3A_12#0, %add3A_280 : i32
    %swap3A_282 = arith.index_cast %add3A_281 : i32 to index
    %swap3A_283 = tpu.vector_load %arg9[%swap3A_282] {strides = array<i32>} : memref<4160xi32, #tpu.memory_space<vmem>>, vector<16xi32>,
    tpu.vector_store %arg9[%swap3A_282], %broadcast_in_dim3A_14 {strides = array<i32>} : memref<4160xi32, #tpu.memory_space<vmem>>, vector<16xi32>,
    %add3A_284 = arith.constant 528 : i32
    %add3A_285 = arith.addi %scan3A_12#0, %add3A_284 : i32
    %swap3A_286 = arith.index_cast %add3A_285 : i32 to index
    %swap3A_287 = tpu.vector_load %arg10[%swap3A_286] {strides = array<i32>} : memref<4160xi32, #tpu.memory_space<vmem>>, vector<16xi32>,
    tpu.vector_store %arg10[%swap3A_286], %broadcast_in_dim3A_16 {strides = array<i32>} : memref<4160xi32, #tpu.memory_space<vmem>>, vector<16xi32>,
    %add3A_288 = arith.constant 544 : i32
    %add3A_289 = arith.addi %scan3A_12#0, %add3A_288 : i32
    %swap3A_290 = arith.index_cast %add3A_289 : i32 to index
    %swap3A_291 = tpu.vector_load %arg9[%swap3A_290] {strides = array<i32>} : memref<4160xi32, #tpu.memory_space<vmem>>, vector<16xi32>,
    tpu.vector_store %arg9[%swap3A_290], %broadcast_in_dim3A_14 {strides = array<i32>} : memref<4160xi32, #tpu.memory_space<vmem>>, vector<16xi32>,
    %add3A_292 = arith.constant 544 : i32
    %add3A_293 = arith.addi %scan3A_12#0, %add3A_292 : i32
    %swap3A_294 = arith.index_cast %add3A_293 : i32 to index
    %swap3A_295 = tpu.vector_load %arg10[%swap3A_294] {strides = array<i32>} : memref<4160xi32, #tpu.memory_space<vmem>>, vector<16xi32>,
    tpu.vector_store %arg10[%swap3A_294], %broadcast_in_dim3A_16 {strides = array<i32>} : memref<4160xi32, #tpu.memory_space<vmem>>, vector<16xi32>,
    %add3A_296 = arith.constant 560 : i32
    %add3A_297 = arith.addi %scan3A_12#0, %add3A_296 : i32
    %swap3A_298 = arith.index_cast %add3A_297 : i32 to index
    %swap3A_299 = tpu.vector_load %arg9[%swap3A_298] {strides = array<i32>} : memref<4160xi32, #tpu.memory_space<vmem>>, vector<16xi32>,
    tpu.vector_store %arg9[%swap3A_298], %broadcast_in_dim3A_14 {strides = array<i32>} : memref<4160xi32, #tpu.memory_space<vmem>>, vector<16xi32>,
    %add3A_300 = arith.constant 560 : i32
    %add3A_301 = arith.addi %scan3A_12#0, %add3A_300 : i32
    %swap3A_302 = arith.index_cast %add3A_301 : i32 to index
    %swap3A_303 = tpu.vector_load %arg10[%swap3A_302] {strides = array<i32>} : memref<4160xi32, #tpu.memory_space<vmem>>, vector<16xi32>,
    tpu.vector_store %arg10[%swap3A_302], %broadcast_in_dim3A_16 {strides = array<i32>} : memref<4160xi32, #tpu.memory_space<vmem>>, vector<16xi32>,
    %add3A_304 = arith.constant 576 : i32
    %add3A_305 = arith.addi %scan3A_12#0, %add3A_304 : i32
    %swap3A_306 = arith.index_cast %add3A_305 : i32 to index
    %swap3A_307 = tpu.vector_load %arg9[%swap3A_306] {strides = array<i32>} : memref<4160xi32, #tpu.memory_space<vmem>>, vector<16xi32>,
    tpu.vector_store %arg9[%swap3A_306], %broadcast_in_dim3A_14 {strides = array<i32>} : memref<4160xi32, #tpu.memory_space<vmem>>, vector<16xi32>,
    %add3A_308 = arith.constant 576 : i32
    %add3A_309 = arith.addi %scan3A_12#0, %add3A_308 : i32
    %swap3A_310 = arith.index_cast %add3A_309 : i32 to index
    %swap3A_311 = tpu.vector_load %arg10[%swap3A_310] {strides = array<i32>} : memref<4160xi32, #tpu.memory_space<vmem>>, vector<16xi32>,
    tpu.vector_store %arg10[%swap3A_310], %broadcast_in_dim3A_16 {strides = array<i32>} : memref<4160xi32, #tpu.memory_space<vmem>>, vector<16xi32>,
    %add3A_312 = arith.constant 592 : i32
    %add3A_313 = arith.addi %scan3A_12#0, %add3A_312 : i32
    %swap3A_314 = arith.index_cast %add3A_313 : i32 to index
    %swap3A_315 = tpu.vector_load %arg9[%swap3A_314] {strides = array<i32>} : memref<4160xi32, #tpu.memory_space<vmem>>, vector<16xi32>,
    tpu.vector_store %arg9[%swap3A_314], %broadcast_in_dim3A_14 {strides = array<i32>} : memref<4160xi32, #tpu.memory_space<vmem>>, vector<16xi32>,
    %add3A_316 = arith.constant 592 : i32
    %add3A_317 = arith.addi %scan3A_12#0, %add3A_316 : i32
    %swap3A_318 = arith.index_cast %add3A_317 : i32 to index
    %swap3A_319 = tpu.vector_load %arg10[%swap3A_318] {strides = array<i32>} : memref<4160xi32, #tpu.memory_space<vmem>>, vector<16xi32>,
    tpu.vector_store %arg10[%swap3A_318], %broadcast_in_dim3A_16 {strides = array<i32>} : memref<4160xi32, #tpu.memory_space<vmem>>, vector<16xi32>,
    %add3A_320 = arith.constant 608 : i32
    %add3A_321 = arith.addi %scan3A_12#0, %add3A_320 : i32
    %swap3A_322 = arith.index_cast %add3A_321 : i32 to index
    %swap3A_323 = tpu.vector_load %arg9[%swap3A_322] {strides = array<i32>} : memref<4160xi32, #tpu.memory_space<vmem>>, vector<16xi32>,
    tpu.vector_store %arg9[%swap3A_322], %broadcast_in_dim3A_14 {strides = array<i32>} : memref<4160xi32, #tpu.memory_space<vmem>>, vector<16xi32>,
    %add3A_324 = arith.constant 608 : i32
    %add3A_325 = arith.addi %scan3A_12#0, %add3A_324 : i32
    %swap3A_326 = arith.index_cast %add3A_325 : i32 to index
    %swap3A_327 = tpu.vector_load %arg10[%swap3A_326] {strides = array<i32>} : memref<4160xi32, #tpu.memory_space<vmem>>, vector<16xi32>,
    tpu.vector_store %arg10[%swap3A_326], %broadcast_in_dim3A_16 {strides = array<i32>} : memref<4160xi32, #tpu.memory_space<vmem>>, vector<16xi32>,
    %add3A_328 = arith.constant 624 : i32
    %add3A_329 = arith.addi %scan3A_12#0, %add3A_328 : i32
    %swap3A_330 = arith.index_cast %add3A_329 : i32 to index
    %swap3A_331 = tpu.vector_load %arg9[%swap3A_330] {strides = array<i32>} : memref<4160xi32, #tpu.memory_space<vmem>>, vector<16xi32>,
    tpu.vector_store %arg9[%swap3A_330], %broadcast_in_dim3A_14 {strides = array<i32>} : memref<4160xi32, #tpu.memory_space<vmem>>, vector<16xi32>,
    %add3A_332 = arith.constant 624 : i32
    %add3A_333 = arith.addi %scan3A_12#0, %add3A_332 : i32
    %swap3A_334 = arith.index_cast %add3A_333 : i32 to index
    %swap3A_335 = tpu.vector_load %arg10[%swap3A_334] {strides = array<i32>} : memref<4160xi32, #tpu.memory_space<vmem>>, vector<16xi32>,
    tpu.vector_store %arg10[%swap3A_334], %broadcast_in_dim3A_16 {strides = array<i32>} : memref<4160xi32, #tpu.memory_space<vmem>>, vector<16xi32>,
    %add3A_336 = arith.constant 640 : i32
    %add3A_337 = arith.addi %scan3A_12#0, %add3A_336 : i32
    %swap3A_338 = arith.index_cast %add3A_337 : i32 to index
    %swap3A_339 = tpu.vector_load %arg9[%swap3A_338] {strides = array<i32>} : memref<4160xi32, #tpu.memory_space<vmem>>, vector<16xi32>,
    tpu.vector_store %arg9[%swap3A_338], %broadcast_in_dim3A_14 {strides = array<i32>} : memref<4160xi32, #tpu.memory_space<vmem>>, vector<16xi32>,
    %add3A_340 = arith.constant 640 : i32
    %add3A_341 = arith.addi %scan3A_12#0, %add3A_340 : i32
    %swap3A_342 = arith.index_cast %add3A_341 : i32 to index
    %swap3A_343 = tpu.vector_load %arg10[%swap3A_342] {strides = array<i32>} : memref<4160xi32, #tpu.memory_space<vmem>>, vector<16xi32>,
    tpu.vector_store %arg10[%swap3A_342], %broadcast_in_dim3A_16 {strides = array<i32>} : memref<4160xi32, #tpu.memory_space<vmem>>, vector<16xi32>,
    %add3A_344 = arith.constant 656 : i32
    %add3A_345 = arith.addi %scan3A_12#0, %add3A_344 : i32
    %swap3A_346 = arith.index_cast %add3A_345 : i32 to index
    %swap3A_347 = tpu.vector_load %arg9[%swap3A_346] {strides = array<i32>} : memref<4160xi32, #tpu.memory_space<vmem>>, vector<16xi32>,
    tpu.vector_store %arg9[%swap3A_346], %broadcast_in_dim3A_14 {strides = array<i32>} : memref<4160xi32, #tpu.memory_space<vmem>>, vector<16xi32>,
    %add3A_348 = arith.constant 656 : i32
    %add3A_349 = arith.addi %scan3A_12#0, %add3A_348 : i32
    %swap3A_350 = arith.index_cast %add3A_349 : i32 to index
    %swap3A_351 = tpu.vector_load %arg10[%swap3A_350] {strides = array<i32>} : memref<4160xi32, #tpu.memory_space<vmem>>, vector<16xi32>,
    tpu.vector_store %arg10[%swap3A_350], %broadcast_in_dim3A_16 {strides = array<i32>} : memref<4160xi32, #tpu.memory_space<vmem>>, vector<16xi32>,
    %add3A_352 = arith.constant 672 : i32
    %add3A_353 = arith.addi %scan3A_12#0, %add3A_352 : i32
    %swap3A_354 = arith.index_cast %add3A_353 : i32 to index
    %swap3A_355 = tpu.vector_load %arg9[%swap3A_354] {strides = array<i32>} : memref<4160xi32, #tpu.memory_space<vmem>>, vector<16xi32>,
    tpu.vector_store %arg9[%swap3A_354], %broadcast_in_dim3A_14 {strides = array<i32>} : memref<4160xi32, #tpu.memory_space<vmem>>, vector<16xi32>,
    %add3A_356 = arith.constant 672 : i32
    %add3A_357 = arith.addi %scan3A_12#0, %add3A_356 : i32
    %swap3A_358 = arith.index_cast %add3A_357 : i32 to index
    %swap3A_359 = tpu.vector_load %arg10[%swap3A_358] {strides = array<i32>} : memref<4160xi32, #tpu.memory_space<vmem>>, vector<16xi32>,
    tpu.vector_store %arg10[%swap3A_358], %broadcast_in_dim3A_16 {strides = array<i32>} : memref<4160xi32, #tpu.memory_space<vmem>>, vector<16xi32>,
    %add3A_360 = arith.constant 688 : i32
    %add3A_361 = arith.addi %scan3A_12#0, %add3A_360 : i32
    %swap3A_362 = arith.index_cast %add3A_361 : i32 to index
    %swap3A_363 = tpu.vector_load %arg9[%swap3A_362] {strides = array<i32>} : memref<4160xi32, #tpu.memory_space<vmem>>, vector<16xi32>,
    tpu.vector_store %arg9[%swap3A_362], %broadcast_in_dim3A_14 {strides = array<i32>} : memref<4160xi32, #tpu.memory_space<vmem>>, vector<16xi32>,
    %add3A_364 = arith.constant 688 : i32
    %add3A_365 = arith.addi %scan3A_12#0, %add3A_364 : i32
    %swap3A_366 = arith.index_cast %add3A_365 : i32 to index
    %swap3A_367 = tpu.vector_load %arg10[%swap3A_366] {strides = array<i32>} : memref<4160xi32, #tpu.memory_space<vmem>>, vector<16xi32>,
    tpu.vector_store %arg10[%swap3A_366], %broadcast_in_dim3A_16 {strides = array<i32>} : memref<4160xi32, #tpu.memory_space<vmem>>, vector<16xi32>,
    %add3A_368 = arith.constant 704 : i32
    %add3A_369 = arith.addi %scan3A_12#0, %add3A_368 : i32
    %swap3A_370 = arith.index_cast %add3A_369 : i32 to index
    %swap3A_371 = tpu.vector_load %arg9[%swap3A_370] {strides = array<i32>} : memref<4160xi32, #tpu.memory_space<vmem>>, vector<16xi32>,
    tpu.vector_store %arg9[%swap3A_370], %broadcast_in_dim3A_14 {strides = array<i32>} : memref<4160xi32, #tpu.memory_space<vmem>>, vector<16xi32>,
    %add3A_372 = arith.constant 704 : i32
    %add3A_373 = arith.addi %scan3A_12#0, %add3A_372 : i32
    %swap3A_374 = arith.index_cast %add3A_373 : i32 to index
    %swap3A_375 = tpu.vector_load %arg10[%swap3A_374] {strides = array<i32>} : memref<4160xi32, #tpu.memory_space<vmem>>, vector<16xi32>,
    tpu.vector_store %arg10[%swap3A_374], %broadcast_in_dim3A_16 {strides = array<i32>} : memref<4160xi32, #tpu.memory_space<vmem>>, vector<16xi32>,
    %add3A_376 = arith.constant 720 : i32
    %add3A_377 = arith.addi %scan3A_12#0, %add3A_376 : i32
    %swap3A_378 = arith.index_cast %add3A_377 : i32 to index
    %swap3A_379 = tpu.vector_load %arg9[%swap3A_378] {strides = array<i32>} : memref<4160xi32, #tpu.memory_space<vmem>>, vector<16xi32>,
    tpu.vector_store %arg9[%swap3A_378], %broadcast_in_dim3A_14 {strides = array<i32>} : memref<4160xi32, #tpu.memory_space<vmem>>, vector<16xi32>,
    %add3A_380 = arith.constant 720 : i32
    %add3A_381 = arith.addi %scan3A_12#0, %add3A_380 : i32
    %swap3A_382 = arith.index_cast %add3A_381 : i32 to index
    %swap3A_383 = tpu.vector_load %arg10[%swap3A_382] {strides = array<i32>} : memref<4160xi32, #tpu.memory_space<vmem>>, vector<16xi32>,
    tpu.vector_store %arg10[%swap3A_382], %broadcast_in_dim3A_16 {strides = array<i32>} : memref<4160xi32, #tpu.memory_space<vmem>>, vector<16xi32>,
    %add3A_384 = arith.constant 736 : i32
    %add3A_385 = arith.addi %scan3A_12#0, %add3A_384 : i32
    %swap3A_386 = arith.index_cast %add3A_385 : i32 to index
    %swap3A_387 = tpu.vector_load %arg9[%swap3A_386] {strides = array<i32>} : memref<4160xi32, #tpu.memory_space<vmem>>, vector<16xi32>,
    tpu.vector_store %arg9[%swap3A_386], %broadcast_in_dim3A_14 {strides = array<i32>} : memref<4160xi32, #tpu.memory_space<vmem>>, vector<16xi32>,
    %add3A_388 = arith.constant 736 : i32
    %add3A_389 = arith.addi %scan3A_12#0, %add3A_388 : i32
    %swap3A_390 = arith.index_cast %add3A_389 : i32 to index
    %swap3A_391 = tpu.vector_load %arg10[%swap3A_390] {strides = array<i32>} : memref<4160xi32, #tpu.memory_space<vmem>>, vector<16xi32>,
    tpu.vector_store %arg10[%swap3A_390], %broadcast_in_dim3A_16 {strides = array<i32>} : memref<4160xi32, #tpu.memory_space<vmem>>, vector<16xi32>,
    %add3A_392 = arith.constant 752 : i32
    %add3A_393 = arith.addi %scan3A_12#0, %add3A_392 : i32
    %swap3A_394 = arith.index_cast %add3A_393 : i32 to index
    %swap3A_395 = tpu.vector_load %arg9[%swap3A_394] {strides = array<i32>} : memref<4160xi32, #tpu.memory_space<vmem>>, vector<16xi32>,
    tpu.vector_store %arg9[%swap3A_394], %broadcast_in_dim3A_14 {strides = array<i32>} : memref<4160xi32, #tpu.memory_space<vmem>>, vector<16xi32>,
    %add3A_396 = arith.constant 752 : i32
    %add3A_397 = arith.addi %scan3A_12#0, %add3A_396 : i32
    %swap3A_398 = arith.index_cast %add3A_397 : i32 to index
    %swap3A_399 = tpu.vector_load %arg10[%swap3A_398] {strides = array<i32>} : memref<4160xi32, #tpu.memory_space<vmem>>, vector<16xi32>,
    tpu.vector_store %arg10[%swap3A_398], %broadcast_in_dim3A_16 {strides = array<i32>} : memref<4160xi32, #tpu.memory_space<vmem>>, vector<16xi32>,
    %add3A_400 = arith.constant 768 : i32
    %add3A_401 = arith.addi %scan3A_12#0, %add3A_400 : i32
    %swap3A_402 = arith.index_cast %add3A_401 : i32 to index
    %swap3A_403 = tpu.vector_load %arg9[%swap3A_402] {strides = array<i32>} : memref<4160xi32, #tpu.memory_space<vmem>>, vector<16xi32>,
    tpu.vector_store %arg9[%swap3A_402], %broadcast_in_dim3A_14 {strides = array<i32>} : memref<4160xi32, #tpu.memory_space<vmem>>, vector<16xi32>,
    %add3A_404 = arith.constant 768 : i32
    %add3A_405 = arith.addi %scan3A_12#0, %add3A_404 : i32
    %swap3A_406 = arith.index_cast %add3A_405 : i32 to index
    %swap3A_407 = tpu.vector_load %arg10[%swap3A_406] {strides = array<i32>} : memref<4160xi32, #tpu.memory_space<vmem>>, vector<16xi32>,
    tpu.vector_store %arg10[%swap3A_406], %broadcast_in_dim3A_16 {strides = array<i32>} : memref<4160xi32, #tpu.memory_space<vmem>>, vector<16xi32>,
    %add3A_408 = arith.constant 784 : i32
    %add3A_409 = arith.addi %scan3A_12#0, %add3A_408 : i32
    %swap3A_410 = arith.index_cast %add3A_409 : i32 to index
    %swap3A_411 = tpu.vector_load %arg9[%swap3A_410] {strides = array<i32>} : memref<4160xi32, #tpu.memory_space<vmem>>, vector<16xi32>,
    tpu.vector_store %arg9[%swap3A_410], %broadcast_in_dim3A_14 {strides = array<i32>} : memref<4160xi32, #tpu.memory_space<vmem>>, vector<16xi32>,
    %add3A_412 = arith.constant 784 : i32
    %add3A_413 = arith.addi %scan3A_12#0, %add3A_412 : i32
    %swap3A_414 = arith.index_cast %add3A_413 : i32 to index
    %swap3A_415 = tpu.vector_load %arg10[%swap3A_414] {strides = array<i32>} : memref<4160xi32, #tpu.memory_space<vmem>>, vector<16xi32>,
    tpu.vector_store %arg10[%swap3A_414], %broadcast_in_dim3A_16 {strides = array<i32>} : memref<4160xi32, #tpu.memory_space<vmem>>, vector<16xi32>,
    %add3A_416 = arith.constant 800 : i32
    %add3A_417 = arith.addi %scan3A_12#0, %add3A_416 : i32
    %swap3A_418 = arith.index_cast %add3A_417 : i32 to index
    %swap3A_419 = tpu.vector_load %arg9[%swap3A_418] {strides = array<i32>} : memref<4160xi32, #tpu.memory_space<vmem>>, vector<16xi32>,
    tpu.vector_store %arg9[%swap3A_418], %broadcast_in_dim3A_14 {strides = array<i32>} : memref<4160xi32, #tpu.memory_space<vmem>>, vector<16xi32>,
    %add3A_420 = arith.constant 800 : i32
    %add3A_421 = arith.addi %scan3A_12#0, %add3A_420 : i32
    %swap3A_422 = arith.index_cast %add3A_421 : i32 to index
    %swap3A_423 = tpu.vector_load %arg10[%swap3A_422] {strides = array<i32>} : memref<4160xi32, #tpu.memory_space<vmem>>, vector<16xi32>,
    tpu.vector_store %arg10[%swap3A_422], %broadcast_in_dim3A_16 {strides = array<i32>} : memref<4160xi32, #tpu.memory_space<vmem>>, vector<16xi32>,
    %add3A_424 = arith.constant 816 : i32
    %add3A_425 = arith.addi %scan3A_12#0, %add3A_424 : i32
    %swap3A_426 = arith.index_cast %add3A_425 : i32 to index
    %swap3A_427 = tpu.vector_load %arg9[%swap3A_426] {strides = array<i32>} : memref<4160xi32, #tpu.memory_space<vmem>>, vector<16xi32>,
    tpu.vector_store %arg9[%swap3A_426], %broadcast_in_dim3A_14 {strides = array<i32>} : memref<4160xi32, #tpu.memory_space<vmem>>, vector<16xi32>,
    %add3A_428 = arith.constant 816 : i32
    %add3A_429 = arith.addi %scan3A_12#0, %add3A_428 : i32
    %swap3A_430 = arith.index_cast %add3A_429 : i32 to index
    %swap3A_431 = tpu.vector_load %arg10[%swap3A_430] {strides = array<i32>} : memref<4160xi32, #tpu.memory_space<vmem>>, vector<16xi32>,
    tpu.vector_store %arg10[%swap3A_430], %broadcast_in_dim3A_16 {strides = array<i32>} : memref<4160xi32, #tpu.memory_space<vmem>>, vector<16xi32>,
    %add3A_432 = arith.constant 832 : i32
    %add3A_433 = arith.addi %scan3A_12#0, %add3A_432 : i32
    %swap3A_434 = arith.index_cast %add3A_433 : i32 to index
    %swap3A_435 = tpu.vector_load %arg9[%swap3A_434] {strides = array<i32>} : memref<4160xi32, #tpu.memory_space<vmem>>, vector<16xi32>,
    tpu.vector_store %arg9[%swap3A_434], %broadcast_in_dim3A_14 {strides = array<i32>} : memref<4160xi32, #tpu.memory_space<vmem>>, vector<16xi32>,
    %add3A_436 = arith.constant 832 : i32
    %add3A_437 = arith.addi %scan3A_12#0, %add3A_436 : i32
    %swap3A_438 = arith.index_cast %add3A_437 : i32 to index
    %swap3A_439 = tpu.vector_load %arg10[%swap3A_438] {strides = array<i32>} : memref<4160xi32, #tpu.memory_space<vmem>>, vector<16xi32>,
    tpu.vector_store %arg10[%swap3A_438], %broadcast_in_dim3A_16 {strides = array<i32>} : memref<4160xi32, #tpu.memory_space<vmem>>, vector<16xi32>,
    %add3A_440 = arith.constant 848 : i32
    %add3A_441 = arith.addi %scan3A_12#0, %add3A_440 : i32
    %swap3A_442 = arith.index_cast %add3A_441 : i32 to index
    %swap3A_443 = tpu.vector_load %arg9[%swap3A_442] {strides = array<i32>} : memref<4160xi32, #tpu.memory_space<vmem>>, vector<16xi32>,
    tpu.vector_store %arg9[%swap3A_442], %broadcast_in_dim3A_14 {strides = array<i32>} : memref<4160xi32, #tpu.memory_space<vmem>>, vector<16xi32>,
    %add3A_444 = arith.constant 848 : i32
    %add3A_445 = arith.addi %scan3A_12#0, %add3A_444 : i32
    %swap3A_446 = arith.index_cast %add3A_445 : i32 to index
    %swap3A_447 = tpu.vector_load %arg10[%swap3A_446] {strides = array<i32>} : memref<4160xi32, #tpu.memory_space<vmem>>, vector<16xi32>,
    tpu.vector_store %arg10[%swap3A_446], %broadcast_in_dim3A_16 {strides = array<i32>} : memref<4160xi32, #tpu.memory_space<vmem>>, vector<16xi32>,
    %add3A_448 = arith.constant 864 : i32
    %add3A_449 = arith.addi %scan3A_12#0, %add3A_448 : i32
    %swap3A_450 = arith.index_cast %add3A_449 : i32 to index
    %swap3A_451 = tpu.vector_load %arg9[%swap3A_450] {strides = array<i32>} : memref<4160xi32, #tpu.memory_space<vmem>>, vector<16xi32>,
    tpu.vector_store %arg9[%swap3A_450], %broadcast_in_dim3A_14 {strides = array<i32>} : memref<4160xi32, #tpu.memory_space<vmem>>, vector<16xi32>,
    %add3A_452 = arith.constant 864 : i32
    %add3A_453 = arith.addi %scan3A_12#0, %add3A_452 : i32
    %swap3A_454 = arith.index_cast %add3A_453 : i32 to index
    %swap3A_455 = tpu.vector_load %arg10[%swap3A_454] {strides = array<i32>} : memref<4160xi32, #tpu.memory_space<vmem>>, vector<16xi32>,
    tpu.vector_store %arg10[%swap3A_454], %broadcast_in_dim3A_16 {strides = array<i32>} : memref<4160xi32, #tpu.memory_space<vmem>>, vector<16xi32>,
    %add3A_456 = arith.constant 880 : i32
    %add3A_457 = arith.addi %scan3A_12#0, %add3A_456 : i32
    %swap3A_458 = arith.index_cast %add3A_457 : i32 to index
    %swap3A_459 = tpu.vector_load %arg9[%swap3A_458] {strides = array<i32>} : memref<4160xi32, #tpu.memory_space<vmem>>, vector<16xi32>,
    tpu.vector_store %arg9[%swap3A_458], %broadcast_in_dim3A_14 {strides = array<i32>} : memref<4160xi32, #tpu.memory_space<vmem>>, vector<16xi32>,
    %add3A_460 = arith.constant 880 : i32
    %add3A_461 = arith.addi %scan3A_12#0, %add3A_460 : i32
    %swap3A_462 = arith.index_cast %add3A_461 : i32 to index
    %swap3A_463 = tpu.vector_load %arg10[%swap3A_462] {strides = array<i32>} : memref<4160xi32, #tpu.memory_space<vmem>>, vector<16xi32>,
    tpu.vector_store %arg10[%swap3A_462], %broadcast_in_dim3A_16 {strides = array<i32>} : memref<4160xi32, #tpu.memory_space<vmem>>, vector<16xi32>,
    %add3A_464 = arith.constant 896 : i32
    %add3A_465 = arith.addi %scan3A_12#0, %add3A_464 : i32
    %swap3A_466 = arith.index_cast %add3A_465 : i32 to index
    %swap3A_467 = tpu.vector_load %arg9[%swap3A_466] {strides = array<i32>} : memref<4160xi32, #tpu.memory_space<vmem>>, vector<16xi32>,
    tpu.vector_store %arg9[%swap3A_466], %broadcast_in_dim3A_14 {strides = array<i32>} : memref<4160xi32, #tpu.memory_space<vmem>>, vector<16xi32>,
    %add3A_468 = arith.constant 896 : i32
    %add3A_469 = arith.addi %scan3A_12#0, %add3A_468 : i32
    %swap3A_470 = arith.index_cast %add3A_469 : i32 to index
    %swap3A_471 = tpu.vector_load %arg10[%swap3A_470] {strides = array<i32>} : memref<4160xi32, #tpu.memory_space<vmem>>, vector<16xi32>,
    tpu.vector_store %arg10[%swap3A_470], %broadcast_in_dim3A_16 {strides = array<i32>} : memref<4160xi32, #tpu.memory_space<vmem>>, vector<16xi32>,
    %add3A_472 = arith.constant 912 : i32
    %add3A_473 = arith.addi %scan3A_12#0, %add3A_472 : i32
    %swap3A_474 = arith.index_cast %add3A_473 : i32 to index
    %swap3A_475 = tpu.vector_load %arg9[%swap3A_474] {strides = array<i32>} : memref<4160xi32, #tpu.memory_space<vmem>>, vector<16xi32>,
    tpu.vector_store %arg9[%swap3A_474], %broadcast_in_dim3A_14 {strides = array<i32>} : memref<4160xi32, #tpu.memory_space<vmem>>, vector<16xi32>,
    %add3A_476 = arith.constant 912 : i32
    %add3A_477 = arith.addi %scan3A_12#0, %add3A_476 : i32
    %swap3A_478 = arith.index_cast %add3A_477 : i32 to index
    %swap3A_479 = tpu.vector_load %arg10[%swap3A_478] {strides = array<i32>} : memref<4160xi32, #tpu.memory_space<vmem>>, vector<16xi32>,
    tpu.vector_store %arg10[%swap3A_478], %broadcast_in_dim3A_16 {strides = array<i32>} : memref<4160xi32, #tpu.memory_space<vmem>>, vector<16xi32>,
    %add3A_480 = arith.constant 928 : i32
    %add3A_481 = arith.addi %scan3A_12#0, %add3A_480 : i32
    %swap3A_482 = arith.index_cast %add3A_481 : i32 to index
    %swap3A_483 = tpu.vector_load %arg9[%swap3A_482] {strides = array<i32>} : memref<4160xi32, #tpu.memory_space<vmem>>, vector<16xi32>,
    tpu.vector_store %arg9[%swap3A_482], %broadcast_in_dim3A_14 {strides = array<i32>} : memref<4160xi32, #tpu.memory_space<vmem>>, vector<16xi32>,
    %add3A_484 = arith.constant 928 : i32
    %add3A_485 = arith.addi %scan3A_12#0, %add3A_484 : i32
    %swap3A_486 = arith.index_cast %add3A_485 : i32 to index
    %swap3A_487 = tpu.vector_load %arg10[%swap3A_486] {strides = array<i32>} : memref<4160xi32, #tpu.memory_space<vmem>>, vector<16xi32>,
    tpu.vector_store %arg10[%swap3A_486], %broadcast_in_dim3A_16 {strides = array<i32>} : memref<4160xi32, #tpu.memory_space<vmem>>, vector<16xi32>,
    %add3A_488 = arith.constant 944 : i32
    %add3A_489 = arith.addi %scan3A_12#0, %add3A_488 : i32
    %swap3A_490 = arith.index_cast %add3A_489 : i32 to index
    %swap3A_491 = tpu.vector_load %arg9[%swap3A_490] {strides = array<i32>} : memref<4160xi32, #tpu.memory_space<vmem>>, vector<16xi32>,
    tpu.vector_store %arg9[%swap3A_490], %broadcast_in_dim3A_14 {strides = array<i32>} : memref<4160xi32, #tpu.memory_space<vmem>>, vector<16xi32>,
    %add3A_492 = arith.constant 944 : i32
    %add3A_493 = arith.addi %scan3A_12#0, %add3A_492 : i32
    %swap3A_494 = arith.index_cast %add3A_493 : i32 to index
    %swap3A_495 = tpu.vector_load %arg10[%swap3A_494] {strides = array<i32>} : memref<4160xi32, #tpu.memory_space<vmem>>, vector<16xi32>,
    tpu.vector_store %arg10[%swap3A_494], %broadcast_in_dim3A_16 {strides = array<i32>} : memref<4160xi32, #tpu.memory_space<vmem>>, vector<16xi32>,
    %add3A_496 = arith.constant 960 : i32
    %add3A_497 = arith.addi %scan3A_12#0, %add3A_496 : i32
    %swap3A_498 = arith.index_cast %add3A_497 : i32 to index
    %swap3A_499 = tpu.vector_load %arg9[%swap3A_498] {strides = array<i32>} : memref<4160xi32, #tpu.memory_space<vmem>>, vector<16xi32>,
    tpu.vector_store %arg9[%swap3A_498], %broadcast_in_dim3A_14 {strides = array<i32>} : memref<4160xi32, #tpu.memory_space<vmem>>, vector<16xi32>,
    %add3A_500 = arith.constant 960 : i32
    %add3A_501 = arith.addi %scan3A_12#0, %add3A_500 : i32
    %swap3A_502 = arith.index_cast %add3A_501 : i32 to index
    %swap3A_503 = tpu.vector_load %arg10[%swap3A_502] {strides = array<i32>} : memref<4160xi32, #tpu.memory_space<vmem>>, vector<16xi32>,
    tpu.vector_store %arg10[%swap3A_502], %broadcast_in_dim3A_16 {strides = array<i32>} : memref<4160xi32, #tpu.memory_space<vmem>>, vector<16xi32>,
    %add3A_504 = arith.constant 976 : i32
    %add3A_505 = arith.addi %scan3A_12#0, %add3A_504 : i32
    %swap3A_506 = arith.index_cast %add3A_505 : i32 to index
    %swap3A_507 = tpu.vector_load %arg9[%swap3A_506] {strides = array<i32>} : memref<4160xi32, #tpu.memory_space<vmem>>, vector<16xi32>,
    tpu.vector_store %arg9[%swap3A_506], %broadcast_in_dim3A_14 {strides = array<i32>} : memref<4160xi32, #tpu.memory_space<vmem>>, vector<16xi32>,
    %add3A_508 = arith.constant 976 : i32
    %add3A_509 = arith.addi %scan3A_12#0, %add3A_508 : i32
    %swap3A_510 = arith.index_cast %add3A_509 : i32 to index
    %swap3A_511 = tpu.vector_load %arg10[%swap3A_510] {strides = array<i32>} : memref<4160xi32, #tpu.memory_space<vmem>>, vector<16xi32>,
    tpu.vector_store %arg10[%swap3A_510], %broadcast_in_dim3A_16 {strides = array<i32>} : memref<4160xi32, #tpu.memory_space<vmem>>, vector<16xi32>,
    %add3A_512 = arith.constant 992 : i32
    %add3A_513 = arith.addi %scan3A_12#0, %add3A_512 : i32
    %swap3A_514 = arith.index_cast %add3A_513 : i32 to index
    %swap3A_515 = tpu.vector_load %arg9[%swap3A_514] {strides = array<i32>} : memref<4160xi32, #tpu.memory_space<vmem>>, vector<16xi32>,
    tpu.vector_store %arg9[%swap3A_514], %broadcast_in_dim3A_14 {strides = array<i32>} : memref<4160xi32, #tpu.memory_space<vmem>>, vector<16xi32>,
    %add3A_516 = arith.constant 992 : i32
    %add3A_517 = arith.addi %scan3A_12#0, %add3A_516 : i32
    %swap3A_518 = arith.index_cast %add3A_517 : i32 to index
    %swap3A_519 = tpu.vector_load %arg10[%swap3A_518] {strides = array<i32>} : memref<4160xi32, #tpu.memory_space<vmem>>, vector<16xi32>,
    tpu.vector_store %arg10[%swap3A_518], %broadcast_in_dim3A_16 {strides = array<i32>} : memref<4160xi32, #tpu.memory_space<vmem>>, vector<16xi32>,
    %add3A_520 = arith.constant 1008 : i32
    %add3A_521 = arith.addi %scan3A_12#0, %add3A_520 : i32
    %swap3A_522 = arith.index_cast %add3A_521 : i32 to index
    %swap3A_523 = tpu.vector_load %arg9[%swap3A_522] {strides = array<i32>} : memref<4160xi32, #tpu.memory_space<vmem>>, vector<16xi32>,
    tpu.vector_store %arg9[%swap3A_522], %broadcast_in_dim3A_14 {strides = array<i32>} : memref<4160xi32, #tpu.memory_space<vmem>>, vector<16xi32>,
    %add3A_524 = arith.constant 1008 : i32
    %add3A_525 = arith.addi %scan3A_12#0, %add3A_524 : i32
    %swap3A_526 = arith.index_cast %add3A_525 : i32 to index
    %swap3A_527 = tpu.vector_load %arg10[%swap3A_526] {strides = array<i32>} : memref<4160xi32, #tpu.memory_space<vmem>>, vector<16xi32>,
    tpu.vector_store %arg10[%swap3A_526], %broadcast_in_dim3A_16 {strides = array<i32>} : memref<4160xi32, #tpu.memory_space<vmem>>, vector<16xi32>,
    %add3A_528 = arith.constant 1024 : i32
    %add3A_529 = arith.addi %scan3A_12#0, %add3A_528 : i32
    %swap3A_530 = arith.index_cast %add3A_529 : i32 to index
    %swap3A_531 = tpu.vector_load %arg9[%swap3A_530] {strides = array<i32>} : memref<4160xi32, #tpu.memory_space<vmem>>, vector<16xi32>,
    tpu.vector_store %arg9[%swap3A_530], %broadcast_in_dim3A_14 {strides = array<i32>} : memref<4160xi32, #tpu.memory_space<vmem>>, vector<16xi32>,
    %add3A_532 = arith.constant 1024 : i32
    %add3A_533 = arith.addi %scan3A_12#0, %add3A_532 : i32
    %swap3A_534 = arith.index_cast %add3A_533 : i32 to index
    %swap3A_535 = tpu.vector_load %arg10[%swap3A_534] {strides = array<i32>} : memref<4160xi32, #tpu.memory_space<vmem>>, vector<16xi32>,
    tpu.vector_store %arg10[%swap3A_534], %broadcast_in_dim3A_16 {strides = array<i32>} : memref<4160xi32, #tpu.memory_space<vmem>>, vector<16xi32>,
    %add3A_536 = arith.addi %mul3A_6, %scan3A_12#1 : i32
    %multiple_of3A = tpu.assume_multiple %add3A_536, 128 : i32
    "tpu.region"() ({
      %run_scoped3A = tpu.sem_alloc : memref<!tpu.dma_semaphore, #tpu.memory_space<semaphore_mem>>
      %dma_start3A = arith.constant 0 : i32
      %dma_start3A_591 = tpu.memref_slice %arg9[%dma_start3A] : memref<4160xi32, #tpu.memory_space<vmem>> -> memref<3072xi32, #tpu.memory_space<vmem>>
      %dma_start3A_592 = tpu.memref_slice %arg4[%multiple_of3A] : memref<10338304xi32, #tpu.memory_space<hbm>> -> memref<3072xi32, #tpu.memory_space<hbm>>
      %dma_start3A_593 = tpu.memref_slice %arg4[%multiple_of3A] : memref<10338304xi32, #tpu.memory_space<hbm>> -> memref<3072xi32, #tpu.memory_space<hbm>>
      %dma_start3A_594 = arith.constant 0 : i32
      %dma_start3A_595 = tpu.memref_slice %arg9[%dma_start3A_594] : memref<4160xi32, #tpu.memory_space<vmem>> -> memref<3072xi32, #tpu.memory_space<vmem>>
      tpu.enqueue_dma source(%dma_start3A_595 : memref<3072xi32, #tpu.memory_space<vmem>>) target(%dma_start3A_593 : memref<3072xi32, #tpu.memory_space<hbm>>) target_semaphore(%run_scoped3A : memref<!tpu.dma_semaphore, #tpu.memory_space<semaphore_mem>>)
      %dma_wait3A = arith.constant 0 : i32
      %dma_wait3A_596 = tpu.memref_slice %arg9[%dma_wait3A] : memref<4160xi32, #tpu.memory_space<vmem>> -> memref<3072xi32, #tpu.memory_space<vmem>>
      %dma_wait3A_597 = tpu.memref_slice %arg4[%multiple_of3A] : memref<10338304xi32, #tpu.memory_space<hbm>> -> memref<3072xi32, #tpu.memory_space<hbm>>
      %dma_wait3A_598 = tpu.memref_slice %arg4[%multiple_of3A] : memref<10338304xi32, #tpu.memory_space<hbm>> -> memref<3072xi32, #tpu.memory_space<hbm>>
      %dma_wait3A_599 = arith.constant 0 : i32
      %dma_wait3A_600 = tpu.memref_slice %arg9[%dma_wait3A_599] : memref<4160xi32, #tpu.memory_space<vmem>> -> memref<3072xi32, #tpu.memory_space<vmem>>
      tpu.wait_dma2 semaphore(%run_scoped3A : memref<!tpu.dma_semaphore, #tpu.memory_space<semaphore_mem>>) src(%dma_wait3A_600 : memref<3072xi32, #tpu.memory_space<vmem>>) dst(%dma_wait3A_598 : memref<3072xi32, #tpu.memory_space<hbm>>)
      tpu.yield
    }) : () -> ()
    "tpu.region"() ({
      %run_scoped3A = tpu.sem_alloc : memref<!tpu.dma_semaphore, #tpu.memory_space<semaphore_mem>>
      %dma_start3A = arith.constant 0 : i32
      %dma_start3A_591 = tpu.memref_slice %arg10[%dma_start3A] : memref<4160xi32, #tpu.memory_space<vmem>> -> memref<3072xi32, #tpu.memory_space<vmem>>
      %dma_start3A_592 = tpu.memref_slice %arg5[%multiple_of3A] : memref<10338304xi32, #tpu.memory_space<hbm>> -> memref<3072xi32, #tpu.memory_space<hbm>>
      %dma_start3A_593 = tpu.memref_slice %arg5[%multiple_of3A] : memref<10338304xi32, #tpu.memory_space<hbm>> -> memref<3072xi32, #tpu.memory_space<hbm>>
      %dma_start3A_594 = arith.constant 0 : i32
      %dma_start3A_595 = tpu.memref_slice %arg10[%dma_start3A_594] : memref<4160xi32, #tpu.memory_space<vmem>> -> memref<3072xi32, #tpu.memory_space<vmem>>
      tpu.enqueue_dma source(%dma_start3A_595 : memref<3072xi32, #tpu.memory_space<vmem>>) target(%dma_start3A_593 : memref<3072xi32, #tpu.memory_space<hbm>>) target_semaphore(%run_scoped3A : memref<!tpu.dma_semaphore, #tpu.memory_space<semaphore_mem>>)
      %dma_wait3A = arith.constant 0 : i32
      %dma_wait3A_596 = tpu.memref_slice %arg10[%dma_wait3A] : memref<4160xi32, #tpu.memory_space<vmem>> -> memref<3072xi32, #tpu.memory_space<vmem>>
      %dma_wait3A_597 = tpu.memref_slice %arg5[%multiple_of3A] : memref<10338304xi32, #tpu.memory_space<hbm>> -> memref<3072xi32, #tpu.memory_space<hbm>>
      %dma_wait3A_598 = tpu.memref_slice %arg5[%multiple_of3A] : memref<10338304xi32, #tpu.memory_space<hbm>> -> memref<3072xi32, #tpu.memory_space<hbm>>
      %dma_wait3A_599 = arith.constant 0 : i32
      %dma_wait3A_600 = tpu.memref_slice %arg10[%dma_wait3A_599] : memref<4160xi32, #tpu.memory_space<vmem>> -> memref<3072xi32, #tpu.memory_space<vmem>>
      tpu.wait_dma2 semaphore(%run_scoped3A : memref<!tpu.dma_semaphore, #tpu.memory_space<semaphore_mem>>) src(%dma_wait3A_600 : memref<3072xi32, #tpu.memory_space<vmem>>) dst(%dma_wait3A_598 : memref<3072xi32, #tpu.memory_space<hbm>>)
      tpu.yield
    }) : () -> ()
    %jit3A = arith.constant 128 : i32
    %div3A = arith.divsi %scan3A_12#1, %jit3A : i32
    %sign3A = arith.constant 0 : i32
    %sign3A_537 = arith.cmpi sgt, %scan3A_12#1, %sign3A : i32
    %sign3A_538 = arith.extui %sign3A_537 : i1 to i32
    %sign3A_539 = arith.constant 0 : i32
    %sign3A_540 = arith.cmpi slt, %scan3A_12#1, %sign3A_539 : i32
    %sign3A_541 = arith.extui %sign3A_540 : i1 to i32
    %sign3A_542 = arith.subi %sign3A_538, %sign3A_541 : i32
    %sign3A_543 = arith.constant 0 : i32
    %sign3A_544 = arith.cmpi sgt, %jit3A, %sign3A_543 : i32
    %sign3A_545 = arith.extui %sign3A_544 : i1 to i32
    %sign3A_546 = arith.constant 0 : i32
    %sign3A_547 = arith.cmpi slt, %jit3A, %sign3A_546 : i32
    %sign3A_548 = arith.extui %sign3A_547 : i1 to i32
    %sign3A_549 = arith.subi %sign3A_545, %sign3A_548 : i32
    %ne3A = arith.cmpi ne, %sign3A_542, %sign3A_549 : i32
    %rem3A = arith.remsi %scan3A_12#1, %jit3A : i32
    %ne3A_550 = arith.constant 0 : i32
    %ne3A_551 = arith.cmpi ne, %rem3A, %ne3A_550 : i32
    %and3A = arith.andi %ne3A, %ne3A_551 : i1
    %sub3A = arith.constant 1 : i32
    %sub3A_552 = arith.subi %div3A, %sub3A : i32
    %select_n3A = arith.select %and3A, %sub3A_552, %div3A : i32
    %add3A_553 = arith.constant 128 : i32
    %add3A_554 = arith.addi %scan3A_12#0, %add3A_553 : i32
    %sub3A_555 = arith.constant 1 : i32
    %sub3A_556 = arith.subi %add3A_554, %sub3A_555 : i32
    %jit3A_557 = arith.constant 128 : i32
    %div3A_558 = arith.divsi %sub3A_556, %jit3A_557 : i32
    %sign3A_559 = arith.constant 0 : i32
    %sign3A_560 = arith.cmpi sgt, %sub3A_556, %sign3A_559 : i32
    %sign3A_561 = arith.extui %sign3A_560 : i1 to i32
    %sign3A_562 = arith.constant 0 : i32
    %sign3A_563 = arith.cmpi slt, %sub3A_556, %sign3A_562 : i32
    %sign3A_564 = arith.extui %sign3A_563 : i1 to i32
    %sign3A_565 = arith.subi %sign3A_561, %sign3A_564 : i32
    %sign3A_566 = arith.constant 0 : i32
    %sign3A_567 = arith.cmpi sgt, %jit3A_557, %sign3A_566 : i32
    %sign3A_568 = arith.extui %sign3A_567 : i1 to i32
    %sign3A_569 = arith.constant 0 : i32
    %sign3A_570 = arith.cmpi slt, %jit3A_557, %sign3A_569 : i32
    %sign3A_571 = arith.extui %sign3A_570 : i1 to i32
    %sign3A_572 = arith.subi %sign3A_568, %sign3A_571 : i32
    %ne3A_573 = arith.cmpi ne, %sign3A_565, %sign3A_572 : i32
    %rem3A_574 = arith.remsi %sub3A_556, %jit3A_557 : i32
    %ne3A_575 = arith.constant 0 : i32
    %ne3A_576 = arith.cmpi ne, %rem3A_574, %ne3A_575 : i32
    %and3A_577 = arith.andi %ne3A_573, %ne3A_576 : i1
    %sub3A_578 = arith.constant 1 : i32
    %sub3A_579 = arith.subi %div3A_558, %sub3A_578 : i32
    %select_n3A_580 = arith.select %and3A_577, %sub3A_579, %div3A_558 : i32
    %add3A_581 = arith.addi %select_n3A, %select_n3A_580 : i32
    %broadcast_in_dim3A_582 = arith.constant 1 : i32
    %broadcast_in_dim3A_583 = vector.broadcast %broadcast_in_dim3A_582 : i32 to vector<16xi32>
    %mul3A_584 = vector.broadcast %add3A_581 : i32 to vector<16xi32>
    %mul3A_585 = arith.muli %broadcast_in_dim3A_583, %mul3A_584 : vector<16xi32>
    %swap3A_586 = arith.constant 0 : index
    %swap3A_587 = tpu.vector_load %arg11[%swap3A_586] {strides = array<i32>} : memref<16xi32, #tpu.memory_space<vmem>>, vector<16xi32>,
    tpu.vector_store %arg11[%swap3A_586], %mul3A_585 {strides = array<i32>} : memref<16xi32, #tpu.memory_space<vmem>>, vector<16xi32>,
    %mul3A_588 = arith.constant 16 : i32
    %mul3A_589 = arith.muli %add3A, %mul3A_588 : i32
    %multiple_of3A_590 = tpu.assume_multiple %mul3A_589, 16 : i32
    "tpu.region"() ({
      %run_scoped3A = tpu.sem_alloc : memref<!tpu.dma_semaphore, #tpu.memory_space<semaphore_mem>>
      %dma_start3A = tpu.memref_slice %arg6[%multiple_of3A_590] : memref<512xi32, #tpu.memory_space<hbm>> -> memref<16xi32, #tpu.memory_space<hbm>>
      %dma_start3A_591 = tpu.memref_slice %arg6[%multiple_of3A_590] : memref<512xi32, #tpu.memory_space<hbm>> -> memref<16xi32, #tpu.memory_space<hbm>>
      tpu.enqueue_dma source(%arg11 : memref<16xi32, #tpu.memory_space<vmem>>) target(%dma_start3A_591 : memref<16xi32, #tpu.memory_space<hbm>>) target_semaphore(%run_scoped3A : memref<!tpu.dma_semaphore, #tpu.memory_space<semaphore_mem>>)
      %dma_wait3A = tpu.memref_slice %arg6[%multiple_of3A_590] : memref<512xi32, #tpu.memory_space<hbm>> -> memref<16xi32, #tpu.memory_space<hbm>>
      %dma_wait3A_592 = tpu.memref_slice %arg6[%multiple_of3A_590] : memref<512xi32, #tpu.memory_space<hbm>> -> memref<16xi32, #tpu.memory_space<hbm>>
      tpu.wait_dma2 semaphore(%run_scoped3A : memref<!tpu.dma_semaphore, #tpu.memory_space<semaphore_mem>>) src(%arg11 : memref<16xi32, #tpu.memory_space<vmem>>) dst(%dma_wait3A_592 : memref<16xi32, #tpu.memory_space<hbm>>)
      tpu.yield
    }) : () -> ()
    return
  }
}

#map = affine_map<(d0, d1) -> (0, 0)>
#map1 = affine_map<(d0, d1) -> (0)>
module attributes {stable_mosaic.version = 14 : i64} {
  func.func @body(%arg0: i32, %arg1: i32, %arg2: memref<10000x128xf32, #tpu.memory_space<hbm>>, %arg3: memref<10338304xi32, #tpu.memory_space<hbm>>, %arg4: memref<10338304xi32, #tpu.memory_space<hbm>>, %arg5: memref<512xi32, #tpu.memory_space<hbm>>, %arg6: memref<10240x128xf32, #tpu.memory_space<hbm>>, %arg7: memref<10240x128xf32, #tpu.memory_space<hbm>>, %arg8: memref<16xi32, #tpu.memory_space<vmem>>, %arg9: memref<2x128xi32, #tpu.memory_space<vmem>>, %arg10: memref<2x128xi32, #tpu.memory_space<vmem>>, %arg11: memref<2x128x128xf32, #tpu.memory_space<vmem>>, %arg12: memref<10240x128xf32, #tpu.memory_space<vmem_shared>>, %arg13: memref<!tpu.dma_semaphore, #tpu.memory_space<semaphore_mem>>) attributes {dimension_semantics = [#tpu.dimension_semantics<core_parallel>, #tpu.dimension_semantics<subcore_parallel>], iteration_bounds = array<i64: 2, 16>, scalar_prefetch = 0 : i64, scratch_operands = 6 : i64, tpu.core_type = #tpu.core_type<sc_vector_subcore>, window_params = [{transform_indices = #map}, {transform_indices = #map1}, {transform_indices = #map1}, {transform_indices = #map1}, {transform_indices = #map}, {transform_indices = #map}]} {
    %mul3A = arith.constant 16 : i32
    %mul3A_0 = arith.muli %arg0, %mul3A : i32
    %add3A = arith.addi %mul3A_0, %arg1 : i32
    %mul3A_1 = arith.constant 323072 : i32
    %mul3A_2 = arith.muli %add3A, %mul3A_1 : i32
    %mul3A_3 = arith.constant 320 : i32
    %mul3A_4 = arith.muli %add3A, %mul3A_3 : i32
    %multiple_of3A = tpu.assume_multiple %mul3A_4, 8 : i32
    %multiple_of3A_5 = tpu.assume_multiple %mul3A_4, 8 : i32
    "tpu.region"() ({
      %run_scoped3A = tpu.sem_alloc : memref<!tpu.dma_semaphore, #tpu.memory_space<semaphore_mem>>
      %dma_start3A = arith.constant 0 : i32
      %dma_start3A_23 = tpu.memref_slice %arg12[%multiple_of3A_5, %dma_start3A] : memref<10240x128xf32, #tpu.memory_space<vmem_shared>> -> memref<320x128xf32, #tpu.memory_space<vmem_shared>>
      %dma_start3A_24 = arith.constant 0 : i32
      %dma_start3A_25 = tpu.memref_slice %arg6[%multiple_of3A, %dma_start3A_24] : memref<10240x128xf32, #tpu.memory_space<hbm>> -> memref<320x128xf32, #tpu.memory_space<hbm>>
      tpu.enqueue_dma source(%dma_start3A_25 : memref<320x128xf32, #tpu.memory_space<hbm>>) target(%dma_start3A_23 : memref<320x128xf32, #tpu.memory_space<vmem_shared>>) target_semaphore(%run_scoped3A : memref<!tpu.dma_semaphore, #tpu.memory_space<semaphore_mem>>)
      %dma_wait3A = arith.constant 0 : i32
      %dma_wait3A_26 = tpu.memref_slice %arg12[%multiple_of3A_5, %dma_wait3A] : memref<10240x128xf32, #tpu.memory_space<vmem_shared>> -> memref<320x128xf32, #tpu.memory_space<vmem_shared>>
      %dma_wait3A_27 = arith.constant 0 : i32
      %dma_wait3A_28 = tpu.memref_slice %arg6[%multiple_of3A, %dma_wait3A_27] : memref<10240x128xf32, #tpu.memory_space<hbm>> -> memref<320x128xf32, #tpu.memory_space<hbm>>
      tpu.wait_dma2 semaphore(%run_scoped3A : memref<!tpu.dma_semaphore, #tpu.memory_space<semaphore_mem>>) src(%dma_wait3A_28 : memref<320x128xf32, #tpu.memory_space<hbm>>) dst(%dma_wait3A_26 : memref<320x128xf32, #tpu.memory_space<vmem_shared>>)
      tpu.yield
    }) : () -> ()
    %mul3A_6 = arith.constant 16 : i32
    %mul3A_7 = arith.muli %add3A, %mul3A_6 : i32
    %multiple_of3A_8 = tpu.assume_multiple %mul3A_7, 16 : i32
    "tpu.region"() ({
      %run_scoped3A = tpu.sem_alloc : memref<!tpu.dma_semaphore, #tpu.memory_space<semaphore_mem>>
      %dma_start3A = tpu.memref_slice %arg5[%multiple_of3A_8] : memref<512xi32, #tpu.memory_space<hbm>> -> memref<16xi32, #tpu.memory_space<hbm>>
      %dma_start3A_23 = tpu.memref_slice %arg5[%multiple_of3A_8] : memref<512xi32, #tpu.memory_space<hbm>> -> memref<16xi32, #tpu.memory_space<hbm>>
      tpu.enqueue_dma source(%dma_start3A_23 : memref<16xi32, #tpu.memory_space<hbm>>) target(%arg8 : memref<16xi32, #tpu.memory_space<vmem>>) target_semaphore(%run_scoped3A : memref<!tpu.dma_semaphore, #tpu.memory_space<semaphore_mem>>)
      %dma_wait3A = tpu.memref_slice %arg5[%multiple_of3A_8] : memref<512xi32, #tpu.memory_space<hbm>> -> memref<16xi32, #tpu.memory_space<hbm>>
      %dma_wait3A_24 = tpu.memref_slice %arg5[%multiple_of3A_8] : memref<512xi32, #tpu.memory_space<hbm>> -> memref<16xi32, #tpu.memory_space<hbm>>
      tpu.wait_dma2 semaphore(%run_scoped3A : memref<!tpu.dma_semaphore, #tpu.memory_space<semaphore_mem>>) src(%dma_wait3A_24 : memref<16xi32, #tpu.memory_space<hbm>>) dst(%arg8 : memref<16xi32, #tpu.memory_space<vmem>>)
      tpu.yield
    }) : () -> ()
    %get3A = arith.constant 0 : index
    %get3A_9 = tpu.vector_load %arg8[%get3A] {strides = array<i32>} : memref<16xi32, #tpu.memory_space<vmem>>, vector<16xi32>,
    %slice3A = vector.extract_strided_slice %get3A_9 {offsets = [0], sizes = [1], strides = [1]} : vector<16xi32> to vector<1xi32>
    %squeeze3A = vector.extract %slice3A[0] : i32 from vector<1xi32>
    %gt3A = arith.constant 0 : i32
    %gt3A_10 = arith.cmpi sgt, %squeeze3A, %gt3A : i32
    %convert_element_type3A = arith.extui %gt3A_10 : i1 to i32
    %cond3A = arith.constant 0 : i32
    %cond3A_11 = arith.cmpi ne, %convert_element_type3A, %cond3A : i32
    scf.if %cond3A_11 {
      %mul3A_23 = arith.constant 0 : i32
      %mul3A_24 = arith.constant 128 : i32
      %mul3A_25 = arith.muli %mul3A_23, %mul3A_24 : i32
      %add3A_26 = arith.addi %mul3A_2, %mul3A_25 : i32
      %multiple_of3A_27 = tpu.assume_multiple %add3A_26, 128 : i32
      %run_scoped3A = arith.constant 0 : i32
      "tpu.region"() ({
        %run_scoped3A_40 = tpu.sem_alloc : memref<!tpu.dma_semaphore, #tpu.memory_space<semaphore_mem>>
        %dma_start3A_41 = arith.constant 0 : i32
        %dma_start3A_42 = tpu.memref_slice %arg9[%run_scoped3A, %dma_start3A_41] : memref<2x128xi32, #tpu.memory_space<vmem>> -> memref<1x128xi32, #tpu.memory_space<vmem>>
        %dma_start3A_43 = tpu.memref_squeeze %dma_start3A_42 : memref<1x128xi32, #tpu.memory_space<vmem>> -> memref<128xi32, #tpu.memory_space<vmem>>
        %dma_start3A_44 = tpu.memref_slice %arg3[%multiple_of3A_27] : memref<10338304xi32, #tpu.memory_space<hbm>> -> memref<128xi32, #tpu.memory_space<hbm>>
        %dma_start3A_45 = arith.constant 0 : i32
        %dma_start3A_46 = tpu.memref_slice %arg9[%run_scoped3A, %dma_start3A_45] : memref<2x128xi32, #tpu.memory_space<vmem>> -> memref<1x128xi32, #tpu.memory_space<vmem>>
        %dma_start3A_47 = tpu.memref_squeeze %dma_start3A_46 : memref<1x128xi32, #tpu.memory_space<vmem>> -> memref<128xi32, #tpu.memory_space<vmem>>
        %dma_start3A_48 = tpu.memref_slice %arg3[%multiple_of3A_27] : memref<10338304xi32, #tpu.memory_space<hbm>> -> memref<128xi32, #tpu.memory_space<hbm>>
        tpu.enqueue_dma source(%dma_start3A_48 : memref<128xi32, #tpu.memory_space<hbm>>) target(%dma_start3A_47 : memref<128xi32, #tpu.memory_space<vmem>>) target_semaphore(%run_scoped3A_40 : memref<!tpu.dma_semaphore, #tpu.memory_space<semaphore_mem>>)
        %dma_wait3A = arith.constant 0 : i32
        %dma_wait3A_49 = tpu.memref_slice %arg9[%run_scoped3A, %dma_wait3A] : memref<2x128xi32, #tpu.memory_space<vmem>> -> memref<1x128xi32, #tpu.memory_space<vmem>>
        %dma_wait3A_50 = tpu.memref_squeeze %dma_wait3A_49 : memref<1x128xi32, #tpu.memory_space<vmem>> -> memref<128xi32, #tpu.memory_space<vmem>>
        %dma_wait3A_51 = tpu.memref_slice %arg3[%multiple_of3A_27] : memref<10338304xi32, #tpu.memory_space<hbm>> -> memref<128xi32, #tpu.memory_space<hbm>>
        %dma_wait3A_52 = arith.constant 0 : i32
        %dma_wait3A_53 = tpu.memref_slice %arg9[%run_scoped3A, %dma_wait3A_52] : memref<2x128xi32, #tpu.memory_space<vmem>> -> memref<1x128xi32, #tpu.memory_space<vmem>>
        %dma_wait3A_54 = tpu.memref_squeeze %dma_wait3A_53 : memref<1x128xi32, #tpu.memory_space<vmem>> -> memref<128xi32, #tpu.memory_space<vmem>>
        %dma_wait3A_55 = tpu.memref_slice %arg3[%multiple_of3A_27] : memref<10338304xi32, #tpu.memory_space<hbm>> -> memref<128xi32, #tpu.memory_space<hbm>>
        tpu.wait_dma2 semaphore(%run_scoped3A_40 : memref<!tpu.dma_semaphore, #tpu.memory_space<semaphore_mem>>) src(%dma_wait3A_55 : memref<128xi32, #tpu.memory_space<hbm>>) dst(%dma_wait3A_54 : memref<128xi32, #tpu.memory_space<vmem>>)
        tpu.yield
      }) : () -> ()
      %run_scoped3A_28 = arith.constant 0 : i32
      "tpu.region"() ({
        %run_scoped3A_40 = tpu.sem_alloc : memref<!tpu.dma_semaphore, #tpu.memory_space<semaphore_mem>>
        %dma_start3A_41 = arith.constant 0 : i32
        %dma_start3A_42 = tpu.memref_slice %arg10[%run_scoped3A_28, %dma_start3A_41] : memref<2x128xi32, #tpu.memory_space<vmem>> -> memref<1x128xi32, #tpu.memory_space<vmem>>
        %dma_start3A_43 = tpu.memref_squeeze %dma_start3A_42 : memref<1x128xi32, #tpu.memory_space<vmem>> -> memref<128xi32, #tpu.memory_space<vmem>>
        %dma_start3A_44 = tpu.memref_slice %arg4[%multiple_of3A_27] : memref<10338304xi32, #tpu.memory_space<hbm>> -> memref<128xi32, #tpu.memory_space<hbm>>
        %dma_start3A_45 = arith.constant 0 : i32
        %dma_start3A_46 = tpu.memref_slice %arg10[%run_scoped3A_28, %dma_start3A_45] : memref<2x128xi32, #tpu.memory_space<vmem>> -> memref<1x128xi32, #tpu.memory_space<vmem>>
        %dma_start3A_47 = tpu.memref_squeeze %dma_start3A_46 : memref<1x128xi32, #tpu.memory_space<vmem>> -> memref<128xi32, #tpu.memory_space<vmem>>
        %dma_start3A_48 = tpu.memref_slice %arg4[%multiple_of3A_27] : memref<10338304xi32, #tpu.memory_space<hbm>> -> memref<128xi32, #tpu.memory_space<hbm>>
        tpu.enqueue_dma source(%dma_start3A_48 : memref<128xi32, #tpu.memory_space<hbm>>) target(%dma_start3A_47 : memref<128xi32, #tpu.memory_space<vmem>>) target_semaphore(%run_scoped3A_40 : memref<!tpu.dma_semaphore, #tpu.memory_space<semaphore_mem>>)
        %dma_wait3A = arith.constant 0 : i32
        %dma_wait3A_49 = tpu.memref_slice %arg10[%run_scoped3A_28, %dma_wait3A] : memref<2x128xi32, #tpu.memory_space<vmem>> -> memref<1x128xi32, #tpu.memory_space<vmem>>
        %dma_wait3A_50 = tpu.memref_squeeze %dma_wait3A_49 : memref<1x128xi32, #tpu.memory_space<vmem>> -> memref<128xi32, #tpu.memory_space<vmem>>
        %dma_wait3A_51 = tpu.memref_slice %arg4[%multiple_of3A_27] : memref<10338304xi32, #tpu.memory_space<hbm>> -> memref<128xi32, #tpu.memory_space<hbm>>
        %dma_wait3A_52 = arith.constant 0 : i32
        %dma_wait3A_53 = tpu.memref_slice %arg10[%run_scoped3A_28, %dma_wait3A_52] : memref<2x128xi32, #tpu.memory_space<vmem>> -> memref<1x128xi32, #tpu.memory_space<vmem>>
        %dma_wait3A_54 = tpu.memref_squeeze %dma_wait3A_53 : memref<1x128xi32, #tpu.memory_space<vmem>> -> memref<128xi32, #tpu.memory_space<vmem>>
        %dma_wait3A_55 = tpu.memref_slice %arg4[%multiple_of3A_27] : memref<10338304xi32, #tpu.memory_space<hbm>> -> memref<128xi32, #tpu.memory_space<hbm>>
        tpu.wait_dma2 semaphore(%run_scoped3A_40 : memref<!tpu.dma_semaphore, #tpu.memory_space<semaphore_mem>>) src(%dma_wait3A_55 : memref<128xi32, #tpu.memory_space<hbm>>) dst(%dma_wait3A_54 : memref<128xi32, #tpu.memory_space<vmem>>)
        tpu.yield
      }) : () -> ()
      %dma_start3A = arith.constant 0 : i32
      %dma_start3A_29 = arith.constant 0 : i32
      %dma_start3A_30 = arith.constant 0 : i32
      %dma_start3A_31 = arith.constant 0 : i32
      %dma_start3A_32 = tpu.memref_slice %arg11[%dma_start3A_29, %dma_start3A_30, %dma_start3A_31] : memref<2x128x128xf32, #tpu.memory_space<vmem>> -> memref<1x128x128xf32, #tpu.memory_space<vmem>>
      %dma_start3A_33 = tpu.memref_squeeze %dma_start3A_32 : memref<1x128x128xf32, #tpu.memory_space<vmem>> -> memref<128x128xf32, #tpu.memory_space<vmem>>
      %dma_start3A_34 = arith.constant 0 : i32
      %dma_start3A_35 = tpu.memref_slice %arg9[%dma_start3A, %dma_start3A_34] : memref<2x128xi32, #tpu.memory_space<vmem>> -> memref<1x128xi32, #tpu.memory_space<vmem>>
      %dma_start3A_36 = tpu.memref_squeeze %dma_start3A_35 : memref<1x128xi32, #tpu.memory_space<vmem>> -> memref<128xi32, #tpu.memory_space<vmem>>
      %dma_start3A_37 = arith.constant 0 : i32
      %dma_start3A_38 = arith.constant 0 : i32
      %dma_start3A_39 = tpu.memref_slice %arg2[%dma_start3A_37, %dma_start3A_38] : memref<10000x128xf32, #tpu.memory_space<hbm>> -> memref<10000x128xf32, #tpu.memory_space<hbm>>
      tpu.enqueue_indirect_dma source(%dma_start3A_39 : memref<10000x128xf32, #tpu.memory_space<hbm>>) target(%dma_start3A_33 : memref<128x128xf32, #tpu.memory_space<vmem>>) offsets(%dma_start3A_36 : memref<128xi32, #tpu.memory_space<vmem>>) semaphore(%arg13 : memref<!tpu.dma_semaphore, #tpu.memory_space<semaphore_mem>>)
    } else {
    }
    %while3A = arith.constant 0 : i32
    %while3A_12 = arith.constant 0 : i32
    %while3A_13 = arith.subi %squeeze3A, %while3A_12 : i32
    %while3A_14 = arith.addi %while3A_12, %while3A_13 : i32
    %while3A_15 = arith.constant 1 : i32
    %while3A_16 = arith.divsi %while3A_13, %while3A_15 : i32
    %while3A_17 = arith.muli %while3A_16, %while3A_15 : i32
    %while3A_18 = arith.addi %while3A_12, %while3A_17 : i32
    %while3A_19 = arith.constant 1 : i32
    scf.for %while3A_23 = %while3A_12 to %while3A_18 step %while3A_19  : i32 {
      %jit3A = arith.constant 2 : i32
      %eq3A = arith.constant 0 : i32
      %eq3A_24 = arith.cmpi eq, %jit3A, %eq3A : i32
      %jit3A_25 = arith.constant 1 : i32
      %select_n3A = arith.select %eq3A_24, %jit3A_25, %jit3A : i32
      %rem3A = arith.remsi %while3A_23, %select_n3A : i32
      %ne3A = arith.constant 0 : i32
      %ne3A_26 = arith.cmpi ne, %rem3A, %ne3A : i32
      %lt3A = arith.constant 0 : i32
      %lt3A_27 = arith.cmpi slt, %rem3A, %lt3A : i32
      %lt3A_28 = arith.constant 0 : i32
      %lt3A_29 = arith.cmpi slt, %select_n3A, %lt3A_28 : i32
      %ne3A_30 = arith.xori %lt3A_27, %lt3A_29 : i1
      %and3A = arith.andi %ne3A_30, %ne3A_26 : i1
      %add3A_31 = arith.addi %rem3A, %select_n3A : i32
      %select_n3A_32 = arith.select %and3A, %add3A_31, %rem3A : i32
      %add3A_33 = arith.constant 1 : i32
      %add3A_34 = arith.addi %while3A_23, %add3A_33 : i32
      %lt3A_35 = arith.cmpi slt, %add3A_34, %squeeze3A : i32
      %convert_element_type3A_36 = arith.extui %lt3A_35 : i1 to i32
      %cond3A_37 = arith.constant 0 : i32
      %cond3A_38 = arith.cmpi ne, %convert_element_type3A_36, %cond3A_37 : i32
      scf.if %cond3A_38 {
        %add3A_52 = arith.constant 1 : i32
        %add3A_53 = arith.addi %while3A_23, %add3A_52 : i32
        %sub3A = arith.constant 1 : i32
        %sub3A_54 = arith.subi %sub3A, %select_n3A_32 : i32
        %mul3A_55 = arith.constant 128 : i32
        %mul3A_56 = arith.muli %add3A_53, %mul3A_55 : i32
        %add3A_57 = arith.addi %mul3A_2, %mul3A_56 : i32
        %multiple_of3A_58 = tpu.assume_multiple %add3A_57, 128 : i32
        "tpu.region"() ({
          %run_scoped3A = tpu.sem_alloc : memref<!tpu.dma_semaphore, #tpu.memory_space<semaphore_mem>>
          %dma_start3A_68 = arith.constant 0 : i32
          %dma_start3A_69 = tpu.memref_slice %arg9[%sub3A_54, %dma_start3A_68] : memref<2x128xi32, #tpu.memory_space<vmem>> -> memref<1x128xi32, #tpu.memory_space<vmem>>
          %dma_start3A_70 = tpu.memref_squeeze %dma_start3A_69 : memref<1x128xi32, #tpu.memory_space<vmem>> -> memref<128xi32, #tpu.memory_space<vmem>>
          %dma_start3A_71 = tpu.memref_slice %arg3[%multiple_of3A_58] : memref<10338304xi32, #tpu.memory_space<hbm>> -> memref<128xi32, #tpu.memory_space<hbm>>
          %dma_start3A_72 = arith.constant 0 : i32
          %dma_start3A_73 = tpu.memref_slice %arg9[%sub3A_54, %dma_start3A_72] : memref<2x128xi32, #tpu.memory_space<vmem>> -> memref<1x128xi32, #tpu.memory_space<vmem>>
          %dma_start3A_74 = tpu.memref_squeeze %dma_start3A_73 : memref<1x128xi32, #tpu.memory_space<vmem>> -> memref<128xi32, #tpu.memory_space<vmem>>
          %dma_start3A_75 = tpu.memref_slice %arg3[%multiple_of3A_58] : memref<10338304xi32, #tpu.memory_space<hbm>> -> memref<128xi32, #tpu.memory_space<hbm>>
          tpu.enqueue_dma source(%dma_start3A_75 : memref<128xi32, #tpu.memory_space<hbm>>) target(%dma_start3A_74 : memref<128xi32, #tpu.memory_space<vmem>>) target_semaphore(%run_scoped3A : memref<!tpu.dma_semaphore, #tpu.memory_space<semaphore_mem>>)
          %dma_wait3A_76 = arith.constant 0 : i32
          %dma_wait3A_77 = tpu.memref_slice %arg9[%sub3A_54, %dma_wait3A_76] : memref<2x128xi32, #tpu.memory_space<vmem>> -> memref<1x128xi32, #tpu.memory_space<vmem>>
          %dma_wait3A_78 = tpu.memref_squeeze %dma_wait3A_77 : memref<1x128xi32, #tpu.memory_space<vmem>> -> memref<128xi32, #tpu.memory_space<vmem>>
          %dma_wait3A_79 = tpu.memref_slice %arg3[%multiple_of3A_58] : memref<10338304xi32, #tpu.memory_space<hbm>> -> memref<128xi32, #tpu.memory_space<hbm>>
          %dma_wait3A_80 = arith.constant 0 : i32
          %dma_wait3A_81 = tpu.memref_slice %arg9[%sub3A_54, %dma_wait3A_80] : memref<2x128xi32, #tpu.memory_space<vmem>> -> memref<1x128xi32, #tpu.memory_space<vmem>>
          %dma_wait3A_82 = tpu.memref_squeeze %dma_wait3A_81 : memref<1x128xi32, #tpu.memory_space<vmem>> -> memref<128xi32, #tpu.memory_space<vmem>>
          %dma_wait3A_83 = tpu.memref_slice %arg3[%multiple_of3A_58] : memref<10338304xi32, #tpu.memory_space<hbm>> -> memref<128xi32, #tpu.memory_space<hbm>>
          tpu.wait_dma2 semaphore(%run_scoped3A : memref<!tpu.dma_semaphore, #tpu.memory_space<semaphore_mem>>) src(%dma_wait3A_83 : memref<128xi32, #tpu.memory_space<hbm>>) dst(%dma_wait3A_82 : memref<128xi32, #tpu.memory_space<vmem>>)
          tpu.yield
        }) : () -> ()
        "tpu.region"() ({
          %run_scoped3A = tpu.sem_alloc : memref<!tpu.dma_semaphore, #tpu.memory_space<semaphore_mem>>
          %dma_start3A_68 = arith.constant 0 : i32
          %dma_start3A_69 = tpu.memref_slice %arg10[%sub3A_54, %dma_start3A_68] : memref<2x128xi32, #tpu.memory_space<vmem>> -> memref<1x128xi32, #tpu.memory_space<vmem>>
          %dma_start3A_70 = tpu.memref_squeeze %dma_start3A_69 : memref<1x128xi32, #tpu.memory_space<vmem>> -> memref<128xi32, #tpu.memory_space<vmem>>
          %dma_start3A_71 = tpu.memref_slice %arg4[%multiple_of3A_58] : memref<10338304xi32, #tpu.memory_space<hbm>> -> memref<128xi32, #tpu.memory_space<hbm>>
          %dma_start3A_72 = arith.constant 0 : i32
          %dma_start3A_73 = tpu.memref_slice %arg10[%sub3A_54, %dma_start3A_72] : memref<2x128xi32, #tpu.memory_space<vmem>> -> memref<1x128xi32, #tpu.memory_space<vmem>>
          %dma_start3A_74 = tpu.memref_squeeze %dma_start3A_73 : memref<1x128xi32, #tpu.memory_space<vmem>> -> memref<128xi32, #tpu.memory_space<vmem>>
          %dma_start3A_75 = tpu.memref_slice %arg4[%multiple_of3A_58] : memref<10338304xi32, #tpu.memory_space<hbm>> -> memref<128xi32, #tpu.memory_space<hbm>>
          tpu.enqueue_dma source(%dma_start3A_75 : memref<128xi32, #tpu.memory_space<hbm>>) target(%dma_start3A_74 : memref<128xi32, #tpu.memory_space<vmem>>) target_semaphore(%run_scoped3A : memref<!tpu.dma_semaphore, #tpu.memory_space<semaphore_mem>>)
          %dma_wait3A_76 = arith.constant 0 : i32
          %dma_wait3A_77 = tpu.memref_slice %arg10[%sub3A_54, %dma_wait3A_76] : memref<2x128xi32, #tpu.memory_space<vmem>> -> memref<1x128xi32, #tpu.memory_space<vmem>>
          %dma_wait3A_78 = tpu.memref_squeeze %dma_wait3A_77 : memref<1x128xi32, #tpu.memory_space<vmem>> -> memref<128xi32, #tpu.memory_space<vmem>>
          %dma_wait3A_79 = tpu.memref_slice %arg4[%multiple_of3A_58] : memref<10338304xi32, #tpu.memory_space<hbm>> -> memref<128xi32, #tpu.memory_space<hbm>>
          %dma_wait3A_80 = arith.constant 0 : i32
          %dma_wait3A_81 = tpu.memref_slice %arg10[%sub3A_54, %dma_wait3A_80] : memref<2x128xi32, #tpu.memory_space<vmem>> -> memref<1x128xi32, #tpu.memory_space<vmem>>
          %dma_wait3A_82 = tpu.memref_squeeze %dma_wait3A_81 : memref<1x128xi32, #tpu.memory_space<vmem>> -> memref<128xi32, #tpu.memory_space<vmem>>
          %dma_wait3A_83 = tpu.memref_slice %arg4[%multiple_of3A_58] : memref<10338304xi32, #tpu.memory_space<hbm>> -> memref<128xi32, #tpu.memory_space<hbm>>
          tpu.wait_dma2 semaphore(%run_scoped3A : memref<!tpu.dma_semaphore, #tpu.memory_space<semaphore_mem>>) src(%dma_wait3A_83 : memref<128xi32, #tpu.memory_space<hbm>>) dst(%dma_wait3A_82 : memref<128xi32, #tpu.memory_space<vmem>>)
          tpu.yield
        }) : () -> ()
        %dma_start3A = arith.constant 0 : i32
        %dma_start3A_59 = arith.constant 0 : i32
        %dma_start3A_60 = tpu.memref_slice %arg11[%sub3A_54, %dma_start3A, %dma_start3A_59] : memref<2x128x128xf32, #tpu.memory_space<vmem>> -> memref<1x128x128xf32, #tpu.memory_space<vmem>>
        %dma_start3A_61 = tpu.memref_squeeze %dma_start3A_60 : memref<1x128x128xf32, #tpu.memory_space<vmem>> -> memref<128x128xf32, #tpu.memory_space<vmem>>
        %dma_start3A_62 = arith.constant 0 : i32
        %dma_start3A_63 = tpu.memref_slice %arg9[%sub3A_54, %dma_start3A_62] : memref<2x128xi32, #tpu.memory_space<vmem>> -> memref<1x128xi32, #tpu.memory_space<vmem>>
        %dma_start3A_64 = tpu.memref_squeeze %dma_start3A_63 : memref<1x128xi32, #tpu.memory_space<vmem>> -> memref<128xi32, #tpu.memory_space<vmem>>
        %dma_start3A_65 = arith.constant 0 : i32
        %dma_start3A_66 = arith.constant 0 : i32
        %dma_start3A_67 = tpu.memref_slice %arg2[%dma_start3A_65, %dma_start3A_66] : memref<10000x128xf32, #tpu.memory_space<hbm>> -> memref<10000x128xf32, #tpu.memory_space<hbm>>
        tpu.enqueue_indirect_dma source(%dma_start3A_67 : memref<10000x128xf32, #tpu.memory_space<hbm>>) target(%dma_start3A_61 : memref<128x128xf32, #tpu.memory_space<vmem>>) offsets(%dma_start3A_64 : memref<128xi32, #tpu.memory_space<vmem>>) semaphore(%arg13 : memref<!tpu.dma_semaphore, #tpu.memory_space<semaphore_mem>>)
      } else {
      }
      %dma_wait3A = arith.constant 0 : i32
      %dma_wait3A_39 = arith.constant 0 : i32
      %dma_wait3A_40 = tpu.memref_slice %arg11[%select_n3A_32, %dma_wait3A, %dma_wait3A_39] : memref<2x128x128xf32, #tpu.memory_space<vmem>> -> memref<1x128x128xf32, #tpu.memory_space<vmem>>
      %dma_wait3A_41 = tpu.memref_squeeze %dma_wait3A_40 : memref<1x128x128xf32, #tpu.memory_space<vmem>> -> memref<128x128xf32, #tpu.memory_space<vmem>>
      %dma_wait3A_42 = arith.constant 0 : i32
      %dma_wait3A_43 = arith.constant 0 : i32
      %dma_wait3A_44 = tpu.memref_slice %arg2[%dma_wait3A_42, %dma_wait3A_43] : memref<10000x128xf32, #tpu.memory_space<hbm>> -> memref<128x128xf32, #tpu.memory_space<hbm>>
      %dma_wait3A_45 = arith.constant 0 : i32
      %dma_wait3A_46 = arith.constant 0 : i32
      %dma_wait3A_47 = tpu.memref_slice %arg11[%select_n3A_32, %dma_wait3A_45, %dma_wait3A_46] : memref<2x128x128xf32, #tpu.memory_space<vmem>> -> memref<1x128x128xf32, #tpu.memory_space<vmem>>
      %dma_wait3A_48 = tpu.memref_squeeze %dma_wait3A_47 : memref<1x128x128xf32, #tpu.memory_space<vmem>> -> memref<128x128xf32, #tpu.memory_space<vmem>>
      %dma_wait3A_49 = arith.constant 0 : i32
      %dma_wait3A_50 = arith.constant 0 : i32
      %dma_wait3A_51 = tpu.memref_slice %arg2[%dma_wait3A_49, %dma_wait3A_50] : memref<10000x128xf32, #tpu.memory_space<hbm>> -> memref<128x128xf32, #tpu.memory_space<hbm>>
      tpu.wait_dma2 semaphore(%arg13 : memref<!tpu.dma_semaphore, #tpu.memory_space<semaphore_mem>>) src(%dma_wait3A_51 : memref<128x128xf32, #tpu.memory_space<hbm>>) dst(%dma_wait3A_48 : memref<128x128xf32, #tpu.memory_space<vmem>>)
      "tpu.region"() ({
        %run_scoped3A = tpu.sem_alloc : memref<!tpu.dma_semaphore, #tpu.memory_space<semaphore_mem>>
        %dma_start3A = arith.constant 0 : i32
        %dma_start3A_52 = arith.constant 0 : i32
        %dma_start3A_53 = tpu.memref_slice %arg11[%select_n3A_32, %dma_start3A, %dma_start3A_52] : memref<2x128x128xf32, #tpu.memory_space<vmem>> -> memref<1x128x128xf32, #tpu.memory_space<vmem>>
        %dma_start3A_54 = tpu.memref_squeeze %dma_start3A_53 : memref<1x128x128xf32, #tpu.memory_space<vmem>> -> memref<128x128xf32, #tpu.memory_space<vmem>>
        %dma_start3A_55 = arith.constant 0 : i32
        %dma_start3A_56 = tpu.memref_slice %arg10[%select_n3A_32, %dma_start3A_55] : memref<2x128xi32, #tpu.memory_space<vmem>> -> memref<1x128xi32, #tpu.memory_space<vmem>>
        %dma_start3A_57 = tpu.memref_squeeze %dma_start3A_56 : memref<1x128xi32, #tpu.memory_space<vmem>> -> memref<128xi32, #tpu.memory_space<vmem>>
        %dma_start3A_58 = arith.constant 0 : i32
        %dma_start3A_59 = arith.constant 0 : i32
        %dma_start3A_60 = tpu.memref_slice %arg12[%dma_start3A_58, %dma_start3A_59] : memref<10240x128xf32, #tpu.memory_space<vmem_shared>> -> memref<10240x128xf32, #tpu.memory_space<vmem_shared>>
        tpu.enqueue_indirect_dma source(%dma_start3A_54 : memref<128x128xf32, #tpu.memory_space<vmem>>) target(%dma_start3A_60 : memref<10240x128xf32, #tpu.memory_space<vmem_shared>>) offsets(%dma_start3A_57 : memref<128xi32, #tpu.memory_space<vmem>>) semaphore(%run_scoped3A : memref<!tpu.dma_semaphore, #tpu.memory_space<semaphore_mem>>) {add = true}
        %dma_wait3A_61 = arith.constant 0 : i32
        %dma_wait3A_62 = arith.constant 0 : i32
        %dma_wait3A_63 = tpu.memref_slice %arg11[%select_n3A_32, %dma_wait3A_61, %dma_wait3A_62] : memref<2x128x128xf32, #tpu.memory_space<vmem>> -> memref<1x128x128xf32, #tpu.memory_space<vmem>>
        %dma_wait3A_64 = tpu.memref_squeeze %dma_wait3A_63 : memref<1x128x128xf32, #tpu.memory_space<vmem>> -> memref<128x128xf32, #tpu.memory_space<vmem>>
        %dma_wait3A_65 = arith.constant 0 : i32
        %dma_wait3A_66 = tpu.memref_slice %arg10[%select_n3A_32, %dma_wait3A_65] : memref<2x128xi32, #tpu.memory_space<vmem>> -> memref<1x128xi32, #tpu.memory_space<vmem>>
        %dma_wait3A_67 = tpu.memref_squeeze %dma_wait3A_66 : memref<1x128xi32, #tpu.memory_space<vmem>> -> memref<128xi32, #tpu.memory_space<vmem>>
        %dma_wait3A_68 = arith.constant 0 : i32
        %dma_wait3A_69 = arith.constant 0 : i32
        %dma_wait3A_70 = tpu.memref_slice %arg12[%dma_wait3A_68, %dma_wait3A_69] : memref<10240x128xf32, #tpu.memory_space<vmem_shared>> -> memref<10240x128xf32, #tpu.memory_space<vmem_shared>>
        tpu.wait_indirect_dma semaphore(%run_scoped3A : memref<!tpu.dma_semaphore, #tpu.memory_space<semaphore_mem>>) src(%dma_wait3A_64 : memref<128x128xf32, #tpu.memory_space<vmem>>) dst(%dma_wait3A_70 : memref<10240x128xf32, #tpu.memory_space<vmem_shared>>)
        tpu.yield
      }) : () -> ()
    }
    %while3A_20 = arith.constant 1 : i32
    scf.for %while3A_23 = %while3A_18 to %while3A_14 step %while3A_20  : i32 {
      %jit3A = arith.constant 2 : i32
      %eq3A = arith.constant 0 : i32
      %eq3A_24 = arith.cmpi eq, %jit3A, %eq3A : i32
      %jit3A_25 = arith.constant 1 : i32
      %select_n3A = arith.select %eq3A_24, %jit3A_25, %jit3A : i32
      %rem3A = arith.remsi %while3A_23, %select_n3A : i32
      %ne3A = arith.constant 0 : i32
      %ne3A_26 = arith.cmpi ne, %rem3A, %ne3A : i32
      %lt3A = arith.constant 0 : i32
      %lt3A_27 = arith.cmpi slt, %rem3A, %lt3A : i32
      %lt3A_28 = arith.constant 0 : i32
      %lt3A_29 = arith.cmpi slt, %select_n3A, %lt3A_28 : i32
      %ne3A_30 = arith.xori %lt3A_27, %lt3A_29 : i1
      %and3A = arith.andi %ne3A_30, %ne3A_26 : i1
      %add3A_31 = arith.addi %rem3A, %select_n3A : i32
      %select_n3A_32 = arith.select %and3A, %add3A_31, %rem3A : i32
      %add3A_33 = arith.constant 1 : i32
      %add3A_34 = arith.addi %while3A_23, %add3A_33 : i32
      %lt3A_35 = arith.cmpi slt, %add3A_34, %squeeze3A : i32
      %convert_element_type3A_36 = arith.extui %lt3A_35 : i1 to i32
      %cond3A_37 = arith.constant 0 : i32
      %cond3A_38 = arith.cmpi ne, %convert_element_type3A_36, %cond3A_37 : i32
      scf.if %cond3A_38 {
        %add3A_52 = arith.constant 1 : i32
        %add3A_53 = arith.addi %while3A_23, %add3A_52 : i32
        %sub3A = arith.constant 1 : i32
        %sub3A_54 = arith.subi %sub3A, %select_n3A_32 : i32
        %mul3A_55 = arith.constant 128 : i32
        %mul3A_56 = arith.muli %add3A_53, %mul3A_55 : i32
        %add3A_57 = arith.addi %mul3A_2, %mul3A_56 : i32
        %multiple_of3A_58 = tpu.assume_multiple %add3A_57, 128 : i32
        "tpu.region"() ({
          %run_scoped3A = tpu.sem_alloc : memref<!tpu.dma_semaphore, #tpu.memory_space<semaphore_mem>>
          %dma_start3A_68 = arith.constant 0 : i32
          %dma_start3A_69 = tpu.memref_slice %arg9[%sub3A_54, %dma_start3A_68] : memref<2x128xi32, #tpu.memory_space<vmem>> -> memref<1x128xi32, #tpu.memory_space<vmem>>
          %dma_start3A_70 = tpu.memref_squeeze %dma_start3A_69 : memref<1x128xi32, #tpu.memory_space<vmem>> -> memref<128xi32, #tpu.memory_space<vmem>>
          %dma_start3A_71 = tpu.memref_slice %arg3[%multiple_of3A_58] : memref<10338304xi32, #tpu.memory_space<hbm>> -> memref<128xi32, #tpu.memory_space<hbm>>
          %dma_start3A_72 = arith.constant 0 : i32
          %dma_start3A_73 = tpu.memref_slice %arg9[%sub3A_54, %dma_start3A_72] : memref<2x128xi32, #tpu.memory_space<vmem>> -> memref<1x128xi32, #tpu.memory_space<vmem>>
          %dma_start3A_74 = tpu.memref_squeeze %dma_start3A_73 : memref<1x128xi32, #tpu.memory_space<vmem>> -> memref<128xi32, #tpu.memory_space<vmem>>
          %dma_start3A_75 = tpu.memref_slice %arg3[%multiple_of3A_58] : memref<10338304xi32, #tpu.memory_space<hbm>> -> memref<128xi32, #tpu.memory_space<hbm>>
          tpu.enqueue_dma source(%dma_start3A_75 : memref<128xi32, #tpu.memory_space<hbm>>) target(%dma_start3A_74 : memref<128xi32, #tpu.memory_space<vmem>>) target_semaphore(%run_scoped3A : memref<!tpu.dma_semaphore, #tpu.memory_space<semaphore_mem>>)
          %dma_wait3A_76 = arith.constant 0 : i32
          %dma_wait3A_77 = tpu.memref_slice %arg9[%sub3A_54, %dma_wait3A_76] : memref<2x128xi32, #tpu.memory_space<vmem>> -> memref<1x128xi32, #tpu.memory_space<vmem>>
          %dma_wait3A_78 = tpu.memref_squeeze %dma_wait3A_77 : memref<1x128xi32, #tpu.memory_space<vmem>> -> memref<128xi32, #tpu.memory_space<vmem>>
          %dma_wait3A_79 = tpu.memref_slice %arg3[%multiple_of3A_58] : memref<10338304xi32, #tpu.memory_space<hbm>> -> memref<128xi32, #tpu.memory_space<hbm>>
          %dma_wait3A_80 = arith.constant 0 : i32
          %dma_wait3A_81 = tpu.memref_slice %arg9[%sub3A_54, %dma_wait3A_80] : memref<2x128xi32, #tpu.memory_space<vmem>> -> memref<1x128xi32, #tpu.memory_space<vmem>>
          %dma_wait3A_82 = tpu.memref_squeeze %dma_wait3A_81 : memref<1x128xi32, #tpu.memory_space<vmem>> -> memref<128xi32, #tpu.memory_space<vmem>>
          %dma_wait3A_83 = tpu.memref_slice %arg3[%multiple_of3A_58] : memref<10338304xi32, #tpu.memory_space<hbm>> -> memref<128xi32, #tpu.memory_space<hbm>>
          tpu.wait_dma2 semaphore(%run_scoped3A : memref<!tpu.dma_semaphore, #tpu.memory_space<semaphore_mem>>) src(%dma_wait3A_83 : memref<128xi32, #tpu.memory_space<hbm>>) dst(%dma_wait3A_82 : memref<128xi32, #tpu.memory_space<vmem>>)
          tpu.yield
        }) : () -> ()
        "tpu.region"() ({
          %run_scoped3A = tpu.sem_alloc : memref<!tpu.dma_semaphore, #tpu.memory_space<semaphore_mem>>
          %dma_start3A_68 = arith.constant 0 : i32
          %dma_start3A_69 = tpu.memref_slice %arg10[%sub3A_54, %dma_start3A_68] : memref<2x128xi32, #tpu.memory_space<vmem>> -> memref<1x128xi32, #tpu.memory_space<vmem>>
          %dma_start3A_70 = tpu.memref_squeeze %dma_start3A_69 : memref<1x128xi32, #tpu.memory_space<vmem>> -> memref<128xi32, #tpu.memory_space<vmem>>
          %dma_start3A_71 = tpu.memref_slice %arg4[%multiple_of3A_58] : memref<10338304xi32, #tpu.memory_space<hbm>> -> memref<128xi32, #tpu.memory_space<hbm>>
          %dma_start3A_72 = arith.constant 0 : i32
          %dma_start3A_73 = tpu.memref_slice %arg10[%sub3A_54, %dma_start3A_72] : memref<2x128xi32, #tpu.memory_space<vmem>> -> memref<1x128xi32, #tpu.memory_space<vmem>>
          %dma_start3A_74 = tpu.memref_squeeze %dma_start3A_73 : memref<1x128xi32, #tpu.memory_space<vmem>> -> memref<128xi32, #tpu.memory_space<vmem>>
          %dma_start3A_75 = tpu.memref_slice %arg4[%multiple_of3A_58] : memref<10338304xi32, #tpu.memory_space<hbm>> -> memref<128xi32, #tpu.memory_space<hbm>>
          tpu.enqueue_dma source(%dma_start3A_75 : memref<128xi32, #tpu.memory_space<hbm>>) target(%dma_start3A_74 : memref<128xi32, #tpu.memory_space<vmem>>) target_semaphore(%run_scoped3A : memref<!tpu.dma_semaphore, #tpu.memory_space<semaphore_mem>>)
          %dma_wait3A_76 = arith.constant 0 : i32
          %dma_wait3A_77 = tpu.memref_slice %arg10[%sub3A_54, %dma_wait3A_76] : memref<2x128xi32, #tpu.memory_space<vmem>> -> memref<1x128xi32, #tpu.memory_space<vmem>>
          %dma_wait3A_78 = tpu.memref_squeeze %dma_wait3A_77 : memref<1x128xi32, #tpu.memory_space<vmem>> -> memref<128xi32, #tpu.memory_space<vmem>>
          %dma_wait3A_79 = tpu.memref_slice %arg4[%multiple_of3A_58] : memref<10338304xi32, #tpu.memory_space<hbm>> -> memref<128xi32, #tpu.memory_space<hbm>>
          %dma_wait3A_80 = arith.constant 0 : i32
          %dma_wait3A_81 = tpu.memref_slice %arg10[%sub3A_54, %dma_wait3A_80] : memref<2x128xi32, #tpu.memory_space<vmem>> -> memref<1x128xi32, #tpu.memory_space<vmem>>
          %dma_wait3A_82 = tpu.memref_squeeze %dma_wait3A_81 : memref<1x128xi32, #tpu.memory_space<vmem>> -> memref<128xi32, #tpu.memory_space<vmem>>
          %dma_wait3A_83 = tpu.memref_slice %arg4[%multiple_of3A_58] : memref<10338304xi32, #tpu.memory_space<hbm>> -> memref<128xi32, #tpu.memory_space<hbm>>
          tpu.wait_dma2 semaphore(%run_scoped3A : memref<!tpu.dma_semaphore, #tpu.memory_space<semaphore_mem>>) src(%dma_wait3A_83 : memref<128xi32, #tpu.memory_space<hbm>>) dst(%dma_wait3A_82 : memref<128xi32, #tpu.memory_space<vmem>>)
          tpu.yield
        }) : () -> ()
        %dma_start3A = arith.constant 0 : i32
        %dma_start3A_59 = arith.constant 0 : i32
        %dma_start3A_60 = tpu.memref_slice %arg11[%sub3A_54, %dma_start3A, %dma_start3A_59] : memref<2x128x128xf32, #tpu.memory_space<vmem>> -> memref<1x128x128xf32, #tpu.memory_space<vmem>>
        %dma_start3A_61 = tpu.memref_squeeze %dma_start3A_60 : memref<1x128x128xf32, #tpu.memory_space<vmem>> -> memref<128x128xf32, #tpu.memory_space<vmem>>
        %dma_start3A_62 = arith.constant 0 : i32
        %dma_start3A_63 = tpu.memref_slice %arg9[%sub3A_54, %dma_start3A_62] : memref<2x128xi32, #tpu.memory_space<vmem>> -> memref<1x128xi32, #tpu.memory_space<vmem>>
        %dma_start3A_64 = tpu.memref_squeeze %dma_start3A_63 : memref<1x128xi32, #tpu.memory_space<vmem>> -> memref<128xi32, #tpu.memory_space<vmem>>
        %dma_start3A_65 = arith.constant 0 : i32
        %dma_start3A_66 = arith.constant 0 : i32
        %dma_start3A_67 = tpu.memref_slice %arg2[%dma_start3A_65, %dma_start3A_66] : memref<10000x128xf32, #tpu.memory_space<hbm>> -> memref<10000x128xf32, #tpu.memory_space<hbm>>
        tpu.enqueue_indirect_dma source(%dma_start3A_67 : memref<10000x128xf32, #tpu.memory_space<hbm>>) target(%dma_start3A_61 : memref<128x128xf32, #tpu.memory_space<vmem>>) offsets(%dma_start3A_64 : memref<128xi32, #tpu.memory_space<vmem>>) semaphore(%arg13 : memref<!tpu.dma_semaphore, #tpu.memory_space<semaphore_mem>>)
      } else {
      }
      %dma_wait3A = arith.constant 0 : i32
      %dma_wait3A_39 = arith.constant 0 : i32
      %dma_wait3A_40 = tpu.memref_slice %arg11[%select_n3A_32, %dma_wait3A, %dma_wait3A_39] : memref<2x128x128xf32, #tpu.memory_space<vmem>> -> memref<1x128x128xf32, #tpu.memory_space<vmem>>
      %dma_wait3A_41 = tpu.memref_squeeze %dma_wait3A_40 : memref<1x128x128xf32, #tpu.memory_space<vmem>> -> memref<128x128xf32, #tpu.memory_space<vmem>>
      %dma_wait3A_42 = arith.constant 0 : i32
      %dma_wait3A_43 = arith.constant 0 : i32
      %dma_wait3A_44 = tpu.memref_slice %arg2[%dma_wait3A_42, %dma_wait3A_43] : memref<10000x128xf32, #tpu.memory_space<hbm>> -> memref<128x128xf32, #tpu.memory_space<hbm>>
      %dma_wait3A_45 = arith.constant 0 : i32
      %dma_wait3A_46 = arith.constant 0 : i32
      %dma_wait3A_47 = tpu.memref_slice %arg11[%select_n3A_32, %dma_wait3A_45, %dma_wait3A_46] : memref<2x128x128xf32, #tpu.memory_space<vmem>> -> memref<1x128x128xf32, #tpu.memory_space<vmem>>
      %dma_wait3A_48 = tpu.memref_squeeze %dma_wait3A_47 : memref<1x128x128xf32, #tpu.memory_space<vmem>> -> memref<128x128xf32, #tpu.memory_space<vmem>>
      %dma_wait3A_49 = arith.constant 0 : i32
      %dma_wait3A_50 = arith.constant 0 : i32
      %dma_wait3A_51 = tpu.memref_slice %arg2[%dma_wait3A_49, %dma_wait3A_50] : memref<10000x128xf32, #tpu.memory_space<hbm>> -> memref<128x128xf32, #tpu.memory_space<hbm>>
      tpu.wait_dma2 semaphore(%arg13 : memref<!tpu.dma_semaphore, #tpu.memory_space<semaphore_mem>>) src(%dma_wait3A_51 : memref<128x128xf32, #tpu.memory_space<hbm>>) dst(%dma_wait3A_48 : memref<128x128xf32, #tpu.memory_space<vmem>>)
      "tpu.region"() ({
        %run_scoped3A = tpu.sem_alloc : memref<!tpu.dma_semaphore, #tpu.memory_space<semaphore_mem>>
        %dma_start3A = arith.constant 0 : i32
        %dma_start3A_52 = arith.constant 0 : i32
        %dma_start3A_53 = tpu.memref_slice %arg11[%select_n3A_32, %dma_start3A, %dma_start3A_52] : memref<2x128x128xf32, #tpu.memory_space<vmem>> -> memref<1x128x128xf32, #tpu.memory_space<vmem>>
        %dma_start3A_54 = tpu.memref_squeeze %dma_start3A_53 : memref<1x128x128xf32, #tpu.memory_space<vmem>> -> memref<128x128xf32, #tpu.memory_space<vmem>>
        %dma_start3A_55 = arith.constant 0 : i32
        %dma_start3A_56 = tpu.memref_slice %arg10[%select_n3A_32, %dma_start3A_55] : memref<2x128xi32, #tpu.memory_space<vmem>> -> memref<1x128xi32, #tpu.memory_space<vmem>>
        %dma_start3A_57 = tpu.memref_squeeze %dma_start3A_56 : memref<1x128xi32, #tpu.memory_space<vmem>> -> memref<128xi32, #tpu.memory_space<vmem>>
        %dma_start3A_58 = arith.constant 0 : i32
        %dma_start3A_59 = arith.constant 0 : i32
        %dma_start3A_60 = tpu.memref_slice %arg12[%dma_start3A_58, %dma_start3A_59] : memref<10240x128xf32, #tpu.memory_space<vmem_shared>> -> memref<10240x128xf32, #tpu.memory_space<vmem_shared>>
        tpu.enqueue_indirect_dma source(%dma_start3A_54 : memref<128x128xf32, #tpu.memory_space<vmem>>) target(%dma_start3A_60 : memref<10240x128xf32, #tpu.memory_space<vmem_shared>>) offsets(%dma_start3A_57 : memref<128xi32, #tpu.memory_space<vmem>>) semaphore(%run_scoped3A : memref<!tpu.dma_semaphore, #tpu.memory_space<semaphore_mem>>) {add = true}
        %dma_wait3A_61 = arith.constant 0 : i32
        %dma_wait3A_62 = arith.constant 0 : i32
        %dma_wait3A_63 = tpu.memref_slice %arg11[%select_n3A_32, %dma_wait3A_61, %dma_wait3A_62] : memref<2x128x128xf32, #tpu.memory_space<vmem>> -> memref<1x128x128xf32, #tpu.memory_space<vmem>>
        %dma_wait3A_64 = tpu.memref_squeeze %dma_wait3A_63 : memref<1x128x128xf32, #tpu.memory_space<vmem>> -> memref<128x128xf32, #tpu.memory_space<vmem>>
        %dma_wait3A_65 = arith.constant 0 : i32
        %dma_wait3A_66 = tpu.memref_slice %arg10[%select_n3A_32, %dma_wait3A_65] : memref<2x128xi32, #tpu.memory_space<vmem>> -> memref<1x128xi32, #tpu.memory_space<vmem>>
        %dma_wait3A_67 = tpu.memref_squeeze %dma_wait3A_66 : memref<1x128xi32, #tpu.memory_space<vmem>> -> memref<128xi32, #tpu.memory_space<vmem>>
        %dma_wait3A_68 = arith.constant 0 : i32
        %dma_wait3A_69 = arith.constant 0 : i32
        %dma_wait3A_70 = tpu.memref_slice %arg12[%dma_wait3A_68, %dma_wait3A_69] : memref<10240x128xf32, #tpu.memory_space<vmem_shared>> -> memref<10240x128xf32, #tpu.memory_space<vmem_shared>>
        tpu.wait_indirect_dma semaphore(%run_scoped3A : memref<!tpu.dma_semaphore, #tpu.memory_space<semaphore_mem>>) src(%dma_wait3A_64 : memref<128x128xf32, #tpu.memory_space<vmem>>) dst(%dma_wait3A_70 : memref<10240x128xf32, #tpu.memory_space<vmem_shared>>)
        tpu.yield
      }) : () -> ()
    }
    %multiple_of3A_21 = tpu.assume_multiple %mul3A_4, 8 : i32
    %multiple_of3A_22 = tpu.assume_multiple %mul3A_4, 8 : i32
    "tpu.region"() ({
      %run_scoped3A = tpu.sem_alloc : memref<!tpu.dma_semaphore, #tpu.memory_space<semaphore_mem>>
      %dma_start3A = arith.constant 0 : i32
      %dma_start3A_23 = tpu.memref_slice %arg7[%multiple_of3A_22, %dma_start3A] : memref<10240x128xf32, #tpu.memory_space<hbm>> -> memref<320x128xf32, #tpu.memory_space<hbm>>
      %dma_start3A_24 = arith.constant 0 : i32
      %dma_start3A_25 = tpu.memref_slice %arg12[%multiple_of3A_21, %dma_start3A_24] : memref<10240x128xf32, #tpu.memory_space<vmem_shared>> -> memref<320x128xf32, #tpu.memory_space<vmem_shared>>
      tpu.enqueue_dma source(%dma_start3A_25 : memref<320x128xf32, #tpu.memory_space<vmem_shared>>) target(%dma_start3A_23 : memref<320x128xf32, #tpu.memory_space<hbm>>) target_semaphore(%run_scoped3A : memref<!tpu.dma_semaphore, #tpu.memory_space<semaphore_mem>>)
      %dma_wait3A = arith.constant 0 : i32
      %dma_wait3A_26 = tpu.memref_slice %arg7[%multiple_of3A_22, %dma_wait3A] : memref<10240x128xf32, #tpu.memory_space<hbm>> -> memref<320x128xf32, #tpu.memory_space<hbm>>
      %dma_wait3A_27 = arith.constant 0 : i32
      %dma_wait3A_28 = tpu.memref_slice %arg12[%multiple_of3A_21, %dma_wait3A_27] : memref<10240x128xf32, #tpu.memory_space<vmem_shared>> -> memref<320x128xf32, #tpu.memory_space<vmem_shared>>
      tpu.wait_dma2 semaphore(%run_scoped3A : memref<!tpu.dma_semaphore, #tpu.memory_space<semaphore_mem>>) src(%dma_wait3A_28 : memref<320x128xf32, #tpu.memory_space<vmem_shared>>) dst(%dma_wait3A_26 : memref<320x128xf32, #tpu.memory_space<hbm>>)
      tpu.yield
    }) : () -> ()
    return
  }
}

#map = affine_map<(d0, d1) -> (0, 0)>
#map1 = affine_map<(d0, d1) -> (0)>
module attributes {stable_mosaic.version = 14 : i64} {
  func.func @body(%arg0: i32, %arg1: i32, %arg2: memref<10000x128xf32, #tpu.memory_space<hbm>>, %arg3: memref<10338304xi32, #tpu.memory_space<hbm>>, %arg4: memref<10338304xi32, #tpu.memory_space<hbm>>, %arg5: memref<512xi32, #tpu.memory_space<hbm>>, %arg6: memref<10240x128xf32, #tpu.memory_space<hbm>>, %arg7: memref<10240x128xf32, #tpu.memory_space<hbm>>, %arg8: memref<16xi32, #tpu.memory_space<vmem>>, %arg9: memref<2x128xi32, #tpu.memory_space<vmem>>, %arg10: memref<2x128xi32, #tpu.memory_space<vmem>>, %arg11: memref<2x128x128xf32, #tpu.memory_space<vmem>>, %arg12: memref<10240x128xf32, #tpu.memory_space<vmem_shared>>, %arg13: memref<!tpu.dma_semaphore, #tpu.memory_space<semaphore_mem>>) attributes {dimension_semantics = [#tpu.dimension_semantics<core_parallel>, #tpu.dimension_semantics<subcore_parallel>], iteration_bounds = array<i64: 2, 16>, scalar_prefetch = 0 : i64, scratch_operands = 6 : i64, tpu.core_type = #tpu.core_type<sc_vector_subcore>, window_params = [{transform_indices = #map}, {transform_indices = #map1}, {transform_indices = #map1}, {transform_indices = #map1}, {transform_indices = #map}, {transform_indices = #map}]} {
    %mul3A = arith.constant 16 : i32
    %mul3A_0 = arith.muli %arg0, %mul3A : i32
    %add3A = arith.addi %mul3A_0, %arg1 : i32
    %mul3A_1 = arith.constant 323072 : i32
    %mul3A_2 = arith.muli %add3A, %mul3A_1 : i32
    %mul3A_3 = arith.constant 320 : i32
    %mul3A_4 = arith.muli %add3A, %mul3A_3 : i32
    %multiple_of3A = tpu.assume_multiple %mul3A_4, 8 : i32
    %multiple_of3A_5 = tpu.assume_multiple %mul3A_4, 8 : i32
    "tpu.region"() ({
      %run_scoped3A = tpu.sem_alloc : memref<!tpu.dma_semaphore, #tpu.memory_space<semaphore_mem>>
      %dma_start3A = arith.constant 0 : i32
      %dma_start3A_23 = tpu.memref_slice %arg12[%multiple_of3A_5, %dma_start3A] : memref<10240x128xf32, #tpu.memory_space<vmem_shared>> -> memref<320x128xf32, #tpu.memory_space<vmem_shared>>
      %dma_start3A_24 = arith.constant 0 : i32
      %dma_start3A_25 = tpu.memref_slice %arg6[%multiple_of3A, %dma_start3A_24] : memref<10240x128xf32, #tpu.memory_space<hbm>> -> memref<320x128xf32, #tpu.memory_space<hbm>>
      tpu.enqueue_dma source(%dma_start3A_25 : memref<320x128xf32, #tpu.memory_space<hbm>>) target(%dma_start3A_23 : memref<320x128xf32, #tpu.memory_space<vmem_shared>>) target_semaphore(%run_scoped3A : memref<!tpu.dma_semaphore, #tpu.memory_space<semaphore_mem>>)
      %dma_wait3A = arith.constant 0 : i32
      %dma_wait3A_26 = tpu.memref_slice %arg12[%multiple_of3A_5, %dma_wait3A] : memref<10240x128xf32, #tpu.memory_space<vmem_shared>> -> memref<320x128xf32, #tpu.memory_space<vmem_shared>>
      %dma_wait3A_27 = arith.constant 0 : i32
      %dma_wait3A_28 = tpu.memref_slice %arg6[%multiple_of3A, %dma_wait3A_27] : memref<10240x128xf32, #tpu.memory_space<hbm>> -> memref<320x128xf32, #tpu.memory_space<hbm>>
      tpu.wait_dma2 semaphore(%run_scoped3A : memref<!tpu.dma_semaphore, #tpu.memory_space<semaphore_mem>>) src(%dma_wait3A_28 : memref<320x128xf32, #tpu.memory_space<hbm>>) dst(%dma_wait3A_26 : memref<320x128xf32, #tpu.memory_space<vmem_shared>>)
      tpu.yield
    }) : () -> ()
    %mul3A_6 = arith.constant 16 : i32
    %mul3A_7 = arith.muli %add3A, %mul3A_6 : i32
    %multiple_of3A_8 = tpu.assume_multiple %mul3A_7, 16 : i32
    "tpu.region"() ({
      %run_scoped3A = tpu.sem_alloc : memref<!tpu.dma_semaphore, #tpu.memory_space<semaphore_mem>>
      %dma_start3A = tpu.memref_slice %arg5[%multiple_of3A_8] : memref<512xi32, #tpu.memory_space<hbm>> -> memref<16xi32, #tpu.memory_space<hbm>>
      %dma_start3A_23 = tpu.memref_slice %arg5[%multiple_of3A_8] : memref<512xi32, #tpu.memory_space<hbm>> -> memref<16xi32, #tpu.memory_space<hbm>>
      tpu.enqueue_dma source(%dma_start3A_23 : memref<16xi32, #tpu.memory_space<hbm>>) target(%arg8 : memref<16xi32, #tpu.memory_space<vmem>>) target_semaphore(%run_scoped3A : memref<!tpu.dma_semaphore, #tpu.memory_space<semaphore_mem>>)
      %dma_wait3A = tpu.memref_slice %arg5[%multiple_of3A_8] : memref<512xi32, #tpu.memory_space<hbm>> -> memref<16xi32, #tpu.memory_space<hbm>>
      %dma_wait3A_24 = tpu.memref_slice %arg5[%multiple_of3A_8] : memref<512xi32, #tpu.memory_space<hbm>> -> memref<16xi32, #tpu.memory_space<hbm>>
      tpu.wait_dma2 semaphore(%run_scoped3A : memref<!tpu.dma_semaphore, #tpu.memory_space<semaphore_mem>>) src(%dma_wait3A_24 : memref<16xi32, #tpu.memory_space<hbm>>) dst(%arg8 : memref<16xi32, #tpu.memory_space<vmem>>)
      tpu.yield
    }) : () -> ()
    %get3A = arith.constant 0 : index
    %get3A_9 = tpu.vector_load %arg8[%get3A] {strides = array<i32>} : memref<16xi32, #tpu.memory_space<vmem>>, vector<16xi32>,
    %slice3A = vector.extract_strided_slice %get3A_9 {offsets = [0], sizes = [1], strides = [1]} : vector<16xi32> to vector<1xi32>
    %squeeze3A = vector.extract %slice3A[0] : i32 from vector<1xi32>
    %gt3A = arith.constant 0 : i32
    %gt3A_10 = arith.cmpi sgt, %squeeze3A, %gt3A : i32
    %convert_element_type3A = arith.extui %gt3A_10 : i1 to i32
    %cond3A = arith.constant 0 : i32
    %cond3A_11 = arith.cmpi ne, %convert_element_type3A, %cond3A : i32
    scf.if %cond3A_11 {
      %mul3A_23 = arith.constant 0 : i32
      %mul3A_24 = arith.constant 128 : i32
      %mul3A_25 = arith.muli %mul3A_23, %mul3A_24 : i32
      %add3A_26 = arith.addi %mul3A_2, %mul3A_25 : i32
      %multiple_of3A_27 = tpu.assume_multiple %add3A_26, 128 : i32
      %run_scoped3A = arith.constant 0 : i32
      "tpu.region"() ({
        %run_scoped3A_40 = tpu.sem_alloc : memref<!tpu.dma_semaphore, #tpu.memory_space<semaphore_mem>>
        %dma_start3A_41 = arith.constant 0 : i32
        %dma_start3A_42 = tpu.memref_slice %arg9[%run_scoped3A, %dma_start3A_41] : memref<2x128xi32, #tpu.memory_space<vmem>> -> memref<1x128xi32, #tpu.memory_space<vmem>>
        %dma_start3A_43 = tpu.memref_squeeze %dma_start3A_42 : memref<1x128xi32, #tpu.memory_space<vmem>> -> memref<128xi32, #tpu.memory_space<vmem>>
        %dma_start3A_44 = tpu.memref_slice %arg3[%multiple_of3A_27] : memref<10338304xi32, #tpu.memory_space<hbm>> -> memref<128xi32, #tpu.memory_space<hbm>>
        %dma_start3A_45 = arith.constant 0 : i32
        %dma_start3A_46 = tpu.memref_slice %arg9[%run_scoped3A, %dma_start3A_45] : memref<2x128xi32, #tpu.memory_space<vmem>> -> memref<1x128xi32, #tpu.memory_space<vmem>>
        %dma_start3A_47 = tpu.memref_squeeze %dma_start3A_46 : memref<1x128xi32, #tpu.memory_space<vmem>> -> memref<128xi32, #tpu.memory_space<vmem>>
        %dma_start3A_48 = tpu.memref_slice %arg3[%multiple_of3A_27] : memref<10338304xi32, #tpu.memory_space<hbm>> -> memref<128xi32, #tpu.memory_space<hbm>>
        tpu.enqueue_dma source(%dma_start3A_48 : memref<128xi32, #tpu.memory_space<hbm>>) target(%dma_start3A_47 : memref<128xi32, #tpu.memory_space<vmem>>) target_semaphore(%run_scoped3A_40 : memref<!tpu.dma_semaphore, #tpu.memory_space<semaphore_mem>>)
        %dma_wait3A = arith.constant 0 : i32
        %dma_wait3A_49 = tpu.memref_slice %arg9[%run_scoped3A, %dma_wait3A] : memref<2x128xi32, #tpu.memory_space<vmem>> -> memref<1x128xi32, #tpu.memory_space<vmem>>
        %dma_wait3A_50 = tpu.memref_squeeze %dma_wait3A_49 : memref<1x128xi32, #tpu.memory_space<vmem>> -> memref<128xi32, #tpu.memory_space<vmem>>
        %dma_wait3A_51 = tpu.memref_slice %arg3[%multiple_of3A_27] : memref<10338304xi32, #tpu.memory_space<hbm>> -> memref<128xi32, #tpu.memory_space<hbm>>
        %dma_wait3A_52 = arith.constant 0 : i32
        %dma_wait3A_53 = tpu.memref_slice %arg9[%run_scoped3A, %dma_wait3A_52] : memref<2x128xi32, #tpu.memory_space<vmem>> -> memref<1x128xi32, #tpu.memory_space<vmem>>
        %dma_wait3A_54 = tpu.memref_squeeze %dma_wait3A_53 : memref<1x128xi32, #tpu.memory_space<vmem>> -> memref<128xi32, #tpu.memory_space<vmem>>
        %dma_wait3A_55 = tpu.memref_slice %arg3[%multiple_of3A_27] : memref<10338304xi32, #tpu.memory_space<hbm>> -> memref<128xi32, #tpu.memory_space<hbm>>
        tpu.wait_dma2 semaphore(%run_scoped3A_40 : memref<!tpu.dma_semaphore, #tpu.memory_space<semaphore_mem>>) src(%dma_wait3A_55 : memref<128xi32, #tpu.memory_space<hbm>>) dst(%dma_wait3A_54 : memref<128xi32, #tpu.memory_space<vmem>>)
        tpu.yield
      }) : () -> ()
      %run_scoped3A_28 = arith.constant 0 : i32
      "tpu.region"() ({
        %run_scoped3A_40 = tpu.sem_alloc : memref<!tpu.dma_semaphore, #tpu.memory_space<semaphore_mem>>
        %dma_start3A_41 = arith.constant 0 : i32
        %dma_start3A_42 = tpu.memref_slice %arg10[%run_scoped3A_28, %dma_start3A_41] : memref<2x128xi32, #tpu.memory_space<vmem>> -> memref<1x128xi32, #tpu.memory_space<vmem>>
        %dma_start3A_43 = tpu.memref_squeeze %dma_start3A_42 : memref<1x128xi32, #tpu.memory_space<vmem>> -> memref<128xi32, #tpu.memory_space<vmem>>
        %dma_start3A_44 = tpu.memref_slice %arg4[%multiple_of3A_27] : memref<10338304xi32, #tpu.memory_space<hbm>> -> memref<128xi32, #tpu.memory_space<hbm>>
        %dma_start3A_45 = arith.constant 0 : i32
        %dma_start3A_46 = tpu.memref_slice %arg10[%run_scoped3A_28, %dma_start3A_45] : memref<2x128xi32, #tpu.memory_space<vmem>> -> memref<1x128xi32, #tpu.memory_space<vmem>>
        %dma_start3A_47 = tpu.memref_squeeze %dma_start3A_46 : memref<1x128xi32, #tpu.memory_space<vmem>> -> memref<128xi32, #tpu.memory_space<vmem>>
        %dma_start3A_48 = tpu.memref_slice %arg4[%multiple_of3A_27] : memref<10338304xi32, #tpu.memory_space<hbm>> -> memref<128xi32, #tpu.memory_space<hbm>>
        tpu.enqueue_dma source(%dma_start3A_48 : memref<128xi32, #tpu.memory_space<hbm>>) target(%dma_start3A_47 : memref<128xi32, #tpu.memory_space<vmem>>) target_semaphore(%run_scoped3A_40 : memref<!tpu.dma_semaphore, #tpu.memory_space<semaphore_mem>>)
        %dma_wait3A = arith.constant 0 : i32
        %dma_wait3A_49 = tpu.memref_slice %arg10[%run_scoped3A_28, %dma_wait3A] : memref<2x128xi32, #tpu.memory_space<vmem>> -> memref<1x128xi32, #tpu.memory_space<vmem>>
        %dma_wait3A_50 = tpu.memref_squeeze %dma_wait3A_49 : memref<1x128xi32, #tpu.memory_space<vmem>> -> memref<128xi32, #tpu.memory_space<vmem>>
        %dma_wait3A_51 = tpu.memref_slice %arg4[%multiple_of3A_27] : memref<10338304xi32, #tpu.memory_space<hbm>> -> memref<128xi32, #tpu.memory_space<hbm>>
        %dma_wait3A_52 = arith.constant 0 : i32
        %dma_wait3A_53 = tpu.memref_slice %arg10[%run_scoped3A_28, %dma_wait3A_52] : memref<2x128xi32, #tpu.memory_space<vmem>> -> memref<1x128xi32, #tpu.memory_space<vmem>>
        %dma_wait3A_54 = tpu.memref_squeeze %dma_wait3A_53 : memref<1x128xi32, #tpu.memory_space<vmem>> -> memref<128xi32, #tpu.memory_space<vmem>>
        %dma_wait3A_55 = tpu.memref_slice %arg4[%multiple_of3A_27] : memref<10338304xi32, #tpu.memory_space<hbm>> -> memref<128xi32, #tpu.memory_space<hbm>>
        tpu.wait_dma2 semaphore(%run_scoped3A_40 : memref<!tpu.dma_semaphore, #tpu.memory_space<semaphore_mem>>) src(%dma_wait3A_55 : memref<128xi32, #tpu.memory_space<hbm>>) dst(%dma_wait3A_54 : memref<128xi32, #tpu.memory_space<vmem>>)
        tpu.yield
      }) : () -> ()
      %dma_start3A = arith.constant 0 : i32
      %dma_start3A_29 = arith.constant 0 : i32
      %dma_start3A_30 = arith.constant 0 : i32
      %dma_start3A_31 = arith.constant 0 : i32
      %dma_start3A_32 = tpu.memref_slice %arg11[%dma_start3A_29, %dma_start3A_30, %dma_start3A_31] : memref<2x128x128xf32, #tpu.memory_space<vmem>> -> memref<1x128x128xf32, #tpu.memory_space<vmem>>
      %dma_start3A_33 = tpu.memref_squeeze %dma_start3A_32 : memref<1x128x128xf32, #tpu.memory_space<vmem>> -> memref<128x128xf32, #tpu.memory_space<vmem>>
      %dma_start3A_34 = arith.constant 0 : i32
      %dma_start3A_35 = tpu.memref_slice %arg9[%dma_start3A, %dma_start3A_34] : memref<2x128xi32, #tpu.memory_space<vmem>> -> memref<1x128xi32, #tpu.memory_space<vmem>>
      %dma_start3A_36 = tpu.memref_squeeze %dma_start3A_35 : memref<1x128xi32, #tpu.memory_space<vmem>> -> memref<128xi32, #tpu.memory_space<vmem>>
      %dma_start3A_37 = arith.constant 0 : i32
      %dma_start3A_38 = arith.constant 0 : i32
      %dma_start3A_39 = tpu.memref_slice %arg2[%dma_start3A_37, %dma_start3A_38] : memref<10000x128xf32, #tpu.memory_space<hbm>> -> memref<10000x128xf32, #tpu.memory_space<hbm>>
      tpu.enqueue_indirect_dma source(%dma_start3A_39 : memref<10000x128xf32, #tpu.memory_space<hbm>>) target(%dma_start3A_33 : memref<128x128xf32, #tpu.memory_space<vmem>>) offsets(%dma_start3A_36 : memref<128xi32, #tpu.memory_space<vmem>>) semaphore(%arg13 : memref<!tpu.dma_semaphore, #tpu.memory_space<semaphore_mem>>)
    } else {
    }
    %while3A = arith.constant 0 : i32
    %while3A_12 = arith.constant 0 : i32
    %while3A_13 = arith.subi %squeeze3A, %while3A_12 : i32
    %while3A_14 = arith.addi %while3A_12, %while3A_13 : i32
    %while3A_15 = arith.constant 1 : i32
    %while3A_16 = arith.divsi %while3A_13, %while3A_15 : i32
    %while3A_17 = arith.muli %while3A_16, %while3A_15 : i32
    %while3A_18 = arith.addi %while3A_12, %while3A_17 : i32
    %while3A_19 = arith.constant 1 : i32
    scf.for %while3A_23 = %while3A_12 to %while3A_18 step %while3A_19  : i32 {
      %jit3A = arith.constant 2 : i32
      %eq3A = arith.constant 0 : i32
      %eq3A_24 = arith.cmpi eq, %jit3A, %eq3A : i32
      %jit3A_25 = arith.constant 1 : i32
      %select_n3A = arith.select %eq3A_24, %jit3A_25, %jit3A : i32
      %rem3A = arith.remsi %while3A_23, %select_n3A : i32
      %ne3A = arith.constant 0 : i32
      %ne3A_26 = arith.cmpi ne, %rem3A, %ne3A : i32
      %lt3A = arith.constant 0 : i32
      %lt3A_27 = arith.cmpi slt, %rem3A, %lt3A : i32
      %lt3A_28 = arith.constant 0 : i32
      %lt3A_29 = arith.cmpi slt, %select_n3A, %lt3A_28 : i32
      %ne3A_30 = arith.xori %lt3A_27, %lt3A_29 : i1
      %and3A = arith.andi %ne3A_30, %ne3A_26 : i1
      %add3A_31 = arith.addi %rem3A, %select_n3A : i32
      %select_n3A_32 = arith.select %and3A, %add3A_31, %rem3A : i32
      %add3A_33 = arith.constant 1 : i32
      %add3A_34 = arith.addi %while3A_23, %add3A_33 : i32
      %lt3A_35 = arith.cmpi slt, %add3A_34, %squeeze3A : i32
      %convert_element_type3A_36 = arith.extui %lt3A_35 : i1 to i32
      %cond3A_37 = arith.constant 0 : i32
      %cond3A_38 = arith.cmpi ne, %convert_element_type3A_36, %cond3A_37 : i32
      scf.if %cond3A_38 {
        %add3A_52 = arith.constant 1 : i32
        %add3A_53 = arith.addi %while3A_23, %add3A_52 : i32
        %sub3A = arith.constant 1 : i32
        %sub3A_54 = arith.subi %sub3A, %select_n3A_32 : i32
        %mul3A_55 = arith.constant 128 : i32
        %mul3A_56 = arith.muli %add3A_53, %mul3A_55 : i32
        %add3A_57 = arith.addi %mul3A_2, %mul3A_56 : i32
        %multiple_of3A_58 = tpu.assume_multiple %add3A_57, 128 : i32
        "tpu.region"() ({
          %run_scoped3A = tpu.sem_alloc : memref<!tpu.dma_semaphore, #tpu.memory_space<semaphore_mem>>
          %dma_start3A_68 = arith.constant 0 : i32
          %dma_start3A_69 = tpu.memref_slice %arg9[%sub3A_54, %dma_start3A_68] : memref<2x128xi32, #tpu.memory_space<vmem>> -> memref<1x128xi32, #tpu.memory_space<vmem>>
          %dma_start3A_70 = tpu.memref_squeeze %dma_start3A_69 : memref<1x128xi32, #tpu.memory_space<vmem>> -> memref<128xi32, #tpu.memory_space<vmem>>
          %dma_start3A_71 = tpu.memref_slice %arg3[%multiple_of3A_58] : memref<10338304xi32, #tpu.memory_space<hbm>> -> memref<128xi32, #tpu.memory_space<hbm>>
          %dma_start3A_72 = arith.constant 0 : i32
          %dma_start3A_73 = tpu.memref_slice %arg9[%sub3A_54, %dma_start3A_72] : memref<2x128xi32, #tpu.memory_space<vmem>> -> memref<1x128xi32, #tpu.memory_space<vmem>>
          %dma_start3A_74 = tpu.memref_squeeze %dma_start3A_73 : memref<1x128xi32, #tpu.memory_space<vmem>> -> memref<128xi32, #tpu.memory_space<vmem>>
          %dma_start3A_75 = tpu.memref_slice %arg3[%multiple_of3A_58] : memref<10338304xi32, #tpu.memory_space<hbm>> -> memref<128xi32, #tpu.memory_space<hbm>>
          tpu.enqueue_dma source(%dma_start3A_75 : memref<128xi32, #tpu.memory_space<hbm>>) target(%dma_start3A_74 : memref<128xi32, #tpu.memory_space<vmem>>) target_semaphore(%run_scoped3A : memref<!tpu.dma_semaphore, #tpu.memory_space<semaphore_mem>>)
          %dma_wait3A_76 = arith.constant 0 : i32
          %dma_wait3A_77 = tpu.memref_slice %arg9[%sub3A_54, %dma_wait3A_76] : memref<2x128xi32, #tpu.memory_space<vmem>> -> memref<1x128xi32, #tpu.memory_space<vmem>>
          %dma_wait3A_78 = tpu.memref_squeeze %dma_wait3A_77 : memref<1x128xi32, #tpu.memory_space<vmem>> -> memref<128xi32, #tpu.memory_space<vmem>>
          %dma_wait3A_79 = tpu.memref_slice %arg3[%multiple_of3A_58] : memref<10338304xi32, #tpu.memory_space<hbm>> -> memref<128xi32, #tpu.memory_space<hbm>>
          %dma_wait3A_80 = arith.constant 0 : i32
          %dma_wait3A_81 = tpu.memref_slice %arg9[%sub3A_54, %dma_wait3A_80] : memref<2x128xi32, #tpu.memory_space<vmem>> -> memref<1x128xi32, #tpu.memory_space<vmem>>
          %dma_wait3A_82 = tpu.memref_squeeze %dma_wait3A_81 : memref<1x128xi32, #tpu.memory_space<vmem>> -> memref<128xi32, #tpu.memory_space<vmem>>
          %dma_wait3A_83 = tpu.memref_slice %arg3[%multiple_of3A_58] : memref<10338304xi32, #tpu.memory_space<hbm>> -> memref<128xi32, #tpu.memory_space<hbm>>
          tpu.wait_dma2 semaphore(%run_scoped3A : memref<!tpu.dma_semaphore, #tpu.memory_space<semaphore_mem>>) src(%dma_wait3A_83 : memref<128xi32, #tpu.memory_space<hbm>>) dst(%dma_wait3A_82 : memref<128xi32, #tpu.memory_space<vmem>>)
          tpu.yield
        }) : () -> ()
        "tpu.region"() ({
          %run_scoped3A = tpu.sem_alloc : memref<!tpu.dma_semaphore, #tpu.memory_space<semaphore_mem>>
          %dma_start3A_68 = arith.constant 0 : i32
          %dma_start3A_69 = tpu.memref_slice %arg10[%sub3A_54, %dma_start3A_68] : memref<2x128xi32, #tpu.memory_space<vmem>> -> memref<1x128xi32, #tpu.memory_space<vmem>>
          %dma_start3A_70 = tpu.memref_squeeze %dma_start3A_69 : memref<1x128xi32, #tpu.memory_space<vmem>> -> memref<128xi32, #tpu.memory_space<vmem>>
          %dma_start3A_71 = tpu.memref_slice %arg4[%multiple_of3A_58] : memref<10338304xi32, #tpu.memory_space<hbm>> -> memref<128xi32, #tpu.memory_space<hbm>>
          %dma_start3A_72 = arith.constant 0 : i32
          %dma_start3A_73 = tpu.memref_slice %arg10[%sub3A_54, %dma_start3A_72] : memref<2x128xi32, #tpu.memory_space<vmem>> -> memref<1x128xi32, #tpu.memory_space<vmem>>
          %dma_start3A_74 = tpu.memref_squeeze %dma_start3A_73 : memref<1x128xi32, #tpu.memory_space<vmem>> -> memref<128xi32, #tpu.memory_space<vmem>>
          %dma_start3A_75 = tpu.memref_slice %arg4[%multiple_of3A_58] : memref<10338304xi32, #tpu.memory_space<hbm>> -> memref<128xi32, #tpu.memory_space<hbm>>
          tpu.enqueue_dma source(%dma_start3A_75 : memref<128xi32, #tpu.memory_space<hbm>>) target(%dma_start3A_74 : memref<128xi32, #tpu.memory_space<vmem>>) target_semaphore(%run_scoped3A : memref<!tpu.dma_semaphore, #tpu.memory_space<semaphore_mem>>)
          %dma_wait3A_76 = arith.constant 0 : i32
          %dma_wait3A_77 = tpu.memref_slice %arg10[%sub3A_54, %dma_wait3A_76] : memref<2x128xi32, #tpu.memory_space<vmem>> -> memref<1x128xi32, #tpu.memory_space<vmem>>
          %dma_wait3A_78 = tpu.memref_squeeze %dma_wait3A_77 : memref<1x128xi32, #tpu.memory_space<vmem>> -> memref<128xi32, #tpu.memory_space<vmem>>
          %dma_wait3A_79 = tpu.memref_slice %arg4[%multiple_of3A_58] : memref<10338304xi32, #tpu.memory_space<hbm>> -> memref<128xi32, #tpu.memory_space<hbm>>
          %dma_wait3A_80 = arith.constant 0 : i32
          %dma_wait3A_81 = tpu.memref_slice %arg10[%sub3A_54, %dma_wait3A_80] : memref<2x128xi32, #tpu.memory_space<vmem>> -> memref<1x128xi32, #tpu.memory_space<vmem>>
          %dma_wait3A_82 = tpu.memref_squeeze %dma_wait3A_81 : memref<1x128xi32, #tpu.memory_space<vmem>> -> memref<128xi32, #tpu.memory_space<vmem>>
          %dma_wait3A_83 = tpu.memref_slice %arg4[%multiple_of3A_58] : memref<10338304xi32, #tpu.memory_space<hbm>> -> memref<128xi32, #tpu.memory_space<hbm>>
          tpu.wait_dma2 semaphore(%run_scoped3A : memref<!tpu.dma_semaphore, #tpu.memory_space<semaphore_mem>>) src(%dma_wait3A_83 : memref<128xi32, #tpu.memory_space<hbm>>) dst(%dma_wait3A_82 : memref<128xi32, #tpu.memory_space<vmem>>)
          tpu.yield
        }) : () -> ()
        %dma_start3A = arith.constant 0 : i32
        %dma_start3A_59 = arith.constant 0 : i32
        %dma_start3A_60 = tpu.memref_slice %arg11[%sub3A_54, %dma_start3A, %dma_start3A_59] : memref<2x128x128xf32, #tpu.memory_space<vmem>> -> memref<1x128x128xf32, #tpu.memory_space<vmem>>
        %dma_start3A_61 = tpu.memref_squeeze %dma_start3A_60 : memref<1x128x128xf32, #tpu.memory_space<vmem>> -> memref<128x128xf32, #tpu.memory_space<vmem>>
        %dma_start3A_62 = arith.constant 0 : i32
        %dma_start3A_63 = tpu.memref_slice %arg9[%sub3A_54, %dma_start3A_62] : memref<2x128xi32, #tpu.memory_space<vmem>> -> memref<1x128xi32, #tpu.memory_space<vmem>>
        %dma_start3A_64 = tpu.memref_squeeze %dma_start3A_63 : memref<1x128xi32, #tpu.memory_space<vmem>> -> memref<128xi32, #tpu.memory_space<vmem>>
        %dma_start3A_65 = arith.constant 0 : i32
        %dma_start3A_66 = arith.constant 0 : i32
        %dma_start3A_67 = tpu.memref_slice %arg2[%dma_start3A_65, %dma_start3A_66] : memref<10000x128xf32, #tpu.memory_space<hbm>> -> memref<10000x128xf32, #tpu.memory_space<hbm>>
        tpu.enqueue_indirect_dma source(%dma_start3A_67 : memref<10000x128xf32, #tpu.memory_space<hbm>>) target(%dma_start3A_61 : memref<128x128xf32, #tpu.memory_space<vmem>>) offsets(%dma_start3A_64 : memref<128xi32, #tpu.memory_space<vmem>>) semaphore(%arg13 : memref<!tpu.dma_semaphore, #tpu.memory_space<semaphore_mem>>)
      } else {
      }
      %dma_wait3A = arith.constant 0 : i32
      %dma_wait3A_39 = arith.constant 0 : i32
      %dma_wait3A_40 = tpu.memref_slice %arg11[%select_n3A_32, %dma_wait3A, %dma_wait3A_39] : memref<2x128x128xf32, #tpu.memory_space<vmem>> -> memref<1x128x128xf32, #tpu.memory_space<vmem>>
      %dma_wait3A_41 = tpu.memref_squeeze %dma_wait3A_40 : memref<1x128x128xf32, #tpu.memory_space<vmem>> -> memref<128x128xf32, #tpu.memory_space<vmem>>
      %dma_wait3A_42 = arith.constant 0 : i32
      %dma_wait3A_43 = arith.constant 0 : i32
      %dma_wait3A_44 = tpu.memref_slice %arg2[%dma_wait3A_42, %dma_wait3A_43] : memref<10000x128xf32, #tpu.memory_space<hbm>> -> memref<128x128xf32, #tpu.memory_space<hbm>>
      %dma_wait3A_45 = arith.constant 0 : i32
      %dma_wait3A_46 = arith.constant 0 : i32
      %dma_wait3A_47 = tpu.memref_slice %arg11[%select_n3A_32, %dma_wait3A_45, %dma_wait3A_46] : memref<2x128x128xf32, #tpu.memory_space<vmem>> -> memref<1x128x128xf32, #tpu.memory_space<vmem>>
      %dma_wait3A_48 = tpu.memref_squeeze %dma_wait3A_47 : memref<1x128x128xf32, #tpu.memory_space<vmem>> -> memref<128x128xf32, #tpu.memory_space<vmem>>
      %dma_wait3A_49 = arith.constant 0 : i32
      %dma_wait3A_50 = arith.constant 0 : i32
      %dma_wait3A_51 = tpu.memref_slice %arg2[%dma_wait3A_49, %dma_wait3A_50] : memref<10000x128xf32, #tpu.memory_space<hbm>> -> memref<128x128xf32, #tpu.memory_space<hbm>>
      tpu.wait_dma2 semaphore(%arg13 : memref<!tpu.dma_semaphore, #tpu.memory_space<semaphore_mem>>) src(%dma_wait3A_51 : memref<128x128xf32, #tpu.memory_space<hbm>>) dst(%dma_wait3A_48 : memref<128x128xf32, #tpu.memory_space<vmem>>)
      "tpu.region"() ({
        %run_scoped3A = tpu.sem_alloc : memref<!tpu.dma_semaphore, #tpu.memory_space<semaphore_mem>>
        %dma_start3A = arith.constant 0 : i32
        %dma_start3A_52 = arith.constant 0 : i32
        %dma_start3A_53 = tpu.memref_slice %arg11[%select_n3A_32, %dma_start3A, %dma_start3A_52] : memref<2x128x128xf32, #tpu.memory_space<vmem>> -> memref<1x128x128xf32, #tpu.memory_space<vmem>>
        %dma_start3A_54 = tpu.memref_squeeze %dma_start3A_53 : memref<1x128x128xf32, #tpu.memory_space<vmem>> -> memref<128x128xf32, #tpu.memory_space<vmem>>
        %dma_start3A_55 = arith.constant 0 : i32
        %dma_start3A_56 = tpu.memref_slice %arg10[%select_n3A_32, %dma_start3A_55] : memref<2x128xi32, #tpu.memory_space<vmem>> -> memref<1x128xi32, #tpu.memory_space<vmem>>
        %dma_start3A_57 = tpu.memref_squeeze %dma_start3A_56 : memref<1x128xi32, #tpu.memory_space<vmem>> -> memref<128xi32, #tpu.memory_space<vmem>>
        %dma_start3A_58 = arith.constant 0 : i32
        %dma_start3A_59 = arith.constant 0 : i32
        %dma_start3A_60 = tpu.memref_slice %arg12[%dma_start3A_58, %dma_start3A_59] : memref<10240x128xf32, #tpu.memory_space<vmem_shared>> -> memref<10240x128xf32, #tpu.memory_space<vmem_shared>>
        tpu.enqueue_indirect_dma source(%dma_start3A_54 : memref<128x128xf32, #tpu.memory_space<vmem>>) target(%dma_start3A_60 : memref<10240x128xf32, #tpu.memory_space<vmem_shared>>) offsets(%dma_start3A_57 : memref<128xi32, #tpu.memory_space<vmem>>) semaphore(%run_scoped3A : memref<!tpu.dma_semaphore, #tpu.memory_space<semaphore_mem>>) {add = true}
        %dma_wait3A_61 = arith.constant 0 : i32
        %dma_wait3A_62 = arith.constant 0 : i32
        %dma_wait3A_63 = tpu.memref_slice %arg11[%select_n3A_32, %dma_wait3A_61, %dma_wait3A_62] : memref<2x128x128xf32, #tpu.memory_space<vmem>> -> memref<1x128x128xf32, #tpu.memory_space<vmem>>
        %dma_wait3A_64 = tpu.memref_squeeze %dma_wait3A_63 : memref<1x128x128xf32, #tpu.memory_space<vmem>> -> memref<128x128xf32, #tpu.memory_space<vmem>>
        %dma_wait3A_65 = arith.constant 0 : i32
        %dma_wait3A_66 = tpu.memref_slice %arg10[%select_n3A_32, %dma_wait3A_65] : memref<2x128xi32, #tpu.memory_space<vmem>> -> memref<1x128xi32, #tpu.memory_space<vmem>>
        %dma_wait3A_67 = tpu.memref_squeeze %dma_wait3A_66 : memref<1x128xi32, #tpu.memory_space<vmem>> -> memref<128xi32, #tpu.memory_space<vmem>>
        %dma_wait3A_68 = arith.constant 0 : i32
        %dma_wait3A_69 = arith.constant 0 : i32
        %dma_wait3A_70 = tpu.memref_slice %arg12[%dma_wait3A_68, %dma_wait3A_69] : memref<10240x128xf32, #tpu.memory_space<vmem_shared>> -> memref<10240x128xf32, #tpu.memory_space<vmem_shared>>
        tpu.wait_indirect_dma semaphore(%run_scoped3A : memref<!tpu.dma_semaphore, #tpu.memory_space<semaphore_mem>>) src(%dma_wait3A_64 : memref<128x128xf32, #tpu.memory_space<vmem>>) dst(%dma_wait3A_70 : memref<10240x128xf32, #tpu.memory_space<vmem_shared>>)
        tpu.yield
      }) : () -> ()
    }
    %while3A_20 = arith.constant 1 : i32
    scf.for %while3A_23 = %while3A_18 to %while3A_14 step %while3A_20  : i32 {
      %jit3A = arith.constant 2 : i32
      %eq3A = arith.constant 0 : i32
      %eq3A_24 = arith.cmpi eq, %jit3A, %eq3A : i32
      %jit3A_25 = arith.constant 1 : i32
      %select_n3A = arith.select %eq3A_24, %jit3A_25, %jit3A : i32
      %rem3A = arith.remsi %while3A_23, %select_n3A : i32
      %ne3A = arith.constant 0 : i32
      %ne3A_26 = arith.cmpi ne, %rem3A, %ne3A : i32
      %lt3A = arith.constant 0 : i32
      %lt3A_27 = arith.cmpi slt, %rem3A, %lt3A : i32
      %lt3A_28 = arith.constant 0 : i32
      %lt3A_29 = arith.cmpi slt, %select_n3A, %lt3A_28 : i32
      %ne3A_30 = arith.xori %lt3A_27, %lt3A_29 : i1
      %and3A = arith.andi %ne3A_30, %ne3A_26 : i1
      %add3A_31 = arith.addi %rem3A, %select_n3A : i32
      %select_n3A_32 = arith.select %and3A, %add3A_31, %rem3A : i32
      %add3A_33 = arith.constant 1 : i32
      %add3A_34 = arith.addi %while3A_23, %add3A_33 : i32
      %lt3A_35 = arith.cmpi slt, %add3A_34, %squeeze3A : i32
      %convert_element_type3A_36 = arith.extui %lt3A_35 : i1 to i32
      %cond3A_37 = arith.constant 0 : i32
      %cond3A_38 = arith.cmpi ne, %convert_element_type3A_36, %cond3A_37 : i32
      scf.if %cond3A_38 {
        %add3A_52 = arith.constant 1 : i32
        %add3A_53 = arith.addi %while3A_23, %add3A_52 : i32
        %sub3A = arith.constant 1 : i32
        %sub3A_54 = arith.subi %sub3A, %select_n3A_32 : i32
        %mul3A_55 = arith.constant 128 : i32
        %mul3A_56 = arith.muli %add3A_53, %mul3A_55 : i32
        %add3A_57 = arith.addi %mul3A_2, %mul3A_56 : i32
        %multiple_of3A_58 = tpu.assume_multiple %add3A_57, 128 : i32
        "tpu.region"() ({
          %run_scoped3A = tpu.sem_alloc : memref<!tpu.dma_semaphore, #tpu.memory_space<semaphore_mem>>
          %dma_start3A_68 = arith.constant 0 : i32
          %dma_start3A_69 = tpu.memref_slice %arg9[%sub3A_54, %dma_start3A_68] : memref<2x128xi32, #tpu.memory_space<vmem>> -> memref<1x128xi32, #tpu.memory_space<vmem>>
          %dma_start3A_70 = tpu.memref_squeeze %dma_start3A_69 : memref<1x128xi32, #tpu.memory_space<vmem>> -> memref<128xi32, #tpu.memory_space<vmem>>
          %dma_start3A_71 = tpu.memref_slice %arg3[%multiple_of3A_58] : memref<10338304xi32, #tpu.memory_space<hbm>> -> memref<128xi32, #tpu.memory_space<hbm>>
          %dma_start3A_72 = arith.constant 0 : i32
          %dma_start3A_73 = tpu.memref_slice %arg9[%sub3A_54, %dma_start3A_72] : memref<2x128xi32, #tpu.memory_space<vmem>> -> memref<1x128xi32, #tpu.memory_space<vmem>>
          %dma_start3A_74 = tpu.memref_squeeze %dma_start3A_73 : memref<1x128xi32, #tpu.memory_space<vmem>> -> memref<128xi32, #tpu.memory_space<vmem>>
          %dma_start3A_75 = tpu.memref_slice %arg3[%multiple_of3A_58] : memref<10338304xi32, #tpu.memory_space<hbm>> -> memref<128xi32, #tpu.memory_space<hbm>>
          tpu.enqueue_dma source(%dma_start3A_75 : memref<128xi32, #tpu.memory_space<hbm>>) target(%dma_start3A_74 : memref<128xi32, #tpu.memory_space<vmem>>) target_semaphore(%run_scoped3A : memref<!tpu.dma_semaphore, #tpu.memory_space<semaphore_mem>>)
          %dma_wait3A_76 = arith.constant 0 : i32
          %dma_wait3A_77 = tpu.memref_slice %arg9[%sub3A_54, %dma_wait3A_76] : memref<2x128xi32, #tpu.memory_space<vmem>> -> memref<1x128xi32, #tpu.memory_space<vmem>>
          %dma_wait3A_78 = tpu.memref_squeeze %dma_wait3A_77 : memref<1x128xi32, #tpu.memory_space<vmem>> -> memref<128xi32, #tpu.memory_space<vmem>>
          %dma_wait3A_79 = tpu.memref_slice %arg3[%multiple_of3A_58] : memref<10338304xi32, #tpu.memory_space<hbm>> -> memref<128xi32, #tpu.memory_space<hbm>>
          %dma_wait3A_80 = arith.constant 0 : i32
          %dma_wait3A_81 = tpu.memref_slice %arg9[%sub3A_54, %dma_wait3A_80] : memref<2x128xi32, #tpu.memory_space<vmem>> -> memref<1x128xi32, #tpu.memory_space<vmem>>
          %dma_wait3A_82 = tpu.memref_squeeze %dma_wait3A_81 : memref<1x128xi32, #tpu.memory_space<vmem>> -> memref<128xi32, #tpu.memory_space<vmem>>
          %dma_wait3A_83 = tpu.memref_slice %arg3[%multiple_of3A_58] : memref<10338304xi32, #tpu.memory_space<hbm>> -> memref<128xi32, #tpu.memory_space<hbm>>
          tpu.wait_dma2 semaphore(%run_scoped3A : memref<!tpu.dma_semaphore, #tpu.memory_space<semaphore_mem>>) src(%dma_wait3A_83 : memref<128xi32, #tpu.memory_space<hbm>>) dst(%dma_wait3A_82 : memref<128xi32, #tpu.memory_space<vmem>>)
          tpu.yield
        }) : () -> ()
        "tpu.region"() ({
          %run_scoped3A = tpu.sem_alloc : memref<!tpu.dma_semaphore, #tpu.memory_space<semaphore_mem>>
          %dma_start3A_68 = arith.constant 0 : i32
          %dma_start3A_69 = tpu.memref_slice %arg10[%sub3A_54, %dma_start3A_68] : memref<2x128xi32, #tpu.memory_space<vmem>> -> memref<1x128xi32, #tpu.memory_space<vmem>>
          %dma_start3A_70 = tpu.memref_squeeze %dma_start3A_69 : memref<1x128xi32, #tpu.memory_space<vmem>> -> memref<128xi32, #tpu.memory_space<vmem>>
          %dma_start3A_71 = tpu.memref_slice %arg4[%multiple_of3A_58] : memref<10338304xi32, #tpu.memory_space<hbm>> -> memref<128xi32, #tpu.memory_space<hbm>>
          %dma_start3A_72 = arith.constant 0 : i32
          %dma_start3A_73 = tpu.memref_slice %arg10[%sub3A_54, %dma_start3A_72] : memref<2x128xi32, #tpu.memory_space<vmem>> -> memref<1x128xi32, #tpu.memory_space<vmem>>
          %dma_start3A_74 = tpu.memref_squeeze %dma_start3A_73 : memref<1x128xi32, #tpu.memory_space<vmem>> -> memref<128xi32, #tpu.memory_space<vmem>>
          %dma_start3A_75 = tpu.memref_slice %arg4[%multiple_of3A_58] : memref<10338304xi32, #tpu.memory_space<hbm>> -> memref<128xi32, #tpu.memory_space<hbm>>
          tpu.enqueue_dma source(%dma_start3A_75 : memref<128xi32, #tpu.memory_space<hbm>>) target(%dma_start3A_74 : memref<128xi32, #tpu.memory_space<vmem>>) target_semaphore(%run_scoped3A : memref<!tpu.dma_semaphore, #tpu.memory_space<semaphore_mem>>)
          %dma_wait3A_76 = arith.constant 0 : i32
          %dma_wait3A_77 = tpu.memref_slice %arg10[%sub3A_54, %dma_wait3A_76] : memref<2x128xi32, #tpu.memory_space<vmem>> -> memref<1x128xi32, #tpu.memory_space<vmem>>
          %dma_wait3A_78 = tpu.memref_squeeze %dma_wait3A_77 : memref<1x128xi32, #tpu.memory_space<vmem>> -> memref<128xi32, #tpu.memory_space<vmem>>
          %dma_wait3A_79 = tpu.memref_slice %arg4[%multiple_of3A_58] : memref<10338304xi32, #tpu.memory_space<hbm>> -> memref<128xi32, #tpu.memory_space<hbm>>
          %dma_wait3A_80 = arith.constant 0 : i32
          %dma_wait3A_81 = tpu.memref_slice %arg10[%sub3A_54, %dma_wait3A_80] : memref<2x128xi32, #tpu.memory_space<vmem>> -> memref<1x128xi32, #tpu.memory_space<vmem>>
          %dma_wait3A_82 = tpu.memref_squeeze %dma_wait3A_81 : memref<1x128xi32, #tpu.memory_space<vmem>> -> memref<128xi32, #tpu.memory_space<vmem>>
          %dma_wait3A_83 = tpu.memref_slice %arg4[%multiple_of3A_58] : memref<10338304xi32, #tpu.memory_space<hbm>> -> memref<128xi32, #tpu.memory_space<hbm>>
          tpu.wait_dma2 semaphore(%run_scoped3A : memref<!tpu.dma_semaphore, #tpu.memory_space<semaphore_mem>>) src(%dma_wait3A_83 : memref<128xi32, #tpu.memory_space<hbm>>) dst(%dma_wait3A_82 : memref<128xi32, #tpu.memory_space<vmem>>)
          tpu.yield
        }) : () -> ()
        %dma_start3A = arith.constant 0 : i32
        %dma_start3A_59 = arith.constant 0 : i32
        %dma_start3A_60 = tpu.memref_slice %arg11[%sub3A_54, %dma_start3A, %dma_start3A_59] : memref<2x128x128xf32, #tpu.memory_space<vmem>> -> memref<1x128x128xf32, #tpu.memory_space<vmem>>
        %dma_start3A_61 = tpu.memref_squeeze %dma_start3A_60 : memref<1x128x128xf32, #tpu.memory_space<vmem>> -> memref<128x128xf32, #tpu.memory_space<vmem>>
        %dma_start3A_62 = arith.constant 0 : i32
        %dma_start3A_63 = tpu.memref_slice %arg9[%sub3A_54, %dma_start3A_62] : memref<2x128xi32, #tpu.memory_space<vmem>> -> memref<1x128xi32, #tpu.memory_space<vmem>>
        %dma_start3A_64 = tpu.memref_squeeze %dma_start3A_63 : memref<1x128xi32, #tpu.memory_space<vmem>> -> memref<128xi32, #tpu.memory_space<vmem>>
        %dma_start3A_65 = arith.constant 0 : i32
        %dma_start3A_66 = arith.constant 0 : i32
        %dma_start3A_67 = tpu.memref_slice %arg2[%dma_start3A_65, %dma_start3A_66] : memref<10000x128xf32, #tpu.memory_space<hbm>> -> memref<10000x128xf32, #tpu.memory_space<hbm>>
        tpu.enqueue_indirect_dma source(%dma_start3A_67 : memref<10000x128xf32, #tpu.memory_space<hbm>>) target(%dma_start3A_61 : memref<128x128xf32, #tpu.memory_space<vmem>>) offsets(%dma_start3A_64 : memref<128xi32, #tpu.memory_space<vmem>>) semaphore(%arg13 : memref<!tpu.dma_semaphore, #tpu.memory_space<semaphore_mem>>)
      } else {
      }
      %dma_wait3A = arith.constant 0 : i32
      %dma_wait3A_39 = arith.constant 0 : i32
      %dma_wait3A_40 = tpu.memref_slice %arg11[%select_n3A_32, %dma_wait3A, %dma_wait3A_39] : memref<2x128x128xf32, #tpu.memory_space<vmem>> -> memref<1x128x128xf32, #tpu.memory_space<vmem>>
      %dma_wait3A_41 = tpu.memref_squeeze %dma_wait3A_40 : memref<1x128x128xf32, #tpu.memory_space<vmem>> -> memref<128x128xf32, #tpu.memory_space<vmem>>
      %dma_wait3A_42 = arith.constant 0 : i32
      %dma_wait3A_43 = arith.constant 0 : i32
      %dma_wait3A_44 = tpu.memref_slice %arg2[%dma_wait3A_42, %dma_wait3A_43] : memref<10000x128xf32, #tpu.memory_space<hbm>> -> memref<128x128xf32, #tpu.memory_space<hbm>>
      %dma_wait3A_45 = arith.constant 0 : i32
      %dma_wait3A_46 = arith.constant 0 : i32
      %dma_wait3A_47 = tpu.memref_slice %arg11[%select_n3A_32, %dma_wait3A_45, %dma_wait3A_46] : memref<2x128x128xf32, #tpu.memory_space<vmem>> -> memref<1x128x128xf32, #tpu.memory_space<vmem>>
      %dma_wait3A_48 = tpu.memref_squeeze %dma_wait3A_47 : memref<1x128x128xf32, #tpu.memory_space<vmem>> -> memref<128x128xf32, #tpu.memory_space<vmem>>
      %dma_wait3A_49 = arith.constant 0 : i32
      %dma_wait3A_50 = arith.constant 0 : i32
      %dma_wait3A_51 = tpu.memref_slice %arg2[%dma_wait3A_49, %dma_wait3A_50] : memref<10000x128xf32, #tpu.memory_space<hbm>> -> memref<128x128xf32, #tpu.memory_space<hbm>>
      tpu.wait_dma2 semaphore(%arg13 : memref<!tpu.dma_semaphore, #tpu.memory_space<semaphore_mem>>) src(%dma_wait3A_51 : memref<128x128xf32, #tpu.memory_space<hbm>>) dst(%dma_wait3A_48 : memref<128x128xf32, #tpu.memory_space<vmem>>)
      "tpu.region"() ({
        %run_scoped3A = tpu.sem_alloc : memref<!tpu.dma_semaphore, #tpu.memory_space<semaphore_mem>>
        %dma_start3A = arith.constant 0 : i32
        %dma_start3A_52 = arith.constant 0 : i32
        %dma_start3A_53 = tpu.memref_slice %arg11[%select_n3A_32, %dma_start3A, %dma_start3A_52] : memref<2x128x128xf32, #tpu.memory_space<vmem>> -> memref<1x128x128xf32, #tpu.memory_space<vmem>>
        %dma_start3A_54 = tpu.memref_squeeze %dma_start3A_53 : memref<1x128x128xf32, #tpu.memory_space<vmem>> -> memref<128x128xf32, #tpu.memory_space<vmem>>
        %dma_start3A_55 = arith.constant 0 : i32
        %dma_start3A_56 = tpu.memref_slice %arg10[%select_n3A_32, %dma_start3A_55] : memref<2x128xi32, #tpu.memory_space<vmem>> -> memref<1x128xi32, #tpu.memory_space<vmem>>
        %dma_start3A_57 = tpu.memref_squeeze %dma_start3A_56 : memref<1x128xi32, #tpu.memory_space<vmem>> -> memref<128xi32, #tpu.memory_space<vmem>>
        %dma_start3A_58 = arith.constant 0 : i32
        %dma_start3A_59 = arith.constant 0 : i32
        %dma_start3A_60 = tpu.memref_slice %arg12[%dma_start3A_58, %dma_start3A_59] : memref<10240x128xf32, #tpu.memory_space<vmem_shared>> -> memref<10240x128xf32, #tpu.memory_space<vmem_shared>>
        tpu.enqueue_indirect_dma source(%dma_start3A_54 : memref<128x128xf32, #tpu.memory_space<vmem>>) target(%dma_start3A_60 : memref<10240x128xf32, #tpu.memory_space<vmem_shared>>) offsets(%dma_start3A_57 : memref<128xi32, #tpu.memory_space<vmem>>) semaphore(%run_scoped3A : memref<!tpu.dma_semaphore, #tpu.memory_space<semaphore_mem>>) {add = true}
        %dma_wait3A_61 = arith.constant 0 : i32
        %dma_wait3A_62 = arith.constant 0 : i32
        %dma_wait3A_63 = tpu.memref_slice %arg11[%select_n3A_32, %dma_wait3A_61, %dma_wait3A_62] : memref<2x128x128xf32, #tpu.memory_space<vmem>> -> memref<1x128x128xf32, #tpu.memory_space<vmem>>
        %dma_wait3A_64 = tpu.memref_squeeze %dma_wait3A_63 : memref<1x128x128xf32, #tpu.memory_space<vmem>> -> memref<128x128xf32, #tpu.memory_space<vmem>>
        %dma_wait3A_65 = arith.constant 0 : i32
        %dma_wait3A_66 = tpu.memref_slice %arg10[%select_n3A_32, %dma_wait3A_65] : memref<2x128xi32, #tpu.memory_space<vmem>> -> memref<1x128xi32, #tpu.memory_space<vmem>>
        %dma_wait3A_67 = tpu.memref_squeeze %dma_wait3A_66 : memref<1x128xi32, #tpu.memory_space<vmem>> -> memref<128xi32, #tpu.memory_space<vmem>>
        %dma_wait3A_68 = arith.constant 0 : i32
        %dma_wait3A_69 = arith.constant 0 : i32
        %dma_wait3A_70 = tpu.memref_slice %arg12[%dma_wait3A_68, %dma_wait3A_69] : memref<10240x128xf32, #tpu.memory_space<vmem_shared>> -> memref<10240x128xf32, #tpu.memory_space<vmem_shared>>
        tpu.wait_indirect_dma semaphore(%run_scoped3A : memref<!tpu.dma_semaphore, #tpu.memory_space<semaphore_mem>>) src(%dma_wait3A_64 : memref<128x128xf32, #tpu.memory_space<vmem>>) dst(%dma_wait3A_70 : memref<10240x128xf32, #tpu.memory_space<vmem_shared>>)
        tpu.yield
      }) : () -> ()
    }
    %multiple_of3A_21 = tpu.assume_multiple %mul3A_4, 8 : i32
    %multiple_of3A_22 = tpu.assume_multiple %mul3A_4, 8 : i32
    "tpu.region"() ({
      %run_scoped3A = tpu.sem_alloc : memref<!tpu.dma_semaphore, #tpu.memory_space<semaphore_mem>>
      %dma_start3A = arith.constant 0 : i32
      %dma_start3A_23 = tpu.memref_slice %arg7[%multiple_of3A_22, %dma_start3A] : memref<10240x128xf32, #tpu.memory_space<hbm>> -> memref<320x128xf32, #tpu.memory_space<hbm>>
      %dma_start3A_24 = arith.constant 0 : i32
      %dma_start3A_25 = tpu.memref_slice %arg12[%multiple_of3A_21, %dma_start3A_24] : memref<10240x128xf32, #tpu.memory_space<vmem_shared>> -> memref<320x128xf32, #tpu.memory_space<vmem_shared>>
      tpu.enqueue_dma source(%dma_start3A_25 : memref<320x128xf32, #tpu.memory_space<vmem_shared>>) target(%dma_start3A_23 : memref<320x128xf32, #tpu.memory_space<hbm>>) target_semaphore(%run_scoped3A : memref<!tpu.dma_semaphore, #tpu.memory_space<semaphore_mem>>)
      %dma_wait3A = arith.constant 0 : i32
      %dma_wait3A_26 = tpu.memref_slice %arg7[%multiple_of3A_22, %dma_wait3A] : memref<10240x128xf32, #tpu.memory_space<hbm>> -> memref<320x128xf32, #tpu.memory_space<hbm>>
      %dma_wait3A_27 = arith.constant 0 : i32
      %dma_wait3A_28 = tpu.memref_slice %arg12[%multiple_of3A_21, %dma_wait3A_27] : memref<10240x128xf32, #tpu.memory_space<vmem_shared>> -> memref<320x128xf32, #tpu.memory_space<vmem_shared>>
      tpu.wait_dma2 semaphore(%run_scoped3A : memref<!tpu.dma_semaphore, #tpu.memory_space<semaphore_mem>>) src(%dma_wait3A_28 : memref<320x128xf32, #tpu.memory_space<vmem_shared>>) dst(%dma_wait3A_26 : memref<320x128xf32, #tpu.memory_space<hbm>>)
      tpu.yield
    }) : () -> ()
    return
  }
}

module attributes {stable_mosaic.version = 14 : i64} {
  func.func @body(%arg0: i32, %arg1: memref<1x1x2000xi32, #tpu.memory_space<vmem>>, %arg2: memref<2000x8xf32, #tpu.memory_space<vmem>>, %arg3: memref<100x128xf32, #tpu.memory_space<vmem>>, %arg4: memref<8x128xf32, #tpu.memory_space<vmem>>, %arg5: memref<128xf32, #tpu.memory_space<vmem>>, %arg6: memref<256x128xf32, #tpu.memory_space<vmem>>, %arg7: memref<128xf32, #tpu.memory_space<vmem>>, %arg8: memref<2000x128xf32, #tpu.memory_space<vmem>>) attributes {dimension_semantics = [#tpu.dimension_semantics<arbitrary>], iteration_bounds = array<i64: 5>, scalar_prefetch = 0 : i64, scratch_operands = 0 : i64, tpu.core_type = #tpu.core_type<tc>, window_params = [{transform_indices = @transform_0, window_bounds = array<i64: 1, 1, 2000>}, {transform_indices = @transform_1, window_bounds = array<i64: 2000, 8>}, {pipeline_mode = #tpu.pipeline_mode<synchronous>, transform_indices = @transform_2, window_bounds = array<i64: 100, 128>}, {pipeline_mode = #tpu.pipeline_mode<synchronous>, transform_indices = @transform_3, window_bounds = array<i64: 8, 128>}, {pipeline_mode = #tpu.pipeline_mode<synchronous>, transform_indices = @transform_4, window_bounds = array<i64: 128>}, {pipeline_mode = #tpu.pipeline_mode<synchronous>, transform_indices = @transform_5, window_bounds = array<i64: 256, 128>}, {pipeline_mode = #tpu.pipeline_mode<synchronous>, transform_indices = @transform_6, window_bounds = array<i64: 128>}, {transform_indices = @transform_7, window_bounds = array<i64: 2000, 128>}]} {
    %get3A = arith.constant 0 : index
    %get3A_0 = arith.constant 0 : index
    %get3A_1 = arith.constant 0 : index
    %get3A_2 = vector.load %arg1[%get3A, %get3A_0, %get3A_1] : memref<1x1x2000xi32, #tpu.memory_space<vmem>>, vector<1x1x2000xi32>
    %get3A_3 = vector.shape_cast %get3A_2 : vector<1x1x2000xi32> to vector<2000xi32>
    %broadcast_in_dim3A = vector.shape_cast %get3A_3 : vector<2000xi32> to vector<2000x1xi32>
    %iota3A = tpu.iota {dimensions = array<i32: 1>} : vector<1x100xi32>
    %eq3A = vector.broadcast %broadcast_in_dim3A : vector<2000x1xi32> to vector<2000x100xi32>
    %eq3A_4 = vector.broadcast %iota3A : vector<1x100xi32> to vector<2000x100xi32>
    %eq3A_5 = arith.cmpi eq, %eq3A, %eq3A_4 : vector<2000x100xi32>
    %convert_element_type3A = arith.extui %eq3A_5 : vector<2000x100xi1> to vector<2000x100xi32>
    %convert_element_type3A_6 = arith.sitofp %convert_element_type3A : vector<2000x100xi32> to vector<2000x100xf32>
    %get3A_7 = arith.constant 0 : index
    %get3A_8 = arith.constant 0 : index
    %get3A_9 = vector.load %arg3[%get3A_7, %get3A_8] : memref<100x128xf32, #tpu.memory_space<vmem>>, vector<100x128xf32>
    %dot_general3A = arith.constant dense<0.000000e+00> : vector<2000x128xf32>
    %dot_general3A_10 = tpu.matmul %convert_element_type3A_6, %get3A_9, %dot_general3A {dimension_numbers = #tpu.dot_dimension_numbers<[1], [0], [0], [1], [0, 0, 1, 1], [], []>, transpose_lhs_hint = false} : vector<2000x100xf32>, vector<100x128xf32>, vector<2000x128xf32> -> vector<2000x128xf32>
    %get3A_11 = arith.constant 0 : index
    %get3A_12 = arith.constant 0 : index
    %get3A_13 = vector.load %arg2[%get3A_11, %get3A_12] : memref<2000x8xf32, #tpu.memory_space<vmem>>, vector<2000x8xf32>
    %get3A_14 = arith.constant 0 : index
    %get3A_15 = arith.constant 0 : index
    %get3A_16 = vector.load %arg4[%get3A_14, %get3A_15] : memref<8x128xf32, #tpu.memory_space<vmem>>, vector<8x128xf32>
    %dot_general3A_17 = arith.constant dense<0.000000e+00> : vector<2000x128xf32>
    %dot_general3A_18 = tpu.matmul %get3A_13, %get3A_16, %dot_general3A_17 {dimension_numbers = #tpu.dot_dimension_numbers<[1], [0], [0], [1], [0, 0, 1, 1], [], []>, transpose_lhs_hint = false} : vector<2000x8xf32>, vector<8x128xf32>, vector<2000x128xf32> -> vector<2000x128xf32>
    %get3A_19 = arith.constant 0 : index
    %get3A_20 = vector.load %arg5[%get3A_19] : memref<128xf32, #tpu.memory_space<vmem>>, vector<128xf32>
    %broadcast_in_dim3A_21 = vector.shape_cast %get3A_20 : vector<128xf32> to vector<1x128xf32>
    %add3A = vector.broadcast %broadcast_in_dim3A_21 : vector<1x128xf32> to vector<2000x128xf32>
    %add3A_22 = arith.addf %dot_general3A_18, %add3A : vector<2000x128xf32>
    %concatenate3A = tpu.concatenate %dot_general3A_10, %add3A_22 in 1 : vector<2000x128xf32>, vector<2000x128xf32> -> vector<2000x256xf32>
    %get3A_23 = arith.constant 0 : index
    %get3A_24 = arith.constant 0 : index
    %get3A_25 = vector.load %arg6[%get3A_23, %get3A_24] : memref<256x128xf32, #tpu.memory_space<vmem>>, vector<256x128xf32>
    %dot_general3A_26 = arith.constant dense<0.000000e+00> : vector<2000x128xf32>
    %dot_general3A_27 = tpu.matmul %concatenate3A, %get3A_25, %dot_general3A_26 {dimension_numbers = #tpu.dot_dimension_numbers<[1], [0], [0], [1], [0, 0, 1, 1], [], []>, transpose_lhs_hint = false} : vector<2000x256xf32>, vector<256x128xf32>, vector<2000x128xf32> -> vector<2000x128xf32>
    %get3A_28 = arith.constant 0 : index
    %get3A_29 = vector.load %arg7[%get3A_28] : memref<128xf32, #tpu.memory_space<vmem>>, vector<128xf32>
    %broadcast_in_dim3A_30 = vector.shape_cast %get3A_29 : vector<128xf32> to vector<1x128xf32>
    %add3A_31 = vector.broadcast %broadcast_in_dim3A_30 : vector<1x128xf32> to vector<2000x128xf32>
    %add3A_32 = arith.addf %dot_general3A_27, %add3A_31 : vector<2000x128xf32>
    %max3A = arith.constant 0.000000e+00 : f32
    %max3A_33 = vector.broadcast %max3A : f32 to vector<2000x128xf32>
    %max3A_34 = arith.maximumf %add3A_32, %max3A_33 : vector<2000x128xf32>
    %swap3A = arith.constant 0 : index
    %swap3A_35 = arith.constant 0 : index
    %swap3A_36 = vector.load %arg8[%swap3A, %swap3A_35] : memref<2000x128xf32, #tpu.memory_space<vmem>>, vector<2000x128xf32>
    tpu.vector_store %arg8[%swap3A, %swap3A_35], %max3A_34 {strides = array<i32>} : memref<2000x128xf32, #tpu.memory_space<vmem>>, vector<2000x128xf32>,
    return
  }
  func.func @transform_0(%arg0: i32) -> (i32, i32, i32) {
    %c0_i32 = arith.constant 0 : i32
    %c0_i32_0 = arith.constant 0 : i32
    %c0_i32_1 = arith.constant 0 : i32
    return %arg0, %c0_i32, %c0_i32_0 : i32, i32, i32
  }
  func.func @transform_1(%arg0: i32) -> (i32, i32) {
    %c0_i32 = arith.constant 0 : i32
    %c0_i32_0 = arith.constant 0 : i32
    return %arg0, %c0_i32 : i32, i32
  }
  func.func @transform_2(%arg0: i32) -> (i32, i32) {
    %c0_i32 = arith.constant 0 : i32
    %c0_i32_0 = arith.constant 0 : i32
    %c0_i32_1 = arith.constant 0 : i32
    return %c0_i32, %c0_i32_0 : i32, i32
  }
  func.func @transform_3(%arg0: i32) -> (i32, i32) {
    %c0_i32 = arith.constant 0 : i32
    %c0_i32_0 = arith.constant 0 : i32
    %c0_i32_1 = arith.constant 0 : i32
    return %c0_i32, %c0_i32_0 : i32, i32
  }
  func.func @transform_4(%arg0: i32) -> i32 {
    %c0_i32 = arith.constant 0 : i32
    %c0_i32_0 = arith.constant 0 : i32
    return %c0_i32 : i32
  }
  func.func @transform_5(%arg0: i32) -> (i32, i32) {
    %c0_i32 = arith.constant 0 : i32
    %c0_i32_0 = arith.constant 0 : i32
    %c0_i32_1 = arith.constant 0 : i32
    return %c0_i32, %c0_i32_0 : i32, i32
  }
  func.func @transform_6(%arg0: i32) -> i32 {
    %c0_i32 = arith.constant 0 : i32
    %c0_i32_0 = arith.constant 0 : i32
    return %c0_i32 : i32
  }
  func.func @transform_7(%arg0: i32) -> (i32, i32) {
    %c0_i32 = arith.constant 0 : i32
    %c0_i32_0 = arith.constant 0 : i32
    return %arg0, %c0_i32 : i32, i32
  }
}

module attributes {stable_mosaic.version = 14 : i64} {
  func.func @body(%arg0: i32, %arg1: memref<2000x128xf32, #tpu.memory_space<vmem>>, %arg2: memref<2000x128xf32, #tpu.memory_space<vmem>>, %arg3: memref<128x128xf32, #tpu.memory_space<vmem>>, %arg4: memref<128xf32, #tpu.memory_space<vmem>>, %arg5: memref<128x128xf32, #tpu.memory_space<vmem>>, %arg6: memref<128xf32, #tpu.memory_space<vmem>>, %arg7: memref<2000x128xf32, #tpu.memory_space<vmem>>) attributes {dimension_semantics = [#tpu.dimension_semantics<arbitrary>], iteration_bounds = array<i64: 5>, scalar_prefetch = 0 : i64, scratch_operands = 0 : i64, tpu.core_type = #tpu.core_type<tc>, window_params = [{transform_indices = @transform_0, window_bounds = array<i64: 2000, 128>}, {transform_indices = @transform_1, window_bounds = array<i64: 2000, 128>}, {pipeline_mode = #tpu.pipeline_mode<synchronous>, transform_indices = @transform_2, window_bounds = array<i64: 128, 128>}, {pipeline_mode = #tpu.pipeline_mode<synchronous>, transform_indices = @transform_3, window_bounds = array<i64: 128>}, {pipeline_mode = #tpu.pipeline_mode<synchronous>, transform_indices = @transform_4, window_bounds = array<i64: 128, 128>}, {pipeline_mode = #tpu.pipeline_mode<synchronous>, transform_indices = @transform_5, window_bounds = array<i64: 128>}, {transform_indices = @transform_6, window_bounds = array<i64: 2000, 128>}]} {
    %get3A = arith.constant 0 : index
    %get3A_0 = arith.constant 0 : index
    %get3A_1 = vector.load %arg1[%get3A, %get3A_0] : memref<2000x128xf32, #tpu.memory_space<vmem>>, vector<2000x128xf32>
    %get3A_2 = arith.constant 0 : index
    %get3A_3 = arith.constant 0 : index
    %get3A_4 = vector.load %arg2[%get3A_2, %get3A_3] : memref<2000x128xf32, #tpu.memory_space<vmem>>, vector<2000x128xf32>
    %add3A = arith.addf %get3A_1, %get3A_4 : vector<2000x128xf32>
    %get3A_5 = arith.constant 0 : index
    %get3A_6 = arith.constant 0 : index
    %get3A_7 = vector.load %arg3[%get3A_5, %get3A_6] : memref<128x128xf32, #tpu.memory_space<vmem>>, vector<128x128xf32>
    %dot_general3A = arith.constant dense<0.000000e+00> : vector<2000x128xf32>
    %dot_general3A_8 = tpu.matmul %add3A, %get3A_7, %dot_general3A {dimension_numbers = #tpu.dot_dimension_numbers<[1], [0], [0], [1], [0, 0, 1, 1], [], []>, transpose_lhs_hint = false} : vector<2000x128xf32>, vector<128x128xf32>, vector<2000x128xf32> -> vector<2000x128xf32>
    %get3A_9 = arith.constant 0 : index
    %get3A_10 = vector.load %arg4[%get3A_9] : memref<128xf32, #tpu.memory_space<vmem>>, vector<128xf32>
    %broadcast_in_dim3A = vector.shape_cast %get3A_10 : vector<128xf32> to vector<1x128xf32>
    %add3A_11 = vector.broadcast %broadcast_in_dim3A : vector<1x128xf32> to vector<2000x128xf32>
    %add3A_12 = arith.addf %dot_general3A_8, %add3A_11 : vector<2000x128xf32>
    %max3A = arith.constant 0.000000e+00 : f32
    %max3A_13 = vector.broadcast %max3A : f32 to vector<2000x128xf32>
    %max3A_14 = arith.maximumf %add3A_12, %max3A_13 : vector<2000x128xf32>
    %get3A_15 = arith.constant 0 : index
    %get3A_16 = arith.constant 0 : index
    %get3A_17 = vector.load %arg5[%get3A_15, %get3A_16] : memref<128x128xf32, #tpu.memory_space<vmem>>, vector<128x128xf32>
    %dot_general3A_18 = arith.constant dense<0.000000e+00> : vector<2000x128xf32>
    %dot_general3A_19 = tpu.matmul %max3A_14, %get3A_17, %dot_general3A_18 {dimension_numbers = #tpu.dot_dimension_numbers<[1], [0], [0], [1], [0, 0, 1, 1], [], []>, transpose_lhs_hint = false} : vector<2000x128xf32>, vector<128x128xf32>, vector<2000x128xf32> -> vector<2000x128xf32>
    %get3A_20 = arith.constant 0 : index
    %get3A_21 = vector.load %arg6[%get3A_20] : memref<128xf32, #tpu.memory_space<vmem>>, vector<128xf32>
    %broadcast_in_dim3A_22 = vector.shape_cast %get3A_21 : vector<128xf32> to vector<1x128xf32>
    %add3A_23 = vector.broadcast %broadcast_in_dim3A_22 : vector<1x128xf32> to vector<2000x128xf32>
    %add3A_24 = arith.addf %dot_general3A_19, %add3A_23 : vector<2000x128xf32>
    %max3A_25 = arith.constant 0.000000e+00 : f32
    %max3A_26 = vector.broadcast %max3A_25 : f32 to vector<2000x128xf32>
    %max3A_27 = arith.maximumf %add3A_24, %max3A_26 : vector<2000x128xf32>
    %swap3A = arith.constant 0 : index
    %swap3A_28 = arith.constant 0 : index
    %swap3A_29 = vector.load %arg7[%swap3A, %swap3A_28] : memref<2000x128xf32, #tpu.memory_space<vmem>>, vector<2000x128xf32>
    tpu.vector_store %arg7[%swap3A, %swap3A_28], %max3A_27 {strides = array<i32>} : memref<2000x128xf32, #tpu.memory_space<vmem>>, vector<2000x128xf32>,
    return
  }
  func.func @transform_0(%arg0: i32) -> (i32, i32) {
    %c0_i32 = arith.constant 0 : i32
    %c0_i32_0 = arith.constant 0 : i32
    return %arg0, %c0_i32 : i32, i32
  }
  func.func @transform_1(%arg0: i32) -> (i32, i32) {
    %c0_i32 = arith.constant 0 : i32
    %c0_i32_0 = arith.constant 0 : i32
    return %arg0, %c0_i32 : i32, i32
  }
  func.func @transform_2(%arg0: i32) -> (i32, i32) {
    %c0_i32 = arith.constant 0 : i32
    %c0_i32_0 = arith.constant 0 : i32
    %c0_i32_1 = arith.constant 0 : i32
    return %c0_i32, %c0_i32_0 : i32, i32
  }
  func.func @transform_3(%arg0: i32) -> i32 {
    %c0_i32 = arith.constant 0 : i32
    %c0_i32_0 = arith.constant 0 : i32
    return %c0_i32 : i32
  }
  func.func @transform_4(%arg0: i32) -> (i32, i32) {
    %c0_i32 = arith.constant 0 : i32
    %c0_i32_0 = arith.constant 0 : i32
    %c0_i32_1 = arith.constant 0 : i32
    return %c0_i32, %c0_i32_0 : i32, i32
  }
  func.func @transform_5(%arg0: i32) -> i32 {
    %c0_i32 = arith.constant 0 : i32
    %c0_i32_0 = arith.constant 0 : i32
    return %c0_i32 : i32
  }
  func.func @transform_6(%arg0: i32) -> (i32, i32) {
    %c0_i32 = arith.constant 0 : i32
    %c0_i32_0 = arith.constant 0 : i32
    return %arg0, %c0_i32 : i32, i32
  }
}

module attributes {stable_mosaic.version = 14 : i64} {
  func.func @body(%arg0: i32, %arg1: memref<2000x128xf32, #tpu.memory_space<vmem>>, %arg2: memref<2000x128xf32, #tpu.memory_space<vmem>>, %arg3: memref<128x128xf32, #tpu.memory_space<vmem>>, %arg4: memref<128xf32, #tpu.memory_space<vmem>>, %arg5: memref<128x128xf32, #tpu.memory_space<vmem>>, %arg6: memref<128xf32, #tpu.memory_space<vmem>>, %arg7: memref<2000x128xf32, #tpu.memory_space<vmem>>) attributes {dimension_semantics = [#tpu.dimension_semantics<arbitrary>], iteration_bounds = array<i64: 5>, scalar_prefetch = 0 : i64, scratch_operands = 0 : i64, tpu.core_type = #tpu.core_type<tc>, window_params = [{transform_indices = @transform_0, window_bounds = array<i64: 2000, 128>}, {transform_indices = @transform_1, window_bounds = array<i64: 2000, 128>}, {pipeline_mode = #tpu.pipeline_mode<synchronous>, transform_indices = @transform_2, window_bounds = array<i64: 128, 128>}, {pipeline_mode = #tpu.pipeline_mode<synchronous>, transform_indices = @transform_3, window_bounds = array<i64: 128>}, {pipeline_mode = #tpu.pipeline_mode<synchronous>, transform_indices = @transform_4, window_bounds = array<i64: 128, 128>}, {pipeline_mode = #tpu.pipeline_mode<synchronous>, transform_indices = @transform_5, window_bounds = array<i64: 128>}, {transform_indices = @transform_6, window_bounds = array<i64: 2000, 128>}]} {
    %get3A = arith.constant 0 : index
    %get3A_0 = arith.constant 0 : index
    %get3A_1 = vector.load %arg1[%get3A, %get3A_0] : memref<2000x128xf32, #tpu.memory_space<vmem>>, vector<2000x128xf32>
    %get3A_2 = arith.constant 0 : index
    %get3A_3 = arith.constant 0 : index
    %get3A_4 = vector.load %arg2[%get3A_2, %get3A_3] : memref<2000x128xf32, #tpu.memory_space<vmem>>, vector<2000x128xf32>
    %add3A = arith.addf %get3A_1, %get3A_4 : vector<2000x128xf32>
    %get3A_5 = arith.constant 0 : index
    %get3A_6 = arith.constant 0 : index
    %get3A_7 = vector.load %arg3[%get3A_5, %get3A_6] : memref<128x128xf32, #tpu.memory_space<vmem>>, vector<128x128xf32>
    %dot_general3A = arith.constant dense<0.000000e+00> : vector<2000x128xf32>
    %dot_general3A_8 = tpu.matmul %add3A, %get3A_7, %dot_general3A {dimension_numbers = #tpu.dot_dimension_numbers<[1], [0], [0], [1], [0, 0, 1, 1], [], []>, transpose_lhs_hint = false} : vector<2000x128xf32>, vector<128x128xf32>, vector<2000x128xf32> -> vector<2000x128xf32>
    %get3A_9 = arith.constant 0 : index
    %get3A_10 = vector.load %arg4[%get3A_9] : memref<128xf32, #tpu.memory_space<vmem>>, vector<128xf32>
    %broadcast_in_dim3A = vector.shape_cast %get3A_10 : vector<128xf32> to vector<1x128xf32>
    %add3A_11 = vector.broadcast %broadcast_in_dim3A : vector<1x128xf32> to vector<2000x128xf32>
    %add3A_12 = arith.addf %dot_general3A_8, %add3A_11 : vector<2000x128xf32>
    %max3A = arith.constant 0.000000e+00 : f32
    %max3A_13 = vector.broadcast %max3A : f32 to vector<2000x128xf32>
    %max3A_14 = arith.maximumf %add3A_12, %max3A_13 : vector<2000x128xf32>
    %get3A_15 = arith.constant 0 : index
    %get3A_16 = arith.constant 0 : index
    %get3A_17 = vector.load %arg5[%get3A_15, %get3A_16] : memref<128x128xf32, #tpu.memory_space<vmem>>, vector<128x128xf32>
    %dot_general3A_18 = arith.constant dense<0.000000e+00> : vector<2000x128xf32>
    %dot_general3A_19 = tpu.matmul %max3A_14, %get3A_17, %dot_general3A_18 {dimension_numbers = #tpu.dot_dimension_numbers<[1], [0], [0], [1], [0, 0, 1, 1], [], []>, transpose_lhs_hint = false} : vector<2000x128xf32>, vector<128x128xf32>, vector<2000x128xf32> -> vector<2000x128xf32>
    %get3A_20 = arith.constant 0 : index
    %get3A_21 = vector.load %arg6[%get3A_20] : memref<128xf32, #tpu.memory_space<vmem>>, vector<128xf32>
    %broadcast_in_dim3A_22 = vector.shape_cast %get3A_21 : vector<128xf32> to vector<1x128xf32>
    %add3A_23 = vector.broadcast %broadcast_in_dim3A_22 : vector<1x128xf32> to vector<2000x128xf32>
    %add3A_24 = arith.addf %dot_general3A_19, %add3A_23 : vector<2000x128xf32>
    %swap3A = arith.constant 0 : index
    %swap3A_25 = arith.constant 0 : index
    %swap3A_26 = vector.load %arg7[%swap3A, %swap3A_25] : memref<2000x128xf32, #tpu.memory_space<vmem>>, vector<2000x128xf32>
    tpu.vector_store %arg7[%swap3A, %swap3A_25], %add3A_24 {strides = array<i32>} : memref<2000x128xf32, #tpu.memory_space<vmem>>, vector<2000x128xf32>,
    return
  }
  func.func @transform_0(%arg0: i32) -> (i32, i32) {
    %c0_i32 = arith.constant 0 : i32
    %c0_i32_0 = arith.constant 0 : i32
    return %arg0, %c0_i32 : i32, i32
  }
  func.func @transform_1(%arg0: i32) -> (i32, i32) {
    %c0_i32 = arith.constant 0 : i32
    %c0_i32_0 = arith.constant 0 : i32
    return %arg0, %c0_i32 : i32, i32
  }
  func.func @transform_2(%arg0: i32) -> (i32, i32) {
    %c0_i32 = arith.constant 0 : i32
    %c0_i32_0 = arith.constant 0 : i32
    %c0_i32_1 = arith.constant 0 : i32
    return %c0_i32, %c0_i32_0 : i32, i32
  }
  func.func @transform_3(%arg0: i32) -> i32 {
    %c0_i32 = arith.constant 0 : i32
    %c0_i32_0 = arith.constant 0 : i32
    return %c0_i32 : i32
  }
  func.func @transform_4(%arg0: i32) -> (i32, i32) {
    %c0_i32 = arith.constant 0 : i32
    %c0_i32_0 = arith.constant 0 : i32
    %c0_i32_1 = arith.constant 0 : i32
    return %c0_i32, %c0_i32_0 : i32, i32
  }
  func.func @transform_5(%arg0: i32) -> i32 {
    %c0_i32 = arith.constant 0 : i32
    %c0_i32_0 = arith.constant 0 : i32
    return %c0_i32 : i32
  }
  func.func @transform_6(%arg0: i32) -> (i32, i32) {
    %c0_i32 = arith.constant 0 : i32
    %c0_i32_0 = arith.constant 0 : i32
    return %arg0, %c0_i32 : i32, i32
  }
}

module attributes {stable_mosaic.version = 14 : i64} {
  func.func @body(%arg0: i32, %arg1: memref<1x1x2000xi32, #tpu.memory_space<vmem>>, %arg2: memref<2000x128xf32, #tpu.memory_space<vmem>>, %arg3: memref<64x128xf32, #tpu.memory_space<vmem>>) attributes {dimension_semantics = [#tpu.dimension_semantics<arbitrary>], iteration_bounds = array<i64: 5>, scalar_prefetch = 0 : i64, scratch_operands = 0 : i64, tpu.core_type = #tpu.core_type<tc>, window_params = [{transform_indices = @transform_0, window_bounds = array<i64: 1, 1, 2000>}, {transform_indices = @transform_1, window_bounds = array<i64: 2000, 128>}, {pipeline_mode = #tpu.pipeline_mode<synchronous>, transform_indices = @transform_2, window_bounds = array<i64: 64, 128>}]} {
    %get3A = arith.constant 0 : index
    %get3A_0 = arith.constant 0 : index
    %get3A_1 = arith.constant 0 : index
    %get3A_2 = vector.load %arg1[%get3A, %get3A_0, %get3A_1] : memref<1x1x2000xi32, #tpu.memory_space<vmem>>, vector<1x1x2000xi32>
    %get3A_3 = vector.shape_cast %get3A_2 : vector<1x1x2000xi32> to vector<2000xi32>
    %broadcast_in_dim3A = vector.shape_cast %get3A_3 : vector<2000xi32> to vector<2000x1xi32>
    %iota3A = tpu.iota {dimensions = array<i32: 1>} : vector<1x64xi32>
    %eq3A = vector.broadcast %broadcast_in_dim3A : vector<2000x1xi32> to vector<2000x64xi32>
    %eq3A_4 = vector.broadcast %iota3A : vector<1x64xi32> to vector<2000x64xi32>
    %eq3A_5 = arith.cmpi eq, %eq3A, %eq3A_4 : vector<2000x64xi32>
    %convert_element_type3A = arith.extui %eq3A_5 : vector<2000x64xi1> to vector<2000x64xi32>
    %convert_element_type3A_6 = arith.sitofp %convert_element_type3A : vector<2000x64xi32> to vector<2000x64xf32>
    %get3A_7 = arith.constant 0 : index
    %get3A_8 = arith.constant 0 : index
    %get3A_9 = vector.load %arg2[%get3A_7, %get3A_8] : memref<2000x128xf32, #tpu.memory_space<vmem>>, vector<2000x128xf32>
    %dot_general3A = arith.constant dense<0.000000e+00> : vector<64x128xf32>
    %dot_general3A_10 = tpu.matmul %convert_element_type3A_6, %get3A_9, %dot_general3A {dimension_numbers = #tpu.dot_dimension_numbers<[0], [0], [1], [1], [0, 1, 1, 1], [], []>, precision = #tpu.contract_precision<fp32>, transpose_lhs_hint = false} : vector<2000x64xf32>, vector<2000x128xf32>, vector<64x128xf32> -> vector<64x128xf32>
    %eq3A_11 = arith.constant 0 : i32
    %eq3A_12 = arith.cmpi eq, %arg0, %eq3A_11 : i32
    %convert_element_type3A_13 = arith.extui %eq3A_12 : i1 to i32
    %cond3A = arith.constant 0 : i32
    %cond3A_14 = arith.cmpi ne, %convert_element_type3A_13, %cond3A : i32
    scf.if %cond3A_14 {
      %swap3A = arith.constant 0 : index
      %swap3A_19 = arith.constant 0 : index
      %swap3A_20 = vector.load %arg3[%swap3A, %swap3A_19] : memref<64x128xf32, #tpu.memory_space<vmem>>, vector<64x128xf32>
      tpu.vector_store %arg3[%swap3A, %swap3A_19], %dot_general3A_10 {strides = array<i32>} : memref<64x128xf32, #tpu.memory_space<vmem>>, vector<64x128xf32>,
    } else {
    }
    %gt3A = arith.constant 0 : i32
    %gt3A_15 = arith.cmpi sgt, %arg0, %gt3A : i32
    %convert_element_type3A_16 = arith.extui %gt3A_15 : i1 to i32
    %cond3A_17 = arith.constant 0 : i32
    %cond3A_18 = arith.cmpi ne, %convert_element_type3A_16, %cond3A_17 : i32
    scf.if %cond3A_18 {
      %get3A_19 = arith.constant 0 : index
      %get3A_20 = arith.constant 0 : index
      %get3A_21 = vector.load %arg3[%get3A_19, %get3A_20] : memref<64x128xf32, #tpu.memory_space<vmem>>, vector<64x128xf32>
      %add3A = arith.addf %get3A_21, %dot_general3A_10 : vector<64x128xf32>
      %swap3A = arith.constant 0 : index
      %swap3A_22 = arith.constant 0 : index
      %swap3A_23 = vector.load %arg3[%swap3A, %swap3A_22] : memref<64x128xf32, #tpu.memory_space<vmem>>, vector<64x128xf32>
      tpu.vector_store %arg3[%swap3A, %swap3A_22], %add3A {strides = array<i32>} : memref<64x128xf32, #tpu.memory_space<vmem>>, vector<64x128xf32>,
    } else {
    }
    return
  }
  func.func @transform_0(%arg0: i32) -> (i32, i32, i32) {
    %c0_i32 = arith.constant 0 : i32
    %c0_i32_0 = arith.constant 0 : i32
    %c0_i32_1 = arith.constant 0 : i32
    return %arg0, %c0_i32, %c0_i32_0 : i32, i32, i32
  }
  func.func @transform_1(%arg0: i32) -> (i32, i32) {
    %c0_i32 = arith.constant 0 : i32
    %c0_i32_0 = arith.constant 0 : i32
    return %arg0, %c0_i32 : i32, i32
  }
  func.func @transform_2(%arg0: i32) -> (i32, i32) {
    %c0_i32 = arith.constant 0 : i32
    %c0_i32_0 = arith.constant 0 : i32
    %c0_i32_1 = arith.constant 0 : i32
    return %c0_i32, %c0_i32_0 : i32, i32
  }
}

module attributes {stable_mosaic.version = 14 : i64} {
  func.func @body(%arg0: memref<64x128xf32, #tpu.memory_space<vmem>>, %arg1: memref<128x128xf32, #tpu.memory_space<vmem>>, %arg2: memref<128xf32, #tpu.memory_space<vmem>>, %arg3: memref<128x1xf32, #tpu.memory_space<vmem>>, %arg4: memref<1xf32, #tpu.memory_space<vmem>>, %arg5: memref<128x128xf32, #tpu.memory_space<vmem>>, %arg6: memref<128xf32, #tpu.memory_space<vmem>>, %arg7: memref<128x1xf32, #tpu.memory_space<vmem>>, %arg8: memref<1xf32, #tpu.memory_space<vmem>>, %arg9: memref<128x128xf32, #tpu.memory_space<vmem>>, %arg10: memref<128xf32, #tpu.memory_space<vmem>>, %arg11: memref<128x1xf32, #tpu.memory_space<vmem>>, %arg12: memref<1xf32, #tpu.memory_space<vmem>>, %arg13: memref<128x128xf32, #tpu.memory_space<vmem>>, %arg14: memref<128xf32, #tpu.memory_space<vmem>>, %arg15: memref<128x1xf32, #tpu.memory_space<vmem>>, %arg16: memref<1xf32, #tpu.memory_space<vmem>>, %arg17: memref<64x1xf32, #tpu.memory_space<vmem>>, %arg18: memref<64x1xf32, #tpu.memory_space<vmem>>, %arg19: memref<64x1xf32, #tpu.memory_space<vmem>>, %arg20: memref<64x1xf32, #tpu.memory_space<vmem>>, %arg21: memref<64x1xf32, #tpu.memory_space<vmem>>, %arg22: memref<64x1xf32, #tpu.memory_space<vmem>>) attributes {dimension_semantics = [], scalar_prefetch = 0 : i64, scratch_operands = 0 : i64, tpu.core_type = #tpu.core_type<tc>} {
    %get3A = arith.constant 0 : index
    %get3A_0 = arith.constant 0 : index
    %get3A_1 = vector.load %arg0[%get3A, %get3A_0] : memref<64x128xf32, #tpu.memory_space<vmem>>, vector<64x128xf32>
    %get3A_2 = arith.constant 0 : index
    %get3A_3 = arith.constant 0 : index
    %get3A_4 = vector.load %arg1[%get3A_2, %get3A_3] : memref<128x128xf32, #tpu.memory_space<vmem>>, vector<128x128xf32>
    %dot_general3A = arith.constant dense<0.000000e+00> : vector<64x128xf32>
    %dot_general3A_5 = tpu.matmul %get3A_1, %get3A_4, %dot_general3A {dimension_numbers = #tpu.dot_dimension_numbers<[1], [0], [0], [1], [0, 0, 1, 1], [], []>, transpose_lhs_hint = false} : vector<64x128xf32>, vector<128x128xf32>, vector<64x128xf32> -> vector<64x128xf32>
    %get3A_6 = arith.constant 0 : index
    %get3A_7 = vector.load %arg2[%get3A_6] : memref<128xf32, #tpu.memory_space<vmem>>, vector<128xf32>
    %broadcast_in_dim3A = vector.shape_cast %get3A_7 : vector<128xf32> to vector<1x128xf32>
    %add3A = vector.broadcast %broadcast_in_dim3A : vector<1x128xf32> to vector<64x128xf32>
    %add3A_8 = arith.addf %dot_general3A_5, %add3A : vector<64x128xf32>
    %max3A = arith.constant 0.000000e+00 : f32
    %max3A_9 = vector.broadcast %max3A : f32 to vector<64x128xf32>
    %max3A_10 = arith.maximumf %add3A_8, %max3A_9 : vector<64x128xf32>
    %get3A_11 = arith.constant 0 : index
    %get3A_12 = arith.constant 0 : index
    %get3A_13 = vector.load %arg3[%get3A_11, %get3A_12] : memref<128x1xf32, #tpu.memory_space<vmem>>, vector<128x1xf32>
    %dot_general3A_14 = arith.constant dense<0.000000e+00> : vector<64x1xf32>
    %dot_general3A_15 = tpu.matmul %max3A_10, %get3A_13, %dot_general3A_14 {dimension_numbers = #tpu.dot_dimension_numbers<[1], [0], [0], [1], [0, 0, 1, 1], [], []>, transpose_lhs_hint = false} : vector<64x128xf32>, vector<128x1xf32>, vector<64x1xf32> -> vector<64x1xf32>
    %get3A_16 = arith.constant 0 : index
    %get3A_17 = vector.load %arg4[%get3A_16] : memref<1xf32, #tpu.memory_space<vmem>>, vector<1xf32>
    %broadcast_in_dim3A_18 = vector.shape_cast %get3A_17 : vector<1xf32> to vector<1x1xf32>
    %add3A_19 = vector.broadcast %broadcast_in_dim3A_18 : vector<1x1xf32> to vector<64x1xf32>
    %add3A_20 = arith.addf %dot_general3A_15, %add3A_19 : vector<64x1xf32>
    %get3A_21 = arith.constant 0 : index
    %get3A_22 = arith.constant 0 : index
    %get3A_23 = vector.load %arg5[%get3A_21, %get3A_22] : memref<128x128xf32, #tpu.memory_space<vmem>>, vector<128x128xf32>
    %dot_general3A_24 = arith.constant dense<0.000000e+00> : vector<64x128xf32>
    %dot_general3A_25 = tpu.matmul %get3A_1, %get3A_23, %dot_general3A_24 {dimension_numbers = #tpu.dot_dimension_numbers<[1], [0], [0], [1], [0, 0, 1, 1], [], []>, transpose_lhs_hint = false} : vector<64x128xf32>, vector<128x128xf32>, vector<64x128xf32> -> vector<64x128xf32>
    %get3A_26 = arith.constant 0 : index
    %get3A_27 = vector.load %arg6[%get3A_26] : memref<128xf32, #tpu.memory_space<vmem>>, vector<128xf32>
    %broadcast_in_dim3A_28 = vector.shape_cast %get3A_27 : vector<128xf32> to vector<1x128xf32>
    %add3A_29 = vector.broadcast %broadcast_in_dim3A_28 : vector<1x128xf32> to vector<64x128xf32>
    %add3A_30 = arith.addf %dot_general3A_25, %add3A_29 : vector<64x128xf32>
    %max3A_31 = arith.constant 0.000000e+00 : f32
    %max3A_32 = vector.broadcast %max3A_31 : f32 to vector<64x128xf32>
    %max3A_33 = arith.maximumf %add3A_30, %max3A_32 : vector<64x128xf32>
    %get3A_34 = arith.constant 0 : index
    %get3A_35 = arith.constant 0 : index
    %get3A_36 = vector.load %arg7[%get3A_34, %get3A_35] : memref<128x1xf32, #tpu.memory_space<vmem>>, vector<128x1xf32>
    %dot_general3A_37 = arith.constant dense<0.000000e+00> : vector<64x1xf32>
    %dot_general3A_38 = tpu.matmul %max3A_33, %get3A_36, %dot_general3A_37 {dimension_numbers = #tpu.dot_dimension_numbers<[1], [0], [0], [1], [0, 0, 1, 1], [], []>, transpose_lhs_hint = false} : vector<64x128xf32>, vector<128x1xf32>, vector<64x1xf32> -> vector<64x1xf32>
    %get3A_39 = arith.constant 0 : index
    %get3A_40 = vector.load %arg8[%get3A_39] : memref<1xf32, #tpu.memory_space<vmem>>, vector<1xf32>
    %broadcast_in_dim3A_41 = vector.shape_cast %get3A_40 : vector<1xf32> to vector<1x1xf32>
    %add3A_42 = vector.broadcast %broadcast_in_dim3A_41 : vector<1x1xf32> to vector<64x1xf32>
    %add3A_43 = arith.addf %dot_general3A_38, %add3A_42 : vector<64x1xf32>
    %get3A_44 = arith.constant 0 : index
    %get3A_45 = arith.constant 0 : index
    %get3A_46 = vector.load %arg9[%get3A_44, %get3A_45] : memref<128x128xf32, #tpu.memory_space<vmem>>, vector<128x128xf32>
    %dot_general3A_47 = arith.constant dense<0.000000e+00> : vector<64x128xf32>
    %dot_general3A_48 = tpu.matmul %get3A_1, %get3A_46, %dot_general3A_47 {dimension_numbers = #tpu.dot_dimension_numbers<[1], [0], [0], [1], [0, 0, 1, 1], [], []>, transpose_lhs_hint = false} : vector<64x128xf32>, vector<128x128xf32>, vector<64x128xf32> -> vector<64x128xf32>
    %get3A_49 = arith.constant 0 : index
    %get3A_50 = vector.load %arg10[%get3A_49] : memref<128xf32, #tpu.memory_space<vmem>>, vector<128xf32>
    %broadcast_in_dim3A_51 = vector.shape_cast %get3A_50 : vector<128xf32> to vector<1x128xf32>
    %add3A_52 = vector.broadcast %broadcast_in_dim3A_51 : vector<1x128xf32> to vector<64x128xf32>
    %add3A_53 = arith.addf %dot_general3A_48, %add3A_52 : vector<64x128xf32>
    %max3A_54 = arith.constant 0.000000e+00 : f32
    %max3A_55 = vector.broadcast %max3A_54 : f32 to vector<64x128xf32>
    %max3A_56 = arith.maximumf %add3A_53, %max3A_55 : vector<64x128xf32>
    %get3A_57 = arith.constant 0 : index
    %get3A_58 = arith.constant 0 : index
    %get3A_59 = vector.load %arg11[%get3A_57, %get3A_58] : memref<128x1xf32, #tpu.memory_space<vmem>>, vector<128x1xf32>
    %dot_general3A_60 = arith.constant dense<0.000000e+00> : vector<64x1xf32>
    %dot_general3A_61 = tpu.matmul %max3A_56, %get3A_59, %dot_general3A_60 {dimension_numbers = #tpu.dot_dimension_numbers<[1], [0], [0], [1], [0, 0, 1, 1], [], []>, transpose_lhs_hint = false} : vector<64x128xf32>, vector<128x1xf32>, vector<64x1xf32> -> vector<64x1xf32>
    %get3A_62 = arith.constant 0 : index
    %get3A_63 = vector.load %arg12[%get3A_62] : memref<1xf32, #tpu.memory_space<vmem>>, vector<1xf32>
    %broadcast_in_dim3A_64 = vector.shape_cast %get3A_63 : vector<1xf32> to vector<1x1xf32>
    %add3A_65 = vector.broadcast %broadcast_in_dim3A_64 : vector<1x1xf32> to vector<64x1xf32>
    %add3A_66 = arith.addf %dot_general3A_61, %add3A_65 : vector<64x1xf32>
    %get3A_67 = arith.constant 0 : index
    %get3A_68 = arith.constant 0 : index
    %get3A_69 = vector.load %arg13[%get3A_67, %get3A_68] : memref<128x128xf32, #tpu.memory_space<vmem>>, vector<128x128xf32>
    %dot_general3A_70 = arith.constant dense<0.000000e+00> : vector<64x128xf32>
    %dot_general3A_71 = tpu.matmul %get3A_1, %get3A_69, %dot_general3A_70 {dimension_numbers = #tpu.dot_dimension_numbers<[1], [0], [0], [1], [0, 0, 1, 1], [], []>, transpose_lhs_hint = false} : vector<64x128xf32>, vector<128x128xf32>, vector<64x128xf32> -> vector<64x128xf32>
    %get3A_72 = arith.constant 0 : index
    %get3A_73 = vector.load %arg14[%get3A_72] : memref<128xf32, #tpu.memory_space<vmem>>, vector<128xf32>
    %broadcast_in_dim3A_74 = vector.shape_cast %get3A_73 : vector<128xf32> to vector<1x128xf32>
    %add3A_75 = vector.broadcast %broadcast_in_dim3A_74 : vector<1x128xf32> to vector<64x128xf32>
    %add3A_76 = arith.addf %dot_general3A_71, %add3A_75 : vector<64x128xf32>
    %max3A_77 = arith.constant 0.000000e+00 : f32
    %max3A_78 = vector.broadcast %max3A_77 : f32 to vector<64x128xf32>
    %max3A_79 = arith.maximumf %add3A_76, %max3A_78 : vector<64x128xf32>
    %get3A_80 = arith.constant 0 : index
    %get3A_81 = arith.constant 0 : index
    %get3A_82 = vector.load %arg15[%get3A_80, %get3A_81] : memref<128x1xf32, #tpu.memory_space<vmem>>, vector<128x1xf32>
    %dot_general3A_83 = arith.constant dense<0.000000e+00> : vector<64x1xf32>
    %dot_general3A_84 = tpu.matmul %max3A_79, %get3A_82, %dot_general3A_83 {dimension_numbers = #tpu.dot_dimension_numbers<[1], [0], [0], [1], [0, 0, 1, 1], [], []>, transpose_lhs_hint = false} : vector<64x128xf32>, vector<128x1xf32>, vector<64x1xf32> -> vector<64x1xf32>
    %get3A_85 = arith.constant 0 : index
    %get3A_86 = vector.load %arg16[%get3A_85] : memref<1xf32, #tpu.memory_space<vmem>>, vector<1xf32>
    %broadcast_in_dim3A_87 = vector.shape_cast %get3A_86 : vector<1xf32> to vector<1x1xf32>
    %add3A_88 = vector.broadcast %broadcast_in_dim3A_87 : vector<1x1xf32> to vector<64x1xf32>
    %add3A_89 = arith.addf %dot_general3A_84, %add3A_88 : vector<64x1xf32>
    %custom_jvp_call3A = arith.constant 0.000000e+00 : f32
    %max3A_90 = vector.broadcast %custom_jvp_call3A : f32 to vector<64x1xf32>
    %max3A_91 = arith.maximumf %add3A_66, %max3A_90 : vector<64x1xf32>
    %sub3A = vector.broadcast %custom_jvp_call3A : f32 to vector<64x1xf32>
    %sub3A_92 = arith.subf %add3A_66, %sub3A : vector<64x1xf32>
    %ne3A = arith.cmpf one, %sub3A_92, %sub3A_92 : vector<64x1xf32>
    %add3A_93 = vector.broadcast %custom_jvp_call3A : f32 to vector<64x1xf32>
    %add3A_94 = arith.addf %add3A_66, %add3A_93 : vector<64x1xf32>
    %abs3A = math.absf %sub3A_92 : vector<64x1xf32>
    %neg3A = arith.constant 0.000000e+00 : f32
    %neg3A_95 = vector.broadcast %neg3A : f32 to vector<64x1xf32>
    %neg3A_96 = arith.subf %neg3A_95, %abs3A : vector<64x1xf32>
    %exp3A = math.exp %neg3A_96 : vector<64x1xf32>
    %log1p3A = math.log1p %exp3A : vector<64x1xf32>
    %add3A_97 = arith.addf %max3A_91, %log1p3A : vector<64x1xf32>
    %select_n3A = arith.select %ne3A, %add3A_94, %add3A_97 : vector<64x1xi1>, vector<64x1xf32>
    %custom_jvp_call3A_98 = arith.constant 0.000000e+00 : f32
    %max3A_99 = vector.broadcast %custom_jvp_call3A_98 : f32 to vector<64x1xf32>
    %max3A_100 = arith.maximumf %add3A_20, %max3A_99 : vector<64x1xf32>
    %sub3A_101 = vector.broadcast %custom_jvp_call3A_98 : f32 to vector<64x1xf32>
    %sub3A_102 = arith.subf %add3A_20, %sub3A_101 : vector<64x1xf32>
    %ne3A_103 = arith.cmpf one, %sub3A_102, %sub3A_102 : vector<64x1xf32>
    %add3A_104 = vector.broadcast %custom_jvp_call3A_98 : f32 to vector<64x1xf32>
    %add3A_105 = arith.addf %add3A_20, %add3A_104 : vector<64x1xf32>
    %abs3A_106 = math.absf %sub3A_102 : vector<64x1xf32>
    %neg3A_107 = arith.constant 0.000000e+00 : f32
    %neg3A_108 = vector.broadcast %neg3A_107 : f32 to vector<64x1xf32>
    %neg3A_109 = arith.subf %neg3A_108, %abs3A_106 : vector<64x1xf32>
    %exp3A_110 = math.exp %neg3A_109 : vector<64x1xf32>
    %log1p3A_111 = math.log1p %exp3A_110 : vector<64x1xf32>
    %add3A_112 = arith.addf %max3A_100, %log1p3A_111 : vector<64x1xf32>
    %select_n3A_113 = arith.select %ne3A_103, %add3A_105, %add3A_112 : vector<64x1xi1>, vector<64x1xf32>
    %add3A_114 = arith.constant 1.000000e+00 : f32
    %add3A_115 = vector.broadcast %add3A_114 : f32 to vector<64x1xf32>
    %add3A_116 = arith.addf %select_n3A_113, %add3A_115 : vector<64x1xf32>
    %max3A_117 = arith.constant 1.000100e+00 : f32
    %max3A_118 = vector.broadcast %max3A_117 : f32 to vector<64x1xf32>
    %max3A_119 = arith.maximumf %add3A_116, %max3A_118 : vector<64x1xf32>
    %custom_jvp_call3A_120 = arith.constant 0.000000e+00 : f32
    %max3A_121 = vector.broadcast %custom_jvp_call3A_120 : f32 to vector<64x1xf32>
    %max3A_122 = arith.maximumf %add3A_43, %max3A_121 : vector<64x1xf32>
    %sub3A_123 = vector.broadcast %custom_jvp_call3A_120 : f32 to vector<64x1xf32>
    %sub3A_124 = arith.subf %add3A_43, %sub3A_123 : vector<64x1xf32>
    %ne3A_125 = arith.cmpf one, %sub3A_124, %sub3A_124 : vector<64x1xf32>
    %add3A_126 = vector.broadcast %custom_jvp_call3A_120 : f32 to vector<64x1xf32>
    %add3A_127 = arith.addf %add3A_43, %add3A_126 : vector<64x1xf32>
    %abs3A_128 = math.absf %sub3A_124 : vector<64x1xf32>
    %neg3A_129 = arith.constant 0.000000e+00 : f32
    %neg3A_130 = vector.broadcast %neg3A_129 : f32 to vector<64x1xf32>
    %neg3A_131 = arith.subf %neg3A_130, %abs3A_128 : vector<64x1xf32>
    %exp3A_132 = math.exp %neg3A_131 : vector<64x1xf32>
    %log1p3A_133 = math.log1p %exp3A_132 : vector<64x1xf32>
    %add3A_134 = arith.addf %max3A_122, %log1p3A_133 : vector<64x1xf32>
    %select_n3A_135 = arith.select %ne3A_125, %add3A_127, %add3A_134 : vector<64x1xi1>, vector<64x1xf32>
    %swap3A = arith.constant 0 : index
    %swap3A_136 = arith.constant 0 : index
    %swap3A_137 = vector.load %arg17[%swap3A, %swap3A_136] : memref<64x1xf32, #tpu.memory_space<vmem>>, vector<64x1xf32>
    tpu.vector_store %arg17[%swap3A, %swap3A_136], %add3A_89 {strides = array<i32>} : memref<64x1xf32, #tpu.memory_space<vmem>>, vector<64x1xf32>,
    %sub3A_138 = arith.constant 1.000000e+00 : f32
    %sub3A_139 = vector.broadcast %sub3A_138 : f32 to vector<64x1xf32>
    %sub3A_140 = arith.subf %max3A_119, %sub3A_139 : vector<64x1xf32>
    %div3A = arith.divf %select_n3A_135, %sub3A_140 : vector<64x1xf32>
    %swap3A_141 = arith.constant 0 : index
    %swap3A_142 = arith.constant 0 : index
    %swap3A_143 = vector.load %arg18[%swap3A_141, %swap3A_142] : memref<64x1xf32, #tpu.memory_space<vmem>>, vector<64x1xf32>
    tpu.vector_store %arg18[%swap3A_141, %swap3A_142], %div3A {strides = array<i32>} : memref<64x1xf32, #tpu.memory_space<vmem>>, vector<64x1xf32>,
    %sub3A_144 = arith.constant 1.000000e+00 : f32
    %sub3A_145 = vector.broadcast %sub3A_144 : f32 to vector<64x1xf32>
    %sub3A_146 = arith.subf %max3A_119, %sub3A_145 : vector<64x1xf32>
    %mul3A = arith.mulf %sub3A_146, %select_n3A : vector<64x1xf32>
    %div3A_147 = arith.divf %select_n3A_135, %mul3A : vector<64x1xf32>
    %swap3A_148 = arith.constant 0 : index
    %swap3A_149 = arith.constant 0 : index
    %swap3A_150 = vector.load %arg19[%swap3A_148, %swap3A_149] : memref<64x1xf32, #tpu.memory_space<vmem>>, vector<64x1xf32>
    tpu.vector_store %arg19[%swap3A_148, %swap3A_149], %div3A_147 {strides = array<i32>} : memref<64x1xf32, #tpu.memory_space<vmem>>, vector<64x1xf32>,
    %swap3A_151 = arith.constant 0 : index
    %swap3A_152 = arith.constant 0 : index
    %swap3A_153 = vector.load %arg20[%swap3A_151, %swap3A_152] : memref<64x1xf32, #tpu.memory_space<vmem>>, vector<64x1xf32>
    tpu.vector_store %arg20[%swap3A_151, %swap3A_152], %select_n3A {strides = array<i32>} : memref<64x1xf32, #tpu.memory_space<vmem>>, vector<64x1xf32>,
    %swap3A_154 = arith.constant 0 : index
    %swap3A_155 = arith.constant 0 : index
    %swap3A_156 = vector.load %arg21[%swap3A_154, %swap3A_155] : memref<64x1xf32, #tpu.memory_space<vmem>>, vector<64x1xf32>
    tpu.vector_store %arg21[%swap3A_154, %swap3A_155], %max3A_119 {strides = array<i32>} : memref<64x1xf32, #tpu.memory_space<vmem>>, vector<64x1xf32>,
    %swap3A_157 = arith.constant 0 : index
    %swap3A_158 = arith.constant 0 : index
    %swap3A_159 = vector.load %arg22[%swap3A_157, %swap3A_158] : memref<64x1xf32, #tpu.memory_space<vmem>>, vector<64x1xf32>
    tpu.vector_store %arg22[%swap3A_157, %swap3A_158], %select_n3A_135 {strides = array<i32>} : memref<64x1xf32, #tpu.memory_space<vmem>>, vector<64x1xf32>,
    return
  }
}

</mosaic_0001>

<sc_bundles>
// kernel: kernel.12.cloned.1.call-start
scs
__scs_entry_jumppad:
0x0: {  	(pc) =	sbr.rel $0x88, $3  }
0x1: {  	(tag) =	ssettag $0x0;
	lr =	simm.s32 $0x1  }
0x2: {  	[smem:$0x3F7C] =	sst lr;
	_ =	strace $0xD0000000  }
0x3: {  	_ = 	snop  }
0x4: {  	_ = 	snop  }
0x5: {  	_ = 	snop  }
0x6: {  	_ = 	snop  }
0x7: {  	_ = 	snop  }
__scs_overlays_trampoline_lowered:
0x8: {  	[smem:$0x3F8B] =	sst s0  }
0x9: {  	[smem:$0x3F8C] =	sst s1  }
0xa: {  	[smem:$0x3F8D] =	sst s2  }
0xb: {  	[smem:$0x3F8E] =	sst s3  }
0xc: {  	[smem:$0x3F8F] =	sst s4  }
0xd: {  	[smem:$0x3F90] =	sst s5  }
0xe: {  	[smem:$0x3F91] =	sst s6  }
0xf: {  	[smem:$0x3F92] =	sst s7  }
0x10: {  	[smem:$0x3F93] =	sst s8  }
0x11: {  	[smem:$0x3F94] =	sst s9;
	s0 =	simm.s32 @!p0 $0x0  }
0x12: {  	s1 =	sld [smem:$0x3F7A];
	s0 =	simm.s32 @p0 $0x1  }
0x13: {  	[smem:$0x3F95] =	sst s0;
	s0 =	simm.s32 @!p1 $0x0  }
0x14: {  	s2 =	sld [smem:$0x3F79];
	s0 =	simm.s32 @p1 $0x1  }
0x15: {  	[smem:$0x3F96] =	sst s0;
	s0 =	simm.s32 @!p2 $0x0  }
0x16: {  	s3 =	sld [smem:$0x3FDB];
	s0 =	simm.s32 @p2 $0x1  }
0x17: {  	s4 =	simm.s32 $0x1BF5;
	[smem:$0x3F98] =	sst s0  }
0x18: {  	s0 =	sld [smem:$0x3F7B];
	_ =	swait.ge [sflag:s4], $0x0  }
0x19: {  	s7 =	sld [smem:$0x3F7C]  }
0x1a: {  	s8 =	sadd.s32 $0xFFFFE003, lr  }
0x1b: {  	s9 =	sadd.s32 $0xFFFFFEF7, lr;
	s5 =	simm.s32 $0xFFFFFFFF;
	p2 =	slt.u32 s8, $0xFFFFF086  }
0x1c: {  	p1 =	slt.u32 s9, $0xF7A;
	s5 =	simm.s32 @!p2 $0x0  }
0x1d: {  	s5 =	simm.s32 @p1 $0x1;
	p0 =	seq.s32 s7, s2  }
0x1e: {  	s7 =	smul.u32 @!p0 $0xF7A, s2;
	p2 =	seq.s32 @!p0 s5, $0x0  }
0x1f: {  	s9 =	smul.u32 $0xF7A, s1;
	s8 =	simm.s32 @!p0 $0x1BF5;
	p2 =	por !p2, p0  }
0x20: {  	[sflag:s8] =	ssyncset.s32 @!p0 $0xFFFFF086;
	s6 =	sadd.s32 @!p0 s3, s7;
	s7 =	simm.s32 @!p0 $0x108  }
0x21: {  	s3 =	sadd.s32 s3, s9;
	s6 =	sadd.s32 @!p0 $0x88, s6;
	s7 =	simm.s32 @p2 $0x1082  }
0x22: {  	[simem:s7], [sflag:s8] =	dma.local @!p0 [hbm:s6], $0xF7A  }
0x23: {  	s9 =	sor.u32 $0xD0000000, s2;
	s6 =	simm.s32 $0x108;
	_ =	swait.ge @!p0 [sflag:s8], $0x0  }
0x24: {  	s3 =	sadd.s32 $0x88, s3;
	s6 =	simm.s32 @!p1 $0x1082;
	[sflag:s4] =	ssyncset.s32 $0xFFFFF086  }
0x25: {  	[simem:s6], [sflag:s4] =	dma.local [hbm:s3], $0xF7A  }
0x26: {  	[smem:$0x3F7C] =	sst s1;
	(tag) =	ssettag s2;
	_ =	strace s9  }
0x27: {  	s1 =	sld [smem:$0x3F8C]  }
0x28: {  	s2 =	sld [smem:$0x3F8D]  }
0x29: {  	s4 =	sld [smem:$0x3F8F]  }
0x2a: {  	p0 =	seq.s32 s5, $0x0;
	s5 =	sld [smem:$0x3F90]  }
0x2b: {  	s6 =	sld [smem:$0x3F91]  }
0x2c: {  	s7 =	sld [smem:$0x3F92]  }
0x2d: {  	s3 =	simm.s32 $0x108;
	s8 =	sld [smem:$0x3F93]  }
0x2e: {  	s3 =	simm.s32 @!p0 $0x1082;
	s9 =	sld [smem:$0x3F94]  }
0x2f: {  	lr =	sadd.s32 s0, s3;
	s0 =	sld [smem:$0x3F8B]  }
0x30: {  	s3 =	sld [smem:$0x3F8E]  }
0x31: {  	[smem:$0x3F97] =	sst s10  }
0x32: {  	s10 =	sld [smem:$0x3F95];
	_ =	sdelay $0x3  }
0x33: {  	p0 =	seq.s32 s10, $0x1;
	s10 =	sld [smem:$0x3F97];
	_ =	sdelay $0x3  }
0x34: {  	[smem:$0x3F97] =	sst s10  }
0x35: {  	s10 =	sld [smem:$0x3F96];
	_ =	sdelay $0x3  }
0x36: {  	p1 =	seq.s32 s10, $0x1;
	s10 =	sld [smem:$0x3F97];
	_ =	sdelay $0x3  }
0x37: {  	[smem:$0x3F97] =	sst s10  }
0x38: {  	s10 =	sld [smem:$0x3F98]  }
0x39: {  	_ = 	snop;
	(pc) =	sbr.ind lr, $3  }
0x3a: {  	_ = 	snop  }
0x3b: {  	_ = 	snop  }
0x3c: {  	p2 =	seq.s32 s10, $0x1;
	s10 =	sld [smem:$0x3F97]  }
0x3d: {  	_ =	shalt  }
0x3e: {  	_ =	shalt  }
0x3f: {  	_ =	shalt  }
0x40: {  	_ =	shalt  }
0x41: {  	_ =	shalt  }
0x42: {  	_ =	shalt  }
0x43: {  	_ =	shalt  }
0x44: {  	_ =	shalt  }
0x45: {  	_ =	shalt  }
0x46: {  	_ =	shalt  }
0x47: {  	_ =	shalt  }
0x48: {  	_ =	shalt  }
0x49: {  	_ =	shalt  }
0x4a: {  	_ =	shalt  }
0x4b: {  	_ =	shalt  }
0x4c: {  	_ =	shalt  }
0x4d: {  	_ =	shalt  }
0x4e: {  	_ =	shalt  }
0x4f: {  	_ =	shalt  }
0x50: {  	_ =	shalt  }
0x51: {  	_ =	shalt  }
0x52: {  	_ =	shalt  }
0x53: {  	_ =	shalt  }
0x54: {  	_ =	shalt  }
0x55: {  	_ =	shalt  }
0x56: {  	_ =	shalt  }
0x57: {  	_ =	shalt  }
0x58: {  	_ =	shalt  }
0x59: {  	_ =	shalt  }
0x5a: {  	_ =	shalt  }
0x5b: {  	_ =	shalt  }
0x5c: {  	_ =	shalt  }
0x5d: {  	_ =	shalt  }
0x5e: {  	_ =	shalt  }
0x5f: {  	_ =	shalt  }
0x60: {  	_ =	shalt  }
0x61: {  	_ =	shalt  }
0x62: {  	_ =	shalt  }
0x63: {  	_ =	shalt  }
0x64: {  	_ =	shalt  }
0x65: {  	_ =	shalt  }
0x66: {  	_ =	shalt  }
0x67: {  	_ =	shalt  }
0x68: {  	_ =	shalt  }
0x69: {  	_ =	shalt  }
0x6a: {  	_ =	shalt  }
0x6b: {  	_ =	shalt  }
0x6c: {  	_ =	shalt  }
0x6d: {  	_ =	shalt  }
0x6e: {  	_ =	shalt  }
0x6f: {  	_ =	shalt  }
0x70: {  	_ =	shalt  }
0x71: {  	_ =	shalt  }
0x72: {  	_ =	shalt  }
0x73: {  	_ =	shalt  }
0x74: {  	_ =	shalt  }
0x75: {  	_ =	shalt  }
0x76: {  	_ =	shalt  }
0x77: {  	_ =	shalt  }
0x78: {  	_ =	shalt  }
0x79: {  	_ =	shalt  }
0x7a: {  	_ =	shalt  }
0x7b: {  	_ =	shalt  }
0x7c: {  	_ =	shalt  }
0x7d: {  	_ =	shalt  }
0x7e: {  	_ =	shalt  }
0x7f: {  	_ =	shalt  }
0x80: {  	_ =	shalt  }
0x81: {  	_ =	shalt  }
0x82: {  	_ =	shalt  }
0x83: {  	_ =	shalt  }
0x84: {  	_ =	shalt  }
0x85: {  	_ =	shalt  }
0x86: {  	_ =	shalt  }
0x87: {  	_ =	shalt  }
.Lfunc_end0:
.L_simem_size_0:
called_computation_lowered:
.L_overlay_start_0:
0x88: {  	s2 =	sld [smem:$0x3FD9]  }
0x89: {  	s3 =	sld [smem:$0x3FFE];
	_ =	sdelay $0x1  }
0x8a: {  	s1 =	srdreg.scid  }
0x8b: {  	s0 =	sand.u32 $0x1, s1  }
0x8c: {  	s16 =	sshll.u32 s0, $0xA;
	s2 =	sadd.s32 s3, s2  }
0x8d: {  	s2 =	sadd.s32 s2, s16  }
0x8e: {  	[smem:$0x3FA3] =	sst s2  }
0x8f: {  	_ = 	snop  }
0x90: {  	(tm) =	ssettm $0x1  }
0x91: {  	s17 =	sld [smem:$0x3FFB];
	_ =	sdelay $0x3  }
0x92: {  	_ =	strace s17  }
0x93: {  	s2 =	sld [smem:$0x3FFC];
	_ =	sdelay $0x3  }
0x94: {  	_ =	strace s2  }
0x95: {  	s2 =	sld [smem:$0x3FFD];
	_ =	sdelay $0x3  }
0x96: {  	_ =	strace s2  }
0x97: {  	_ =	strace $0x8FFFFFFF  }
0x98: {  	s18 =	sld [smem:$0x3FDB];
	_ =	sdelay $0x1  }
0x99: {  	s19 =	simm.s32 $_scs_section_size  }
0x9a: {  	s4 =	simm.s32 $_size__tile_overlayer_lowered;
	s5 =	simm.s32 $_tile_overlayer_lowered  }
0x9b: {  	s22 =	simm.s32 $0x1BFF;
	s21 =	sshll.u32 s5, $0x1;
	s2 =	sadd.s32 s19, s18  }
0x9c: {  	s6 =	simm.s32 $0x0;
	s20 =	sshll.u32 s4, $0x1;
	s4 =	sadd.s32 s21, s2  }
0x9d: {  	[timem:s6], [sflag:s22] =	dma.local [hbm:s4], s20  }
0x9e: {  	_ =	swait.ge [sflag:s22], s20  }
0x9f: {  	s3 =	ssub.s32 $0x0, s20;
	[sflag:s22] =	ssyncset.done $0x0  }
0xa0: {  	[sflag:s22] =	ssyncadd.s32 s3;
	_ =	sdelay $0x1  }
0xa1: {  	s23 =	simm.s32 $0x1B8B  }
0xa2: {  	_ =	swait.ge [sflag:s23], $0x1  }
0xa3: {  	[sflag:s23] =	ssyncset.done $0x0  }
0xa4: {  	s25 =	simm.s32 $0x1B8E;
	s24 =	sld [smem:$0x3FFE];
	[sflag:s23] =	ssyncadd.s32 $0xFFFFFFFF  }
0xa5: {  	s26 =	simm.s32 $execute0_lowered;
	[smem:$0x3FD2] =	sst s25  }
0xa6: {  	s4 =	sshll.u32 s26, $0x1;
	_ =	strace $0x80000046;
	[dreg:$0x1] =	wrdreg $0xFFFFFFFF  }
0xa7: {  	s28 =	simm.s32 $_size_execute0_lowered;
	s2 =	sadd.s32 s2, s4;
	[dreg:$0x0] =	wrdreg $0x0  }
0xa8: {  	s4 =	sshll.u32 s28, $0x1;
	[dreg:$0x2] =	wrdreg s2  }
0xa9: {  	[dreg:$0x3] =	wrdreg s4  }
0xaa: {  	[dreg:$0x4] =	wrdreg $0xC0  }
0xab: {  	_ =	task [dreg:s6], $0x5FFFF  }
0xac: {  	[dreg:$0x1] =	wrdreg $0xFFFFFFFF  }
0xad: {  	[dreg:$0x0] =	wrdreg $0x60  }
0xae: {  	[dreg:$0x2] =	wrdreg s24  }
0xaf: {  	[dreg:$0x3] =	wrdreg $0x9  }
0xb0: {  	_ =	task.clear_ibuf [dreg:s6], $0x4FFFF;
	_ =	strace $0x90000046  }
0xb1: {  	s29 =	simm.s32 $0x9;
	_ =	strace $0x80000048  }
0xb2: {  	_ =	swait.ge [sflag:s29], $0x1  }
0xb3: {  	[sflag:s29] =	ssyncadd.s32 $0xFFFFFFFF  }
0xb4: {  	_ =	strace $0x90000048  }
0xb5: {  	_ =	sfence  }
0xb6: {  	s30 =	sld [smem:$0x0];
	_ =	sdelay $0x2  }
0xb7: {  	s31 =	sshll.u32 s1, $0xD;
	s1 =	sshrl.u32 s1, $0x2  }
0xb8: {  	s3 =	sand.u32 $0x4000, s31;
	s1 =	sadd.s32 s1, s30  }
0xb9: {  	s0 =	sor.u32 s3, s0;
	s1 =	sshll.u32 s1, $0x11  }
0xba: {  	s0 =	sor.u32 s1, s0  }
0xbb: {  	s0 =	sadd.s32 $0x8F2B, s0  }
0xbc: {  	[sflag:s0] =	ssyncadd.remote.s32 $0x1  }
0xbd: {  	_ =	sfence.sel $0xFFFF  }
0xbe: {  	[dreg:$0x0] =	wrdreg $0xFFFFFFFF;
	(pc) =	sbr.abs _section_cstart, $3  }
0xbf: {  	[dreg:$0x1] =	wrdreg $0xFFFFFFFF  }
0xc0: {  	_ =	task.clear_ibuf [dreg:s6], $0x2FFFF;
	_ =	strace $0x9FFFFFFF  }
0xc1: {  	(tm) =	ssettm $0x7FFFFFFF  }
tec
execute0_lowered:
.L_overlay_start_1:
0x0: {  	(tag) =	ssettag $0x1  }
0x1: {  	s7 =	rddreg [dreg:$0x0]  }
0x2: {  	s0 =	rddreg [dreg:$0x1];
	s1 =	simm.s32 $0x0;
	s2 =	srdreg.scid  }
0x3: {  	s14 =	simm.s32 $0x3100;
	s15 =	simm.s32 $0x0;
	[smem:$0x7FF] =	sst s1  }
0x4: {  	s6 =	sand.u32 $0x1, s2;
	s2 =	stileid.u32;
	s3 =	sadd.s32 $0x6000, s7  }
0x5: {  	s4 =	sadd.s32 $0xFE00, s7;
	_ =	strace $0x80000047;
	s5 =	sshll.u32 s6, $0x4  }
0x6: {  	s9 =	ssub.s32 $0x2, s6;
	s6 =	sadd.s32 $0x155400, s7;
	s8 =	sor.u32 s2, s5  }
.Ltmp0:
0x7: {  	s5 =	sadd.s32 $0x19C00, s7;
	s12 =	sshrl.u32 s9, $0x1;
	(pc) =	sbr.rel .LBB2_1-.Ltmp0, $4  }
0x8: {  	s10 =	smul.u32 $0x140, s8;
	s11 =	sshll.u32 s8, $0x1;
	s9 =	ssub.s32 s9, s12  }
0x9: {  	s12 =	simm.s32 $0x1000;
	s11 =	sadd.s32 s11, s7;
	s7 =	smul.u32 $0x4EE00, s8  }
0xa: {  	v2 =	vimm.s32 $0x0;
	s9 =	smax.u32 s9, $0x1;
	s13 =	sadd.s32 $0x140, s10;
	s8 =	sadd.s32 $0x290C00, s11  }
0xb: {  	v3 =	vimm.s32 $0x2710;
	v0 =	vmov s10;
	s10 =	simm.s32 $0x1;
	s11 =	simm.s32 $0x800;
	v1 =	vmov s13;
	s13 =	simm.s32 $0x2080  }
.LBB2_12:
0xc: {  	[tilespmem:s18+$0x1000] =	vst v2  }
0xd: {  	[tilespmem:s18+$0x2080] =	vst v3  }
0xe: {  	[tilespmem:s18+$0x1010] =	vst v2  }
0xf: {  	[tilespmem:s18+$0x2090] =	vst v3  }
0x10: {  	[tilespmem:s18+$0x1020] =	vst v2  }
0x11: {  	[tilespmem:s18+$0x20A0] =	vst v3  }
0x12: {  	[tilespmem:s18+$0x1030] =	vst v2  }
0x13: {  	[tilespmem:s18+$0x20B0] =	vst v3  }
0x14: {  	[tilespmem:s18+$0x1040] =	vst v2  }
0x15: {  	[tilespmem:s18+$0x20C0] =	vst v3  }
0x16: {  	[tilespmem:s18+$0x1050] =	vst v2  }
0x17: {  	[tilespmem:s18+$0x20D0] =	vst v3  }
0x18: {  	[tilespmem:s18+$0x1060] =	vst v2  }
0x19: {  	[tilespmem:s18+$0x20E0] =	vst v3  }
0x1a: {  	[tilespmem:s18+$0x1070] =	vst v2  }
0x1b: {  	[tilespmem:s18+$0x20F0] =	vst v3  }
0x1c: {  	[tilespmem:s18+$0x1080] =	vst v2  }
0x1d: {  	[tilespmem:s18+$0x2100] =	vst v3  }
0x1e: {  	[tilespmem:s18+$0x1090] =	vst v2  }
0x1f: {  	[tilespmem:s18+$0x2110] =	vst v3  }
0x20: {  	[tilespmem:s18+$0x10A0] =	vst v2  }
0x21: {  	[tilespmem:s18+$0x2120] =	vst v3  }
0x22: {  	[tilespmem:s18+$0x10B0] =	vst v2  }
0x23: {  	[tilespmem:s18+$0x2130] =	vst v3  }
0x24: {  	[tilespmem:s18+$0x10C0] =	vst v2  }
0x25: {  	[tilespmem:s18+$0x2140] =	vst v3  }
0x26: {  	[tilespmem:s18+$0x10D0] =	vst v2  }
0x27: {  	[tilespmem:s18+$0x2150] =	vst v3  }
0x28: {  	[tilespmem:s18+$0x10E0] =	vst v2  }
0x29: {  	[tilespmem:s18+$0x2160] =	vst v3  }
0x2a: {  	[tilespmem:s18+$0x10F0] =	vst v2  }
0x2b: {  	[tilespmem:s18+$0x2170] =	vst v3  }
0x2c: {  	[tilespmem:s18+$0x1100] =	vst v2  }
0x2d: {  	[tilespmem:s18+$0x2180] =	vst v3  }
0x2e: {  	[tilespmem:s18+$0x1110] =	vst v2  }
0x2f: {  	[tilespmem:s18+$0x2190] =	vst v3  }
0x30: {  	[tilespmem:s18+$0x1120] =	vst v2  }
0x31: {  	[tilespmem:s18+$0x21A0] =	vst v3  }
0x32: {  	[tilespmem:s18+$0x1130] =	vst v2  }
0x33: {  	[tilespmem:s18+$0x21B0] =	vst v3  }
0x34: {  	[tilespmem:s18+$0x1140] =	vst v2  }
0x35: {  	[tilespmem:s18+$0x21C0] =	vst v3  }
0x36: {  	[tilespmem:s18+$0x1150] =	vst v2  }
0x37: {  	[tilespmem:s18+$0x21D0] =	vst v3  }
0x38: {  	[tilespmem:s18+$0x1160] =	vst v2  }
0x39: {  	[tilespmem:s18+$0x21E0] =	vst v3  }
0x3a: {  	[tilespmem:s18+$0x1170] =	vst v2  }
0x3b: {  	[tilespmem:s18+$0x21F0] =	vst v3  }
0x3c: {  	[tilespmem:s18+$0x1180] =	vst v2  }
0x3d: {  	[tilespmem:s18+$0x2200] =	vst v3  }
0x3e: {  	[tilespmem:s18+$0x1190] =	vst v2  }
0x3f: {  	[tilespmem:s18+$0x2210] =	vst v3  }
0x40: {  	[tilespmem:s18+$0x11A0] =	vst v2  }
0x41: {  	[tilespmem:s18+$0x2220] =	vst v3  }
0x42: {  	[tilespmem:s18+$0x11B0] =	vst v2  }
0x43: {  	[tilespmem:s18+$0x2230] =	vst v3  }
0x44: {  	[tilespmem:s18+$0x11C0] =	vst v2  }
0x45: {  	[tilespmem:s18+$0x2240] =	vst v3  }
0x46: {  	[tilespmem:s18+$0x11D0] =	vst v2  }
0x47: {  	[tilespmem:s18+$0x2250] =	vst v3  }
0x48: {  	[tilespmem:s18+$0x11E0] =	vst v2  }
0x49: {  	[tilespmem:s18+$0x2260] =	vst v3  }
0x4a: {  	[tilespmem:s18+$0x11F0] =	vst v2  }
0x4b: {  	[tilespmem:s18+$0x2270] =	vst v3  }
0x4c: {  	[tilespmem:s18+$0x1200] =	vst v2  }
0x4d: {  	[tilespmem:s18+$0x2280] =	vst v3  }
0x4e: {  	[tilespmem:s18+$0x1210] =	vst v2  }
0x4f: {  	[tilespmem:s18+$0x2290] =	vst v3  }
0x50: {  	[tilespmem:s18+$0x1220] =	vst v2  }
0x51: {  	[tilespmem:s18+$0x22A0] =	vst v3  }
0x52: {  	[tilespmem:s18+$0x1230] =	vst v2  }
0x53: {  	[tilespmem:s18+$0x22B0] =	vst v3  }
0x54: {  	[tilespmem:s18+$0x1240] =	vst v2  }
0x55: {  	[tilespmem:s18+$0x22C0] =	vst v3  }
0x56: {  	[tilespmem:s18+$0x1250] =	vst v2  }
0x57: {  	[tilespmem:s18+$0x22D0] =	vst v3  }
0x58: {  	[tilespmem:s18+$0x1260] =	vst v2  }
0x59: {  	[tilespmem:s18+$0x22E0] =	vst v3  }
0x5a: {  	[tilespmem:s18+$0x1270] =	vst v2  }
0x5b: {  	[tilespmem:s18+$0x22F0] =	vst v3  }
0x5c: {  	[tilespmem:s18+$0x1280] =	vst v2  }
0x5d: {  	[tilespmem:s18+$0x2300] =	vst v3  }
0x5e: {  	[tilespmem:s18+$0x1290] =	vst v2  }
0x5f: {  	[tilespmem:s18+$0x2310] =	vst v3  }
0x60: {  	[tilespmem:s18+$0x12A0] =	vst v2  }
0x61: {  	[tilespmem:s18+$0x2320] =	vst v3  }
0x62: {  	[tilespmem:s18+$0x12B0] =	vst v2  }
0x63: {  	[tilespmem:s18+$0x2330] =	vst v3  }
0x64: {  	[tilespmem:s18+$0x12C0] =	vst v2  }
0x65: {  	[tilespmem:s18+$0x2340] =	vst v3  }
0x66: {  	[tilespmem:s18+$0x12D0] =	vst v2  }
0x67: {  	[tilespmem:s18+$0x2350] =	vst v3  }
0x68: {  	[tilespmem:s18+$0x12E0] =	vst v2  }
0x69: {  	[tilespmem:s18+$0x2360] =	vst v3  }
0x6a: {  	[tilespmem:s18+$0x12F0] =	vst v2  }
0x6b: {  	[tilespmem:s18+$0x2370] =	vst v3  }
0x6c: {  	[tilespmem:s18+$0x1300] =	vst v2  }
0x6d: {  	[tilespmem:s18+$0x2380] =	vst v3  }
0x6e: {  	[tilespmem:s18+$0x1310] =	vst v2  }
0x6f: {  	[tilespmem:s18+$0x2390] =	vst v3  }
0x70: {  	[tilespmem:s18+$0x1320] =	vst v2  }
0x71: {  	[tilespmem:s18+$0x23A0] =	vst v3  }
0x72: {  	[tilespmem:s18+$0x1330] =	vst v2  }
0x73: {  	[tilespmem:s18+$0x23B0] =	vst v3  }
0x74: {  	[tilespmem:s18+$0x1340] =	vst v2  }
0x75: {  	[tilespmem:s18+$0x23C0] =	vst v3  }
0x76: {  	[tilespmem:s18+$0x1350] =	vst v2  }
0x77: {  	[tilespmem:s18+$0x23D0] =	vst v3  }
0x78: {  	[tilespmem:s18+$0x1360] =	vst v2  }
0x79: {  	[tilespmem:s18+$0x23E0] =	vst v3  }
0x7a: {  	[tilespmem:s18+$0x1370] =	vst v2  }
0x7b: {  	[tilespmem:s18+$0x23F0] =	vst v3  }
0x7c: {  	[tilespmem:s18+$0x1380] =	vst v2  }
0x7d: {  	[tilespmem:s18+$0x2400] =	vst v3  }
0x7e: {  	[tilespmem:s18+$0x1390] =	vst v2  }
0x7f: {  	[tilespmem:s18+$0x2410] =	vst v3  }
0x80: {  	[tilespmem:s18+$0x13A0] =	vst v2  }
0x81: {  	[tilespmem:s18+$0x2420] =	vst v3  }
0x82: {  	[tilespmem:s18+$0x13B0] =	vst v2  }
0x83: {  	[tilespmem:s18+$0x2430] =	vst v3  }
0x84: {  	[tilespmem:s18+$0x13C0] =	vst v2  }
0x85: {  	[tilespmem:s18+$0x2440] =	vst v3  }
0x86: {  	[tilespmem:s18+$0x13D0] =	vst v2  }
0x87: {  	[tilespmem:s18+$0x2450] =	vst v3  }
0x88: {  	[tilespmem:s18+$0x13E0] =	vst v2  }
0x89: {  	[tilespmem:s18+$0x2460] =	vst v3  }
0x8a: {  	[tilespmem:s18+$0x13F0] =	vst v2;
	s17 =	sadd.s32 s7, s16  }
0x8b: {  	[tilespmem:s18+$0x2470] =	vst v3;
	s26 =	sshra.s32 s16, $0x1F;
	s28 =	sand.u32 $0x7F, s16;
	s17 =	sshrl.u32 s17, $0x3  }
0x8c: {  	[tilespmem:s18+$0x1400] =	vst v2;
	p0 =	slt.s32 s16, $0x1;
	s29 =	sadd.s32 $0x7F, s18;
	s17 =	sand.u32 $0x1FFFFFF0, s17  }
0x8d: {  	[tilespmem:s18+$0x2480] =	vst v3;
	p2 =	slt.s32 s18, $0xFFFFFF82;
	s18 =	simm.s32 $0x1;
	s19 =	sadd.s32 s5, s17  }
0x8e: {  	[hbm4b:s19+s1] =	stream.linear.scatter [tilespmem:s12], [sflag:$0x1], $0xC00, $0x38;
	[tilespmem:$0x3180] =	vst v63  }
0x8f: {  	p1 =	sne.s32 s28, $0x0;
	s30 =	sshra.s32 s29, $0x1F;
	_ =	swait.ge [sflag:s10], $0xC00  }
0x90: {  	s31 =	sand.u32 $0x7F, s29;
	p0 =	por !p0, !p1;
	[sflag:s10] =	ssyncset.done $0x0  }
0x91: {  	p6 =	sne.s32 s31, $0x0;
	s17 =	sadd.s32 s6, s17;
	[sflag:s10] =	ssyncadd.s32 $0xFFFFF400  }
0x92: {  	[hbm4b:s17+s1] =	stream.linear.scatter [tilespmem:s13], [sflag:$0x1], $0xC00, $0x38;
	[tilespmem:$0x3180] =	vst v63  }
0x93: {  	p0 =	por !p0, !p0;
	s19 =	sshrl.u32 s30, $0x19;
	s17 =	sshrl.u32 s26, $0x19  }
0x94: {  	p1 =	por !p2, !p6;
	s17 =	sadd.s32 s17, s16;
	s16 =	sadd.s32 s19, s29  }
0x95: {  	p1 =	por !p1, !p1;
	s17 =	sshra.s32 s17, $0x7;
	s16 =	sshra.s32 s16, $0x7  }
0x96: {  	s18 =	simm.s32 @!p0 $0x0;
	s16 =	sadd.s32 s17, s16;
	s17 =	simm.s32 $0x1  }
0x97: {  	_ =	swait.ge [sflag:s10], $0xC00;
	s16 =	ssub.s32 s16, s18;
	s17 =	simm.s32 @!p1 $0x0  }
0x98: {  	s15 =	sadd.s32 $0x1, s15;
	[sflag:s10] =	ssyncset.done $0x0;
	s16 =	ssub.s32 s16, s17  }
0x99: {  	p0 =	sne.s32 s15, s9;
	[sflag:s10] =	ssyncadd.s32 $0xFFFFF400;
	v4 =	vmov s16  }
.Ltmp1:
0x9a: {  	[tilespmem:$0x3100] =	vst v4;
	(pc) =	sbr.rel @!p0 .LBB2_13-.Ltmp1, $4  }
0x9b: {  	[hbm4b:s8+s1] =	stream.linear.scatter [tilespmem:s14], [sflag:$0x1], $0x10, $0x38;
	[tilespmem:$0x3180] =	vst v63  }
0x9c: {  	_ =	swait.ge [sflag:s10], $0x10  }
0x9d: {  	[sflag:s10] =	ssyncset.done $0x0  }
0x9e: {  	[sflag:s10] =	ssyncadd.s32 $0xFFFFFFF0  }
.LBB2_1:
.Ltmp2:
0x9f: {  	(pc) =	sbr.rel .LBB2_2-.Ltmp2, $2  }
0xa0: {  	_ =	sdelay $0x2  }
0xa1: {  	s16 =	simm.s32 $0x0;
	s18 =	simm.s32 $0x0;
	s17 =	simm.s32 $0x0  }
.LBB2_6:
0xa2: {  	s23 =	smov.u32 s19;
	s22 =	smov.u32 s20  }
.LBB2_10:
0xa3: {  	v4 =	vld [tilespmem:s21+$0x1800];
	_ =	sdelay $0x2  }
0xa4: {  	s23 =	sadd.s32 @p0 $0x10, s23  }
0xa5: {  	s19 =	smov.u32 @p0 s23  }
0xa6: {  	[tilespmem:s19+$0x0] =	vst v4  }
0xa7: {  	v4 =	vld [tilespmem:s21+$0x2880];
	_ =	sdelay $0x2  }
0xa8: {  	s19 =	sadd.s32 @p0 $0x10, s22  }
0xa9: {  	s20 =	smov.u32 @p0 s19  }
0xaa: {  	[tilespmem:s20+$0x0] =	vst v4  }
.LBB2_11:
0xab: {  	s17 =	sadd.s32 $0x1, s17  }
0xac: {  	p1 =	sne.s32 s17, $0x9D  }
.Ltmp3:
0xad: {  	_ = 	snop;
	(pc) =	sbr.rel @!p1 .LBB2_12-.Ltmp3, $3  }
0xae: {  	_ =	sdelay $0x1  }
0xaf: {  	p0 =	sgt.s32 s18, $0x7FF;
	s19 =	sadd.s32 $0xFFFFF800, s18;
	s20 =	sadd.s32 $0x800, s16  }
0xb0: {  	s18 =	smov.u32 @p0 s19;
	s16 =	smov.u32 @p0 s20  }
.LBB2_2:
0xb1: {  	s19 =	sshll.u32 s17, $0x8  }
0xb2: {  	s20 =	sadd.s32 s3, s19  }
0xb3: {  	[tilespmem:s1], [sflag:$0x1] =	stream.linear.gather [hbm4b:s20+s1], $0x800, $0x38;
	[tilespmem:$0x3180] =	vst v63  }
0xb4: {  	_ =	swait.ge [sflag:s10], $0x800  }
0xb5: {  	[sflag:s10] =	ssyncset.done $0x0  }
0xb6: {  	s19 =	sadd.s32 s4, s19;
	[sflag:s10] =	ssyncadd.s32 $0xFFFFF800  }
0xb7: {  	[tilespmem:s11], [sflag:$0x1] =	stream.linear.gather [hbm4b:s19+s1], $0x800, $0x38;
	[tilespmem:$0x3180] =	vst v63  }
0xb8: {  	_ =	swait.ge [sflag:s10], $0x800  }
0xb9: {  	[sflag:s10] =	ssyncset.done $0x0  }
0xba: {  	s28 =	simm.s32 $0x820;
	[sflag:s10] =	ssyncadd.s32 $0xFFFFF800  }
0xbb: {  	v4 =	vld [tilespmem:s28+$0xFFFFFFE0];
	_ =	sdelay $0x4  }
0xbc: {  	vm0 =	vge.s32 v4, v0;
	vm1 =	vlt.s32 v4, v1  }
0xbd: {  	vm0 =	vmand vm0, vm1  }
0xbe: {  	v5 =	vsel vm0, $0x1, v2  }
0xbf: {  	(xrf0) =	vadd.scan.msk.s32 $0xffff, v5;
	_ =	sdelay $0x5  }
0xc0: {  	v6, _, _ =	vpop (xrf0)  }
0xc1: {  	s19 =	simm.s32 $0x20;
	v5 =	vsub.s32 v6, v5  }
0xc2: {  	v7 =	vld [tilespmem:s19+$0xFFFFFFE0];
	v5 =	vadd.s32 s18, v5;
	_ =	sdelay $0x4  }
0xc3: {  	[tilespmem:v5+s12+$0x0] =	vst.idx.msk vm0, v7  }
0xc4: {  	(v2sf) =	vpush v6, $0xF;
	[tilespmem:v5+s13+$0x0] =	vst.idx.msk vm0, v4  }
0xc5: {  	v4 =	vld [tilespmem:s28+$0xFFFFFFF0];
	_ =	sdelay $0x4  }
0xc6: {  	vm0 =	vge.s32 v4, v0;
	vm1 =	vlt.s32 v4, v1  }
0xc7: {  	vm0 =	vmand vm0, vm1  }
0xc8: {  	v5 =	vsel vm0, $0x1, v2  }
0xc9: {  	(xrf0) =	vadd.scan.msk.s32 $0xffff, v5;
	_ =	sdelay $0x5  }
0xca: {  	s21 =	spop (v2sf);
	v6, _, _ =	vpop (xrf0)  }
0xcb: {  	s29 =	sadd.s32 s18, s21;
	v5 =	vsub.s32 v6, v5  }
0xcc: {  	v7 =	vld [tilespmem:s19+$0xFFFFFFF0];
	v5 =	vadd.s32 s29, v5;
	_ =	sdelay $0x4  }
0xcd: {  	[tilespmem:v5+s12+$0x0] =	vst.idx.msk vm0, v7  }
0xce: {  	(v2sf) =	vpush v6, $0xF;
	[tilespmem:v5+s13+$0x0] =	vst.idx.msk vm0, v4  }
0xcf: {  	v4 =	vld [tilespmem:s28+$0x0];
	_ =	sdelay $0x4  }
0xd0: {  	vm0 =	vge.s32 v4, v0;
	vm1 =	vlt.s32 v4, v1  }
0xd1: {  	vm0 =	vmand vm0, vm1  }
0xd2: {  	v5 =	vsel vm0, $0x1, v2  }
0xd3: {  	(xrf0) =	vadd.scan.msk.s32 $0xffff, v5;
	_ =	sdelay $0x5  }
0xd4: {  	s30 =	spop (v2sf);
	v6, _, _ =	vpop (xrf0)  }
0xd5: {  	s18 =	sadd.s32 s29, s30;
	v5 =	vsub.s32 v6, v5  }
0xd6: {  	v7 =	vld [tilespmem:s19+$0x0];
	v5 =	vadd.s32 s18, v5;
	_ =	sdelay $0x4  }
0xd7: {  	[tilespmem:v5+s12+$0x0] =	vst.idx.msk vm0, v7  }
0xd8: {  	(v2sf) =	vpush v6, $0xF;
	[tilespmem:v5+s13+$0x0] =	vst.idx.msk vm0, v4  }
0xd9: {  	v4 =	vld [tilespmem:s28+$0x10];
	_ =	sdelay $0x4  }
0xda: {  	vm0 =	vge.s32 v4, v0;
	vm1 =	vlt.s32 v4, v1  }
0xdb: {  	vm0 =	vmand vm0, vm1  }
0xdc: {  	v5 =	vsel vm0, $0x1, v2  }
0xdd: {  	(xrf0) =	vadd.scan.msk.s32 $0xffff, v5;
	_ =	sdelay $0x5  }
0xde: {  	s31 =	spop (v2sf);
	v6, _, _ =	vpop (xrf0)  }
0xdf: {  	s21 =	sadd.s32 s18, s31;
	v5 =	vsub.s32 v6, v5;
	(v2sf) =	vpush v6, $0xF  }
0xe0: {  	v6 =	vld [tilespmem:s19+$0x10];
	v5 =	vadd.s32 s21, v5;
	_ =	sdelay $0x4  }
0xe1: {  	[tilespmem:v5+s12+$0x0] =	vst.idx.msk vm0, v6  }
0xe2: {  	s18 =	simm.s32 $0x860;
	[tilespmem:v5+s13+$0x0] =	vst.idx.msk vm0, v4  }
0xe3: {  	v4 =	vld [tilespmem:s18+$0xFFFFFFE0];
	_ =	sdelay $0x4  }
0xe4: {  	vm0 =	vge.s32 v4, v0;
	vm1 =	vlt.s32 v4, v1  }
0xe5: {  	vm0 =	vmand vm0, vm1  }
0xe6: {  	s20 =	simm.s32 $0x4;
	v5 =	vsel vm0, $0x1, v2;
	s22 =	spop (v2sf)  }
.LBB2_3:
0xe7: {  	s20 =	sadd.s32 $0x4, s20;
	(xrf0) =	vadd.scan.msk.s32 $0xffff, v5;
	s21 =	sadd.s32 s21, s22;
	s19 =	sadd.s32 $0x40, s19  }
0xe8: {  	p0 =	slt.u32 s20, $0x7C;
	_ =	sdelay $0x4  }
0xe9: {  	v6, _, _ =	vpop (xrf0)  }
0xea: {  	v5 =	vsub.s32 v6, v5;
	(v2sf) =	vpush v6, $0xF  }
0xeb: {  	v6 =	vld [tilespmem:s19+$0xFFFFFFE0];
	v5 =	vadd.s32 s21, v5;
	_ =	sdelay $0x4  }
0xec: {  	[tilespmem:v5+s12+$0x0] =	vst.idx.msk vm0, v6  }
0xed: {  	[tilespmem:v5+s13+$0x0] =	vst.idx.msk vm0, v4  }
0xee: {  	v4 =	vld [tilespmem:s18+$0xFFFFFFF0];
	_ =	sdelay $0x4  }
0xef: {  	vm0 =	vge.s32 v4, v0;
	vm1 =	vlt.s32 v4, v1  }
0xf0: {  	vm0 =	vmand vm0, vm1  }
0xf1: {  	v5 =	vsel vm0, $0x1, v2;
	s22 =	spop (v2sf)  }
0xf2: {  	(xrf0) =	vadd.scan.msk.s32 $0xffff, v5;
	_ =	sdelay $0x5  }
0xf3: {  	v6, _, _ =	vpop (xrf0)  }
0xf4: {  	s21 =	sadd.s32 s21, s22;
	v5 =	vsub.s32 v6, v5;
	(v2sf) =	vpush v6, $0xF  }
0xf5: {  	v6 =	vld [tilespmem:s19+$0xFFFFFFF0];
	v5 =	vadd.s32 s21, v5;
	_ =	sdelay $0x4  }
0xf6: {  	[tilespmem:v5+s12+$0x0] =	vst.idx.msk vm0, v6  }
0xf7: {  	[tilespmem:v5+s13+$0x0] =	vst.idx.msk vm0, v4  }
0xf8: {  	v4 =	vld [tilespmem:s18+$0x0];
	_ =	sdelay $0x4  }
0xf9: {  	vm0 =	vge.s32 v4, v0;
	vm1 =	vlt.s32 v4, v1  }
0xfa: {  	vm0 =	vmand vm0, vm1  }
0xfb: {  	v5 =	vsel vm0, $0x1, v2;
	s22 =	spop (v2sf)  }
0xfc: {  	s21 =	sadd.s32 s21, s22;
	(xrf0) =	vadd.scan.msk.s32 $0xffff, v5;
	_ =	sdelay $0x5  }
0xfd: {  	v6, _, _ =	vpop (xrf0)  }
0xfe: {  	v5 =	vsub.s32 v6, v5;
	(v2sf) =	vpush v6, $0xF  }
0xff: {  	v6 =	vld [tilespmem:s19+$0x0];
	v5 =	vadd.s32 s21, v5;
	_ =	sdelay $0x4  }
0x100: {  	[tilespmem:v5+s12+$0x0] =	vst.idx.msk vm0, v6  }
0x101: {  	[tilespmem:v5+s13+$0x0] =	vst.idx.msk vm0, v4  }
0x102: {  	v4 =	vld [tilespmem:s18+$0x10]  }
0x103: {  	v5 =	vld [tilespmem:s19+$0x10];
	_ =	sdelay $0x3  }
0x104: {  	vm0 =	vge.s32 v4, v0;
	vm1 =	vlt.s32 v4, v1  }
0x105: {  	vm0 =	vmand vm0, vm1  }
0x106: {  	v6 =	vsel vm0, $0x1, v2;
	s22 =	spop (v2sf)  }
0x107: {  	(xrf0) =	vadd.scan.msk.s32 $0xffff, v6;
	_ =	sdelay $0x5  }
0x108: {  	v7, _, _ =	vpop (xrf0)  }
0x109: {  	s21 =	sadd.s32 s21, s22;
	v6 =	vsub.s32 v7, v6;
	(v2sf) =	vpush v7, $0xF  }
0x10a: {  	v6 =	vadd.s32 s21, v6;
	_ =	sdelay $0x4  }
0x10b: {  	[tilespmem:v6+s12+$0x0] =	vst.idx.msk vm0, v5  }
0x10c: {  	s18 =	sadd.s32 $0x40, s18;
	[tilespmem:v6+s13+$0x0] =	vst.idx.msk vm0, v4  }
0x10d: {  	v4 =	vld [tilespmem:s18+$0xFFFFFFE0];
	_ =	sdelay $0x2  }
.Ltmp4:
0x10e: {  	(pc) =	sbr.rel @p0 .LBB2_3-.Ltmp4, $4  }
0x10f: {  	_ = 	snop  }
0x110: {  	vm0 =	vge.s32 v4, v0;
	vm1 =	vlt.s32 v4, v1  }
0x111: {  	vm0 =	vmand vm0, vm1  }
0x112: {  	v5 =	vsel vm0, $0x1, v2;
	s22 =	spop (v2sf)  }
0x113: {  	(xrf0) =	vadd.scan.msk.s32 $0xffff, v5;
	_ =	sdelay $0x5  }
0x114: {  	v6, _, _ =	vpop (xrf0)  }
0x115: {  	s20 =	sadd.s32 s21, s22;
	s19 =	sadd.s32 $0x40, s19;
	v5 =	vsub.s32 v6, v5  }
0x116: {  	v7 =	vld [tilespmem:s19+$0xFFFFFFE0];
	v5 =	vadd.s32 s20, v5;
	_ =	sdelay $0x4  }
0x117: {  	[tilespmem:v5+s12+$0x0] =	vst.idx.msk vm0, v7  }
0x118: {  	(v2sf) =	vpush v6, $0xF;
	[tilespmem:v5+s13+$0x0] =	vst.idx.msk vm0, v4  }
0x119: {  	v4 =	vld [tilespmem:s18+$0xFFFFFFF0];
	_ =	sdelay $0x4  }
0x11a: {  	vm11 =	vge.s32 v4, v0;
	vm1 =	vlt.s32 v4, v1  }
0x11b: {  	vm0 =	vmand vm11, vm1  }
0x11c: {  	v5 =	vsel vm0, $0x1, v2  }
0x11d: {  	(xrf0) =	vadd.scan.msk.s32 $0xffff, v5;
	_ =	sdelay $0x5  }
0x11e: {  	s28 =	spop (v2sf);
	v60, _, _ =	vpop (xrf0)  }
0x11f: {  	s20 =	sadd.s32 s20, s28;
	v5 =	vsub.s32 v60, v5  }
0x120: {  	v7 =	vld [tilespmem:s19+$0xFFFFFFF0];
	v5 =	vadd.s32 s20, v5;
	_ =	sdelay $0x4  }
0x121: {  	[tilespmem:v5+s12+$0x0] =	vst.idx.msk vm0, v7  }
0x122: {  	(v2sf) =	vpush v60, $0xF;
	[tilespmem:v5+s13+$0x0] =	vst.idx.msk vm0, v4  }
0x123: {  	v4 =	vld [tilespmem:s18+$0x0];
	_ =	sdelay $0x4  }
0x124: {  	vm12 =	vge.s32 v4, v0;
	vm13 =	vlt.s32 v4, v1  }
0x125: {  	vm0 =	vmand vm12, vm13  }
0x126: {  	v5 =	vsel vm0, $0x1, v2  }
0x127: {  	(xrf0) =	vadd.scan.msk.s32 $0xffff, v5;
	_ =	sdelay $0x5  }
0x128: {  	s29 =	spop (v2sf);
	v61, _, _ =	vpop (xrf0)  }
0x129: {  	s20 =	sadd.s32 s20, s29;
	v5 =	vsub.s32 v61, v5  }
0x12a: {  	v7 =	vld [tilespmem:s19+$0x0];
	v5 =	vadd.s32 s20, v5;
	_ =	sdelay $0x4  }
0x12b: {  	[tilespmem:v5+s12+$0x0] =	vst.idx.msk vm0, v7  }
0x12c: {  	[tilespmem:v5+s13+$0x0] =	vst.idx.msk vm0, v4  }
0x12d: {  	v4 =	vld [tilespmem:s18+$0x10];
	_ =	sdelay $0x4  }
0x12e: {  	vm14 =	vge.s32 v4, v0;
	vm15 =	vlt.s32 v4, v1  }
0x12f: {  	vm0 =	vmand vm14, vm15  }
0x130: {  	v5 =	vsel vm0, $0x1, v2  }
0x131: {  	(xrf0) =	vadd.scan.msk.s32 $0xffff, v5;
	_ =	sdelay $0x4  }
0x132: {  	(v2sf) =	vpush v61, $0xF  }
0x133: {  	v62, _, _ =	vpop (xrf0)  }
0x134: {  	(v2sf) =	vpush v62, $0xF;
	_ =	sdelay $0xc  }
0x135: {  	s30 =	spop (v2sf)  }
0x136: {  	s18 =	sadd.s32 s20, s30;
	v5 =	vsub.s32 v62, v5  }
0x137: {  	v63 =	vld [tilespmem:s19+$0x10];
	v5 =	vadd.s32 s18, v5;
	s31 =	spop (v2sf)  }
0x138: {  	s18 =	sadd.s32 s18, s31  }
0x139: {  	p0 =	slt.s32 s18, $0x800  }
0x13a: {  	s19 =	sadd.s32 @!p0 s7, s16  }
0x13b: {  	s19 =	sshrl.u32 @!p0 s19, $0x3  }
0x13c: {  	[tilespmem:v5+s12+$0x0] =	vst.idx.msk vm0, v63;
	s20 =	sand.u32 @!p0 $0x1FFFFFF0, s19  }
0x13d: {  	[tilespmem:v5+s13+$0x0] =	vst.idx.msk vm0, v4;
	s22 =	simm.s32 @!p0 $0x0;
	s19 =	simm.s32 @!p0 $0x1000;
	s21 =	sadd.s32 @!p0 s5, s20  }
0x13e: {  	[hbm4b:s21+s22] =	stream.linear.scatter @!p0 [tilespmem:s19], [sflag:$0x1], $0x800, $0x38;
	[tilespmem:$0x3180] =	vst v63  }
0x13f: {  	s21 =	simm.s32 @!p0 $0x1  }
0x140: {  	_ =	swait.ge @!p0 [sflag:s21], $0x800  }
0x141: {  	[sflag:s21] =	ssyncset.done @!p0 $0x0  }
0x142: {  	s23 =	sadd.s32 @!p0 s6, s20;
	s20 =	simm.s32 @!p0 $0x2080;
	[sflag:s21] =	ssyncadd.s32 @!p0 $0xFFFFF800  }
0x143: {  	[hbm4b:s23+s22] =	stream.linear.scatter @!p0 [tilespmem:s20], [sflag:$0x1], $0x800, $0x38;
	[tilespmem:$0x3180] =	vst v63  }
0x144: {  	s23 =	sadd.s32 @!p0 $0xFFFFF80F, s18  }
0x145: {  	s23 =	sshrl.u32 @!p0 s23, $0x4  }
0x146: {  	p1 =	seq.s32 @!p0 s23, $0x0  }
0x147: {  	p1 =	por p0, p1  }
.Ltmp5:
0x148: {  	_ = 	snop;
	(pc) =	sbr.rel @p1 .LBB2_11-.Ltmp5, $4  }
0x149: {  	_ = 	snop  }
0x14a: {  	_ =	swait.ge @!p0 [sflag:s21], $0x800  }
0x14b: {  	[sflag:s21] =	ssyncset.done @!p0 $0x0  }
0x14c: {  	[sflag:s21] =	ssyncadd.s32 @!p0 $0xFFFFF800  }
0x14d: {  	p1 =	sne.s32 s23, $0x1  }
.Ltmp6:
0x14e: {  	_ = 	snop;
	(pc) =	sbr.rel @!p1 .LBB2_6-.Ltmp6, $2  }
0x14f: {  	_ =	sdelay $0x2  }
0x150: {  	s21 =	sand.u32 $0xFFFFFFF0, s22;
	s23 =	sadd.s32 $0xFFFFFFFF, s23;
	p0 =	por $0x0, $0x0  }
0x151: {  	v4 =	vld [tilespmem:s21+$0x1800];
	_ =	sdelay $0x4  }
0x152: {  	[tilespmem:s19+$0x0] =	vst v4  }
0x153: {  	p1 =	sne.s32 s23, $0x1;
	v4 =	vld [tilespmem:s21+$0x2880]  }
.Ltmp7:
0x154: {  	_ = 	snop;
	(pc) =	sbr.rel @!p1 .LBB2_8-.Ltmp7, $3  }
0x155: {  	_ =	sdelay $0x1  }
0x156: {  	s24 =	sadd.s32 $0x10, s22;
	s25 =	sadd.s32 $0xFFFFFFFF, s23;
	p0 =	por $0x1, $0x1  }
0x157: {  	s23 =	smov.u32 s19;
	s22 =	smov.u32 s20;
	s21 =	sand.u32 $0xFFFFFFF0, s24;
	[tilespmem:s20+$0x0] =	vst v4  }
.LBB2_9:
0x158: {  	p1 =	sne.s32 s25, $0x1;
	v4 =	vld [tilespmem:s21+$0x1800];
	_ =	sdelay $0x3  }
0x159: {  	s23 =	sadd.s32 $0x10, s23  }
0x15a: {  	[tilespmem:s23+$0x0] =	vst v4  }
0x15b: {  	v4 =	vld [tilespmem:s21+$0x2880]  }
.Ltmp8:
0x15c: {  	(pc) =	sbr.rel @p1 .LBB2_9-.Ltmp8, $3  }
0x15d: {  	_ =	sdelay $0x1  }
0x15e: {  	s24 =	sadd.s32 $0x10, s24;
	s22 =	sadd.s32 $0x10, s22  }
0x15f: {  	s25 =	sadd.s32 $0xFFFFFFFF, s25;
	s21 =	sand.u32 $0xFFFFFFF0, s24;
	[tilespmem:s22+$0x0] =	vst v4  }
.Ltmp9:
0x160: {  	_ = 	snop;
	(pc) =	sbr.rel .LBB2_10-.Ltmp9, $1  }
0x161: {  	_ =	sdelay $0x3  }
.LBB2_8:
.Ltmp10:
0x162: {  	(pc) =	sbr.rel .LBB2_10-.Ltmp10, $2  }
0x163: {  	_ =	sdelay $0x2  }
0x164: {  	s23 =	smov.u32 s19;
	s22 =	smov.u32 s20  }
.LBB2_13:
0x165: {  	_ =	sfence.sel $0x180000  }
0x166: {  	[bflag:$0x0] =	sbarrier.arrive $0xFFFF  }
0x167: {  	p0 =	sne.s32 s2, $0x0;
	_ =	strace $0x90000047  }
0x168: {  	s0 =	sadd.s32 @!p0 $0x100000, s0;
	[bflag:$0x2] =	sbarrier.arrive $0xFFFF  }
0x169: {  	[sflag:s0] =	ssyncadd.tile.s32 @!p0 $0x1;
	_ =	shalt  }
.Lfunc_end2:
_tile_overlayer_lowered:
.L_overlay_start_2:
0x16a: {  	(tag) =	ssettag $0x2  }
0x16b: {  	s0 =	rddreg [dreg:$0x0];
	s2 =	stileid.u32  }
0x16c: {  	s1 =	rddreg [dreg:$0x1];
	p0 =	sne.s32 s2, $0x0  }
0x16d: {  	s3 =	rddreg [dreg:$0x2];
	[bflag:$0x3] =	sbarrier.arrive $0xFFFF;
	s2 =	simm.s32 @!p0 $0x1C01  }
0x16e: {  	[timem:s3], [sflag:s2] =	dma.local @!p0 [hbm:s0], s1  }
0x16f: {  	s0 =	simm.s32 @!p0 $0x1  }
0x170: {  	_ =	swait.ge @!p0 [sflag:s0], s1  }
0x171: {  	s1 =	ssub.s32 @!p0 $0x0, s1;
	[sflag:s0] =	ssyncset.done @!p0 $0x0  }
0x172: {  	[sflag:s0] =	ssyncadd.s32 @!p0 s1  }
0x173: {  	[bflag:$0x3] =	sbarrier.arrive $0xFFFF  }
0x174: {  	_ =	shalt  }

// kernel: kernel.15.cloned.1.call-start
scs
__scs_entry_jumppad:
0x0: {  	(pc) =	sbr.rel $0x88, $3  }
0x1: {  	(tag) =	ssettag $0x0;
	lr =	simm.s32 $0x1  }
0x2: {  	[smem:$0x3F7C] =	sst lr;
	_ =	strace $0xD0000000  }
0x3: {  	_ = 	snop  }
0x4: {  	_ = 	snop  }
0x5: {  	_ = 	snop  }
0x6: {  	_ = 	snop  }
0x7: {  	_ = 	snop  }
__scs_overlays_trampoline_lowered:
0x8: {  	[smem:$0x3F8B] =	sst s0  }
0x9: {  	[smem:$0x3F8C] =	sst s1  }
0xa: {  	[smem:$0x3F8D] =	sst s2  }
0xb: {  	[smem:$0x3F8E] =	sst s3  }
0xc: {  	[smem:$0x3F8F] =	sst s4  }
0xd: {  	[smem:$0x3F90] =	sst s5  }
0xe: {  	[smem:$0x3F91] =	sst s6  }
0xf: {  	[smem:$0x3F92] =	sst s7  }
0x10: {  	[smem:$0x3F93] =	sst s8  }
0x11: {  	[smem:$0x3F94] =	sst s9;
	s0 =	simm.s32 @!p0 $0x0  }
0x12: {  	s1 =	sld [smem:$0x3F7A];
	s0 =	simm.s32 @p0 $0x1  }
0x13: {  	[smem:$0x3F95] =	sst s0;
	s0 =	simm.s32 @!p1 $0x0  }
0x14: {  	s2 =	sld [smem:$0x3F79];
	s0 =	simm.s32 @p1 $0x1  }
0x15: {  	[smem:$0x3F96] =	sst s0;
	s0 =	simm.s32 @!p2 $0x0  }
0x16: {  	s3 =	sld [smem:$0x3FDB];
	s0 =	simm.s32 @p2 $0x1  }
0x17: {  	s4 =	simm.s32 $0x1BF5;
	[smem:$0x3F98] =	sst s0  }
0x18: {  	s0 =	sld [smem:$0x3F7B];
	_ =	swait.ge [sflag:s4], $0x0  }
0x19: {  	s7 =	sld [smem:$0x3F7C]  }
0x1a: {  	s8 =	sadd.s32 $0xFFFFE003, lr  }
0x1b: {  	s9 =	sadd.s32 $0xFFFFFEF7, lr;
	s5 =	simm.s32 $0xFFFFFFFF;
	p2 =	slt.u32 s8, $0xFFFFF086  }
0x1c: {  	p1 =	slt.u32 s9, $0xF7A;
	s5 =	simm.s32 @!p2 $0x0  }
0x1d: {  	s5 =	simm.s32 @p1 $0x1;
	p0 =	seq.s32 s7, s2  }
0x1e: {  	s7 =	smul.u32 @!p0 $0xF7A, s2;
	p2 =	seq.s32 @!p0 s5, $0x0  }
0x1f: {  	s9 =	smul.u32 $0xF7A, s1;
	s8 =	simm.s32 @!p0 $0x1BF5;
	p2 =	por !p2, p0  }
0x20: {  	[sflag:s8] =	ssyncset.s32 @!p0 $0xFFFFF086;
	s6 =	sadd.s32 @!p0 s3, s7;
	s7 =	simm.s32 @!p0 $0x108  }
0x21: {  	s3 =	sadd.s32 s3, s9;
	s6 =	sadd.s32 @!p0 $0x88, s6;
	s7 =	simm.s32 @p2 $0x1082  }
0x22: {  	[simem:s7], [sflag:s8] =	dma.local @!p0 [hbm:s6], $0xF7A  }
0x23: {  	s9 =	sor.u32 $0xD0000000, s2;
	s6 =	simm.s32 $0x108;
	_ =	swait.ge @!p0 [sflag:s8], $0x0  }
0x24: {  	s3 =	sadd.s32 $0x88, s3;
	s6 =	simm.s32 @!p1 $0x1082;
	[sflag:s4] =	ssyncset.s32 $0xFFFFF086  }
0x25: {  	[simem:s6], [sflag:s4] =	dma.local [hbm:s3], $0xF7A  }
0x26: {  	[smem:$0x3F7C] =	sst s1;
	(tag) =	ssettag s2;
	_ =	strace s9  }
0x27: {  	s1 =	sld [smem:$0x3F8C]  }
0x28: {  	s2 =	sld [smem:$0x3F8D]  }
0x29: {  	s4 =	sld [smem:$0x3F8F]  }
0x2a: {  	p0 =	seq.s32 s5, $0x0;
	s5 =	sld [smem:$0x3F90]  }
0x2b: {  	s6 =	sld [smem:$0x3F91]  }
0x2c: {  	s7 =	sld [smem:$0x3F92]  }
0x2d: {  	s3 =	simm.s32 $0x108;
	s8 =	sld [smem:$0x3F93]  }
0x2e: {  	s3 =	simm.s32 @!p0 $0x1082;
	s9 =	sld [smem:$0x3F94]  }
0x2f: {  	lr =	sadd.s32 s0, s3;
	s0 =	sld [smem:$0x3F8B]  }
0x30: {  	s3 =	sld [smem:$0x3F8E]  }
0x31: {  	[smem:$0x3F97] =	sst s10  }
0x32: {  	s10 =	sld [smem:$0x3F95];
	_ =	sdelay $0x3  }
0x33: {  	p0 =	seq.s32 s10, $0x1;
	s10 =	sld [smem:$0x3F97];
	_ =	sdelay $0x3  }
0x34: {  	[smem:$0x3F97] =	sst s10  }
0x35: {  	s10 =	sld [smem:$0x3F96];
	_ =	sdelay $0x3  }
0x36: {  	p1 =	seq.s32 s10, $0x1;
	s10 =	sld [smem:$0x3F97];
	_ =	sdelay $0x3  }
0x37: {  	[smem:$0x3F97] =	sst s10  }
0x38: {  	s10 =	sld [smem:$0x3F98]  }
0x39: {  	_ = 	snop;
	(pc) =	sbr.ind lr, $3  }
0x3a: {  	_ = 	snop  }
0x3b: {  	_ = 	snop  }
0x3c: {  	p2 =	seq.s32 s10, $0x1;
	s10 =	sld [smem:$0x3F97]  }
0x3d: {  	_ =	shalt  }
0x3e: {  	_ =	shalt  }
0x3f: {  	_ =	shalt  }
0x40: {  	_ =	shalt  }
0x41: {  	_ =	shalt  }
0x42: {  	_ =	shalt  }
0x43: {  	_ =	shalt  }
0x44: {  	_ =	shalt  }
0x45: {  	_ =	shalt  }
0x46: {  	_ =	shalt  }
0x47: {  	_ =	shalt  }
0x48: {  	_ =	shalt  }
0x49: {  	_ =	shalt  }
0x4a: {  	_ =	shalt  }
0x4b: {  	_ =	shalt  }
0x4c: {  	_ =	shalt  }
0x4d: {  	_ =	shalt  }
0x4e: {  	_ =	shalt  }
0x4f: {  	_ =	shalt  }
0x50: {  	_ =	shalt  }
0x51: {  	_ =	shalt  }
0x52: {  	_ =	shalt  }
0x53: {  	_ =	shalt  }
0x54: {  	_ =	shalt  }
0x55: {  	_ =	shalt  }
0x56: {  	_ =	shalt  }
0x57: {  	_ =	shalt  }
0x58: {  	_ =	shalt  }
0x59: {  	_ =	shalt  }
0x5a: {  	_ =	shalt  }
0x5b: {  	_ =	shalt  }
0x5c: {  	_ =	shalt  }
0x5d: {  	_ =	shalt  }
0x5e: {  	_ =	shalt  }
0x5f: {  	_ =	shalt  }
0x60: {  	_ =	shalt  }
0x61: {  	_ =	shalt  }
0x62: {  	_ =	shalt  }
0x63: {  	_ =	shalt  }
0x64: {  	_ =	shalt  }
0x65: {  	_ =	shalt  }
0x66: {  	_ =	shalt  }
0x67: {  	_ =	shalt  }
0x68: {  	_ =	shalt  }
0x69: {  	_ =	shalt  }
0x6a: {  	_ =	shalt  }
0x6b: {  	_ =	shalt  }
0x6c: {  	_ =	shalt  }
0x6d: {  	_ =	shalt  }
0x6e: {  	_ =	shalt  }
0x6f: {  	_ =	shalt  }
0x70: {  	_ =	shalt  }
0x71: {  	_ =	shalt  }
0x72: {  	_ =	shalt  }
0x73: {  	_ =	shalt  }
0x74: {  	_ =	shalt  }
0x75: {  	_ =	shalt  }
0x76: {  	_ =	shalt  }
0x77: {  	_ =	shalt  }
0x78: {  	_ =	shalt  }
0x79: {  	_ =	shalt  }
0x7a: {  	_ =	shalt  }
0x7b: {  	_ =	shalt  }
0x7c: {  	_ =	shalt  }
0x7d: {  	_ =	shalt  }
0x7e: {  	_ =	shalt  }
0x7f: {  	_ =	shalt  }
0x80: {  	_ =	shalt  }
0x81: {  	_ =	shalt  }
0x82: {  	_ =	shalt  }
0x83: {  	_ =	shalt  }
0x84: {  	_ =	shalt  }
0x85: {  	_ =	shalt  }
0x86: {  	_ =	shalt  }
0x87: {  	_ =	shalt  }
.Lfunc_end0:
.L_simem_size_0:
called_computation.1_lowered:
.L_overlay_start_0:
0x88: {  	s2 =	sld [smem:$0x3FD9]  }
0x89: {  	s3 =	sld [smem:$0x3FFE];
	_ =	sdelay $0x1  }
0x8a: {  	s1 =	srdreg.scid  }
0x8b: {  	s0 =	sand.u32 $0x1, s1  }
0x8c: {  	s16 =	sshll.u32 s0, $0xA;
	s2 =	sadd.s32 s3, s2  }
0x8d: {  	s2 =	sadd.s32 s2, s16  }
0x8e: {  	[smem:$0x3FA3] =	sst s2  }
0x8f: {  	_ = 	snop  }
0x90: {  	(tm) =	ssettm $0x1  }
0x91: {  	s17 =	sld [smem:$0x3FFB];
	_ =	sdelay $0x3  }
0x92: {  	_ =	strace s17  }
0x93: {  	s2 =	sld [smem:$0x3FFC];
	_ =	sdelay $0x3  }
0x94: {  	_ =	strace s2  }
0x95: {  	s2 =	sld [smem:$0x3FFD];
	_ =	sdelay $0x3  }
0x96: {  	_ =	strace s2  }
0x97: {  	_ =	strace $0x8FFFFFFF  }
0x98: {  	s18 =	sld [smem:$0x3FDB];
	_ =	sdelay $0x1  }
0x99: {  	s19 =	simm.s32 $_scs_section_size  }
0x9a: {  	s4 =	simm.s32 $_size__tile_overlayer_lowered;
	s5 =	simm.s32 $_tile_overlayer_lowered  }
0x9b: {  	s22 =	simm.s32 $0x1BFF;
	s21 =	sshll.u32 s5, $0x1;
	s2 =	sadd.s32 s19, s18  }
0x9c: {  	s6 =	simm.s32 $0x0;
	s20 =	sshll.u32 s4, $0x1;
	s4 =	sadd.s32 s21, s2  }
0x9d: {  	[timem:s6], [sflag:s22] =	dma.local [hbm:s4], s20  }
0x9e: {  	_ =	swait.ge [sflag:s22], s20  }
0x9f: {  	s3 =	ssub.s32 $0x0, s20;
	[sflag:s22] =	ssyncset.done $0x0  }
0xa0: {  	[sflag:s22] =	ssyncadd.s32 s3;
	_ =	sdelay $0x1  }
0xa1: {  	s23 =	simm.s32 $0x1B8B  }
0xa2: {  	_ =	swait.ge [sflag:s23], $0x1  }
0xa3: {  	[sflag:s23] =	ssyncset.done $0x0  }
0xa4: {  	s25 =	simm.s32 $0x1B8E;
	s24 =	sld [smem:$0x3FFE];
	[sflag:s23] =	ssyncadd.s32 $0xFFFFFFFF  }
0xa5: {  	s26 =	simm.s32 $execute0_lowered;
	[smem:$0x3FD2] =	sst s25  }
0xa6: {  	s4 =	sshll.u32 s26, $0x1;
	_ =	strace $0x80000049;
	[dreg:$0x1] =	wrdreg $0xFFFFFFFF  }
0xa7: {  	s28 =	simm.s32 $_size_execute0_lowered;
	s2 =	sadd.s32 s2, s4;
	[dreg:$0x0] =	wrdreg $0x0  }
0xa8: {  	s4 =	sshll.u32 s28, $0x1;
	[dreg:$0x2] =	wrdreg s2  }
0xa9: {  	[dreg:$0x3] =	wrdreg s4  }
0xaa: {  	[dreg:$0x4] =	wrdreg $0xC0  }
0xab: {  	_ =	task [dreg:s6], $0x5FFFF  }
0xac: {  	[dreg:$0x1] =	wrdreg $0xFFFFFFFF  }
0xad: {  	[dreg:$0x0] =	wrdreg $0x60  }
0xae: {  	[dreg:$0x2] =	wrdreg s24  }
0xaf: {  	[dreg:$0x3] =	wrdreg $0x82800  }
0xb0: {  	[dreg:$0x4] =	wrdreg $0x9  }
0xb1: {  	_ =	task.clear_ibuf [dreg:s6], $0x5FFFF;
	_ =	strace $0x90000049  }
0xb2: {  	s29 =	simm.s32 $0x9;
	_ =	strace $0x8000004B  }
0xb3: {  	_ =	swait.ge [sflag:s29], $0x1  }
0xb4: {  	[sflag:s29] =	ssyncadd.s32 $0xFFFFFFFF  }
0xb5: {  	_ =	strace $0x9000004B  }
0xb6: {  	_ =	sfence  }
0xb7: {  	s30 =	sld [smem:$0x0];
	_ =	sdelay $0x2  }
0xb8: {  	s31 =	sshll.u32 s1, $0xD;
	s1 =	sshrl.u32 s1, $0x2  }
0xb9: {  	s3 =	sand.u32 $0x4000, s31;
	s1 =	sadd.s32 s1, s30  }
0xba: {  	s0 =	sor.u32 s3, s0;
	s1 =	sshll.u32 s1, $0x11  }
0xbb: {  	s0 =	sor.u32 s1, s0  }
0xbc: {  	s0 =	sadd.s32 $0x8F2B, s0  }
0xbd: {  	[sflag:s0] =	ssyncadd.remote.s32 $0x1  }
0xbe: {  	_ =	sfence.sel $0xFFFF  }
0xbf: {  	[dreg:$0x0] =	wrdreg $0xFFFFFFFF;
	(pc) =	sbr.abs _section_cstart, $3  }
0xc0: {  	[dreg:$0x1] =	wrdreg $0xFFFFFFFF  }
0xc1: {  	_ =	task.clear_ibuf [dreg:s6], $0x2FFFF;
	_ =	strace $0x9FFFFFFF  }
0xc2: {  	(tm) =	ssettm $0x7FFFFFFF  }
0xc3: {  	_ =	shalt  }
tec
execute0_lowered:
.L_overlay_start_1:
0x0: {  	(tag) =	ssettag $0x1  }
0x1: {  	s0 =	rddreg [dreg:$0x0]  }
0x2: {  	s1 =	rddreg [dreg:$0x1];
	s2 =	srdreg.scid;
	s3 =	simm.s32 $0x0  }
0x3: {  	s24 =	stileid.u32;
	s16 =	simm.s32 $0x2;
	s17 =	simm.s32 $0x80  }
0x4: {  	s20 =	simm.s32 $0x1;
	s21 =	simm.s32 $0x0;
	[smem:$0x7FF] =	sst s3  }
0x5: {  	s2 =	sand.u32 $0x1, s2;
	s4 =	sadd.s32 $0x290E00, s0;
	s6 =	sadd.s32 $0x155400, s0  }
0x6: {  	s29 =	sshll.u32 s24, $0x6;
	s14 =	smul.u32 $0x4EE00, s24;
	s5 =	sshll.u32 s2, $0x4  }
0x7: {  	s10 =	ssub.s32 $0x2, s2;
	s2 =	smul.u32 $0x4EE000, s2;
	s7 =	sor.u32 s24, s5  }
0x8: {  	_ =	strace $0x8000004A;
	s5 =	sadd.s32 $0x19C00, s0;
	s8 =	smul.u32 $0x1400, s7  }
0x9: {  	s25 =	sshrl.u32 s10, $0x1;
	s9 =	sshll.u32 s7, $0x1;
	s11 =	smul.u32 $0x28000, s7  }
0xa: {  	s13 =	ssub.s32 s10, s25;
	s26 =	smul.u32 $0x4EE00, s7;
	s31 =	sadd.s32 s14, s2  }
.Ltmp0:
0xb: {  	s9 =	sadd.s32 s9, s0;
	s13 =	smax.u32 s13, $0x1;
	(pc) =	sbr.rel .LBB2_1-.Ltmp0, $4  }
0xc: {  	s14 =	sor.u32 $0x80, s31;
	s0 =	sadd.s32 s8, s0;
	s28 =	sshrl.u32 s11, $0x2  }
0xd: {  	s30 =	sshrl.u32 s26, $0x3;
	s8 =	sor.u32 $0x1C02, s29;
	s9 =	sadd.s32 $0x290C00, s9  }
0xe: {  	s15 =	sadd.s32 s28, s1;
	s7 =	sadd.s32 $0x2B8000, s0;
	s10 =	sadd.s32 s5, s30  }
0xf: {  	s11 =	sadd.s32 s6, s30;
	s12 =	sadd.s32 $0x2E0000, s0;
	s15 =	sshrl.u32 s15, $0x3  }
.LBB2_5:
0x10: {  	s0 =	sshll.u32 @!p0 s28, $0x7  }
0x11: {  	[sflag:s16] =	ssyncadd.s32 @p1 $0xFFFFC000;
	s2 =	sadd.s32 @!p0 $0x80, s0  }
0x12: {  	[tilespmem:s2], [sflag:$0x2] =	stream.linear.gather @!p0 [hbm4b:s24+s31], $0x80, $0x38;
	[tilespmem:$0x1C280] =	vst v63  }
0x13: {  	_ =	swait.ge @!p0 [sflag:s25], $0x80  }
0x14: {  	[sflag:s25] =	ssyncset.done @!p0 $0x0  }
0x15: {  	s0 =	sadd.s32 @!p0 $0x180, s0;
	[sflag:s25] =	ssyncadd.s32 @!p0 $0xFFFFFF80  }
0x16: {  	[tilespmem:s0], [sflag:$0x2] =	stream.linear.gather @!p0 [hbm4b:s29+s31], $0x80, $0x38;
	[tilespmem:$0x1C280] =	vst v63  }
0x17: {  	_ =	swait.ge @!p0 [sflag:s25], $0x80  }
0x18: {  	s0 =	sshll.u32 @!p0 s28, $0xE;
	[sflag:s25] =	ssyncset.done @!p0 $0x0  }
0x19: {  	s3 =	simm.s32 @!p0 $0x80;
	s0 =	sor.u32 @!p0 $0x280, s0;
	[sflag:s25] =	ssyncadd.s32 @!p0 $0xFFFFFF80  }
0x1a: {  	[tilespmem:s0], [sflag:$0x1] =	stream.indirect.gather @!p0 [hbm4b:s4+s3], $0x80, s2, s3, $0xb8;
	[tilespmem:$0x1C280] =	vst v63  }
0x1b: {  	_ =	swait.ge [sflag:s20], $0x4000  }
0x1c: {  	s30 =	sshll.u32 s30, $0xE;
	[sflag:s20] =	ssyncset.done $0x0  }
0x1d: {  	s31 =	sadd.s32 $0x180, s23;
	s0 =	sor.u32 $0x280, s30;
	[sflag:s20] =	ssyncadd.s32 $0xFFFFC000  }
0x1e: {  	[spmem:s1] =	stream.indirect.scatter.add.f32 [tilespmem:s0], [sflag:$0x2], $0x80, s31, s17, $0xb8;
	[tilespmem:$0x1C280] =	vst v63  }
0x1f: {  	_ =	swait.ge [sflag:s16], $0x4000  }
0x20: {  	[sflag:s16] =	ssyncset.done $0x0  }
0x21: {  	[sflag:s16] =	ssyncadd.s32 $0xFFFFC000  }
.LBB2_6:
0x22: {  	s21 =	sadd.s32 $0x1, s21  }
0x23: {  	p0 =	sne.s32 s21, s13  }
.Ltmp1:
0x24: {  	_ = 	snop;
	(pc) =	sbr.rel @!p0 .LBB2_7-.Ltmp1, $4  }
0x25: {  	[hbm:s12], [sflag:s8] =	dma.local [spmem:s15], $0x1400  }
0x26: {  	_ =	swait.ge [sflag:s16], $0x1400  }
0x27: {  	[sflag:s16] =	ssyncset.done $0x0  }
0x28: {  	[sflag:s16] =	ssyncadd.s32 $0xFFFFEC00  }
.LBB2_1:
0x29: {  	[spmem:s15], [sflag:s8] =	dma.local [hbm:s7], $0x1400  }
0x2a: {  	_ =	swait.ge [sflag:s16], $0x1400  }
0x2b: {  	[sflag:s16] =	ssyncset.done $0x0  }
0x2c: {  	s0 =	simm.s32 $0x0;
	[sflag:s16] =	ssyncadd.s32 $0xFFFFEC00  }
0x2d: {  	[tilespmem:s0], [sflag:$0x2] =	stream.linear.gather [hbm4b:s9+s0], $0x10, $0x38;
	[tilespmem:$0x1C280] =	vst v63  }
0x2e: {  	_ =	swait.ge [sflag:s16], $0x10  }
0x2f: {  	[sflag:s16] =	ssyncset.done $0x0  }
0x30: {  	[sflag:s16] =	ssyncadd.s32 $0xFFFFFFF0  }
0x31: {  	v0 =	vld [tilespmem:$0x0];
	_ =	sdelay $0x4  }
0x32: {  	(v2sf) =	vpush v0, $0x0;
	_ =	sdelay $0xe  }
0x33: {  	s22 =	spop (v2sf)  }
0x34: {  	p0 =	slt.s32 s22, $0x1  }
.Ltmp2:
0x35: {  	_ = 	snop;
	(pc) =	sbr.rel @p0 .LBB2_6-.Ltmp2, $1  }
0x36: {  	_ =	sdelay $0x3  }
0x37: {  	s23 =	simm.s32 $0x0  }
0x38: {  	[tilespmem:s17], [sflag:$0x2] =	stream.linear.gather [hbm4b:s10+s23], $0x80, $0x38;
	[tilespmem:$0x1C280] =	vst v63  }
0x39: {  	s0 =	simm.s32 $0x180;
	_ =	swait.ge [sflag:s16], $0x80  }
0x3a: {  	s26 =	simm.s32 $0x280;
	p0 =	sle.s32 s22, $0x1;
	[sflag:s16] =	ssyncset.done $0x0  }
0x3b: {  	s2 =	simm.s32 $0x1;
	p2 =	sne.s32 s22, $0x1;
	[sflag:s16] =	ssyncadd.s32 $0xFFFFFF80  }
0x3c: {  	[tilespmem:s0], [sflag:$0x2] =	stream.linear.gather [hbm4b:s11+s23], $0x80, $0x38;
	[tilespmem:$0x1C280] =	vst v63  }
0x3d: {  	p1 =	por $0x0, $0x0;
	s30 =	sand.u32 $0x1, s23;
	s0 =	sshrl.u32 @!p0 s14, $0x3  }
.Ltmp3:
0x3e: {  	s23 =	sshll.u32 s30, $0x7;
	_ =	swait.ge [sflag:s16], $0x80;
	(pc) =	sbr.rel @!p2 .LBB2_5-.Ltmp3, $4  }
0x3f: {  	s24 =	sadd.s32 @!p0 s5, s0;
	s29 =	sadd.s32 @!p0 s6, s0;
	p0 =	por p0, p0  }
0x40: {  	s0 =	sadd.s32 $0x80, s14;
	[sflag:s16] =	ssyncset.done $0x0;
	s25 =	simm.s32 @!p0 $0x2  }
0x41: {  	s31 =	simm.s32 @!p0 $0x0;
	s28 =	sxor.u32 @!p0 $0x1, s30;
	[sflag:s16] =	ssyncadd.s32 $0xFFFFFF80  }
0x42: {  	[tilespmem:s26], [sflag:$0x1] =	stream.indirect.gather [hbm4b:s4+s17], $0x80, s17, s17, $0xb8;
	[tilespmem:$0x1C280] =	vst v63  }
0x43: {  	s26 =	sshll.u32 @!p0 s28, $0x7  }
0x44: {  	s18 =	sadd.s32 @!p0 $0x80, s26  }
0x45: {  	[tilespmem:s18], [sflag:$0x2] =	stream.linear.gather @!p0 [hbm4b:s24+s31], $0x80, $0x38;
	[tilespmem:$0x1C280] =	vst v63  }
0x46: {  	_ =	swait.ge @!p0 [sflag:s25], $0x80  }
0x47: {  	p1 =	sle.s32 s22, $0x2;
	[sflag:s25] =	ssyncset.done @!p0 $0x0  }
0x48: {  	s30 =	sshll.u32 s30, $0xE;
	s24 =	sadd.s32 @!p0 $0x180, s26;
	[sflag:s25] =	ssyncadd.s32 @!p0 $0xFFFFFF80  }
0x49: {  	[tilespmem:s24], [sflag:$0x2] =	stream.linear.gather @!p0 [hbm4b:s29+s31], $0x80, $0x38;
	[tilespmem:$0x1C280] =	vst v63  }
0x4a: {  	p2 =	sne.s32 s22, $0x2;
	s23 =	sadd.s32 $0x180, s23;
	_ =	swait.ge @!p0 [sflag:s25], $0x80  }
0x4b: {  	s29 =	sshrl.u32 @!p1 s0, $0x3;
	s24 =	sshll.u32 @!p0 s28, $0xE;
	[sflag:s25] =	ssyncset.done @!p0 $0x0  }
0x4c: {  	s24 =	sor.u32 @!p0 $0x280, s24;
	[sflag:s25] =	ssyncadd.s32 @!p0 $0xFFFFFF80;
	s25 =	simm.s32 @!p0 $0x80  }
0x4d: {  	[tilespmem:s24], [sflag:$0x1] =	stream.indirect.gather @!p0 [hbm4b:s4+s25], $0x80, s18, s25, $0xb8;
	[tilespmem:$0x1C280] =	vst v63  }
0x4e: {  	s26 =	simm.s32 $0x2;
	s0 =	sadd.s32 $0x80, s0;
	s24 =	sadd.s32 @!p1 s5, s29  }
0x4f: {  	s25 =	sor.u32 $0x280, s30;
	s29 =	sadd.s32 @!p1 s6, s29;
	_ =	swait.ge [sflag:s20], $0x4000  }
.Ltmp4:
0x50: {  	p0 =	por p1, p1;
	[sflag:s20] =	ssyncset.done $0x0;
	(pc) =	sbr.rel @!p2 .LBB2_5-.Ltmp4, $4  }
0x51: {  	s30 =	sand.u32 $0x1, s2;
	p1 =	por $0x1, $0x1;
	[sflag:s20] =	ssyncadd.s32 $0xFFFFC000  }
0x52: {  	[spmem:s1] =	stream.indirect.scatter.add.f32 [tilespmem:s25], [sflag:$0x2], $0x80, s23, s17, $0xb8;
	[tilespmem:$0x1C280] =	vst v63  }
0x53: {  	s31 =	simm.s32 @!p0 $0x0;
	s28 =	sxor.u32 @!p0 $0x1, s30;
	_ =	swait.ge [sflag:s16], $0x4000  }
0x54: {  	s25 =	simm.s32 @!p0 $0x2;
	s23 =	sshll.u32 s30, $0x7;
	[sflag:s16] =	ssyncset.done $0x0  }
.LBB2_4:
0x55: {  	s2 =	sshll.u32 @!p0 s28, $0x7  }
0x56: {  	[sflag:s16] =	ssyncadd.s32 $0xFFFFC000;
	s18 =	smov.u32 s26;
	s26 =	sadd.s32 $0x1, s26  }
0x57: {  	p3 =	sge.s32 s26, s22;
	s19 =	sadd.s32 @!p0 $0x80, s2;
	s2 =	sadd.s32 @!p0 $0x180, s2  }
0x58: {  	[tilespmem:s19], [sflag:$0x2] =	stream.linear.gather @!p0 [hbm4b:s24+s31], $0x80, $0x38;
	[tilespmem:$0x1C280] =	vst v63  }
0x59: {  	s30 =	sshll.u32 s30, $0xE;
	s3 =	sshrl.u32 @!p3 s0, $0x3;
	_ =	swait.ge @!p0 [sflag:s25], $0x80  }
0x5a: {  	s30 =	sor.u32 $0x280, s30;
	s24 =	sadd.s32 @!p3 s5, s3;
	[sflag:s25] =	ssyncset.done @!p0 $0x0  }
0x5b: {  	p2 =	sne.s32 s22, s26;
	s3 =	sadd.s32 @!p3 s6, s3;
	[sflag:s25] =	ssyncadd.s32 @!p0 $0xFFFFFF80  }
0x5c: {  	[tilespmem:s2], [sflag:$0x2] =	stream.linear.gather @!p0 [hbm4b:s29+s31], $0x80, $0x38;
	[tilespmem:$0x1C280] =	vst v63  }
0x5d: {  	s29 =	smov.u32 s3;
	_ =	swait.ge @!p0 [sflag:s25], $0x80  }
0x5e: {  	s2 =	sshll.u32 @!p0 s28, $0xE;
	[sflag:s25] =	ssyncset.done @!p0 $0x0  }
0x5f: {  	s3 =	simm.s32 @!p0 $0x80;
	s2 =	sor.u32 @!p0 $0x280, s2;
	[sflag:s25] =	ssyncadd.s32 @!p0 $0xFFFFFF80  }
0x60: {  	[tilespmem:s2], [sflag:$0x1] =	stream.indirect.gather @!p0 [hbm4b:s4+s3], $0x80, s19, s3, $0xb8;
	[tilespmem:$0x1C280] =	vst v63  }
0x61: {  	p0 =	por p3, p3;
	_ =	swait.ge [sflag:s20], $0x4000  }
.Ltmp5:
0x62: {  	s0 =	sadd.s32 $0x80, s0;
	[sflag:s20] =	ssyncset.done $0x0;
	(pc) =	sbr.rel @p2 .LBB2_4-.Ltmp5, $4  }
0x63: {  	s2 =	sadd.s32 $0x180, s23;
	s25 =	simm.s32 @!p0 $0x2;
	[sflag:s20] =	ssyncadd.s32 $0xFFFFC000  }
0x64: {  	[spmem:s1] =	stream.indirect.scatter.add.f32 [tilespmem:s30], [sflag:$0x2], $0x80, s2, s17, $0xb8;
	[tilespmem:$0x1C280] =	vst v63  }
0x65: {  	s31 =	simm.s32 @!p0 $0x0;
	s30 =	sand.u32 $0x1, s18;
	_ =	swait.ge [sflag:s16], $0x4000  }
0x66: {  	s28 =	sxor.u32 @!p0 $0x1, s30;
	s23 =	sshll.u32 s30, $0x7;
	[sflag:s16] =	ssyncset.done $0x0  }
.Ltmp6:
0x67: {  	_ = 	snop;
	(pc) =	sbr.rel .LBB2_5-.Ltmp6, $1  }
0x68: {  	_ =	sdelay $0x3  }
.LBB2_7:
0x69: {  	_ =	sfence.sel $0x180000  }
0x6a: {  	[bflag:$0x0] =	sbarrier.arrive $0xFFFF  }
0x6b: {  	_ =	strace $0x9000004A  }
0x6c: {  	s0 =	stileid.u32;
	[bflag:$0x2] =	sbarrier.arrive $0xFFFF  }
0x6d: {  	p0 =	sne.s32 s0, $0x0;
	s0 =	rddreg [dreg:$0x2]  }
0x6e: {  	s0 =	sadd.s32 @!p0 $0x100000, s0  }
0x6f: {  	[sflag:s0] =	ssyncadd.tile.s32 @!p0 $0x1;
	_ =	shalt  }
.Lfunc_end2:
_tile_overlayer_lowered:
.L_overlay_start_2:
0x70: {  	(tag) =	ssettag $0x2  }
0x71: {  	s0 =	rddreg [dreg:$0x0];
	s2 =	stileid.u32  }
0x72: {  	s1 =	rddreg [dreg:$0x1];
	p0 =	sne.s32 s2, $0x0  }
0x73: {  	s3 =	rddreg [dreg:$0x2];
	[bflag:$0x3] =	sbarrier.arrive $0xFFFF;
	s2 =	simm.s32 @!p0 $0x1C02  }
0x74: {  	[timem:s3], [sflag:s2] =	dma.local @!p0 [hbm:s0], s1  }
0x75: {  	s0 =	simm.s32 @!p0 $0x2  }
0x76: {  	_ =	swait.ge @!p0 [sflag:s0], s1  }
0x77: {  	s1 =	ssub.s32 @!p0 $0x0, s1;
	[sflag:s0] =	ssyncset.done @!p0 $0x0  }
0x78: {  	[sflag:s0] =	ssyncadd.s32 @!p0 s1  }
0x79: {  	[bflag:$0x3] =	sbarrier.arrive $0xFFFF  }
0x7a: {  	_ =	shalt  }

// kernel: kernel.18.cloned.1.call-start
scs
__scs_entry_jumppad:
0x0: {  	(pc) =	sbr.rel $0x88, $3  }
0x1: {  	(tag) =	ssettag $0x0;
	lr =	simm.s32 $0x1  }
0x2: {  	[smem:$0x3F7C] =	sst lr;
	_ =	strace $0xD0000000  }
0x3: {  	_ = 	snop  }
0x4: {  	_ = 	snop  }
0x5: {  	_ = 	snop  }
0x6: {  	_ = 	snop  }
0x7: {  	_ = 	snop  }
__scs_overlays_trampoline_lowered:
0x8: {  	[smem:$0x3F8B] =	sst s0  }
0x9: {  	[smem:$0x3F8C] =	sst s1  }
0xa: {  	[smem:$0x3F8D] =	sst s2  }
0xb: {  	[smem:$0x3F8E] =	sst s3  }
0xc: {  	[smem:$0x3F8F] =	sst s4  }
0xd: {  	[smem:$0x3F90] =	sst s5  }
0xe: {  	[smem:$0x3F91] =	sst s6  }
0xf: {  	[smem:$0x3F92] =	sst s7  }
0x10: {  	[smem:$0x3F93] =	sst s8  }
0x11: {  	[smem:$0x3F94] =	sst s9;
	s0 =	simm.s32 @!p0 $0x0  }
0x12: {  	s1 =	sld [smem:$0x3F7A];
	s0 =	simm.s32 @p0 $0x1  }
0x13: {  	[smem:$0x3F95] =	sst s0;
	s0 =	simm.s32 @!p1 $0x0  }
0x14: {  	s2 =	sld [smem:$0x3F79];
	s0 =	simm.s32 @p1 $0x1  }
0x15: {  	[smem:$0x3F96] =	sst s0;
	s0 =	simm.s32 @!p2 $0x0  }
0x16: {  	s3 =	sld [smem:$0x3FDB];
	s0 =	simm.s32 @p2 $0x1  }
0x17: {  	s4 =	simm.s32 $0x1BF5;
	[smem:$0x3F98] =	sst s0  }
0x18: {  	s0 =	sld [smem:$0x3F7B];
	_ =	swait.ge [sflag:s4], $0x0  }
0x19: {  	s7 =	sld [smem:$0x3F7C]  }
0x1a: {  	s8 =	sadd.s32 $0xFFFFE003, lr  }
0x1b: {  	s9 =	sadd.s32 $0xFFFFFEF7, lr;
	s5 =	simm.s32 $0xFFFFFFFF;
	p2 =	slt.u32 s8, $0xFFFFF086  }
0x1c: {  	p1 =	slt.u32 s9, $0xF7A;
	s5 =	simm.s32 @!p2 $0x0  }
0x1d: {  	s5 =	simm.s32 @p1 $0x1;
	p0 =	seq.s32 s7, s2  }
0x1e: {  	s7 =	smul.u32 @!p0 $0xF7A, s2;
	p2 =	seq.s32 @!p0 s5, $0x0  }
0x1f: {  	s9 =	smul.u32 $0xF7A, s1;
	s8 =	simm.s32 @!p0 $0x1BF5;
	p2 =	por !p2, p0  }
0x20: {  	[sflag:s8] =	ssyncset.s32 @!p0 $0xFFFFF086;
	s6 =	sadd.s32 @!p0 s3, s7;
	s7 =	simm.s32 @!p0 $0x108  }
0x21: {  	s3 =	sadd.s32 s3, s9;
	s6 =	sadd.s32 @!p0 $0x88, s6;
	s7 =	simm.s32 @p2 $0x1082  }
0x22: {  	[simem:s7], [sflag:s8] =	dma.local @!p0 [hbm:s6], $0xF7A  }
0x23: {  	s9 =	sor.u32 $0xD0000000, s2;
	s6 =	simm.s32 $0x108;
	_ =	swait.ge @!p0 [sflag:s8], $0x0  }
0x24: {  	s3 =	sadd.s32 $0x88, s3;
	s6 =	simm.s32 @!p1 $0x1082;
	[sflag:s4] =	ssyncset.s32 $0xFFFFF086  }
0x25: {  	[simem:s6], [sflag:s4] =	dma.local [hbm:s3], $0xF7A  }
0x26: {  	[smem:$0x3F7C] =	sst s1;
	(tag) =	ssettag s2;
	_ =	strace s9  }
0x27: {  	s1 =	sld [smem:$0x3F8C]  }
0x28: {  	s2 =	sld [smem:$0x3F8D]  }
0x29: {  	s4 =	sld [smem:$0x3F8F]  }
0x2a: {  	p0 =	seq.s32 s5, $0x0;
	s5 =	sld [smem:$0x3F90]  }
0x2b: {  	s6 =	sld [smem:$0x3F91]  }
0x2c: {  	s7 =	sld [smem:$0x3F92]  }
0x2d: {  	s3 =	simm.s32 $0x108;
	s8 =	sld [smem:$0x3F93]  }
0x2e: {  	s3 =	simm.s32 @!p0 $0x1082;
	s9 =	sld [smem:$0x3F94]  }
0x2f: {  	lr =	sadd.s32 s0, s3;
	s0 =	sld [smem:$0x3F8B]  }
0x30: {  	s3 =	sld [smem:$0x3F8E]  }
0x31: {  	[smem:$0x3F97] =	sst s10  }
0x32: {  	s10 =	sld [smem:$0x3F95];
	_ =	sdelay $0x3  }
0x33: {  	p0 =	seq.s32 s10, $0x1;
	s10 =	sld [smem:$0x3F97];
	_ =	sdelay $0x3  }
0x34: {  	[smem:$0x3F97] =	sst s10  }
0x35: {  	s10 =	sld [smem:$0x3F96];
	_ =	sdelay $0x3  }
0x36: {  	p1 =	seq.s32 s10, $0x1;
	s10 =	sld [smem:$0x3F97];
	_ =	sdelay $0x3  }
0x37: {  	[smem:$0x3F97] =	sst s10  }
0x38: {  	s10 =	sld [smem:$0x3F98]  }
0x39: {  	_ = 	snop;
	(pc) =	sbr.ind lr, $3  }
0x3a: {  	_ = 	snop  }
0x3b: {  	_ = 	snop  }
0x3c: {  	p2 =	seq.s32 s10, $0x1;
	s10 =	sld [smem:$0x3F97]  }
0x3d: {  	_ =	shalt  }
0x3e: {  	_ =	shalt  }
0x3f: {  	_ =	shalt  }
0x40: {  	_ =	shalt  }
0x41: {  	_ =	shalt  }
0x42: {  	_ =	shalt  }
0x43: {  	_ =	shalt  }
0x44: {  	_ =	shalt  }
0x45: {  	_ =	shalt  }
0x46: {  	_ =	shalt  }
0x47: {  	_ =	shalt  }
0x48: {  	_ =	shalt  }
0x49: {  	_ =	shalt  }
0x4a: {  	_ =	shalt  }
0x4b: {  	_ =	shalt  }
0x4c: {  	_ =	shalt  }
0x4d: {  	_ =	shalt  }
0x4e: {  	_ =	shalt  }
0x4f: {  	_ =	shalt  }
0x50: {  	_ =	shalt  }
0x51: {  	_ =	shalt  }
0x52: {  	_ =	shalt  }
0x53: {  	_ =	shalt  }
0x54: {  	_ =	shalt  }
0x55: {  	_ =	shalt  }
0x56: {  	_ =	shalt  }
0x57: {  	_ =	shalt  }
0x58: {  	_ =	shalt  }
0x59: {  	_ =	shalt  }
0x5a: {  	_ =	shalt  }
0x5b: {  	_ =	shalt  }
0x5c: {  	_ =	shalt  }
0x5d: {  	_ =	shalt  }
0x5e: {  	_ =	shalt  }
0x5f: {  	_ =	shalt  }
0x60: {  	_ =	shalt  }
0x61: {  	_ =	shalt  }
0x62: {  	_ =	shalt  }
0x63: {  	_ =	shalt  }
0x64: {  	_ =	shalt  }
0x65: {  	_ =	shalt  }
0x66: {  	_ =	shalt  }
0x67: {  	_ =	shalt  }
0x68: {  	_ =	shalt  }
0x69: {  	_ =	shalt  }
0x6a: {  	_ =	shalt  }
0x6b: {  	_ =	shalt  }
0x6c: {  	_ =	shalt  }
0x6d: {  	_ =	shalt  }
0x6e: {  	_ =	shalt  }
0x6f: {  	_ =	shalt  }
0x70: {  	_ =	shalt  }
0x71: {  	_ =	shalt  }
0x72: {  	_ =	shalt  }
0x73: {  	_ =	shalt  }
0x74: {  	_ =	shalt  }
0x75: {  	_ =	shalt  }
0x76: {  	_ =	shalt  }
0x77: {  	_ =	shalt  }
0x78: {  	_ =	shalt  }
0x79: {  	_ =	shalt  }
0x7a: {  	_ =	shalt  }
0x7b: {  	_ =	shalt  }
0x7c: {  	_ =	shalt  }
0x7d: {  	_ =	shalt  }
0x7e: {  	_ =	shalt  }
0x7f: {  	_ =	shalt  }
0x80: {  	_ =	shalt  }
0x81: {  	_ =	shalt  }
0x82: {  	_ =	shalt  }
0x83: {  	_ =	shalt  }
0x84: {  	_ =	shalt  }
0x85: {  	_ =	shalt  }
0x86: {  	_ =	shalt  }
0x87: {  	_ =	shalt  }
.Lfunc_end0:
.L_simem_size_0:
called_computation.2_lowered:
.L_overlay_start_0:
0x88: {  	s2 =	sld [smem:$0x3FD9]  }
0x89: {  	s3 =	sld [smem:$0x3FFE];
	_ =	sdelay $0x1  }
0x8a: {  	s1 =	srdreg.scid  }
0x8b: {  	s0 =	sand.u32 $0x1, s1  }
0x8c: {  	s16 =	sshll.u32 s0, $0xA;
	s2 =	sadd.s32 s3, s2  }
0x8d: {  	s2 =	sadd.s32 s2, s16  }
0x8e: {  	[smem:$0x3FA3] =	sst s2  }
0x8f: {  	_ = 	snop  }
0x90: {  	(tm) =	ssettm $0x1  }
0x91: {  	s17 =	sld [smem:$0x3FFB];
	_ =	sdelay $0x3  }
0x92: {  	_ =	strace s17  }
0x93: {  	s2 =	sld [smem:$0x3FFC];
	_ =	sdelay $0x3  }
0x94: {  	_ =	strace s2  }
0x95: {  	s2 =	sld [smem:$0x3FFD];
	_ =	sdelay $0x3  }
0x96: {  	_ =	strace s2  }
0x97: {  	_ =	strace $0x8FFFFFFF  }
0x98: {  	s18 =	sld [smem:$0x3FDB];
	_ =	sdelay $0x1  }
0x99: {  	s19 =	simm.s32 $_scs_section_size  }
0x9a: {  	s4 =	simm.s32 $_size__tile_overlayer_lowered;
	s5 =	simm.s32 $_tile_overlayer_lowered  }
0x9b: {  	s22 =	simm.s32 $0x1BFF;
	s21 =	sshll.u32 s5, $0x1;
	s2 =	sadd.s32 s19, s18  }
0x9c: {  	s6 =	simm.s32 $0x0;
	s20 =	sshll.u32 s4, $0x1;
	s4 =	sadd.s32 s21, s2  }
0x9d: {  	[timem:s6], [sflag:s22] =	dma.local [hbm:s4], s20  }
0x9e: {  	_ =	swait.ge [sflag:s22], s20  }
0x9f: {  	s3 =	ssub.s32 $0x0, s20;
	[sflag:s22] =	ssyncset.done $0x0  }
0xa0: {  	[sflag:s22] =	ssyncadd.s32 s3;
	_ =	sdelay $0x1  }
0xa1: {  	s23 =	simm.s32 $0x1B8B  }
0xa2: {  	_ =	swait.ge [sflag:s23], $0x1  }
0xa3: {  	[sflag:s23] =	ssyncset.done $0x0  }
0xa4: {  	s25 =	simm.s32 $0x1B8E;
	s24 =	sld [smem:$0x3FFE];
	[sflag:s23] =	ssyncadd.s32 $0xFFFFFFFF  }
0xa5: {  	s26 =	simm.s32 $execute0_lowered;
	[smem:$0x3FD2] =	sst s25  }
0xa6: {  	s4 =	sshll.u32 s26, $0x1;
	_ =	strace $0x8000004C;
	[dreg:$0x1] =	wrdreg $0xFFFFFFFF  }
0xa7: {  	s28 =	simm.s32 $_size_execute0_lowered;
	s2 =	sadd.s32 s2, s4;
	[dreg:$0x0] =	wrdreg $0x0  }
0xa8: {  	s4 =	sshll.u32 s28, $0x1;
	[dreg:$0x2] =	wrdreg s2  }
0xa9: {  	[dreg:$0x3] =	wrdreg s4  }
0xaa: {  	[dreg:$0x4] =	wrdreg $0xC0  }
0xab: {  	_ =	task [dreg:s6], $0x5FFFF  }
0xac: {  	[dreg:$0x1] =	wrdreg $0xFFFFFFFF  }
0xad: {  	[dreg:$0x0] =	wrdreg $0x60  }
0xae: {  	[dreg:$0x2] =	wrdreg s24  }
0xaf: {  	[dreg:$0x3] =	wrdreg $0x82800  }
0xb0: {  	[dreg:$0x4] =	wrdreg $0x9  }
0xb1: {  	_ =	task.clear_ibuf [dreg:s6], $0x5FFFF;
	_ =	strace $0x9000004C  }
0xb2: {  	s29 =	simm.s32 $0x9;
	_ =	strace $0x8000004E  }
0xb3: {  	_ =	swait.ge [sflag:s29], $0x1  }
0xb4: {  	[sflag:s29] =	ssyncadd.s32 $0xFFFFFFFF  }
0xb5: {  	_ =	strace $0x9000004E  }
0xb6: {  	_ =	sfence  }
0xb7: {  	s30 =	sld [smem:$0x0];
	_ =	sdelay $0x2  }
0xb8: {  	s31 =	sshll.u32 s1, $0xD;
	s1 =	sshrl.u32 s1, $0x2  }
0xb9: {  	s3 =	sand.u32 $0x4000, s31;
	s1 =	sadd.s32 s1, s30  }
0xba: {  	s0 =	sor.u32 s3, s0;
	s1 =	sshll.u32 s1, $0x11  }
0xbb: {  	s0 =	sor.u32 s1, s0  }
0xbc: {  	s0 =	sadd.s32 $0x8F2B, s0  }
0xbd: {  	[sflag:s0] =	ssyncadd.remote.s32 $0x1  }
0xbe: {  	_ =	sfence.sel $0xFFFF  }
0xbf: {  	[dreg:$0x0] =	wrdreg $0xFFFFFFFF;
	(pc) =	sbr.abs _section_cstart, $3  }
0xc0: {  	[dreg:$0x1] =	wrdreg $0xFFFFFFFF  }
0xc1: {  	_ =	task.clear_ibuf [dreg:s6], $0x2FFFF;
	_ =	strace $0x9FFFFFFF  }
0xc2: {  	(tm) =	ssettm $0x7FFFFFFF  }
0xc3: {  	_ =	shalt  }
tec
execute0_lowered:
.L_overlay_start_1:
0x0: {  	(tag) =	ssettag $0x1  }
0x1: {  	s0 =	rddreg [dreg:$0x0]  }
0x2: {  	s1 =	rddreg [dreg:$0x1];
	s2 =	srdreg.scid;
	s3 =	simm.s32 $0x0  }
0x3: {  	s24 =	stileid.u32;
	s16 =	simm.s32 $0x2;
	s17 =	simm.s32 $0x80  }
0x4: {  	s20 =	simm.s32 $0x1;
	s21 =	simm.s32 $0x0;
	[smem:$0x7FF] =	sst s3  }
0x5: {  	s2 =	sand.u32 $0x1, s2;
	s4 =	sadd.s32 $0x290E00, s0;
	s6 =	sadd.s32 $0x155400, s0  }
0x6: {  	s29 =	sshll.u32 s24, $0x6;
	s14 =	smul.u32 $0x4EE00, s24;
	s5 =	sshll.u32 s2, $0x4  }
0x7: {  	s10 =	ssub.s32 $0x2, s2;
	s2 =	smul.u32 $0x4EE000, s2;
	s7 =	sor.u32 s24, s5  }
0x8: {  	_ =	strace $0x8000004D;
	s5 =	sadd.s32 $0x19C00, s0;
	s8 =	smul.u32 $0x1400, s7  }
0x9: {  	s25 =	sshrl.u32 s10, $0x1;
	s9 =	sshll.u32 s7, $0x1;
	s11 =	smul.u32 $0x28000, s7  }
0xa: {  	s13 =	ssub.s32 s10, s25;
	s26 =	smul.u32 $0x4EE00, s7;
	s31 =	sadd.s32 s14, s2  }
.Ltmp0:
0xb: {  	s9 =	sadd.s32 s9, s0;
	s13 =	smax.u32 s13, $0x1;
	(pc) =	sbr.rel .LBB2_1-.Ltmp0, $4  }
0xc: {  	s14 =	sor.u32 $0x80, s31;
	s0 =	sadd.s32 s8, s0;
	s28 =	sshrl.u32 s11, $0x2  }
0xd: {  	s30 =	sshrl.u32 s26, $0x3;
	s8 =	sor.u32 $0x1C02, s29;
	s9 =	sadd.s32 $0x290C00, s9  }
0xe: {  	s15 =	sadd.s32 s28, s1;
	s7 =	sadd.s32 $0x2B8000, s0;
	s10 =	sadd.s32 s5, s30  }
0xf: {  	s11 =	sadd.s32 s6, s30;
	s12 =	sadd.s32 $0x2E0000, s0;
	s15 =	sshrl.u32 s15, $0x3  }
.LBB2_5:
0x10: {  	s0 =	sshll.u32 @!p0 s28, $0x7  }
0x11: {  	[sflag:s16] =	ssyncadd.s32 @p1 $0xFFFFC000;
	s2 =	sadd.s32 @!p0 $0x80, s0  }
0x12: {  	[tilespmem:s2], [sflag:$0x2] =	stream.linear.gather @!p0 [hbm4b:s24+s31], $0x80, $0x38;
	[tilespmem:$0x1C280] =	vst v63  }
0x13: {  	_ =	swait.ge @!p0 [sflag:s25], $0x80  }
0x14: {  	[sflag:s25] =	ssyncset.done @!p0 $0x0  }
0x15: {  	s0 =	sadd.s32 @!p0 $0x180, s0;
	[sflag:s25] =	ssyncadd.s32 @!p0 $0xFFFFFF80  }
0x16: {  	[tilespmem:s0], [sflag:$0x2] =	stream.linear.gather @!p0 [hbm4b:s29+s31], $0x80, $0x38;
	[tilespmem:$0x1C280] =	vst v63  }
0x17: {  	_ =	swait.ge @!p0 [sflag:s25], $0x80  }
0x18: {  	s0 =	sshll.u32 @!p0 s28, $0xE;
	[sflag:s25] =	ssyncset.done @!p0 $0x0  }
0x19: {  	s3 =	simm.s32 @!p0 $0x80;
	s0 =	sor.u32 @!p0 $0x280, s0;
	[sflag:s25] =	ssyncadd.s32 @!p0 $0xFFFFFF80  }
0x1a: {  	[tilespmem:s0], [sflag:$0x1] =	stream.indirect.gather @!p0 [hbm4b:s4+s3], $0x80, s2, s3, $0xb8;
	[tilespmem:$0x1C280] =	vst v63  }
0x1b: {  	_ =	swait.ge [sflag:s20], $0x4000  }
0x1c: {  	s30 =	sshll.u32 s30, $0xE;
	[sflag:s20] =	ssyncset.done $0x0  }
0x1d: {  	s31 =	sadd.s32 $0x180, s23;
	s0 =	sor.u32 $0x280, s30;
	[sflag:s20] =	ssyncadd.s32 $0xFFFFC000  }
0x1e: {  	[spmem:s1] =	stream.indirect.scatter.add.f32 [tilespmem:s0], [sflag:$0x2], $0x80, s31, s17, $0xb8;
	[tilespmem:$0x1C280] =	vst v63  }
0x1f: {  	_ =	swait.ge [sflag:s16], $0x4000  }
0x20: {  	[sflag:s16] =	ssyncset.done $0x0  }
0x21: {  	[sflag:s16] =	ssyncadd.s32 $0xFFFFC000  }
.LBB2_6:
0x22: {  	s21 =	sadd.s32 $0x1, s21  }
0x23: {  	p0 =	sne.s32 s21, s13  }
.Ltmp1:
0x24: {  	_ = 	snop;
	(pc) =	sbr.rel @!p0 .LBB2_7-.Ltmp1, $4  }
0x25: {  	[hbm:s12], [sflag:s8] =	dma.local [spmem:s15], $0x1400  }
0x26: {  	_ =	swait.ge [sflag:s16], $0x1400  }
0x27: {  	[sflag:s16] =	ssyncset.done $0x0  }
0x28: {  	[sflag:s16] =	ssyncadd.s32 $0xFFFFEC00  }
.LBB2_1:
0x29: {  	[spmem:s15], [sflag:s8] =	dma.local [hbm:s7], $0x1400  }
0x2a: {  	_ =	swait.ge [sflag:s16], $0x1400  }
0x2b: {  	[sflag:s16] =	ssyncset.done $0x0  }
0x2c: {  	s0 =	simm.s32 $0x0;
	[sflag:s16] =	ssyncadd.s32 $0xFFFFEC00  }
0x2d: {  	[tilespmem:s0], [sflag:$0x2] =	stream.linear.gather [hbm4b:s9+s0], $0x10, $0x38;
	[tilespmem:$0x1C280] =	vst v63  }
0x2e: {  	_ =	swait.ge [sflag:s16], $0x10  }
0x2f: {  	[sflag:s16] =	ssyncset.done $0x0  }
0x30: {  	[sflag:s16] =	ssyncadd.s32 $0xFFFFFFF0  }
0x31: {  	v0 =	vld [tilespmem:$0x0];
	_ =	sdelay $0x4  }
0x32: {  	(v2sf) =	vpush v0, $0x0;
	_ =	sdelay $0xe  }
0x33: {  	s22 =	spop (v2sf)  }
0x34: {  	p0 =	slt.s32 s22, $0x1  }
.Ltmp2:
0x35: {  	_ = 	snop;
	(pc) =	sbr.rel @p0 .LBB2_6-.Ltmp2, $1  }
0x36: {  	_ =	sdelay $0x3  }
0x37: {  	s23 =	simm.s32 $0x0  }
0x38: {  	[tilespmem:s17], [sflag:$0x2] =	stream.linear.gather [hbm4b:s10+s23], $0x80, $0x38;
	[tilespmem:$0x1C280] =	vst v63  }
0x39: {  	s0 =	simm.s32 $0x180;
	_ =	swait.ge [sflag:s16], $0x80  }
0x3a: {  	s26 =	simm.s32 $0x280;
	p0 =	sle.s32 s22, $0x1;
	[sflag:s16] =	ssyncset.done $0x0  }
0x3b: {  	s2 =	simm.s32 $0x1;
	p2 =	sne.s32 s22, $0x1;
	[sflag:s16] =	ssyncadd.s32 $0xFFFFFF80  }
0x3c: {  	[tilespmem:s0], [sflag:$0x2] =	stream.linear.gather [hbm4b:s11+s23], $0x80, $0x38;
	[tilespmem:$0x1C280] =	vst v63  }
0x3d: {  	p1 =	por $0x0, $0x0;
	s30 =	sand.u32 $0x1, s23;
	s0 =	sshrl.u32 @!p0 s14, $0x3  }
.Ltmp3:
0x3e: {  	s23 =	sshll.u32 s30, $0x7;
	_ =	swait.ge [sflag:s16], $0x80;
	(pc) =	sbr.rel @!p2 .LBB2_5-.Ltmp3, $4  }
0x3f: {  	s24 =	sadd.s32 @!p0 s5, s0;
	s29 =	sadd.s32 @!p0 s6, s0;
	p0 =	por p0, p0  }
0x40: {  	s0 =	sadd.s32 $0x80, s14;
	[sflag:s16] =	ssyncset.done $0x0;
	s25 =	simm.s32 @!p0 $0x2  }
0x41: {  	s31 =	simm.s32 @!p0 $0x0;
	s28 =	sxor.u32 @!p0 $0x1, s30;
	[sflag:s16] =	ssyncadd.s32 $0xFFFFFF80  }
0x42: {  	[tilespmem:s26], [sflag:$0x1] =	stream.indirect.gather [hbm4b:s4+s17], $0x80, s17, s17, $0xb8;
	[tilespmem:$0x1C280] =	vst v63  }
0x43: {  	s26 =	sshll.u32 @!p0 s28, $0x7  }
0x44: {  	s18 =	sadd.s32 @!p0 $0x80, s26  }
0x45: {  	[tilespmem:s18], [sflag:$0x2] =	stream.linear.gather @!p0 [hbm4b:s24+s31], $0x80, $0x38;
	[tilespmem:$0x1C280] =	vst v63  }
0x46: {  	_ =	swait.ge @!p0 [sflag:s25], $0x80  }
0x47: {  	p1 =	sle.s32 s22, $0x2;
	[sflag:s25] =	ssyncset.done @!p0 $0x0  }
0x48: {  	s30 =	sshll.u32 s30, $0xE;
	s24 =	sadd.s32 @!p0 $0x180, s26;
	[sflag:s25] =	ssyncadd.s32 @!p0 $0xFFFFFF80  }
0x49: {  	[tilespmem:s24], [sflag:$0x2] =	stream.linear.gather @!p0 [hbm4b:s29+s31], $0x80, $0x38;
	[tilespmem:$0x1C280] =	vst v63  }
0x4a: {  	p2 =	sne.s32 s22, $0x2;
	s23 =	sadd.s32 $0x180, s23;
	_ =	swait.ge @!p0 [sflag:s25], $0x80  }
0x4b: {  	s29 =	sshrl.u32 @!p1 s0, $0x3;
	s24 =	sshll.u32 @!p0 s28, $0xE;
	[sflag:s25] =	ssyncset.done @!p0 $0x0  }
0x4c: {  	s24 =	sor.u32 @!p0 $0x280, s24;
	[sflag:s25] =	ssyncadd.s32 @!p0 $0xFFFFFF80;
	s25 =	simm.s32 @!p0 $0x80  }
0x4d: {  	[tilespmem:s24], [sflag:$0x1] =	stream.indirect.gather @!p0 [hbm4b:s4+s25], $0x80, s18, s25, $0xb8;
	[tilespmem:$0x1C280] =	vst v63  }
0x4e: {  	s26 =	simm.s32 $0x2;
	s0 =	sadd.s32 $0x80, s0;
	s24 =	sadd.s32 @!p1 s5, s29  }
0x4f: {  	s25 =	sor.u32 $0x280, s30;
	s29 =	sadd.s32 @!p1 s6, s29;
	_ =	swait.ge [sflag:s20], $0x4000  }
.Ltmp4:
0x50: {  	p0 =	por p1, p1;
	[sflag:s20] =	ssyncset.done $0x0;
	(pc) =	sbr.rel @!p2 .LBB2_5-.Ltmp4, $4  }
0x51: {  	s30 =	sand.u32 $0x1, s2;
	p1 =	por $0x1, $0x1;
	[sflag:s20] =	ssyncadd.s32 $0xFFFFC000  }
0x52: {  	[spmem:s1] =	stream.indirect.scatter.add.f32 [tilespmem:s25], [sflag:$0x2], $0x80, s23, s17, $0xb8;
	[tilespmem:$0x1C280] =	vst v63  }
0x53: {  	s31 =	simm.s32 @!p0 $0x0;
	s28 =	sxor.u32 @!p0 $0x1, s30;
	_ =	swait.ge [sflag:s16], $0x4000  }
0x54: {  	s25 =	simm.s32 @!p0 $0x2;
	s23 =	sshll.u32 s30, $0x7;
	[sflag:s16] =	ssyncset.done $0x0  }
.LBB2_4:
0x55: {  	s2 =	sshll.u32 @!p0 s28, $0x7  }
0x56: {  	[sflag:s16] =	ssyncadd.s32 $0xFFFFC000;
	s18 =	smov.u32 s26;
	s26 =	sadd.s32 $0x1, s26  }
0x57: {  	p3 =	sge.s32 s26, s22;
	s19 =	sadd.s32 @!p0 $0x80, s2;
	s2 =	sadd.s32 @!p0 $0x180, s2  }
0x58: {  	[tilespmem:s19], [sflag:$0x2] =	stream.linear.gather @!p0 [hbm4b:s24+s31], $0x80, $0x38;
	[tilespmem:$0x1C280] =	vst v63  }
0x59: {  	s30 =	sshll.u32 s30, $0xE;
	s3 =	sshrl.u32 @!p3 s0, $0x3;
	_ =	swait.ge @!p0 [sflag:s25], $0x80  }
0x5a: {  	s30 =	sor.u32 $0x280, s30;
	s24 =	sadd.s32 @!p3 s5, s3;
	[sflag:s25] =	ssyncset.done @!p0 $0x0  }
0x5b: {  	p2 =	sne.s32 s22, s26;
	s3 =	sadd.s32 @!p3 s6, s3;
	[sflag:s25] =	ssyncadd.s32 @!p0 $0xFFFFFF80  }
0x5c: {  	[tilespmem:s2], [sflag:$0x2] =	stream.linear.gather @!p0 [hbm4b:s29+s31], $0x80, $0x38;
	[tilespmem:$0x1C280] =	vst v63  }
0x5d: {  	s29 =	smov.u32 s3;
	_ =	swait.ge @!p0 [sflag:s25], $0x80  }
0x5e: {  	s2 =	sshll.u32 @!p0 s28, $0xE;
	[sflag:s25] =	ssyncset.done @!p0 $0x0  }
0x5f: {  	s3 =	simm.s32 @!p0 $0x80;
	s2 =	sor.u32 @!p0 $0x280, s2;
	[sflag:s25] =	ssyncadd.s32 @!p0 $0xFFFFFF80  }
0x60: {  	[tilespmem:s2], [sflag:$0x1] =	stream.indirect.gather @!p0 [hbm4b:s4+s3], $0x80, s19, s3, $0xb8;
	[tilespmem:$0x1C280] =	vst v63  }
0x61: {  	p0 =	por p3, p3;
	_ =	swait.ge [sflag:s20], $0x4000  }
.Ltmp5:
0x62: {  	s0 =	sadd.s32 $0x80, s0;
	[sflag:s20] =	ssyncset.done $0x0;
	(pc) =	sbr.rel @p2 .LBB2_4-.Ltmp5, $4  }
0x63: {  	s2 =	sadd.s32 $0x180, s23;
	s25 =	simm.s32 @!p0 $0x2;
	[sflag:s20] =	ssyncadd.s32 $0xFFFFC000  }
0x64: {  	[spmem:s1] =	stream.indirect.scatter.add.f32 [tilespmem:s30], [sflag:$0x2], $0x80, s2, s17, $0xb8;
	[tilespmem:$0x1C280] =	vst v63  }
0x65: {  	s31 =	simm.s32 @!p0 $0x0;
	s30 =	sand.u32 $0x1, s18;
	_ =	swait.ge [sflag:s16], $0x4000  }
0x66: {  	s28 =	sxor.u32 @!p0 $0x1, s30;
	s23 =	sshll.u32 s30, $0x7;
	[sflag:s16] =	ssyncset.done $0x0  }
.Ltmp6:
0x67: {  	_ = 	snop;
	(pc) =	sbr.rel .LBB2_5-.Ltmp6, $1  }
0x68: {  	_ =	sdelay $0x3  }
.LBB2_7:
0x69: {  	_ =	sfence.sel $0x180000  }
0x6a: {  	[bflag:$0x0] =	sbarrier.arrive $0xFFFF  }
0x6b: {  	_ =	strace $0x9000004D  }
0x6c: {  	s0 =	stileid.u32;
	[bflag:$0x2] =	sbarrier.arrive $0xFFFF  }
0x6d: {  	p0 =	sne.s32 s0, $0x0;
	s0 =	rddreg [dreg:$0x2]  }
0x6e: {  	s0 =	sadd.s32 @!p0 $0x100000, s0  }
0x6f: {  	[sflag:s0] =	ssyncadd.tile.s32 @!p0 $0x1;
	_ =	shalt  }
.Lfunc_end2:
_tile_overlayer_lowered:
.L_overlay_start_2:
0x70: {  	(tag) =	ssettag $0x2  }
0x71: {  	s0 =	rddreg [dreg:$0x0];
	s2 =	stileid.u32  }
0x72: {  	s1 =	rddreg [dreg:$0x1];
	p0 =	sne.s32 s2, $0x0  }
0x73: {  	s3 =	rddreg [dreg:$0x2];
	[bflag:$0x3] =	sbarrier.arrive $0xFFFF;
	s2 =	simm.s32 @!p0 $0x1C02  }
0x74: {  	[timem:s3], [sflag:s2] =	dma.local @!p0 [hbm:s0], s1  }
0x75: {  	s0 =	simm.s32 @!p0 $0x2  }
0x76: {  	_ =	swait.ge @!p0 [sflag:s0], s1  }
0x77: {  	s1 =	ssub.s32 @!p0 $0x0, s1;
	[sflag:s0] =	ssyncset.done @!p0 $0x0  }
0x78: {  	[sflag:s0] =	ssyncadd.s32 @!p0 s1  }
0x79: {  	[bflag:$0x3] =	sbarrier.arrive $0xFFFF  }
0x7a: {  	_ =	shalt  }

// kernel: kernel.21.cloned.1.call-start
scs
__scs_entry_jumppad:
0x0: {  	(pc) =	sbr.rel $0x88, $3  }
0x1: {  	(tag) =	ssettag $0x0;
	lr =	simm.s32 $0x1  }
0x2: {  	[smem:$0x3F7C] =	sst lr;
	_ =	strace $0xD0000000  }
0x3: {  	_ = 	snop  }
0x4: {  	_ = 	snop  }
0x5: {  	_ = 	snop  }
0x6: {  	_ = 	snop  }
0x7: {  	_ = 	snop  }
__scs_overlays_trampoline_lowered:
0x8: {  	[smem:$0x3F8B] =	sst s0  }
0x9: {  	[smem:$0x3F8C] =	sst s1  }
0xa: {  	[smem:$0x3F8D] =	sst s2  }
0xb: {  	[smem:$0x3F8E] =	sst s3  }
0xc: {  	[smem:$0x3F8F] =	sst s4  }
0xd: {  	[smem:$0x3F90] =	sst s5  }
0xe: {  	[smem:$0x3F91] =	sst s6  }
0xf: {  	[smem:$0x3F92] =	sst s7  }
0x10: {  	[smem:$0x3F93] =	sst s8  }
0x11: {  	[smem:$0x3F94] =	sst s9;
	s0 =	simm.s32 @!p0 $0x0  }
0x12: {  	s1 =	sld [smem:$0x3F7A];
	s0 =	simm.s32 @p0 $0x1  }
0x13: {  	[smem:$0x3F95] =	sst s0;
	s0 =	simm.s32 @!p1 $0x0  }
0x14: {  	s2 =	sld [smem:$0x3F79];
	s0 =	simm.s32 @p1 $0x1  }
0x15: {  	[smem:$0x3F96] =	sst s0;
	s0 =	simm.s32 @!p2 $0x0  }
0x16: {  	s3 =	sld [smem:$0x3FDB];
	s0 =	simm.s32 @p2 $0x1  }
0x17: {  	s4 =	simm.s32 $0x1BF5;
	[smem:$0x3F98] =	sst s0  }
0x18: {  	s0 =	sld [smem:$0x3F7B];
	_ =	swait.ge [sflag:s4], $0x0  }
0x19: {  	s7 =	sld [smem:$0x3F7C]  }
0x1a: {  	s8 =	sadd.s32 $0xFFFFE003, lr  }
0x1b: {  	s9 =	sadd.s32 $0xFFFFFEF7, lr;
	s5 =	simm.s32 $0xFFFFFFFF;
	p2 =	slt.u32 s8, $0xFFFFF086  }
0x1c: {  	p1 =	slt.u32 s9, $0xF7A;
	s5 =	simm.s32 @!p2 $0x0  }
0x1d: {  	s5 =	simm.s32 @p1 $0x1;
	p0 =	seq.s32 s7, s2  }
0x1e: {  	s7 =	smul.u32 @!p0 $0xF7A, s2;
	p2 =	seq.s32 @!p0 s5, $0x0  }
0x1f: {  	s9 =	smul.u32 $0xF7A, s1;
	s8 =	simm.s32 @!p0 $0x1BF5;
	p2 =	por !p2, p0  }
0x20: {  	[sflag:s8] =	ssyncset.s32 @!p0 $0xFFFFF086;
	s6 =	sadd.s32 @!p0 s3, s7;
	s7 =	simm.s32 @!p0 $0x108  }
0x21: {  	s3 =	sadd.s32 s3, s9;
	s6 =	sadd.s32 @!p0 $0x88, s6;
	s7 =	simm.s32 @p2 $0x1082  }
0x22: {  	[simem:s7], [sflag:s8] =	dma.local @!p0 [hbm:s6], $0xF7A  }
0x23: {  	s9 =	sor.u32 $0xD0000000, s2;
	s6 =	simm.s32 $0x108;
	_ =	swait.ge @!p0 [sflag:s8], $0x0  }
0x24: {  	s3 =	sadd.s32 $0x88, s3;
	s6 =	simm.s32 @!p1 $0x1082;
	[sflag:s4] =	ssyncset.s32 $0xFFFFF086  }
0x25: {  	[simem:s6], [sflag:s4] =	dma.local [hbm:s3], $0xF7A  }
0x26: {  	[smem:$0x3F7C] =	sst s1;
	(tag) =	ssettag s2;
	_ =	strace s9  }
0x27: {  	s1 =	sld [smem:$0x3F8C]  }
0x28: {  	s2 =	sld [smem:$0x3F8D]  }
0x29: {  	s4 =	sld [smem:$0x3F8F]  }
0x2a: {  	p0 =	seq.s32 s5, $0x0;
	s5 =	sld [smem:$0x3F90]  }
0x2b: {  	s6 =	sld [smem:$0x3F91]  }
0x2c: {  	s7 =	sld [smem:$0x3F92]  }
0x2d: {  	s3 =	simm.s32 $0x108;
	s8 =	sld [smem:$0x3F93]  }
0x2e: {  	s3 =	simm.s32 @!p0 $0x1082;
	s9 =	sld [smem:$0x3F94]  }
0x2f: {  	lr =	sadd.s32 s0, s3;
	s0 =	sld [smem:$0x3F8B]  }
0x30: {  	s3 =	sld [smem:$0x3F8E]  }
0x31: {  	[smem:$0x3F97] =	sst s10  }
0x32: {  	s10 =	sld [smem:$0x3F95];
	_ =	sdelay $0x3  }
0x33: {  	p0 =	seq.s32 s10, $0x1;
	s10 =	sld [smem:$0x3F97];
	_ =	sdelay $0x3  }
0x34: {  	[smem:$0x3F97] =	sst s10  }
0x35: {  	s10 =	sld [smem:$0x3F96];
	_ =	sdelay $0x3  }
0x36: {  	p1 =	seq.s32 s10, $0x1;
	s10 =	sld [smem:$0x3F97];
	_ =	sdelay $0x3  }
0x37: {  	[smem:$0x3F97] =	sst s10  }
0x38: {  	s10 =	sld [smem:$0x3F98]  }
0x39: {  	_ = 	snop;
	(pc) =	sbr.ind lr, $3  }
0x3a: {  	_ = 	snop  }
0x3b: {  	_ = 	snop  }
0x3c: {  	p2 =	seq.s32 s10, $0x1;
	s10 =	sld [smem:$0x3F97]  }
0x3d: {  	_ =	shalt  }
0x3e: {  	_ =	shalt  }
0x3f: {  	_ =	shalt  }
0x40: {  	_ =	shalt  }
0x41: {  	_ =	shalt  }
0x42: {  	_ =	shalt  }
0x43: {  	_ =	shalt  }
0x44: {  	_ =	shalt  }
0x45: {  	_ =	shalt  }
0x46: {  	_ =	shalt  }
0x47: {  	_ =	shalt  }
0x48: {  	_ =	shalt  }
0x49: {  	_ =	shalt  }
0x4a: {  	_ =	shalt  }
0x4b: {  	_ =	shalt  }
0x4c: {  	_ =	shalt  }
0x4d: {  	_ =	shalt  }
0x4e: {  	_ =	shalt  }
0x4f: {  	_ =	shalt  }
0x50: {  	_ =	shalt  }
0x51: {  	_ =	shalt  }
0x52: {  	_ =	shalt  }
0x53: {  	_ =	shalt  }
0x54: {  	_ =	shalt  }
0x55: {  	_ =	shalt  }
0x56: {  	_ =	shalt  }
0x57: {  	_ =	shalt  }
0x58: {  	_ =	shalt  }
0x59: {  	_ =	shalt  }
0x5a: {  	_ =	shalt  }
0x5b: {  	_ =	shalt  }
0x5c: {  	_ =	shalt  }
0x5d: {  	_ =	shalt  }
0x5e: {  	_ =	shalt  }
0x5f: {  	_ =	shalt  }
0x60: {  	_ =	shalt  }
0x61: {  	_ =	shalt  }
0x62: {  	_ =	shalt  }
0x63: {  	_ =	shalt  }
0x64: {  	_ =	shalt  }
0x65: {  	_ =	shalt  }
0x66: {  	_ =	shalt  }
0x67: {  	_ =	shalt  }
0x68: {  	_ =	shalt  }
0x69: {  	_ =	shalt  }
0x6a: {  	_ =	shalt  }
0x6b: {  	_ =	shalt  }
0x6c: {  	_ =	shalt  }
0x6d: {  	_ =	shalt  }
0x6e: {  	_ =	shalt  }
0x6f: {  	_ =	shalt  }
0x70: {  	_ =	shalt  }
0x71: {  	_ =	shalt  }
0x72: {  	_ =	shalt  }
0x73: {  	_ =	shalt  }
0x74: {  	_ =	shalt  }
0x75: {  	_ =	shalt  }
0x76: {  	_ =	shalt  }
0x77: {  	_ =	shalt  }
0x78: {  	_ =	shalt  }
0x79: {  	_ =	shalt  }
0x7a: {  	_ =	shalt  }
0x7b: {  	_ =	shalt  }
0x7c: {  	_ =	shalt  }
0x7d: {  	_ =	shalt  }
0x7e: {  	_ =	shalt  }
0x7f: {  	_ =	shalt  }
0x80: {  	_ =	shalt  }
0x81: {  	_ =	shalt  }
0x82: {  	_ =	shalt  }
0x83: {  	_ =	shalt  }
0x84: {  	_ =	shalt  }
0x85: {  	_ =	shalt  }
0x86: {  	_ =	shalt  }
0x87: {  	_ =	shalt  }
.Lfunc_end0:
.L_simem_size_0:
called_computation.3_lowered:
.L_overlay_start_0:
0x88: {  	s2 =	sld [smem:$0x3FD9]  }
0x89: {  	s3 =	sld [smem:$0x3FFE];
	_ =	sdelay $0x1  }
0x8a: {  	s1 =	srdreg.scid  }
0x8b: {  	s0 =	sand.u32 $0x1, s1  }
0x8c: {  	s16 =	sshll.u32 s0, $0xA;
	s2 =	sadd.s32 s3, s2  }
0x8d: {  	s2 =	sadd.s32 s2, s16  }
0x8e: {  	[smem:$0x3FA3] =	sst s2  }
0x8f: {  	_ = 	snop  }
0x90: {  	(tm) =	ssettm $0x1  }
0x91: {  	s17 =	sld [smem:$0x3FFB];
	_ =	sdelay $0x3  }
0x92: {  	_ =	strace s17  }
0x93: {  	s2 =	sld [smem:$0x3FFC];
	_ =	sdelay $0x3  }
0x94: {  	_ =	strace s2  }
0x95: {  	s2 =	sld [smem:$0x3FFD];
	_ =	sdelay $0x3  }
0x96: {  	_ =	strace s2  }
0x97: {  	_ =	strace $0x8FFFFFFF  }
0x98: {  	s18 =	sld [smem:$0x3FDB];
	_ =	sdelay $0x1  }
0x99: {  	s19 =	simm.s32 $_scs_section_size  }
0x9a: {  	s4 =	simm.s32 $_size__tile_overlayer_lowered;
	s5 =	simm.s32 $_tile_overlayer_lowered  }
0x9b: {  	s22 =	simm.s32 $0x1BFF;
	s21 =	sshll.u32 s5, $0x1;
	s2 =	sadd.s32 s19, s18  }
0x9c: {  	s6 =	simm.s32 $0x0;
	s20 =	sshll.u32 s4, $0x1;
	s4 =	sadd.s32 s21, s2  }
0x9d: {  	[timem:s6], [sflag:s22] =	dma.local [hbm:s4], s20  }
0x9e: {  	_ =	swait.ge [sflag:s22], s20  }
0x9f: {  	s3 =	ssub.s32 $0x0, s20;
	[sflag:s22] =	ssyncset.done $0x0  }
0xa0: {  	[sflag:s22] =	ssyncadd.s32 s3;
	_ =	sdelay $0x1  }
0xa1: {  	s23 =	simm.s32 $0x1B8B  }
0xa2: {  	_ =	swait.ge [sflag:s23], $0x1  }
0xa3: {  	[sflag:s23] =	ssyncset.done $0x0  }
0xa4: {  	s25 =	simm.s32 $0x1B8E;
	s24 =	sld [smem:$0x3FFE];
	[sflag:s23] =	ssyncadd.s32 $0xFFFFFFFF  }
0xa5: {  	s26 =	simm.s32 $execute0_lowered;
	[smem:$0x3FD2] =	sst s25  }
0xa6: {  	s4 =	sshll.u32 s26, $0x1;
	_ =	strace $0x8000004F;
	[dreg:$0x1] =	wrdreg $0xFFFFFFFF  }
0xa7: {  	s28 =	simm.s32 $_size_execute0_lowered;
	s2 =	sadd.s32 s2, s4;
	[dreg:$0x0] =	wrdreg $0x0  }
0xa8: {  	s4 =	sshll.u32 s28, $0x1;
	[dreg:$0x2] =	wrdreg s2  }
0xa9: {  	[dreg:$0x3] =	wrdreg s4  }
0xaa: {  	[dreg:$0x4] =	wrdreg $0xC0  }
0xab: {  	_ =	task [dreg:s6], $0x5FFFF  }
0xac: {  	[dreg:$0x1] =	wrdreg $0xFFFFFFFF  }
0xad: {  	[dreg:$0x0] =	wrdreg $0x60  }
0xae: {  	[dreg:$0x2] =	wrdreg s24  }
0xaf: {  	[dreg:$0x3] =	wrdreg $0x82800  }
0xb0: {  	[dreg:$0x4] =	wrdreg $0x9  }
0xb1: {  	_ =	task.clear_ibuf [dreg:s6], $0x5FFFF;
	_ =	strace $0x9000004F  }
0xb2: {  	s29 =	simm.s32 $0x9;
	_ =	strace $0x80000051  }
0xb3: {  	_ =	swait.ge [sflag:s29], $0x1  }
0xb4: {  	[sflag:s29] =	ssyncadd.s32 $0xFFFFFFFF  }
0xb5: {  	_ =	strace $0x90000051  }
0xb6: {  	_ =	sfence  }
0xb7: {  	s30 =	sld [smem:$0x0];
	_ =	sdelay $0x2  }
0xb8: {  	s31 =	sshll.u32 s1, $0xD;
	s1 =	sshrl.u32 s1, $0x2  }
0xb9: {  	s3 =	sand.u32 $0x4000, s31;
	s1 =	sadd.s32 s1, s30  }
0xba: {  	s0 =	sor.u32 s3, s0;
	s1 =	sshll.u32 s1, $0x11  }
0xbb: {  	s0 =	sor.u32 s1, s0  }
0xbc: {  	s0 =	sadd.s32 $0x8F2B, s0  }
0xbd: {  	[sflag:s0] =	ssyncadd.remote.s32 $0x1  }
0xbe: {  	_ =	sfence.sel $0xFFFF  }
0xbf: {  	[dreg:$0x0] =	wrdreg $0xFFFFFFFF;
	(pc) =	sbr.abs _section_cstart, $3  }
0xc0: {  	[dreg:$0x1] =	wrdreg $0xFFFFFFFF  }
0xc1: {  	_ =	task.clear_ibuf [dreg:s6], $0x2FFFF;
	_ =	strace $0x9FFFFFFF  }
0xc2: {  	(tm) =	ssettm $0x7FFFFFFF  }
0xc3: {  	_ =	shalt  }
tec
execute0_lowered:
.L_overlay_start_1:
0x0: {  	(tag) =	ssettag $0x1  }
0x1: {  	s0 =	rddreg [dreg:$0x0]  }
0x2: {  	s1 =	rddreg [dreg:$0x1];
	s2 =	srdreg.scid;
	s3 =	simm.s32 $0x0  }
0x3: {  	s24 =	stileid.u32;
	s16 =	simm.s32 $0x2;
	s17 =	simm.s32 $0x80  }
0x4: {  	s20 =	simm.s32 $0x1;
	s21 =	simm.s32 $0x0;
	[smem:$0x7FF] =	sst s3  }
0x5: {  	s2 =	sand.u32 $0x1, s2;
	s4 =	sadd.s32 $0x290E00, s0;
	s6 =	sadd.s32 $0x155400, s0  }
0x6: {  	s29 =	sshll.u32 s24, $0x6;
	s14 =	smul.u32 $0x4EE00, s24;
	s5 =	sshll.u32 s2, $0x4  }
0x7: {  	s10 =	ssub.s32 $0x2, s2;
	s2 =	smul.u32 $0x4EE000, s2;
	s7 =	sor.u32 s24, s5  }
0x8: {  	_ =	strace $0x80000050;
	s5 =	sadd.s32 $0x19C00, s0;
	s8 =	smul.u32 $0x1400, s7  }
0x9: {  	s25 =	sshrl.u32 s10, $0x1;
	s9 =	sshll.u32 s7, $0x1;
	s11 =	smul.u32 $0x28000, s7  }
0xa: {  	s13 =	ssub.s32 s10, s25;
	s26 =	smul.u32 $0x4EE00, s7;
	s31 =	sadd.s32 s14, s2  }
.Ltmp0:
0xb: {  	s9 =	sadd.s32 s9, s0;
	s13 =	smax.u32 s13, $0x1;
	(pc) =	sbr.rel .LBB2_1-.Ltmp0, $4  }
0xc: {  	s14 =	sor.u32 $0x80, s31;
	s0 =	sadd.s32 s8, s0;
	s28 =	sshrl.u32 s11, $0x2  }
0xd: {  	s30 =	sshrl.u32 s26, $0x3;
	s8 =	sor.u32 $0x1C02, s29;
	s9 =	sadd.s32 $0x290C00, s9  }
0xe: {  	s15 =	sadd.s32 s28, s1;
	s7 =	sadd.s32 $0x2B8000, s0;
	s10 =	sadd.s32 s5, s30  }
0xf: {  	s11 =	sadd.s32 s6, s30;
	s12 =	sadd.s32 $0x2E0000, s0;
	s15 =	sshrl.u32 s15, $0x3  }
.LBB2_5:
0x10: {  	s0 =	sshll.u32 @!p0 s28, $0x7  }
0x11: {  	[sflag:s16] =	ssyncadd.s32 @p1 $0xFFFFC000;
	s2 =	sadd.s32 @!p0 $0x80, s0  }
0x12: {  	[tilespmem:s2], [sflag:$0x2] =	stream.linear.gather @!p0 [hbm4b:s24+s31], $0x80, $0x38;
	[tilespmem:$0x1C280] =	vst v63  }
0x13: {  	_ =	swait.ge @!p0 [sflag:s25], $0x80  }
0x14: {  	[sflag:s25] =	ssyncset.done @!p0 $0x0  }
0x15: {  	s0 =	sadd.s32 @!p0 $0x180, s0;
	[sflag:s25] =	ssyncadd.s32 @!p0 $0xFFFFFF80  }
0x16: {  	[tilespmem:s0], [sflag:$0x2] =	stream.linear.gather @!p0 [hbm4b:s29+s31], $0x80, $0x38;
	[tilespmem:$0x1C280] =	vst v63  }
0x17: {  	_ =	swait.ge @!p0 [sflag:s25], $0x80  }
0x18: {  	s0 =	sshll.u32 @!p0 s28, $0xE;
	[sflag:s25] =	ssyncset.done @!p0 $0x0  }
0x19: {  	s3 =	simm.s32 @!p0 $0x80;
	s0 =	sor.u32 @!p0 $0x280, s0;
	[sflag:s25] =	ssyncadd.s32 @!p0 $0xFFFFFF80  }
0x1a: {  	[tilespmem:s0], [sflag:$0x1] =	stream.indirect.gather @!p0 [hbm4b:s4+s3], $0x80, s2, s3, $0xb8;
	[tilespmem:$0x1C280] =	vst v63  }
0x1b: {  	_ =	swait.ge [sflag:s20], $0x4000  }
0x1c: {  	s30 =	sshll.u32 s30, $0xE;
	[sflag:s20] =	ssyncset.done $0x0  }
0x1d: {  	s31 =	sadd.s32 $0x180, s23;
	s0 =	sor.u32 $0x280, s30;
	[sflag:s20] =	ssyncadd.s32 $0xFFFFC000  }
0x1e: {  	[spmem:s1] =	stream.indirect.scatter.add.f32 [tilespmem:s0], [sflag:$0x2], $0x80, s31, s17, $0xb8;
	[tilespmem:$0x1C280] =	vst v63  }
0x1f: {  	_ =	swait.ge [sflag:s16], $0x4000  }
0x20: {  	[sflag:s16] =	ssyncset.done $0x0  }
0x21: {  	[sflag:s16] =	ssyncadd.s32 $0xFFFFC000  }
.LBB2_6:
0x22: {  	s21 =	sadd.s32 $0x1, s21  }
0x23: {  	p0 =	sne.s32 s21, s13  }
.Ltmp1:
0x24: {  	_ = 	snop;
	(pc) =	sbr.rel @!p0 .LBB2_7-.Ltmp1, $4  }
0x25: {  	[hbm:s12], [sflag:s8] =	dma.local [spmem:s15], $0x1400  }
0x26: {  	_ =	swait.ge [sflag:s16], $0x1400  }
0x27: {  	[sflag:s16] =	ssyncset.done $0x0  }
0x28: {  	[sflag:s16] =	ssyncadd.s32 $0xFFFFEC00  }
.LBB2_1:
0x29: {  	[spmem:s15], [sflag:s8] =	dma.local [hbm:s7], $0x1400  }
0x2a: {  	_ =	swait.ge [sflag:s16], $0x1400  }
0x2b: {  	[sflag:s16] =	ssyncset.done $0x0  }
0x2c: {  	s0 =	simm.s32 $0x0;
	[sflag:s16] =	ssyncadd.s32 $0xFFFFEC00  }
0x2d: {  	[tilespmem:s0], [sflag:$0x2] =	stream.linear.gather [hbm4b:s9+s0], $0x10, $0x38;
	[tilespmem:$0x1C280] =	vst v63  }
0x2e: {  	_ =	swait.ge [sflag:s16], $0x10  }
0x2f: {  	[sflag:s16] =	ssyncset.done $0x0  }
0x30: {  	[sflag:s16] =	ssyncadd.s32 $0xFFFFFFF0  }
0x31: {  	v0 =	vld [tilespmem:$0x0];
	_ =	sdelay $0x4  }
0x32: {  	(v2sf) =	vpush v0, $0x0;
	_ =	sdelay $0xe  }
0x33: {  	s22 =	spop (v2sf)  }
0x34: {  	p0 =	slt.s32 s22, $0x1  }
.Ltmp2:
0x35: {  	_ = 	snop;
	(pc) =	sbr.rel @p0 .LBB2_6-.Ltmp2, $1  }
0x36: {  	_ =	sdelay $0x3  }
0x37: {  	s23 =	simm.s32 $0x0  }
0x38: {  	[tilespmem:s17], [sflag:$0x2] =	stream.linear.gather [hbm4b:s10+s23], $0x80, $0x38;
	[tilespmem:$0x1C280] =	vst v63  }
0x39: {  	s0 =	simm.s32 $0x180;
	_ =	swait.ge [sflag:s16], $0x80  }
0x3a: {  	s26 =	simm.s32 $0x280;
	p0 =	sle.s32 s22, $0x1;
	[sflag:s16] =	ssyncset.done $0x0  }
0x3b: {  	s2 =	simm.s32 $0x1;
	p2 =	sne.s32 s22, $0x1;
	[sflag:s16] =	ssyncadd.s32 $0xFFFFFF80  }
0x3c: {  	[tilespmem:s0], [sflag:$0x2] =	stream.linear.gather [hbm4b:s11+s23], $0x80, $0x38;
	[tilespmem:$0x1C280] =	vst v63  }
0x3d: {  	p1 =	por $0x0, $0x0;
	s30 =	sand.u32 $0x1, s23;
	s0 =	sshrl.u32 @!p0 s14, $0x3  }
.Ltmp3:
0x3e: {  	s23 =	sshll.u32 s30, $0x7;
	_ =	swait.ge [sflag:s16], $0x80;
	(pc) =	sbr.rel @!p2 .LBB2_5-.Ltmp3, $4  }
0x3f: {  	s24 =	sadd.s32 @!p0 s5, s0;
	s29 =	sadd.s32 @!p0 s6, s0;
	p0 =	por p0, p0  }
0x40: {  	s0 =	sadd.s32 $0x80, s14;
	[sflag:s16] =	ssyncset.done $0x0;
	s25 =	simm.s32 @!p0 $0x2  }
0x41: {  	s31 =	simm.s32 @!p0 $0x0;
	s28 =	sxor.u32 @!p0 $0x1, s30;
	[sflag:s16] =	ssyncadd.s32 $0xFFFFFF80  }
0x42: {  	[tilespmem:s26], [sflag:$0x1] =	stream.indirect.gather [hbm4b:s4+s17], $0x80, s17, s17, $0xb8;
	[tilespmem:$0x1C280] =	vst v63  }
0x43: {  	s26 =	sshll.u32 @!p0 s28, $0x7  }
0x44: {  	s18 =	sadd.s32 @!p0 $0x80, s26  }
0x45: {  	[tilespmem:s18], [sflag:$0x2] =	stream.linear.gather @!p0 [hbm4b:s24+s31], $0x80, $0x38;
	[tilespmem:$0x1C280] =	vst v63  }
0x46: {  	_ =	swait.ge @!p0 [sflag:s25], $0x80  }
0x47: {  	p1 =	sle.s32 s22, $0x2;
	[sflag:s25] =	ssyncset.done @!p0 $0x0  }
0x48: {  	s30 =	sshll.u32 s30, $0xE;
	s24 =	sadd.s32 @!p0 $0x180, s26;
	[sflag:s25] =	ssyncadd.s32 @!p0 $0xFFFFFF80  }
0x49: {  	[tilespmem:s24], [sflag:$0x2] =	stream.linear.gather @!p0 [hbm4b:s29+s31], $0x80, $0x38;
	[tilespmem:$0x1C280] =	vst v63  }
0x4a: {  	p2 =	sne.s32 s22, $0x2;
	s23 =	sadd.s32 $0x180, s23;
	_ =	swait.ge @!p0 [sflag:s25], $0x80  }
0x4b: {  	s29 =	sshrl.u32 @!p1 s0, $0x3;
	s24 =	sshll.u32 @!p0 s28, $0xE;
	[sflag:s25] =	ssyncset.done @!p0 $0x0  }
0x4c: {  	s24 =	sor.u32 @!p0 $0x280, s24;
	[sflag:s25] =	ssyncadd.s32 @!p0 $0xFFFFFF80;
	s25 =	simm.s32 @!p0 $0x80  }
0x4d: {  	[tilespmem:s24], [sflag:$0x1] =	stream.indirect.gather @!p0 [hbm4b:s4+s25], $0x80, s18, s25, $0xb8;
	[tilespmem:$0x1C280] =	vst v63  }
0x4e: {  	s26 =	simm.s32 $0x2;
	s0 =	sadd.s32 $0x80, s0;
	s24 =	sadd.s32 @!p1 s5, s29  }
0x4f: {  	s25 =	sor.u32 $0x280, s30;
	s29 =	sadd.s32 @!p1 s6, s29;
	_ =	swait.ge [sflag:s20], $0x4000  }
.Ltmp4:
0x50: {  	p0 =	por p1, p1;
	[sflag:s20] =	ssyncset.done $0x0;
	(pc) =	sbr.rel @!p2 .LBB2_5-.Ltmp4, $4  }
0x51: {  	s30 =	sand.u32 $0x1, s2;
	p1 =	por $0x1, $0x1;
	[sflag:s20] =	ssyncadd.s32 $0xFFFFC000  }
0x52: {  	[spmem:s1] =	stream.indirect.scatter.add.f32 [tilespmem:s25], [sflag:$0x2], $0x80, s23, s17, $0xb8;
	[tilespmem:$0x1C280] =	vst v63  }
0x53: {  	s31 =	simm.s32 @!p0 $0x0;
	s28 =	sxor.u32 @!p0 $0x1, s30;
	_ =	swait.ge [sflag:s16], $0x4000  }
0x54: {  	s25 =	simm.s32 @!p0 $0x2;
	s23 =	sshll.u32 s30, $0x7;
	[sflag:s16] =	ssyncset.done $0x0  }
.LBB2_4:
0x55: {  	s2 =	sshll.u32 @!p0 s28, $0x7  }
0x56: {  	[sflag:s16] =	ssyncadd.s32 $0xFFFFC000;
	s18 =	smov.u32 s26;
	s26 =	sadd.s32 $0x1, s26  }
0x57: {  	p3 =	sge.s32 s26, s22;
	s19 =	sadd.s32 @!p0 $0x80, s2;
	s2 =	sadd.s32 @!p0 $0x180, s2  }
0x58: {  	[tilespmem:s19], [sflag:$0x2] =	stream.linear.gather @!p0 [hbm4b:s24+s31], $0x80, $0x38;
	[tilespmem:$0x1C280] =	vst v63  }
0x59: {  	s30 =	sshll.u32 s30, $0xE;
	s3 =	sshrl.u32 @!p3 s0, $0x3;
	_ =	swait.ge @!p0 [sflag:s25], $0x80  }
0x5a: {  	s30 =	sor.u32 $0x280, s30;
	s24 =	sadd.s32 @!p3 s5, s3;
	[sflag:s25] =	ssyncset.done @!p0 $0x0  }
0x5b: {  	p2 =	sne.s32 s22, s26;
	s3 =	sadd.s32 @!p3 s6, s3;
	[sflag:s25] =	ssyncadd.s32 @!p0 $0xFFFFFF80  }
0x5c: {  	[tilespmem:s2], [sflag:$0x2] =	stream.linear.gather @!p0 [hbm4b:s29+s31], $0x80, $0x38;
	[tilespmem:$0x1C280] =	vst v63  }
0x5d: {  	s29 =	smov.u32 s3;
	_ =	swait.ge @!p0 [sflag:s25], $0x80  }
0x5e: {  	s2 =	sshll.u32 @!p0 s28, $0xE;
	[sflag:s25] =	ssyncset.done @!p0 $0x0  }
0x5f: {  	s3 =	simm.s32 @!p0 $0x80;
	s2 =	sor.u32 @!p0 $0x280, s2;
	[sflag:s25] =	ssyncadd.s32 @!p0 $0xFFFFFF80  }
0x60: {  	[tilespmem:s2], [sflag:$0x1] =	stream.indirect.gather @!p0 [hbm4b:s4+s3], $0x80, s19, s3, $0xb8;
	[tilespmem:$0x1C280] =	vst v63  }
0x61: {  	p0 =	por p3, p3;
	_ =	swait.ge [sflag:s20], $0x4000  }
.Ltmp5:
0x62: {  	s0 =	sadd.s32 $0x80, s0;
	[sflag:s20] =	ssyncset.done $0x0;
	(pc) =	sbr.rel @p2 .LBB2_4-.Ltmp5, $4  }
0x63: {  	s2 =	sadd.s32 $0x180, s23;
	s25 =	simm.s32 @!p0 $0x2;
	[sflag:s20] =	ssyncadd.s32 $0xFFFFC000  }
0x64: {  	[spmem:s1] =	stream.indirect.scatter.add.f32 [tilespmem:s30], [sflag:$0x2], $0x80, s2, s17, $0xb8;
	[tilespmem:$0x1C280] =	vst v63  }
0x65: {  	s31 =	simm.s32 @!p0 $0x0;
	s30 =	sand.u32 $0x1, s18;
	_ =	swait.ge [sflag:s16], $0x4000  }
0x66: {  	s28 =	sxor.u32 @!p0 $0x1, s30;
	s23 =	sshll.u32 s30, $0x7;
	[sflag:s16] =	ssyncset.done $0x0  }
.Ltmp6:
0x67: {  	_ = 	snop;
	(pc) =	sbr.rel .LBB2_5-.Ltmp6, $1  }
0x68: {  	_ =	sdelay $0x3  }
.LBB2_7:
0x69: {  	_ =	sfence.sel $0x180000  }
0x6a: {  	[bflag:$0x0] =	sbarrier.arrive $0xFFFF  }
0x6b: {  	_ =	strace $0x90000050  }
0x6c: {  	s0 =	stileid.u32;
	[bflag:$0x2] =	sbarrier.arrive $0xFFFF  }
0x6d: {  	p0 =	sne.s32 s0, $0x0;
	s0 =	rddreg [dreg:$0x2]  }
0x6e: {  	s0 =	sadd.s32 @!p0 $0x100000, s0  }
0x6f: {  	[sflag:s0] =	ssyncadd.tile.s32 @!p0 $0x1;
	_ =	shalt  }
.Lfunc_end2:
_tile_overlayer_lowered:
.L_overlay_start_2:
0x70: {  	(tag) =	ssettag $0x2  }
0x71: {  	s0 =	rddreg [dreg:$0x0];
	s2 =	stileid.u32  }
0x72: {  	s1 =	rddreg [dreg:$0x1];
	p0 =	sne.s32 s2, $0x0  }
0x73: {  	s3 =	rddreg [dreg:$0x2];
	[bflag:$0x3] =	sbarrier.arrive $0xFFFF;
	s2 =	simm.s32 @!p0 $0x1C02  }
0x74: {  	[timem:s3], [sflag:s2] =	dma.local @!p0 [hbm:s0], s1  }
0x75: {  	s0 =	simm.s32 @!p0 $0x2  }
0x76: {  	_ =	swait.ge @!p0 [sflag:s0], s1  }
0x77: {  	s1 =	ssub.s32 @!p0 $0x0, s1;
	[sflag:s0] =	ssyncset.done @!p0 $0x0  }
0x78: {  	[sflag:s0] =	ssyncadd.s32 @!p0 s1  }
0x79: {  	[bflag:$0x3] =	sbarrier.arrive $0xFFFF  }
0x7a: {  	_ =	shalt  }

</sc_bundles>
